<compile_context>
chip_gen: v7x
topology: tpu7x:2x2x1
jax: 0.10.2.dev20260603
libtpu: 0.0.44.dev20260713+nightly
codegen_flags: <defaults>
</compile_context>

<pallas_src>
import functools

import jax
import jax.numpy as jnp
from jax import lax
from jax.experimental import pallas as pl
from jax.experimental.pallas import tpu as pltpu
from jax.experimental.pallas import tpu_sc as plsc

NC, NS = 2, 16
NW = NC * NS
B, L, N, D = 16384, 20, 20, 64
BPW = B // NW
CB = 16
NCHUNK = BPW // CB
NG = D // 16


def _logsig(x):
  u = jnp.exp(-jnp.abs(x))
  t = u / (u + 2.0)
  t2 = t * t
  p = 1.0 + t2 * (1.0 / 3.0 + t2 * (0.2 + t2 * (1.0 / 7.0 + t2 * (1.0 / 9.0))))
  return jnp.minimum(x, 0.0) - 2.0 * (t * p)


def _clip(x):
  return jnp.minimum(jnp.maximum(x, -10.0), 10.0)


_mesh = plsc.VectorSubcoreMesh(
    core_axis_name="c", subcore_axis_name="s", num_cores=NC, num_subcores=NS)


@functools.partial(
    pl.kernel,
    out_type=jax.ShapeDtypeStruct((NW, 16), jnp.float32),
    mesh=_mesh,
    compiler_params=pltpu.CompilerParams(use_tc_tiling_on_sc=False),
    scratch_types=[
        pltpu.VMEM((BPW, L), jnp.int32),
        pltpu.VMEM((BPW, N), jnp.int32),
        pltpu.VMEM((BPW,), jnp.int32),
        pltpu.VMEM((CB, L, D), jnp.float32),
        pltpu.VMEM((CB, N, D), jnp.float32),
        pltpu.VMEM((CB, D), jnp.float32),
        pltpu.VMEM((16,), jnp.float32),
        pltpu.SemaphoreType.DMA,
    ],
)
def _w2v_sc(inputs_hbm, tgt_hbm, neg_hbm, emb_in_hbm, emb_out_hbm, out_hbm,
            in_idx, neg_idx, tgt_idx, in_rows, neg_rows, tgt_rows, acc_v, sem):
  wid = lax.axis_index("s") * NC + lax.axis_index("c")
  base = wid * BPW

  pltpu.sync_copy(inputs_hbm.at[pl.ds(base, BPW)], in_idx)
  pltpu.sync_copy(neg_hbm.at[pl.ds(base, BPW)], neg_idx)
  pltpu.sync_copy(tgt_hbm.at[pl.ds(base, BPW)], tgt_idx)

  lane = lax.iota(jnp.int32, 16)
  perms = [lane ^ (1 << k) for k in range(4)]

  def lanesum(v):
    for p in perms:
      v = v + v.at[p].get(mode="promise_in_bounds")
    return v

  @pl.loop(0, NCHUNK, init_carry=jnp.zeros((16,), jnp.float32))
  def _chunks(c, acc):
    cb = c * CB
    descs = [
        pltpu.async_copy(emb_out_hbm.at[tgt_idx.at[pl.ds(cb, CB)]],
                         tgt_rows, sem)
    ]
    for e in range(CB):
      descs.append(
          pltpu.async_copy(emb_in_hbm.at[in_idx.at[cb + e]],
                           in_rows.at[e], sem))
      descs.append(
          pltpu.async_copy(emb_out_hbm.at[neg_idx.at[cb + e]],
                           neg_rows.at[e], sem))
    for d in descs:
      d.wait()

    @pl.loop(0, CB, init_carry=acc)
    def _elems(e, a):
      tg = [tgt_rows[e, pl.ds(g * 16, 16)] for g in range(NG)]
      for g in range(NG):
        bag = in_rows[e, 0, pl.ds(g * 16, 16)]
        for l in range(1, L):
          bag = bag + in_rows[e, l, pl.ds(g * 16, 16)]
        a = a + _logsig(_clip(bag * tg[g]))
      lo = jnp.zeros((16,), jnp.float32)
      hi = jnp.zeros((16,), jnp.float32)
      for n in range(N):
        v = neg_rows[e, n, pl.ds(0, 16)] * tg[0]
        for g in range(1, NG):
          v = v + neg_rows[e, n, pl.ds(g * 16, 16)] * tg[g]
        s = lanesum(v)
        if n < 16:
          lo = jnp.where(lane == n, s, lo)
        else:
          hi = jnp.where(lane == (n - 16), s, hi)
      a = a + _logsig(-_clip(lo))
      nhi = _logsig(-_clip(hi))
      a = a + jnp.where(lane < (N - 16), nhi, 0.0)
      return a

    return _elems

  acc_v[...] = _chunks
  pltpu.sync_copy(acc_v, out_hbm.at[wid])


def kernel(inputs, target_word, negative_samples, emb_in, emb_out):
  parts = _w2v_sc(inputs.astype(jnp.int32), target_word.astype(jnp.int32),
                  negative_samples.astype(jnp.int32), emb_in, emb_out)
  return -(jnp.sum(parts) / jnp.float32(B))

# --- scband reference (transcript-rebuilt; emitter-appended) ---
"""Pipeline reference for scband-word2-vec-net-5136780886351 (READ-ONLY COPY).

The authoritative reference and input builder live on the scoring server;
editing this copy changes nothing except your own understanding.
"""

import jax, jax.numpy as jnp
import numpy as np

VOCAB = 1000000
EMBED = 64
BATCH = 16384
SEQ = 20
NNEG = 20

def setup_inputs(seed: int = 0) -> dict:
    key = jax.random.key(seed)
    k1, k2, k3, k4, k5 = jax.random.split(key, 5)
    inputs = jax.random.randint(k1, (BATCH, SEQ), 0, VOCAB, dtype=jnp.int64 if jax.config.read('jax_enable_x64') else jnp.int32)
    target_word = jax.random.randint(k2, (BATCH,), 0, VOCAB, dtype=inputs.dtype)
    negative_samples = jax.random.randint(k3, (BATCH, NNEG), 0, VOCAB, dtype=inputs.dtype)
    initrange = 1.0 / EMBED
    emb_in = jax.random.uniform(k4, (VOCAB, EMBED), dtype=jnp.float32, minval=-initrange, maxval=initrange)
    # original init is zeros for out-embeddings; use small uniform for non-degenerate math
    emb_out = jax.random.uniform(k5, (VOCAB, EMBED), dtype=jnp.float32, minval=-initrange, maxval=initrange)
    return {"inputs": inputs, "target_word": target_word, "negative_samples": negative_samples, "emb_in": emb_in, "emb_out": emb_out}

def reference(inputs, target_word, negative_samples, emb_in, emb_out):
    embeds_out = jnp.take(emb_out, target_word, axis=0)            # [B, D]
    embeds_in = jnp.take(emb_in, inputs, axis=0)                   # [B, L, D]
    embeds_in_bag = jnp.sum(embeds_in, axis=1)                     # [B, D]
    pos_out = jnp.sum(jax.nn.log_sigmoid(jnp.clip(embeds_in_bag * embeds_out, -10.0, 10.0)), axis=1)  # [B]
    neg_embeddings = jnp.take(emb_out, negative_samples, axis=0)   # [B, N, D]
    embeds_product_neg = jnp.einsum('bnd,bd->bn', neg_embeddings, embeds_out)  # [B, N]
    neg_score = jnp.sum(jax.nn.log_sigmoid(-jnp.clip(embeds_product_neg, -10.0, 10.0)), axis=1)       # [B]
    return -jnp.mean(pos_out + neg_score)

if __name__ == "__main__":
    import jax
    _d = setup_inputs()
    print(jax.jit(kernel)(*tuple(_d.values())))

</pallas_src>

<mosaic_0001>
#map = affine_map<(d0, d1) -> (0, 0)>
#map1 = affine_map<(d0, d1) -> (0)>
module attributes {stable_mosaic.version = 14 : i64} {
  func.func @_w2v_sc(%arg0: i32, %arg1: i32, %arg2: memref<16384x20xi32, #tpu.memory_space<hbm>>, %arg3: memref<16384xi32, #tpu.memory_space<hbm>>, %arg4: memref<16384x20xi32, #tpu.memory_space<hbm>>, %arg5: memref<1000000x64xf32, #tpu.memory_space<hbm>>, %arg6: memref<1000000x64xf32, #tpu.memory_space<hbm>>, %arg7: memref<32x16xf32, #tpu.memory_space<hbm>>, %arg8: memref<512x20xi32, #tpu.memory_space<vmem>>, %arg9: memref<512x20xi32, #tpu.memory_space<vmem>>, %arg10: memref<512xi32, #tpu.memory_space<vmem>>, %arg11: memref<16x20x64xf32, #tpu.memory_space<vmem>>, %arg12: memref<16x20x64xf32, #tpu.memory_space<vmem>>, %arg13: memref<16x64xf32, #tpu.memory_space<vmem>>, %arg14: memref<16xf32, #tpu.memory_space<vmem>>, %arg15: memref<!tpu.dma_semaphore, #tpu.memory_space<semaphore_mem>>) attributes {dimension_semantics = [#tpu.dimension_semantics<core_parallel>, #tpu.dimension_semantics<subcore_parallel>], iteration_bounds = array<i64: 2, 16>, scalar_prefetch = 0 : i64, scratch_operands = 8 : i64, tpu.core_type = #tpu.core_type<sc_vector_subcore>, window_params = [{transform_indices = #map}, {transform_indices = #map1}, {transform_indices = #map}, {transform_indices = #map}, {transform_indices = #map}, {transform_indices = #map}]} {
    %mul3A = arith.constant 2 : i32
    %mul3A_0 = arith.muli %arg1, %mul3A : i32
    %add3A = arith.addi %mul3A_0, %arg0 : i32
    %mul3A_1 = arith.constant 512 : i32
    %mul3A_2 = arith.muli %add3A, %mul3A_1 : i32
    "tpu.region"() ({
      %run_scoped3A = tpu.sem_alloc : memref<!tpu.dma_semaphore, #tpu.memory_space<semaphore_mem>>
      %dma_start3A = arith.constant 0 : i32
      %dma_start3A_23 = tpu.memref_slice %arg2[%mul3A_2, %dma_start3A] : memref<16384x20xi32, #tpu.memory_space<hbm>> -> memref<512x20xi32, #tpu.memory_space<hbm>>
      %dma_start3A_24 = arith.constant 0 : i32
      %dma_start3A_25 = tpu.memref_slice %arg2[%mul3A_2, %dma_start3A_24] : memref<16384x20xi32, #tpu.memory_space<hbm>> -> memref<512x20xi32, #tpu.memory_space<hbm>>
      tpu.enqueue_dma source(%dma_start3A_25 : memref<512x20xi32, #tpu.memory_space<hbm>>) target(%arg8 : memref<512x20xi32, #tpu.memory_space<vmem>>) target_semaphore(%run_scoped3A : memref<!tpu.dma_semaphore, #tpu.memory_space<semaphore_mem>>)
      %dma_wait3A = arith.constant 0 : i32
      %dma_wait3A_26 = tpu.memref_slice %arg2[%mul3A_2, %dma_wait3A] : memref<16384x20xi32, #tpu.memory_space<hbm>> -> memref<512x20xi32, #tpu.memory_space<hbm>>
      %dma_wait3A_27 = arith.constant 0 : i32
      %dma_wait3A_28 = tpu.memref_slice %arg2[%mul3A_2, %dma_wait3A_27] : memref<16384x20xi32, #tpu.memory_space<hbm>> -> memref<512x20xi32, #tpu.memory_space<hbm>>
      tpu.wait_dma2 semaphore(%run_scoped3A : memref<!tpu.dma_semaphore, #tpu.memory_space<semaphore_mem>>) src(%dma_wait3A_28 : memref<512x20xi32, #tpu.memory_space<hbm>>) dst(%arg8 : memref<512x20xi32, #tpu.memory_space<vmem>>)
      tpu.yield
    }) : () -> ()
    "tpu.region"() ({
      %run_scoped3A = tpu.sem_alloc : memref<!tpu.dma_semaphore, #tpu.memory_space<semaphore_mem>>
      %dma_start3A = arith.constant 0 : i32
      %dma_start3A_23 = tpu.memref_slice %arg4[%mul3A_2, %dma_start3A] : memref<16384x20xi32, #tpu.memory_space<hbm>> -> memref<512x20xi32, #tpu.memory_space<hbm>>
      %dma_start3A_24 = arith.constant 0 : i32
      %dma_start3A_25 = tpu.memref_slice %arg4[%mul3A_2, %dma_start3A_24] : memref<16384x20xi32, #tpu.memory_space<hbm>> -> memref<512x20xi32, #tpu.memory_space<hbm>>
      tpu.enqueue_dma source(%dma_start3A_25 : memref<512x20xi32, #tpu.memory_space<hbm>>) target(%arg9 : memref<512x20xi32, #tpu.memory_space<vmem>>) target_semaphore(%run_scoped3A : memref<!tpu.dma_semaphore, #tpu.memory_space<semaphore_mem>>)
      %dma_wait3A = arith.constant 0 : i32
      %dma_wait3A_26 = tpu.memref_slice %arg4[%mul3A_2, %dma_wait3A] : memref<16384x20xi32, #tpu.memory_space<hbm>> -> memref<512x20xi32, #tpu.memory_space<hbm>>
      %dma_wait3A_27 = arith.constant 0 : i32
      %dma_wait3A_28 = tpu.memref_slice %arg4[%mul3A_2, %dma_wait3A_27] : memref<16384x20xi32, #tpu.memory_space<hbm>> -> memref<512x20xi32, #tpu.memory_space<hbm>>
      tpu.wait_dma2 semaphore(%run_scoped3A : memref<!tpu.dma_semaphore, #tpu.memory_space<semaphore_mem>>) src(%dma_wait3A_28 : memref<512x20xi32, #tpu.memory_space<hbm>>) dst(%arg9 : memref<512x20xi32, #tpu.memory_space<vmem>>)
      tpu.yield
    }) : () -> ()
    "tpu.region"() ({
      %run_scoped3A = tpu.sem_alloc : memref<!tpu.dma_semaphore, #tpu.memory_space<semaphore_mem>>
      %dma_start3A = tpu.memref_slice %arg3[%mul3A_2] : memref<16384xi32, #tpu.memory_space<hbm>> -> memref<512xi32, #tpu.memory_space<hbm>>
      %dma_start3A_23 = tpu.memref_slice %arg3[%mul3A_2] : memref<16384xi32, #tpu.memory_space<hbm>> -> memref<512xi32, #tpu.memory_space<hbm>>
      tpu.enqueue_dma source(%dma_start3A_23 : memref<512xi32, #tpu.memory_space<hbm>>) target(%arg10 : memref<512xi32, #tpu.memory_space<vmem>>) target_semaphore(%run_scoped3A : memref<!tpu.dma_semaphore, #tpu.memory_space<semaphore_mem>>)
      %dma_wait3A = tpu.memref_slice %arg3[%mul3A_2] : memref<16384xi32, #tpu.memory_space<hbm>> -> memref<512xi32, #tpu.memory_space<hbm>>
      %dma_wait3A_24 = tpu.memref_slice %arg3[%mul3A_2] : memref<16384xi32, #tpu.memory_space<hbm>> -> memref<512xi32, #tpu.memory_space<hbm>>
      tpu.wait_dma2 semaphore(%run_scoped3A : memref<!tpu.dma_semaphore, #tpu.memory_space<semaphore_mem>>) src(%dma_wait3A_24 : memref<512xi32, #tpu.memory_space<hbm>>) dst(%arg10 : memref<512xi32, #tpu.memory_space<vmem>>)
      tpu.yield
    }) : () -> ()
    %iota3A = tpu.iota {dimensions = array<i32: 0>} : vector<16xi32>
    %xor3A = arith.constant 1 : i32
    %xor3A_3 = vector.broadcast %xor3A : i32 to vector<16xi32>
    %xor3A_4 = arith.xori %iota3A, %xor3A_3 : vector<16xi32>
    %xor3A_5 = arith.constant 2 : i32
    %xor3A_6 = vector.broadcast %xor3A_5 : i32 to vector<16xi32>
    %xor3A_7 = arith.xori %iota3A, %xor3A_6 : vector<16xi32>
    %xor3A_8 = arith.constant 4 : i32
    %xor3A_9 = vector.broadcast %xor3A_8 : i32 to vector<16xi32>
    %xor3A_10 = arith.xori %iota3A, %xor3A_9 : vector<16xi32>
    %xor3A_11 = arith.constant 8 : i32
    %xor3A_12 = vector.broadcast %xor3A_11 : i32 to vector<16xi32>
    %xor3A_13 = arith.xori %iota3A, %xor3A_12 : vector<16xi32>
    %broadcast_in_dim3A = arith.constant 0.000000e+00 : f32
    %broadcast_in_dim3A_14 = vector.broadcast %broadcast_in_dim3A : f32 to vector<16xf32>
    %scan3A = arith.constant 0 : i32
    %scan3A_15 = arith.constant 32 : i32
    %scan3A_16 = arith.addi %scan3A, %scan3A_15 : i32
    %scan3A_17 = arith.constant 1 : i32
    %scan3A_18 = scf.for %scan3A_23 = %scan3A to %scan3A_16 step %scan3A_17 iter_args(%scan3A_24 = %broadcast_in_dim3A_14) -> (vector<16xf32>)  : i32 {
      %mul3A_25 = arith.constant 1 : i32
      %mul3A_26 = arith.muli %scan3A_23, %mul3A_25 : i32
      %add3A_27 = arith.constant 0 : i32
      %add3A_28 = arith.addi %add3A_27, %mul3A_26 : i32
      %mul3A_29 = arith.constant 16 : i32
      %mul3A_30 = arith.muli %add3A_28, %mul3A_29 : i32
      %dma_start3A = tpu.memref_slice %arg10[%mul3A_30] : memref<512xi32, #tpu.memory_space<vmem>> -> memref<16xi32, #tpu.memory_space<vmem>>
      %dma_start3A_31 = arith.constant 0 : i32
      %dma_start3A_32 = arith.constant 0 : i32
      %dma_start3A_33 = tpu.memref_slice %arg6[%dma_start3A_31, %dma_start3A_32] : memref<1000000x64xf32, #tpu.memory_space<hbm>> -> memref<1000000x64xf32, #tpu.memory_space<hbm>>
      tpu.enqueue_indirect_dma source(%dma_start3A_33 : memref<1000000x64xf32, #tpu.memory_space<hbm>>) target(%arg13 : memref<16x64xf32, #tpu.memory_space<vmem>>) offsets(%dma_start3A : memref<16xi32, #tpu.memory_space<vmem>>) semaphore(%arg15 : memref<!tpu.dma_semaphore, #tpu.memory_space<semaphore_mem>>)
      %add3A_34 = arith.constant 0 : i32
      %add3A_35 = arith.addi %mul3A_30, %add3A_34 : i32
      %dma_start3A_36 = arith.constant 0 : i32
      %dma_start3A_37 = arith.constant 0 : i32
      %dma_start3A_38 = arith.constant 0 : i32
      %dma_start3A_39 = tpu.memref_slice %arg11[%dma_start3A_36, %dma_start3A_37, %dma_start3A_38] : memref<16x20x64xf32, #tpu.memory_space<vmem>> -> memref<1x20x64xf32, #tpu.memory_space<vmem>>
      %dma_start3A_40 = tpu.memref_squeeze %dma_start3A_39 : memref<1x20x64xf32, #tpu.memory_space<vmem>> -> memref<20x64xf32, #tpu.memory_space<vmem>>
      %dma_start3A_41 = arith.constant 0 : i32
      %dma_start3A_42 = tpu.memref_slice %arg8[%add3A_35, %dma_start3A_41] : memref<512x20xi32, #tpu.memory_space<vmem>> -> memref<1x20xi32, #tpu.memory_space<vmem>>
      %dma_start3A_43 = tpu.memref_squeeze %dma_start3A_42 : memref<1x20xi32, #tpu.memory_space<vmem>> -> memref<20xi32, #tpu.memory_space<vmem>>
      %dma_start3A_44 = arith.constant 0 : i32
      %dma_start3A_45 = arith.constant 0 : i32
      %dma_start3A_46 = tpu.memref_slice %arg5[%dma_start3A_44, %dma_start3A_45] : memref<1000000x64xf32, #tpu.memory_space<hbm>> -> memref<1000000x64xf32, #tpu.memory_space<hbm>>
      tpu.enqueue_indirect_dma source(%dma_start3A_46 : memref<1000000x64xf32, #tpu.memory_space<hbm>>) target(%dma_start3A_40 : memref<20x64xf32, #tpu.memory_space<vmem>>) offsets(%dma_start3A_43 : memref<20xi32, #tpu.memory_space<vmem>>) semaphore(%arg15 : memref<!tpu.dma_semaphore, #tpu.memory_space<semaphore_mem>>)
      %add3A_47 = arith.constant 0 : i32
      %add3A_48 = arith.addi %mul3A_30, %add3A_47 : i32
      %dma_start3A_49 = arith.constant 0 : i32
      %dma_start3A_50 = arith.constant 0 : i32
      %dma_start3A_51 = arith.constant 0 : i32
      %dma_start3A_52 = tpu.memref_slice %arg12[%dma_start3A_49, %dma_start3A_50, %dma_start3A_51] : memref<16x20x64xf32, #tpu.memory_space<vmem>> -> memref<1x20x64xf32, #tpu.memory_space<vmem>>
      %dma_start3A_53 = tpu.memref_squeeze %dma_start3A_52 : memref<1x20x64xf32, #tpu.memory_space<vmem>> -> memref<20x64xf32, #tpu.memory_space<vmem>>
      %dma_start3A_54 = arith.constant 0 : i32
      %dma_start3A_55 = tpu.memref_slice %arg9[%add3A_48, %dma_start3A_54] : memref<512x20xi32, #tpu.memory_space<vmem>> -> memref<1x20xi32, #tpu.memory_space<vmem>>
      %dma_start3A_56 = tpu.memref_squeeze %dma_start3A_55 : memref<1x20xi32, #tpu.memory_space<vmem>> -> memref<20xi32, #tpu.memory_space<vmem>>
      %dma_start3A_57 = arith.constant 0 : i32
      %dma_start3A_58 = arith.constant 0 : i32
      %dma_start3A_59 = tpu.memref_slice %arg6[%dma_start3A_57, %dma_start3A_58] : memref<1000000x64xf32, #tpu.memory_space<hbm>> -> memref<1000000x64xf32, #tpu.memory_space<hbm>>
      tpu.enqueue_indirect_dma source(%dma_start3A_59 : memref<1000000x64xf32, #tpu.memory_space<hbm>>) target(%dma_start3A_53 : memref<20x64xf32, #tpu.memory_space<vmem>>) offsets(%dma_start3A_56 : memref<20xi32, #tpu.memory_space<vmem>>) semaphore(%arg15 : memref<!tpu.dma_semaphore, #tpu.memory_space<semaphore_mem>>)
      %add3A_60 = arith.constant 1 : i32
      %add3A_61 = arith.addi %mul3A_30, %add3A_60 : i32
      %dma_start3A_62 = arith.constant 1 : i32
      %dma_start3A_63 = arith.constant 0 : i32
      %dma_start3A_64 = arith.constant 0 : i32
      %dma_start3A_65 = tpu.memref_slice %arg11[%dma_start3A_62, %dma_start3A_63, %dma_start3A_64] : memref<16x20x64xf32, #tpu.memory_space<vmem>> -> memref<1x20x64xf32, #tpu.memory_space<vmem>>
      %dma_start3A_66 = tpu.memref_squeeze %dma_start3A_65 : memref<1x20x64xf32, #tpu.memory_space<vmem>> -> memref<20x64xf32, #tpu.memory_space<vmem>>
      %dma_start3A_67 = arith.constant 0 : i32
      %dma_start3A_68 = tpu.memref_slice %arg8[%add3A_61, %dma_start3A_67] : memref<512x20xi32, #tpu.memory_space<vmem>> -> memref<1x20xi32, #tpu.memory_space<vmem>>
      %dma_start3A_69 = tpu.memref_squeeze %dma_start3A_68 : memref<1x20xi32, #tpu.memory_space<vmem>> -> memref<20xi32, #tpu.memory_space<vmem>>
      %dma_start3A_70 = arith.constant 0 : i32
      %dma_start3A_71 = arith.constant 0 : i32
      %dma_start3A_72 = tpu.memref_slice %arg5[%dma_start3A_70, %dma_start3A_71] : memref<1000000x64xf32, #tpu.memory_space<hbm>> -> memref<1000000x64xf32, #tpu.memory_space<hbm>>
      tpu.enqueue_indirect_dma source(%dma_start3A_72 : memref<1000000x64xf32, #tpu.memory_space<hbm>>) target(%dma_start3A_66 : memref<20x64xf32, #tpu.memory_space<vmem>>) offsets(%dma_start3A_69 : memref<20xi32, #tpu.memory_space<vmem>>) semaphore(%arg15 : memref<!tpu.dma_semaphore, #tpu.memory_space<semaphore_mem>>)
      %add3A_73 = arith.constant 1 : i32
      %add3A_74 = arith.addi %mul3A_30, %add3A_73 : i32
      %dma_start3A_75 = arith.constant 1 : i32
      %dma_start3A_76 = arith.constant 0 : i32
      %dma_start3A_77 = arith.constant 0 : i32
      %dma_start3A_78 = tpu.memref_slice %arg12[%dma_start3A_75, %dma_start3A_76, %dma_start3A_77] : memref<16x20x64xf32, #tpu.memory_space<vmem>> -> memref<1x20x64xf32, #tpu.memory_space<vmem>>
      %dma_start3A_79 = tpu.memref_squeeze %dma_start3A_78 : memref<1x20x64xf32, #tpu.memory_space<vmem>> -> memref<20x64xf32, #tpu.memory_space<vmem>>
      %dma_start3A_80 = arith.constant 0 : i32
      %dma_start3A_81 = tpu.memref_slice %arg9[%add3A_74, %dma_start3A_80] : memref<512x20xi32, #tpu.memory_space<vmem>> -> memref<1x20xi32, #tpu.memory_space<vmem>>
      %dma_start3A_82 = tpu.memref_squeeze %dma_start3A_81 : memref<1x20xi32, #tpu.memory_space<vmem>> -> memref<20xi32, #tpu.memory_space<vmem>>
      %dma_start3A_83 = arith.constant 0 : i32
      %dma_start3A_84 = arith.constant 0 : i32
      %dma_start3A_85 = tpu.memref_slice %arg6[%dma_start3A_83, %dma_start3A_84] : memref<1000000x64xf32, #tpu.memory_space<hbm>> -> memref<1000000x64xf32, #tpu.memory_space<hbm>>
      tpu.enqueue_indirect_dma source(%dma_start3A_85 : memref<1000000x64xf32, #tpu.memory_space<hbm>>) target(%dma_start3A_79 : memref<20x64xf32, #tpu.memory_space<vmem>>) offsets(%dma_start3A_82 : memref<20xi32, #tpu.memory_space<vmem>>) semaphore(%arg15 : memref<!tpu.dma_semaphore, #tpu.memory_space<semaphore_mem>>)
      %add3A_86 = arith.constant 2 : i32
      %add3A_87 = arith.addi %mul3A_30, %add3A_86 : i32
      %dma_start3A_88 = arith.constant 2 : i32
      %dma_start3A_89 = arith.constant 0 : i32
      %dma_start3A_90 = arith.constant 0 : i32
      %dma_start3A_91 = tpu.memref_slice %arg11[%dma_start3A_88, %dma_start3A_89, %dma_start3A_90] : memref<16x20x64xf32, #tpu.memory_space<vmem>> -> memref<1x20x64xf32, #tpu.memory_space<vmem>>
      %dma_start3A_92 = tpu.memref_squeeze %dma_start3A_91 : memref<1x20x64xf32, #tpu.memory_space<vmem>> -> memref<20x64xf32, #tpu.memory_space<vmem>>
      %dma_start3A_93 = arith.constant 0 : i32
      %dma_start3A_94 = tpu.memref_slice %arg8[%add3A_87, %dma_start3A_93] : memref<512x20xi32, #tpu.memory_space<vmem>> -> memref<1x20xi32, #tpu.memory_space<vmem>>
      %dma_start3A_95 = tpu.memref_squeeze %dma_start3A_94 : memref<1x20xi32, #tpu.memory_space<vmem>> -> memref<20xi32, #tpu.memory_space<vmem>>
      %dma_start3A_96 = arith.constant 0 : i32
      %dma_start3A_97 = arith.constant 0 : i32
      %dma_start3A_98 = tpu.memref_slice %arg5[%dma_start3A_96, %dma_start3A_97] : memref<1000000x64xf32, #tpu.memory_space<hbm>> -> memref<1000000x64xf32, #tpu.memory_space<hbm>>
      tpu.enqueue_indirect_dma source(%dma_start3A_98 : memref<1000000x64xf32, #tpu.memory_space<hbm>>) target(%dma_start3A_92 : memref<20x64xf32, #tpu.memory_space<vmem>>) offsets(%dma_start3A_95 : memref<20xi32, #tpu.memory_space<vmem>>) semaphore(%arg15 : memref<!tpu.dma_semaphore, #tpu.memory_space<semaphore_mem>>)
      %add3A_99 = arith.constant 2 : i32
      %add3A_100 = arith.addi %mul3A_30, %add3A_99 : i32
      %dma_start3A_101 = arith.constant 2 : i32
      %dma_start3A_102 = arith.constant 0 : i32
      %dma_start3A_103 = arith.constant 0 : i32
      %dma_start3A_104 = tpu.memref_slice %arg12[%dma_start3A_101, %dma_start3A_102, %dma_start3A_103] : memref<16x20x64xf32, #tpu.memory_space<vmem>> -> memref<1x20x64xf32, #tpu.memory_space<vmem>>
      %dma_start3A_105 = tpu.memref_squeeze %dma_start3A_104 : memref<1x20x64xf32, #tpu.memory_space<vmem>> -> memref<20x64xf32, #tpu.memory_space<vmem>>
      %dma_start3A_106 = arith.constant 0 : i32
      %dma_start3A_107 = tpu.memref_slice %arg9[%add3A_100, %dma_start3A_106] : memref<512x20xi32, #tpu.memory_space<vmem>> -> memref<1x20xi32, #tpu.memory_space<vmem>>
      %dma_start3A_108 = tpu.memref_squeeze %dma_start3A_107 : memref<1x20xi32, #tpu.memory_space<vmem>> -> memref<20xi32, #tpu.memory_space<vmem>>
      %dma_start3A_109 = arith.constant 0 : i32
      %dma_start3A_110 = arith.constant 0 : i32
      %dma_start3A_111 = tpu.memref_slice %arg6[%dma_start3A_109, %dma_start3A_110] : memref<1000000x64xf32, #tpu.memory_space<hbm>> -> memref<1000000x64xf32, #tpu.memory_space<hbm>>
      tpu.enqueue_indirect_dma source(%dma_start3A_111 : memref<1000000x64xf32, #tpu.memory_space<hbm>>) target(%dma_start3A_105 : memref<20x64xf32, #tpu.memory_space<vmem>>) offsets(%dma_start3A_108 : memref<20xi32, #tpu.memory_space<vmem>>) semaphore(%arg15 : memref<!tpu.dma_semaphore, #tpu.memory_space<semaphore_mem>>)
      %add3A_112 = arith.constant 3 : i32
      %add3A_113 = arith.addi %mul3A_30, %add3A_112 : i32
      %dma_start3A_114 = arith.constant 3 : i32
      %dma_start3A_115 = arith.constant 0 : i32
      %dma_start3A_116 = arith.constant 0 : i32
      %dma_start3A_117 = tpu.memref_slice %arg11[%dma_start3A_114, %dma_start3A_115, %dma_start3A_116] : memref<16x20x64xf32, #tpu.memory_space<vmem>> -> memref<1x20x64xf32, #tpu.memory_space<vmem>>
      %dma_start3A_118 = tpu.memref_squeeze %dma_start3A_117 : memref<1x20x64xf32, #tpu.memory_space<vmem>> -> memref<20x64xf32, #tpu.memory_space<vmem>>
      %dma_start3A_119 = arith.constant 0 : i32
      %dma_start3A_120 = tpu.memref_slice %arg8[%add3A_113, %dma_start3A_119] : memref<512x20xi32, #tpu.memory_space<vmem>> -> memref<1x20xi32, #tpu.memory_space<vmem>>
      %dma_start3A_121 = tpu.memref_squeeze %dma_start3A_120 : memref<1x20xi32, #tpu.memory_space<vmem>> -> memref<20xi32, #tpu.memory_space<vmem>>
      %dma_start3A_122 = arith.constant 0 : i32
      %dma_start3A_123 = arith.constant 0 : i32
      %dma_start3A_124 = tpu.memref_slice %arg5[%dma_start3A_122, %dma_start3A_123] : memref<1000000x64xf32, #tpu.memory_space<hbm>> -> memref<1000000x64xf32, #tpu.memory_space<hbm>>
      tpu.enqueue_indirect_dma source(%dma_start3A_124 : memref<1000000x64xf32, #tpu.memory_space<hbm>>) target(%dma_start3A_118 : memref<20x64xf32, #tpu.memory_space<vmem>>) offsets(%dma_start3A_121 : memref<20xi32, #tpu.memory_space<vmem>>) semaphore(%arg15 : memref<!tpu.dma_semaphore, #tpu.memory_space<semaphore_mem>>)
      %add3A_125 = arith.constant 3 : i32
      %add3A_126 = arith.addi %mul3A_30, %add3A_125 : i32
      %dma_start3A_127 = arith.constant 3 : i32
      %dma_start3A_128 = arith.constant 0 : i32
      %dma_start3A_129 = arith.constant 0 : i32
      %dma_start3A_130 = tpu.memref_slice %arg12[%dma_start3A_127, %dma_start3A_128, %dma_start3A_129] : memref<16x20x64xf32, #tpu.memory_space<vmem>> -> memref<1x20x64xf32, #tpu.memory_space<vmem>>
      %dma_start3A_131 = tpu.memref_squeeze %dma_start3A_130 : memref<1x20x64xf32, #tpu.memory_space<vmem>> -> memref<20x64xf32, #tpu.memory_space<vmem>>
      %dma_start3A_132 = arith.constant 0 : i32
      %dma_start3A_133 = tpu.memref_slice %arg9[%add3A_126, %dma_start3A_132] : memref<512x20xi32, #tpu.memory_space<vmem>> -> memref<1x20xi32, #tpu.memory_space<vmem>>
      %dma_start3A_134 = tpu.memref_squeeze %dma_start3A_133 : memref<1x20xi32, #tpu.memory_space<vmem>> -> memref<20xi32, #tpu.memory_space<vmem>>
      %dma_start3A_135 = arith.constant 0 : i32
      %dma_start3A_136 = arith.constant 0 : i32
      %dma_start3A_137 = tpu.memref_slice %arg6[%dma_start3A_135, %dma_start3A_136] : memref<1000000x64xf32, #tpu.memory_space<hbm>> -> memref<1000000x64xf32, #tpu.memory_space<hbm>>
      tpu.enqueue_indirect_dma source(%dma_start3A_137 : memref<1000000x64xf32, #tpu.memory_space<hbm>>) target(%dma_start3A_131 : memref<20x64xf32, #tpu.memory_space<vmem>>) offsets(%dma_start3A_134 : memref<20xi32, #tpu.memory_space<vmem>>) semaphore(%arg15 : memref<!tpu.dma_semaphore, #tpu.memory_space<semaphore_mem>>)
      %add3A_138 = arith.constant 4 : i32
      %add3A_139 = arith.addi %mul3A_30, %add3A_138 : i32
      %dma_start3A_140 = arith.constant 4 : i32
      %dma_start3A_141 = arith.constant 0 : i32
      %dma_start3A_142 = arith.constant 0 : i32
      %dma_start3A_143 = tpu.memref_slice %arg11[%dma_start3A_140, %dma_start3A_141, %dma_start3A_142] : memref<16x20x64xf32, #tpu.memory_space<vmem>> -> memref<1x20x64xf32, #tpu.memory_space<vmem>>
      %dma_start3A_144 = tpu.memref_squeeze %dma_start3A_143 : memref<1x20x64xf32, #tpu.memory_space<vmem>> -> memref<20x64xf32, #tpu.memory_space<vmem>>
      %dma_start3A_145 = arith.constant 0 : i32
      %dma_start3A_146 = tpu.memref_slice %arg8[%add3A_139, %dma_start3A_145] : memref<512x20xi32, #tpu.memory_space<vmem>> -> memref<1x20xi32, #tpu.memory_space<vmem>>
      %dma_start3A_147 = tpu.memref_squeeze %dma_start3A_146 : memref<1x20xi32, #tpu.memory_space<vmem>> -> memref<20xi32, #tpu.memory_space<vmem>>
      %dma_start3A_148 = arith.constant 0 : i32
      %dma_start3A_149 = arith.constant 0 : i32
      %dma_start3A_150 = tpu.memref_slice %arg5[%dma_start3A_148, %dma_start3A_149] : memref<1000000x64xf32, #tpu.memory_space<hbm>> -> memref<1000000x64xf32, #tpu.memory_space<hbm>>
      tpu.enqueue_indirect_dma source(%dma_start3A_150 : memref<1000000x64xf32, #tpu.memory_space<hbm>>) target(%dma_start3A_144 : memref<20x64xf32, #tpu.memory_space<vmem>>) offsets(%dma_start3A_147 : memref<20xi32, #tpu.memory_space<vmem>>) semaphore(%arg15 : memref<!tpu.dma_semaphore, #tpu.memory_space<semaphore_mem>>)
      %add3A_151 = arith.constant 4 : i32
      %add3A_152 = arith.addi %mul3A_30, %add3A_151 : i32
      %dma_start3A_153 = arith.constant 4 : i32
      %dma_start3A_154 = arith.constant 0 : i32
      %dma_start3A_155 = arith.constant 0 : i32
      %dma_start3A_156 = tpu.memref_slice %arg12[%dma_start3A_153, %dma_start3A_154, %dma_start3A_155] : memref<16x20x64xf32, #tpu.memory_space<vmem>> -> memref<1x20x64xf32, #tpu.memory_space<vmem>>
      %dma_start3A_157 = tpu.memref_squeeze %dma_start3A_156 : memref<1x20x64xf32, #tpu.memory_space<vmem>> -> memref<20x64xf32, #tpu.memory_space<vmem>>
      %dma_start3A_158 = arith.constant 0 : i32
      %dma_start3A_159 = tpu.memref_slice %arg9[%add3A_152, %dma_start3A_158] : memref<512x20xi32, #tpu.memory_space<vmem>> -> memref<1x20xi32, #tpu.memory_space<vmem>>
      %dma_start3A_160 = tpu.memref_squeeze %dma_start3A_159 : memref<1x20xi32, #tpu.memory_space<vmem>> -> memref<20xi32, #tpu.memory_space<vmem>>
      %dma_start3A_161 = arith.constant 0 : i32
      %dma_start3A_162 = arith.constant 0 : i32
      %dma_start3A_163 = tpu.memref_slice %arg6[%dma_start3A_161, %dma_start3A_162] : memref<1000000x64xf32, #tpu.memory_space<hbm>> -> memref<1000000x64xf32, #tpu.memory_space<hbm>>
      tpu.enqueue_indirect_dma source(%dma_start3A_163 : memref<1000000x64xf32, #tpu.memory_space<hbm>>) target(%dma_start3A_157 : memref<20x64xf32, #tpu.memory_space<vmem>>) offsets(%dma_start3A_160 : memref<20xi32, #tpu.memory_space<vmem>>) semaphore(%arg15 : memref<!tpu.dma_semaphore, #tpu.memory_space<semaphore_mem>>)
      %add3A_164 = arith.constant 5 : i32
      %add3A_165 = arith.addi %mul3A_30, %add3A_164 : i32
      %dma_start3A_166 = arith.constant 5 : i32
      %dma_start3A_167 = arith.constant 0 : i32
      %dma_start3A_168 = arith.constant 0 : i32
      %dma_start3A_169 = tpu.memref_slice %arg11[%dma_start3A_166, %dma_start3A_167, %dma_start3A_168] : memref<16x20x64xf32, #tpu.memory_space<vmem>> -> memref<1x20x64xf32, #tpu.memory_space<vmem>>
      %dma_start3A_170 = tpu.memref_squeeze %dma_start3A_169 : memref<1x20x64xf32, #tpu.memory_space<vmem>> -> memref<20x64xf32, #tpu.memory_space<vmem>>
      %dma_start3A_171 = arith.constant 0 : i32
      %dma_start3A_172 = tpu.memref_slice %arg8[%add3A_165, %dma_start3A_171] : memref<512x20xi32, #tpu.memory_space<vmem>> -> memref<1x20xi32, #tpu.memory_space<vmem>>
      %dma_start3A_173 = tpu.memref_squeeze %dma_start3A_172 : memref<1x20xi32, #tpu.memory_space<vmem>> -> memref<20xi32, #tpu.memory_space<vmem>>
      %dma_start3A_174 = arith.constant 0 : i32
      %dma_start3A_175 = arith.constant 0 : i32
      %dma_start3A_176 = tpu.memref_slice %arg5[%dma_start3A_174, %dma_start3A_175] : memref<1000000x64xf32, #tpu.memory_space<hbm>> -> memref<1000000x64xf32, #tpu.memory_space<hbm>>
      tpu.enqueue_indirect_dma source(%dma_start3A_176 : memref<1000000x64xf32, #tpu.memory_space<hbm>>) target(%dma_start3A_170 : memref<20x64xf32, #tpu.memory_space<vmem>>) offsets(%dma_start3A_173 : memref<20xi32, #tpu.memory_space<vmem>>) semaphore(%arg15 : memref<!tpu.dma_semaphore, #tpu.memory_space<semaphore_mem>>)
      %add3A_177 = arith.constant 5 : i32
      %add3A_178 = arith.addi %mul3A_30, %add3A_177 : i32
      %dma_start3A_179 = arith.constant 5 : i32
      %dma_start3A_180 = arith.constant 0 : i32
      %dma_start3A_181 = arith.constant 0 : i32
      %dma_start3A_182 = tpu.memref_slice %arg12[%dma_start3A_179, %dma_start3A_180, %dma_start3A_181] : memref<16x20x64xf32, #tpu.memory_space<vmem>> -> memref<1x20x64xf32, #tpu.memory_space<vmem>>
      %dma_start3A_183 = tpu.memref_squeeze %dma_start3A_182 : memref<1x20x64xf32, #tpu.memory_space<vmem>> -> memref<20x64xf32, #tpu.memory_space<vmem>>
      %dma_start3A_184 = arith.constant 0 : i32
      %dma_start3A_185 = tpu.memref_slice %arg9[%add3A_178, %dma_start3A_184] : memref<512x20xi32, #tpu.memory_space<vmem>> -> memref<1x20xi32, #tpu.memory_space<vmem>>
      %dma_start3A_186 = tpu.memref_squeeze %dma_start3A_185 : memref<1x20xi32, #tpu.memory_space<vmem>> -> memref<20xi32, #tpu.memory_space<vmem>>
      %dma_start3A_187 = arith.constant 0 : i32
      %dma_start3A_188 = arith.constant 0 : i32
      %dma_start3A_189 = tpu.memref_slice %arg6[%dma_start3A_187, %dma_start3A_188] : memref<1000000x64xf32, #tpu.memory_space<hbm>> -> memref<1000000x64xf32, #tpu.memory_space<hbm>>
      tpu.enqueue_indirect_dma source(%dma_start3A_189 : memref<1000000x64xf32, #tpu.memory_space<hbm>>) target(%dma_start3A_183 : memref<20x64xf32, #tpu.memory_space<vmem>>) offsets(%dma_start3A_186 : memref<20xi32, #tpu.memory_space<vmem>>) semaphore(%arg15 : memref<!tpu.dma_semaphore, #tpu.memory_space<semaphore_mem>>)
      %add3A_190 = arith.constant 6 : i32
      %add3A_191 = arith.addi %mul3A_30, %add3A_190 : i32
      %dma_start3A_192 = arith.constant 6 : i32
      %dma_start3A_193 = arith.constant 0 : i32
      %dma_start3A_194 = arith.constant 0 : i32
      %dma_start3A_195 = tpu.memref_slice %arg11[%dma_start3A_192, %dma_start3A_193, %dma_start3A_194] : memref<16x20x64xf32, #tpu.memory_space<vmem>> -> memref<1x20x64xf32, #tpu.memory_space<vmem>>
      %dma_start3A_196 = tpu.memref_squeeze %dma_start3A_195 : memref<1x20x64xf32, #tpu.memory_space<vmem>> -> memref<20x64xf32, #tpu.memory_space<vmem>>
      %dma_start3A_197 = arith.constant 0 : i32
      %dma_start3A_198 = tpu.memref_slice %arg8[%add3A_191, %dma_start3A_197] : memref<512x20xi32, #tpu.memory_space<vmem>> -> memref<1x20xi32, #tpu.memory_space<vmem>>
      %dma_start3A_199 = tpu.memref_squeeze %dma_start3A_198 : memref<1x20xi32, #tpu.memory_space<vmem>> -> memref<20xi32, #tpu.memory_space<vmem>>
      %dma_start3A_200 = arith.constant 0 : i32
      %dma_start3A_201 = arith.constant 0 : i32
      %dma_start3A_202 = tpu.memref_slice %arg5[%dma_start3A_200, %dma_start3A_201] : memref<1000000x64xf32, #tpu.memory_space<hbm>> -> memref<1000000x64xf32, #tpu.memory_space<hbm>>
      tpu.enqueue_indirect_dma source(%dma_start3A_202 : memref<1000000x64xf32, #tpu.memory_space<hbm>>) target(%dma_start3A_196 : memref<20x64xf32, #tpu.memory_space<vmem>>) offsets(%dma_start3A_199 : memref<20xi32, #tpu.memory_space<vmem>>) semaphore(%arg15 : memref<!tpu.dma_semaphore, #tpu.memory_space<semaphore_mem>>)
      %add3A_203 = arith.constant 6 : i32
      %add3A_204 = arith.addi %mul3A_30, %add3A_203 : i32
      %dma_start3A_205 = arith.constant 6 : i32
      %dma_start3A_206 = arith.constant 0 : i32
      %dma_start3A_207 = arith.constant 0 : i32
      %dma_start3A_208 = tpu.memref_slice %arg12[%dma_start3A_205, %dma_start3A_206, %dma_start3A_207] : memref<16x20x64xf32, #tpu.memory_space<vmem>> -> memref<1x20x64xf32, #tpu.memory_space<vmem>>
      %dma_start3A_209 = tpu.memref_squeeze %dma_start3A_208 : memref<1x20x64xf32, #tpu.memory_space<vmem>> -> memref<20x64xf32, #tpu.memory_space<vmem>>
      %dma_start3A_210 = arith.constant 0 : i32
      %dma_start3A_211 = tpu.memref_slice %arg9[%add3A_204, %dma_start3A_210] : memref<512x20xi32, #tpu.memory_space<vmem>> -> memref<1x20xi32, #tpu.memory_space<vmem>>
      %dma_start3A_212 = tpu.memref_squeeze %dma_start3A_211 : memref<1x20xi32, #tpu.memory_space<vmem>> -> memref<20xi32, #tpu.memory_space<vmem>>
      %dma_start3A_213 = arith.constant 0 : i32
      %dma_start3A_214 = arith.constant 0 : i32
      %dma_start3A_215 = tpu.memref_slice %arg6[%dma_start3A_213, %dma_start3A_214] : memref<1000000x64xf32, #tpu.memory_space<hbm>> -> memref<1000000x64xf32, #tpu.memory_space<hbm>>
      tpu.enqueue_indirect_dma source(%dma_start3A_215 : memref<1000000x64xf32, #tpu.memory_space<hbm>>) target(%dma_start3A_209 : memref<20x64xf32, #tpu.memory_space<vmem>>) offsets(%dma_start3A_212 : memref<20xi32, #tpu.memory_space<vmem>>) semaphore(%arg15 : memref<!tpu.dma_semaphore, #tpu.memory_space<semaphore_mem>>)
      %add3A_216 = arith.constant 7 : i32
      %add3A_217 = arith.addi %mul3A_30, %add3A_216 : i32
      %dma_start3A_218 = arith.constant 7 : i32
      %dma_start3A_219 = arith.constant 0 : i32
      %dma_start3A_220 = arith.constant 0 : i32
      %dma_start3A_221 = tpu.memref_slice %arg11[%dma_start3A_218, %dma_start3A_219, %dma_start3A_220] : memref<16x20x64xf32, #tpu.memory_space<vmem>> -> memref<1x20x64xf32, #tpu.memory_space<vmem>>
      %dma_start3A_222 = tpu.memref_squeeze %dma_start3A_221 : memref<1x20x64xf32, #tpu.memory_space<vmem>> -> memref<20x64xf32, #tpu.memory_space<vmem>>
      %dma_start3A_223 = arith.constant 0 : i32
      %dma_start3A_224 = tpu.memref_slice %arg8[%add3A_217, %dma_start3A_223] : memref<512x20xi32, #tpu.memory_space<vmem>> -> memref<1x20xi32, #tpu.memory_space<vmem>>
      %dma_start3A_225 = tpu.memref_squeeze %dma_start3A_224 : memref<1x20xi32, #tpu.memory_space<vmem>> -> memref<20xi32, #tpu.memory_space<vmem>>
      %dma_start3A_226 = arith.constant 0 : i32
      %dma_start3A_227 = arith.constant 0 : i32
      %dma_start3A_228 = tpu.memref_slice %arg5[%dma_start3A_226, %dma_start3A_227] : memref<1000000x64xf32, #tpu.memory_space<hbm>> -> memref<1000000x64xf32, #tpu.memory_space<hbm>>
      tpu.enqueue_indirect_dma source(%dma_start3A_228 : memref<1000000x64xf32, #tpu.memory_space<hbm>>) target(%dma_start3A_222 : memref<20x64xf32, #tpu.memory_space<vmem>>) offsets(%dma_start3A_225 : memref<20xi32, #tpu.memory_space<vmem>>) semaphore(%arg15 : memref<!tpu.dma_semaphore, #tpu.memory_space<semaphore_mem>>)
      %add3A_229 = arith.constant 7 : i32
      %add3A_230 = arith.addi %mul3A_30, %add3A_229 : i32
      %dma_start3A_231 = arith.constant 7 : i32
      %dma_start3A_232 = arith.constant 0 : i32
      %dma_start3A_233 = arith.constant 0 : i32
      %dma_start3A_234 = tpu.memref_slice %arg12[%dma_start3A_231, %dma_start3A_232, %dma_start3A_233] : memref<16x20x64xf32, #tpu.memory_space<vmem>> -> memref<1x20x64xf32, #tpu.memory_space<vmem>>
      %dma_start3A_235 = tpu.memref_squeeze %dma_start3A_234 : memref<1x20x64xf32, #tpu.memory_space<vmem>> -> memref<20x64xf32, #tpu.memory_space<vmem>>
      %dma_start3A_236 = arith.constant 0 : i32
      %dma_start3A_237 = tpu.memref_slice %arg9[%add3A_230, %dma_start3A_236] : memref<512x20xi32, #tpu.memory_space<vmem>> -> memref<1x20xi32, #tpu.memory_space<vmem>>
      %dma_start3A_238 = tpu.memref_squeeze %dma_start3A_237 : memref<1x20xi32, #tpu.memory_space<vmem>> -> memref<20xi32, #tpu.memory_space<vmem>>
      %dma_start3A_239 = arith.constant 0 : i32
      %dma_start3A_240 = arith.constant 0 : i32
      %dma_start3A_241 = tpu.memref_slice %arg6[%dma_start3A_239, %dma_start3A_240] : memref<1000000x64xf32, #tpu.memory_space<hbm>> -> memref<1000000x64xf32, #tpu.memory_space<hbm>>
      tpu.enqueue_indirect_dma source(%dma_start3A_241 : memref<1000000x64xf32, #tpu.memory_space<hbm>>) target(%dma_start3A_235 : memref<20x64xf32, #tpu.memory_space<vmem>>) offsets(%dma_start3A_238 : memref<20xi32, #tpu.memory_space<vmem>>) semaphore(%arg15 : memref<!tpu.dma_semaphore, #tpu.memory_space<semaphore_mem>>)
      %add3A_242 = arith.constant 8 : i32
      %add3A_243 = arith.addi %mul3A_30, %add3A_242 : i32
      %dma_start3A_244 = arith.constant 8 : i32
      %dma_start3A_245 = arith.constant 0 : i32
      %dma_start3A_246 = arith.constant 0 : i32
      %dma_start3A_247 = tpu.memref_slice %arg11[%dma_start3A_244, %dma_start3A_245, %dma_start3A_246] : memref<16x20x64xf32, #tpu.memory_space<vmem>> -> memref<1x20x64xf32, #tpu.memory_space<vmem>>
      %dma_start3A_248 = tpu.memref_squeeze %dma_start3A_247 : memref<1x20x64xf32, #tpu.memory_space<vmem>> -> memref<20x64xf32, #tpu.memory_space<vmem>>
      %dma_start3A_249 = arith.constant 0 : i32
      %dma_start3A_250 = tpu.memref_slice %arg8[%add3A_243, %dma_start3A_249] : memref<512x20xi32, #tpu.memory_space<vmem>> -> memref<1x20xi32, #tpu.memory_space<vmem>>
      %dma_start3A_251 = tpu.memref_squeeze %dma_start3A_250 : memref<1x20xi32, #tpu.memory_space<vmem>> -> memref<20xi32, #tpu.memory_space<vmem>>
      %dma_start3A_252 = arith.constant 0 : i32
      %dma_start3A_253 = arith.constant 0 : i32
      %dma_start3A_254 = tpu.memref_slice %arg5[%dma_start3A_252, %dma_start3A_253] : memref<1000000x64xf32, #tpu.memory_space<hbm>> -> memref<1000000x64xf32, #tpu.memory_space<hbm>>
      tpu.enqueue_indirect_dma source(%dma_start3A_254 : memref<1000000x64xf32, #tpu.memory_space<hbm>>) target(%dma_start3A_248 : memref<20x64xf32, #tpu.memory_space<vmem>>) offsets(%dma_start3A_251 : memref<20xi32, #tpu.memory_space<vmem>>) semaphore(%arg15 : memref<!tpu.dma_semaphore, #tpu.memory_space<semaphore_mem>>)
      %add3A_255 = arith.constant 8 : i32
      %add3A_256 = arith.addi %mul3A_30, %add3A_255 : i32
      %dma_start3A_257 = arith.constant 8 : i32
      %dma_start3A_258 = arith.constant 0 : i32
      %dma_start3A_259 = arith.constant 0 : i32
      %dma_start3A_260 = tpu.memref_slice %arg12[%dma_start3A_257, %dma_start3A_258, %dma_start3A_259] : memref<16x20x64xf32, #tpu.memory_space<vmem>> -> memref<1x20x64xf32, #tpu.memory_space<vmem>>
      %dma_start3A_261 = tpu.memref_squeeze %dma_start3A_260 : memref<1x20x64xf32, #tpu.memory_space<vmem>> -> memref<20x64xf32, #tpu.memory_space<vmem>>
      %dma_start3A_262 = arith.constant 0 : i32
      %dma_start3A_263 = tpu.memref_slice %arg9[%add3A_256, %dma_start3A_262] : memref<512x20xi32, #tpu.memory_space<vmem>> -> memref<1x20xi32, #tpu.memory_space<vmem>>
      %dma_start3A_264 = tpu.memref_squeeze %dma_start3A_263 : memref<1x20xi32, #tpu.memory_space<vmem>> -> memref<20xi32, #tpu.memory_space<vmem>>
      %dma_start3A_265 = arith.constant 0 : i32
      %dma_start3A_266 = arith.constant 0 : i32
      %dma_start3A_267 = tpu.memref_slice %arg6[%dma_start3A_265, %dma_start3A_266] : memref<1000000x64xf32, #tpu.memory_space<hbm>> -> memref<1000000x64xf32, #tpu.memory_space<hbm>>
      tpu.enqueue_indirect_dma source(%dma_start3A_267 : memref<1000000x64xf32, #tpu.memory_space<hbm>>) target(%dma_start3A_261 : memref<20x64xf32, #tpu.memory_space<vmem>>) offsets(%dma_start3A_264 : memref<20xi32, #tpu.memory_space<vmem>>) semaphore(%arg15 : memref<!tpu.dma_semaphore, #tpu.memory_space<semaphore_mem>>)
      %add3A_268 = arith.constant 9 : i32
      %add3A_269 = arith.addi %mul3A_30, %add3A_268 : i32
      %dma_start3A_270 = arith.constant 9 : i32
      %dma_start3A_271 = arith.constant 0 : i32
      %dma_start3A_272 = arith.constant 0 : i32
      %dma_start3A_273 = tpu.memref_slice %arg11[%dma_start3A_270, %dma_start3A_271, %dma_start3A_272] : memref<16x20x64xf32, #tpu.memory_space<vmem>> -> memref<1x20x64xf32, #tpu.memory_space<vmem>>
      %dma_start3A_274 = tpu.memref_squeeze %dma_start3A_273 : memref<1x20x64xf32, #tpu.memory_space<vmem>> -> memref<20x64xf32, #tpu.memory_space<vmem>>
      %dma_start3A_275 = arith.constant 0 : i32
      %dma_start3A_276 = tpu.memref_slice %arg8[%add3A_269, %dma_start3A_275] : memref<512x20xi32, #tpu.memory_space<vmem>> -> memref<1x20xi32, #tpu.memory_space<vmem>>
      %dma_start3A_277 = tpu.memref_squeeze %dma_start3A_276 : memref<1x20xi32, #tpu.memory_space<vmem>> -> memref<20xi32, #tpu.memory_space<vmem>>
      %dma_start3A_278 = arith.constant 0 : i32
      %dma_start3A_279 = arith.constant 0 : i32
      %dma_start3A_280 = tpu.memref_slice %arg5[%dma_start3A_278, %dma_start3A_279] : memref<1000000x64xf32, #tpu.memory_space<hbm>> -> memref<1000000x64xf32, #tpu.memory_space<hbm>>
      tpu.enqueue_indirect_dma source(%dma_start3A_280 : memref<1000000x64xf32, #tpu.memory_space<hbm>>) target(%dma_start3A_274 : memref<20x64xf32, #tpu.memory_space<vmem>>) offsets(%dma_start3A_277 : memref<20xi32, #tpu.memory_space<vmem>>) semaphore(%arg15 : memref<!tpu.dma_semaphore, #tpu.memory_space<semaphore_mem>>)
      %add3A_281 = arith.constant 9 : i32
      %add3A_282 = arith.addi %mul3A_30, %add3A_281 : i32
      %dma_start3A_283 = arith.constant 9 : i32
      %dma_start3A_284 = arith.constant 0 : i32
      %dma_start3A_285 = arith.constant 0 : i32
      %dma_start3A_286 = tpu.memref_slice %arg12[%dma_start3A_283, %dma_start3A_284, %dma_start3A_285] : memref<16x20x64xf32, #tpu.memory_space<vmem>> -> memref<1x20x64xf32, #tpu.memory_space<vmem>>
      %dma_start3A_287 = tpu.memref_squeeze %dma_start3A_286 : memref<1x20x64xf32, #tpu.memory_space<vmem>> -> memref<20x64xf32, #tpu.memory_space<vmem>>
      %dma_start3A_288 = arith.constant 0 : i32
      %dma_start3A_289 = tpu.memref_slice %arg9[%add3A_282, %dma_start3A_288] : memref<512x20xi32, #tpu.memory_space<vmem>> -> memref<1x20xi32, #tpu.memory_space<vmem>>
      %dma_start3A_290 = tpu.memref_squeeze %dma_start3A_289 : memref<1x20xi32, #tpu.memory_space<vmem>> -> memref<20xi32, #tpu.memory_space<vmem>>
      %dma_start3A_291 = arith.constant 0 : i32
      %dma_start3A_292 = arith.constant 0 : i32
      %dma_start3A_293 = tpu.memref_slice %arg6[%dma_start3A_291, %dma_start3A_292] : memref<1000000x64xf32, #tpu.memory_space<hbm>> -> memref<1000000x64xf32, #tpu.memory_space<hbm>>
      tpu.enqueue_indirect_dma source(%dma_start3A_293 : memref<1000000x64xf32, #tpu.memory_space<hbm>>) target(%dma_start3A_287 : memref<20x64xf32, #tpu.memory_space<vmem>>) offsets(%dma_start3A_290 : memref<20xi32, #tpu.memory_space<vmem>>) semaphore(%arg15 : memref<!tpu.dma_semaphore, #tpu.memory_space<semaphore_mem>>)
      %add3A_294 = arith.constant 10 : i32
      %add3A_295 = arith.addi %mul3A_30, %add3A_294 : i32
      %dma_start3A_296 = arith.constant 10 : i32
      %dma_start3A_297 = arith.constant 0 : i32
      %dma_start3A_298 = arith.constant 0 : i32
      %dma_start3A_299 = tpu.memref_slice %arg11[%dma_start3A_296, %dma_start3A_297, %dma_start3A_298] : memref<16x20x64xf32, #tpu.memory_space<vmem>> -> memref<1x20x64xf32, #tpu.memory_space<vmem>>
      %dma_start3A_300 = tpu.memref_squeeze %dma_start3A_299 : memref<1x20x64xf32, #tpu.memory_space<vmem>> -> memref<20x64xf32, #tpu.memory_space<vmem>>
      %dma_start3A_301 = arith.constant 0 : i32
      %dma_start3A_302 = tpu.memref_slice %arg8[%add3A_295, %dma_start3A_301] : memref<512x20xi32, #tpu.memory_space<vmem>> -> memref<1x20xi32, #tpu.memory_space<vmem>>
      %dma_start3A_303 = tpu.memref_squeeze %dma_start3A_302 : memref<1x20xi32, #tpu.memory_space<vmem>> -> memref<20xi32, #tpu.memory_space<vmem>>
      %dma_start3A_304 = arith.constant 0 : i32
      %dma_start3A_305 = arith.constant 0 : i32
      %dma_start3A_306 = tpu.memref_slice %arg5[%dma_start3A_304, %dma_start3A_305] : memref<1000000x64xf32, #tpu.memory_space<hbm>> -> memref<1000000x64xf32, #tpu.memory_space<hbm>>
      tpu.enqueue_indirect_dma source(%dma_start3A_306 : memref<1000000x64xf32, #tpu.memory_space<hbm>>) target(%dma_start3A_300 : memref<20x64xf32, #tpu.memory_space<vmem>>) offsets(%dma_start3A_303 : memref<20xi32, #tpu.memory_space<vmem>>) semaphore(%arg15 : memref<!tpu.dma_semaphore, #tpu.memory_space<semaphore_mem>>)
      %add3A_307 = arith.constant 10 : i32
      %add3A_308 = arith.addi %mul3A_30, %add3A_307 : i32
      %dma_start3A_309 = arith.constant 10 : i32
      %dma_start3A_310 = arith.constant 0 : i32
      %dma_start3A_311 = arith.constant 0 : i32
      %dma_start3A_312 = tpu.memref_slice %arg12[%dma_start3A_309, %dma_start3A_310, %dma_start3A_311] : memref<16x20x64xf32, #tpu.memory_space<vmem>> -> memref<1x20x64xf32, #tpu.memory_space<vmem>>
      %dma_start3A_313 = tpu.memref_squeeze %dma_start3A_312 : memref<1x20x64xf32, #tpu.memory_space<vmem>> -> memref<20x64xf32, #tpu.memory_space<vmem>>
      %dma_start3A_314 = arith.constant 0 : i32
      %dma_start3A_315 = tpu.memref_slice %arg9[%add3A_308, %dma_start3A_314] : memref<512x20xi32, #tpu.memory_space<vmem>> -> memref<1x20xi32, #tpu.memory_space<vmem>>
      %dma_start3A_316 = tpu.memref_squeeze %dma_start3A_315 : memref<1x20xi32, #tpu.memory_space<vmem>> -> memref<20xi32, #tpu.memory_space<vmem>>
      %dma_start3A_317 = arith.constant 0 : i32
      %dma_start3A_318 = arith.constant 0 : i32
      %dma_start3A_319 = tpu.memref_slice %arg6[%dma_start3A_317, %dma_start3A_318] : memref<1000000x64xf32, #tpu.memory_space<hbm>> -> memref<1000000x64xf32, #tpu.memory_space<hbm>>
      tpu.enqueue_indirect_dma source(%dma_start3A_319 : memref<1000000x64xf32, #tpu.memory_space<hbm>>) target(%dma_start3A_313 : memref<20x64xf32, #tpu.memory_space<vmem>>) offsets(%dma_start3A_316 : memref<20xi32, #tpu.memory_space<vmem>>) semaphore(%arg15 : memref<!tpu.dma_semaphore, #tpu.memory_space<semaphore_mem>>)
      %add3A_320 = arith.constant 11 : i32
      %add3A_321 = arith.addi %mul3A_30, %add3A_320 : i32
      %dma_start3A_322 = arith.constant 11 : i32
      %dma_start3A_323 = arith.constant 0 : i32
      %dma_start3A_324 = arith.constant 0 : i32
      %dma_start3A_325 = tpu.memref_slice %arg11[%dma_start3A_322, %dma_start3A_323, %dma_start3A_324] : memref<16x20x64xf32, #tpu.memory_space<vmem>> -> memref<1x20x64xf32, #tpu.memory_space<vmem>>
      %dma_start3A_326 = tpu.memref_squeeze %dma_start3A_325 : memref<1x20x64xf32, #tpu.memory_space<vmem>> -> memref<20x64xf32, #tpu.memory_space<vmem>>
      %dma_start3A_327 = arith.constant 0 : i32
      %dma_start3A_328 = tpu.memref_slice %arg8[%add3A_321, %dma_start3A_327] : memref<512x20xi32, #tpu.memory_space<vmem>> -> memref<1x20xi32, #tpu.memory_space<vmem>>
      %dma_start3A_329 = tpu.memref_squeeze %dma_start3A_328 : memref<1x20xi32, #tpu.memory_space<vmem>> -> memref<20xi32, #tpu.memory_space<vmem>>
      %dma_start3A_330 = arith.constant 0 : i32
      %dma_start3A_331 = arith.constant 0 : i32
      %dma_start3A_332 = tpu.memref_slice %arg5[%dma_start3A_330, %dma_start3A_331] : memref<1000000x64xf32, #tpu.memory_space<hbm>> -> memref<1000000x64xf32, #tpu.memory_space<hbm>>
      tpu.enqueue_indirect_dma source(%dma_start3A_332 : memref<1000000x64xf32, #tpu.memory_space<hbm>>) target(%dma_start3A_326 : memref<20x64xf32, #tpu.memory_space<vmem>>) offsets(%dma_start3A_329 : memref<20xi32, #tpu.memory_space<vmem>>) semaphore(%arg15 : memref<!tpu.dma_semaphore, #tpu.memory_space<semaphore_mem>>)
      %add3A_333 = arith.constant 11 : i32
      %add3A_334 = arith.addi %mul3A_30, %add3A_333 : i32
      %dma_start3A_335 = arith.constant 11 : i32
      %dma_start3A_336 = arith.constant 0 : i32
      %dma_start3A_337 = arith.constant 0 : i32
      %dma_start3A_338 = tpu.memref_slice %arg12[%dma_start3A_335, %dma_start3A_336, %dma_start3A_337] : memref<16x20x64xf32, #tpu.memory_space<vmem>> -> memref<1x20x64xf32, #tpu.memory_space<vmem>>
      %dma_start3A_339 = tpu.memref_squeeze %dma_start3A_338 : memref<1x20x64xf32, #tpu.memory_space<vmem>> -> memref<20x64xf32, #tpu.memory_space<vmem>>
      %dma_start3A_340 = arith.constant 0 : i32
      %dma_start3A_341 = tpu.memref_slice %arg9[%add3A_334, %dma_start3A_340] : memref<512x20xi32, #tpu.memory_space<vmem>> -> memref<1x20xi32, #tpu.memory_space<vmem>>
      %dma_start3A_342 = tpu.memref_squeeze %dma_start3A_341 : memref<1x20xi32, #tpu.memory_space<vmem>> -> memref<20xi32, #tpu.memory_space<vmem>>
      %dma_start3A_343 = arith.constant 0 : i32
      %dma_start3A_344 = arith.constant 0 : i32
      %dma_start3A_345 = tpu.memref_slice %arg6[%dma_start3A_343, %dma_start3A_344] : memref<1000000x64xf32, #tpu.memory_space<hbm>> -> memref<1000000x64xf32, #tpu.memory_space<hbm>>
      tpu.enqueue_indirect_dma source(%dma_start3A_345 : memref<1000000x64xf32, #tpu.memory_space<hbm>>) target(%dma_start3A_339 : memref<20x64xf32, #tpu.memory_space<vmem>>) offsets(%dma_start3A_342 : memref<20xi32, #tpu.memory_space<vmem>>) semaphore(%arg15 : memref<!tpu.dma_semaphore, #tpu.memory_space<semaphore_mem>>)
      %add3A_346 = arith.constant 12 : i32
      %add3A_347 = arith.addi %mul3A_30, %add3A_346 : i32
      %dma_start3A_348 = arith.constant 12 : i32
      %dma_start3A_349 = arith.constant 0 : i32
      %dma_start3A_350 = arith.constant 0 : i32
      %dma_start3A_351 = tpu.memref_slice %arg11[%dma_start3A_348, %dma_start3A_349, %dma_start3A_350] : memref<16x20x64xf32, #tpu.memory_space<vmem>> -> memref<1x20x64xf32, #tpu.memory_space<vmem>>
      %dma_start3A_352 = tpu.memref_squeeze %dma_start3A_351 : memref<1x20x64xf32, #tpu.memory_space<vmem>> -> memref<20x64xf32, #tpu.memory_space<vmem>>
      %dma_start3A_353 = arith.constant 0 : i32
      %dma_start3A_354 = tpu.memref_slice %arg8[%add3A_347, %dma_start3A_353] : memref<512x20xi32, #tpu.memory_space<vmem>> -> memref<1x20xi32, #tpu.memory_space<vmem>>
      %dma_start3A_355 = tpu.memref_squeeze %dma_start3A_354 : memref<1x20xi32, #tpu.memory_space<vmem>> -> memref<20xi32, #tpu.memory_space<vmem>>
      %dma_start3A_356 = arith.constant 0 : i32
      %dma_start3A_357 = arith.constant 0 : i32
      %dma_start3A_358 = tpu.memref_slice %arg5[%dma_start3A_356, %dma_start3A_357] : memref<1000000x64xf32, #tpu.memory_space<hbm>> -> memref<1000000x64xf32, #tpu.memory_space<hbm>>
      tpu.enqueue_indirect_dma source(%dma_start3A_358 : memref<1000000x64xf32, #tpu.memory_space<hbm>>) target(%dma_start3A_352 : memref<20x64xf32, #tpu.memory_space<vmem>>) offsets(%dma_start3A_355 : memref<20xi32, #tpu.memory_space<vmem>>) semaphore(%arg15 : memref<!tpu.dma_semaphore, #tpu.memory_space<semaphore_mem>>)
      %add3A_359 = arith.constant 12 : i32
      %add3A_360 = arith.addi %mul3A_30, %add3A_359 : i32
      %dma_start3A_361 = arith.constant 12 : i32
      %dma_start3A_362 = arith.constant 0 : i32
      %dma_start3A_363 = arith.constant 0 : i32
      %dma_start3A_364 = tpu.memref_slice %arg12[%dma_start3A_361, %dma_start3A_362, %dma_start3A_363] : memref<16x20x64xf32, #tpu.memory_space<vmem>> -> memref<1x20x64xf32, #tpu.memory_space<vmem>>
      %dma_start3A_365 = tpu.memref_squeeze %dma_start3A_364 : memref<1x20x64xf32, #tpu.memory_space<vmem>> -> memref<20x64xf32, #tpu.memory_space<vmem>>
      %dma_start3A_366 = arith.constant 0 : i32
      %dma_start3A_367 = tpu.memref_slice %arg9[%add3A_360, %dma_start3A_366] : memref<512x20xi32, #tpu.memory_space<vmem>> -> memref<1x20xi32, #tpu.memory_space<vmem>>
      %dma_start3A_368 = tpu.memref_squeeze %dma_start3A_367 : memref<1x20xi32, #tpu.memory_space<vmem>> -> memref<20xi32, #tpu.memory_space<vmem>>
      %dma_start3A_369 = arith.constant 0 : i32
      %dma_start3A_370 = arith.constant 0 : i32
      %dma_start3A_371 = tpu.memref_slice %arg6[%dma_start3A_369, %dma_start3A_370] : memref<1000000x64xf32, #tpu.memory_space<hbm>> -> memref<1000000x64xf32, #tpu.memory_space<hbm>>
      tpu.enqueue_indirect_dma source(%dma_start3A_371 : memref<1000000x64xf32, #tpu.memory_space<hbm>>) target(%dma_start3A_365 : memref<20x64xf32, #tpu.memory_space<vmem>>) offsets(%dma_start3A_368 : memref<20xi32, #tpu.memory_space<vmem>>) semaphore(%arg15 : memref<!tpu.dma_semaphore, #tpu.memory_space<semaphore_mem>>)
      %add3A_372 = arith.constant 13 : i32
      %add3A_373 = arith.addi %mul3A_30, %add3A_372 : i32
      %dma_start3A_374 = arith.constant 13 : i32
      %dma_start3A_375 = arith.constant 0 : i32
      %dma_start3A_376 = arith.constant 0 : i32
      %dma_start3A_377 = tpu.memref_slice %arg11[%dma_start3A_374, %dma_start3A_375, %dma_start3A_376] : memref<16x20x64xf32, #tpu.memory_space<vmem>> -> memref<1x20x64xf32, #tpu.memory_space<vmem>>
      %dma_start3A_378 = tpu.memref_squeeze %dma_start3A_377 : memref<1x20x64xf32, #tpu.memory_space<vmem>> -> memref<20x64xf32, #tpu.memory_space<vmem>>
      %dma_start3A_379 = arith.constant 0 : i32
      %dma_start3A_380 = tpu.memref_slice %arg8[%add3A_373, %dma_start3A_379] : memref<512x20xi32, #tpu.memory_space<vmem>> -> memref<1x20xi32, #tpu.memory_space<vmem>>
      %dma_start3A_381 = tpu.memref_squeeze %dma_start3A_380 : memref<1x20xi32, #tpu.memory_space<vmem>> -> memref<20xi32, #tpu.memory_space<vmem>>
      %dma_start3A_382 = arith.constant 0 : i32
      %dma_start3A_383 = arith.constant 0 : i32
      %dma_start3A_384 = tpu.memref_slice %arg5[%dma_start3A_382, %dma_start3A_383] : memref<1000000x64xf32, #tpu.memory_space<hbm>> -> memref<1000000x64xf32, #tpu.memory_space<hbm>>
      tpu.enqueue_indirect_dma source(%dma_start3A_384 : memref<1000000x64xf32, #tpu.memory_space<hbm>>) target(%dma_start3A_378 : memref<20x64xf32, #tpu.memory_space<vmem>>) offsets(%dma_start3A_381 : memref<20xi32, #tpu.memory_space<vmem>>) semaphore(%arg15 : memref<!tpu.dma_semaphore, #tpu.memory_space<semaphore_mem>>)
      %add3A_385 = arith.constant 13 : i32
      %add3A_386 = arith.addi %mul3A_30, %add3A_385 : i32
      %dma_start3A_387 = arith.constant 13 : i32
      %dma_start3A_388 = arith.constant 0 : i32
      %dma_start3A_389 = arith.constant 0 : i32
      %dma_start3A_390 = tpu.memref_slice %arg12[%dma_start3A_387, %dma_start3A_388, %dma_start3A_389] : memref<16x20x64xf32, #tpu.memory_space<vmem>> -> memref<1x20x64xf32, #tpu.memory_space<vmem>>
      %dma_start3A_391 = tpu.memref_squeeze %dma_start3A_390 : memref<1x20x64xf32, #tpu.memory_space<vmem>> -> memref<20x64xf32, #tpu.memory_space<vmem>>
      %dma_start3A_392 = arith.constant 0 : i32
      %dma_start3A_393 = tpu.memref_slice %arg9[%add3A_386, %dma_start3A_392] : memref<512x20xi32, #tpu.memory_space<vmem>> -> memref<1x20xi32, #tpu.memory_space<vmem>>
      %dma_start3A_394 = tpu.memref_squeeze %dma_start3A_393 : memref<1x20xi32, #tpu.memory_space<vmem>> -> memref<20xi32, #tpu.memory_space<vmem>>
      %dma_start3A_395 = arith.constant 0 : i32
      %dma_start3A_396 = arith.constant 0 : i32
      %dma_start3A_397 = tpu.memref_slice %arg6[%dma_start3A_395, %dma_start3A_396] : memref<1000000x64xf32, #tpu.memory_space<hbm>> -> memref<1000000x64xf32, #tpu.memory_space<hbm>>
      tpu.enqueue_indirect_dma source(%dma_start3A_397 : memref<1000000x64xf32, #tpu.memory_space<hbm>>) target(%dma_start3A_391 : memref<20x64xf32, #tpu.memory_space<vmem>>) offsets(%dma_start3A_394 : memref<20xi32, #tpu.memory_space<vmem>>) semaphore(%arg15 : memref<!tpu.dma_semaphore, #tpu.memory_space<semaphore_mem>>)
      %add3A_398 = arith.constant 14 : i32
      %add3A_399 = arith.addi %mul3A_30, %add3A_398 : i32
      %dma_start3A_400 = arith.constant 14 : i32
      %dma_start3A_401 = arith.constant 0 : i32
      %dma_start3A_402 = arith.constant 0 : i32
      %dma_start3A_403 = tpu.memref_slice %arg11[%dma_start3A_400, %dma_start3A_401, %dma_start3A_402] : memref<16x20x64xf32, #tpu.memory_space<vmem>> -> memref<1x20x64xf32, #tpu.memory_space<vmem>>
      %dma_start3A_404 = tpu.memref_squeeze %dma_start3A_403 : memref<1x20x64xf32, #tpu.memory_space<vmem>> -> memref<20x64xf32, #tpu.memory_space<vmem>>
      %dma_start3A_405 = arith.constant 0 : i32
      %dma_start3A_406 = tpu.memref_slice %arg8[%add3A_399, %dma_start3A_405] : memref<512x20xi32, #tpu.memory_space<vmem>> -> memref<1x20xi32, #tpu.memory_space<vmem>>
      %dma_start3A_407 = tpu.memref_squeeze %dma_start3A_406 : memref<1x20xi32, #tpu.memory_space<vmem>> -> memref<20xi32, #tpu.memory_space<vmem>>
      %dma_start3A_408 = arith.constant 0 : i32
      %dma_start3A_409 = arith.constant 0 : i32
      %dma_start3A_410 = tpu.memref_slice %arg5[%dma_start3A_408, %dma_start3A_409] : memref<1000000x64xf32, #tpu.memory_space<hbm>> -> memref<1000000x64xf32, #tpu.memory_space<hbm>>
      tpu.enqueue_indirect_dma source(%dma_start3A_410 : memref<1000000x64xf32, #tpu.memory_space<hbm>>) target(%dma_start3A_404 : memref<20x64xf32, #tpu.memory_space<vmem>>) offsets(%dma_start3A_407 : memref<20xi32, #tpu.memory_space<vmem>>) semaphore(%arg15 : memref<!tpu.dma_semaphore, #tpu.memory_space<semaphore_mem>>)
      %add3A_411 = arith.constant 14 : i32
      %add3A_412 = arith.addi %mul3A_30, %add3A_411 : i32
      %dma_start3A_413 = arith.constant 14 : i32
      %dma_start3A_414 = arith.constant 0 : i32
      %dma_start3A_415 = arith.constant 0 : i32
      %dma_start3A_416 = tpu.memref_slice %arg12[%dma_start3A_413, %dma_start3A_414, %dma_start3A_415] : memref<16x20x64xf32, #tpu.memory_space<vmem>> -> memref<1x20x64xf32, #tpu.memory_space<vmem>>
      %dma_start3A_417 = tpu.memref_squeeze %dma_start3A_416 : memref<1x20x64xf32, #tpu.memory_space<vmem>> -> memref<20x64xf32, #tpu.memory_space<vmem>>
      %dma_start3A_418 = arith.constant 0 : i32
      %dma_start3A_419 = tpu.memref_slice %arg9[%add3A_412, %dma_start3A_418] : memref<512x20xi32, #tpu.memory_space<vmem>> -> memref<1x20xi32, #tpu.memory_space<vmem>>
      %dma_start3A_420 = tpu.memref_squeeze %dma_start3A_419 : memref<1x20xi32, #tpu.memory_space<vmem>> -> memref<20xi32, #tpu.memory_space<vmem>>
      %dma_start3A_421 = arith.constant 0 : i32
      %dma_start3A_422 = arith.constant 0 : i32
      %dma_start3A_423 = tpu.memref_slice %arg6[%dma_start3A_421, %dma_start3A_422] : memref<1000000x64xf32, #tpu.memory_space<hbm>> -> memref<1000000x64xf32, #tpu.memory_space<hbm>>
      tpu.enqueue_indirect_dma source(%dma_start3A_423 : memref<1000000x64xf32, #tpu.memory_space<hbm>>) target(%dma_start3A_417 : memref<20x64xf32, #tpu.memory_space<vmem>>) offsets(%dma_start3A_420 : memref<20xi32, #tpu.memory_space<vmem>>) semaphore(%arg15 : memref<!tpu.dma_semaphore, #tpu.memory_space<semaphore_mem>>)
      %add3A_424 = arith.constant 15 : i32
      %add3A_425 = arith.addi %mul3A_30, %add3A_424 : i32
      %dma_start3A_426 = arith.constant 15 : i32
      %dma_start3A_427 = arith.constant 0 : i32
      %dma_start3A_428 = arith.constant 0 : i32
      %dma_start3A_429 = tpu.memref_slice %arg11[%dma_start3A_426, %dma_start3A_427, %dma_start3A_428] : memref<16x20x64xf32, #tpu.memory_space<vmem>> -> memref<1x20x64xf32, #tpu.memory_space<vmem>>
      %dma_start3A_430 = tpu.memref_squeeze %dma_start3A_429 : memref<1x20x64xf32, #tpu.memory_space<vmem>> -> memref<20x64xf32, #tpu.memory_space<vmem>>
      %dma_start3A_431 = arith.constant 0 : i32
      %dma_start3A_432 = tpu.memref_slice %arg8[%add3A_425, %dma_start3A_431] : memref<512x20xi32, #tpu.memory_space<vmem>> -> memref<1x20xi32, #tpu.memory_space<vmem>>
      %dma_start3A_433 = tpu.memref_squeeze %dma_start3A_432 : memref<1x20xi32, #tpu.memory_space<vmem>> -> memref<20xi32, #tpu.memory_space<vmem>>
      %dma_start3A_434 = arith.constant 0 : i32
      %dma_start3A_435 = arith.constant 0 : i32
      %dma_start3A_436 = tpu.memref_slice %arg5[%dma_start3A_434, %dma_start3A_435] : memref<1000000x64xf32, #tpu.memory_space<hbm>> -> memref<1000000x64xf32, #tpu.memory_space<hbm>>
      tpu.enqueue_indirect_dma source(%dma_start3A_436 : memref<1000000x64xf32, #tpu.memory_space<hbm>>) target(%dma_start3A_430 : memref<20x64xf32, #tpu.memory_space<vmem>>) offsets(%dma_start3A_433 : memref<20xi32, #tpu.memory_space<vmem>>) semaphore(%arg15 : memref<!tpu.dma_semaphore, #tpu.memory_space<semaphore_mem>>)
      %add3A_437 = arith.constant 15 : i32
      %add3A_438 = arith.addi %mul3A_30, %add3A_437 : i32
      %dma_start3A_439 = arith.constant 15 : i32
      %dma_start3A_440 = arith.constant 0 : i32
      %dma_start3A_441 = arith.constant 0 : i32
      %dma_start3A_442 = tpu.memref_slice %arg12[%dma_start3A_439, %dma_start3A_440, %dma_start3A_441] : memref<16x20x64xf32, #tpu.memory_space<vmem>> -> memref<1x20x64xf32, #tpu.memory_space<vmem>>
      %dma_start3A_443 = tpu.memref_squeeze %dma_start3A_442 : memref<1x20x64xf32, #tpu.memory_space<vmem>> -> memref<20x64xf32, #tpu.memory_space<vmem>>
      %dma_start3A_444 = arith.constant 0 : i32
      %dma_start3A_445 = tpu.memref_slice %arg9[%add3A_438, %dma_start3A_444] : memref<512x20xi32, #tpu.memory_space<vmem>> -> memref<1x20xi32, #tpu.memory_space<vmem>>
      %dma_start3A_446 = tpu.memref_squeeze %dma_start3A_445 : memref<1x20xi32, #tpu.memory_space<vmem>> -> memref<20xi32, #tpu.memory_space<vmem>>
      %dma_start3A_447 = arith.constant 0 : i32
      %dma_start3A_448 = arith.constant 0 : i32
      %dma_start3A_449 = tpu.memref_slice %arg6[%dma_start3A_447, %dma_start3A_448] : memref<1000000x64xf32, #tpu.memory_space<hbm>> -> memref<1000000x64xf32, #tpu.memory_space<hbm>>
      tpu.enqueue_indirect_dma source(%dma_start3A_449 : memref<1000000x64xf32, #tpu.memory_space<hbm>>) target(%dma_start3A_443 : memref<20x64xf32, #tpu.memory_space<vmem>>) offsets(%dma_start3A_446 : memref<20xi32, #tpu.memory_space<vmem>>) semaphore(%arg15 : memref<!tpu.dma_semaphore, #tpu.memory_space<semaphore_mem>>)
      %dma_wait3A = tpu.memref_slice %arg10[%mul3A_30] : memref<512xi32, #tpu.memory_space<vmem>> -> memref<16xi32, #tpu.memory_space<vmem>>
      %dma_wait3A_450 = arith.constant 0 : i32
      %dma_wait3A_451 = arith.constant 0 : i32
      %dma_wait3A_452 = tpu.memref_slice %arg6[%dma_wait3A_450, %dma_wait3A_451] : memref<1000000x64xf32, #tpu.memory_space<hbm>> -> memref<1000000x64xf32, #tpu.memory_space<hbm>>
      tpu.wait_indirect_dma semaphore(%arg15 : memref<!tpu.dma_semaphore, #tpu.memory_space<semaphore_mem>>) src(%dma_wait3A_452 : memref<1000000x64xf32, #tpu.memory_space<hbm>>) dst(%arg13 : memref<16x64xf32, #tpu.memory_space<vmem>>)
      %dma_wait3A_453 = arith.constant 0 : i32
      %dma_wait3A_454 = arith.constant 0 : i32
      %dma_wait3A_455 = arith.constant 0 : i32
      %dma_wait3A_456 = tpu.memref_slice %arg11[%dma_wait3A_453, %dma_wait3A_454, %dma_wait3A_455] : memref<16x20x64xf32, #tpu.memory_space<vmem>> -> memref<1x20x64xf32, #tpu.memory_space<vmem>>
      %dma_wait3A_457 = tpu.memref_squeeze %dma_wait3A_456 : memref<1x20x64xf32, #tpu.memory_space<vmem>> -> memref<20x64xf32, #tpu.memory_space<vmem>>
      %dma_wait3A_458 = arith.constant 0 : i32
      %dma_wait3A_459 = tpu.memref_slice %arg8[%add3A_35, %dma_wait3A_458] : memref<512x20xi32, #tpu.memory_space<vmem>> -> memref<1x20xi32, #tpu.memory_space<vmem>>
      %dma_wait3A_460 = tpu.memref_squeeze %dma_wait3A_459 : memref<1x20xi32, #tpu.memory_space<vmem>> -> memref<20xi32, #tpu.memory_space<vmem>>
      %dma_wait3A_461 = arith.constant 0 : i32
      %dma_wait3A_462 = arith.constant 0 : i32
      %dma_wait3A_463 = tpu.memref_slice %arg5[%dma_wait3A_461, %dma_wait3A_462] : memref<1000000x64xf32, #tpu.memory_space<hbm>> -> memref<1000000x64xf32, #tpu.memory_space<hbm>>
      tpu.wait_indirect_dma semaphore(%arg15 : memref<!tpu.dma_semaphore, #tpu.memory_space<semaphore_mem>>) src(%dma_wait3A_463 : memref<1000000x64xf32, #tpu.memory_space<hbm>>) dst(%dma_wait3A_457 : memref<20x64xf32, #tpu.memory_space<vmem>>)
      %dma_wait3A_464 = arith.constant 0 : i32
      %dma_wait3A_465 = arith.constant 0 : i32
      %dma_wait3A_466 = arith.constant 0 : i32
      %dma_wait3A_467 = tpu.memref_slice %arg12[%dma_wait3A_464, %dma_wait3A_465, %dma_wait3A_466] : memref<16x20x64xf32, #tpu.memory_space<vmem>> -> memref<1x20x64xf32, #tpu.memory_space<vmem>>
      %dma_wait3A_468 = tpu.memref_squeeze %dma_wait3A_467 : memref<1x20x64xf32, #tpu.memory_space<vmem>> -> memref<20x64xf32, #tpu.memory_space<vmem>>
      %dma_wait3A_469 = arith.constant 0 : i32
      %dma_wait3A_470 = tpu.memref_slice %arg9[%add3A_48, %dma_wait3A_469] : memref<512x20xi32, #tpu.memory_space<vmem>> -> memref<1x20xi32, #tpu.memory_space<vmem>>
      %dma_wait3A_471 = tpu.memref_squeeze %dma_wait3A_470 : memref<1x20xi32, #tpu.memory_space<vmem>> -> memref<20xi32, #tpu.memory_space<vmem>>
      %dma_wait3A_472 = arith.constant 0 : i32
      %dma_wait3A_473 = arith.constant 0 : i32
      %dma_wait3A_474 = tpu.memref_slice %arg6[%dma_wait3A_472, %dma_wait3A_473] : memref<1000000x64xf32, #tpu.memory_space<hbm>> -> memref<1000000x64xf32, #tpu.memory_space<hbm>>
      tpu.wait_indirect_dma semaphore(%arg15 : memref<!tpu.dma_semaphore, #tpu.memory_space<semaphore_mem>>) src(%dma_wait3A_474 : memref<1000000x64xf32, #tpu.memory_space<hbm>>) dst(%dma_wait3A_468 : memref<20x64xf32, #tpu.memory_space<vmem>>)
      %dma_wait3A_475 = arith.constant 1 : i32
      %dma_wait3A_476 = arith.constant 0 : i32
      %dma_wait3A_477 = arith.constant 0 : i32
      %dma_wait3A_478 = tpu.memref_slice %arg11[%dma_wait3A_475, %dma_wait3A_476, %dma_wait3A_477] : memref<16x20x64xf32, #tpu.memory_space<vmem>> -> memref<1x20x64xf32, #tpu.memory_space<vmem>>
      %dma_wait3A_479 = tpu.memref_squeeze %dma_wait3A_478 : memref<1x20x64xf32, #tpu.memory_space<vmem>> -> memref<20x64xf32, #tpu.memory_space<vmem>>
      %dma_wait3A_480 = arith.constant 0 : i32
      %dma_wait3A_481 = tpu.memref_slice %arg8[%add3A_61, %dma_wait3A_480] : memref<512x20xi32, #tpu.memory_space<vmem>> -> memref<1x20xi32, #tpu.memory_space<vmem>>
      %dma_wait3A_482 = tpu.memref_squeeze %dma_wait3A_481 : memref<1x20xi32, #tpu.memory_space<vmem>> -> memref<20xi32, #tpu.memory_space<vmem>>
      %dma_wait3A_483 = arith.constant 0 : i32
      %dma_wait3A_484 = arith.constant 0 : i32
      %dma_wait3A_485 = tpu.memref_slice %arg5[%dma_wait3A_483, %dma_wait3A_484] : memref<1000000x64xf32, #tpu.memory_space<hbm>> -> memref<1000000x64xf32, #tpu.memory_space<hbm>>
      tpu.wait_indirect_dma semaphore(%arg15 : memref<!tpu.dma_semaphore, #tpu.memory_space<semaphore_mem>>) src(%dma_wait3A_485 : memref<1000000x64xf32, #tpu.memory_space<hbm>>) dst(%dma_wait3A_479 : memref<20x64xf32, #tpu.memory_space<vmem>>)
      %dma_wait3A_486 = arith.constant 1 : i32
      %dma_wait3A_487 = arith.constant 0 : i32
      %dma_wait3A_488 = arith.constant 0 : i32
      %dma_wait3A_489 = tpu.memref_slice %arg12[%dma_wait3A_486, %dma_wait3A_487, %dma_wait3A_488] : memref<16x20x64xf32, #tpu.memory_space<vmem>> -> memref<1x20x64xf32, #tpu.memory_space<vmem>>
      %dma_wait3A_490 = tpu.memref_squeeze %dma_wait3A_489 : memref<1x20x64xf32, #tpu.memory_space<vmem>> -> memref<20x64xf32, #tpu.memory_space<vmem>>
      %dma_wait3A_491 = arith.constant 0 : i32
      %dma_wait3A_492 = tpu.memref_slice %arg9[%add3A_74, %dma_wait3A_491] : memref<512x20xi32, #tpu.memory_space<vmem>> -> memref<1x20xi32, #tpu.memory_space<vmem>>
      %dma_wait3A_493 = tpu.memref_squeeze %dma_wait3A_492 : memref<1x20xi32, #tpu.memory_space<vmem>> -> memref<20xi32, #tpu.memory_space<vmem>>
      %dma_wait3A_494 = arith.constant 0 : i32
      %dma_wait3A_495 = arith.constant 0 : i32
      %dma_wait3A_496 = tpu.memref_slice %arg6[%dma_wait3A_494, %dma_wait3A_495] : memref<1000000x64xf32, #tpu.memory_space<hbm>> -> memref<1000000x64xf32, #tpu.memory_space<hbm>>
      tpu.wait_indirect_dma semaphore(%arg15 : memref<!tpu.dma_semaphore, #tpu.memory_space<semaphore_mem>>) src(%dma_wait3A_496 : memref<1000000x64xf32, #tpu.memory_space<hbm>>) dst(%dma_wait3A_490 : memref<20x64xf32, #tpu.memory_space<vmem>>)
      %dma_wait3A_497 = arith.constant 2 : i32
      %dma_wait3A_498 = arith.constant 0 : i32
      %dma_wait3A_499 = arith.constant 0 : i32
      %dma_wait3A_500 = tpu.memref_slice %arg11[%dma_wait3A_497, %dma_wait3A_498, %dma_wait3A_499] : memref<16x20x64xf32, #tpu.memory_space<vmem>> -> memref<1x20x64xf32, #tpu.memory_space<vmem>>
      %dma_wait3A_501 = tpu.memref_squeeze %dma_wait3A_500 : memref<1x20x64xf32, #tpu.memory_space<vmem>> -> memref<20x64xf32, #tpu.memory_space<vmem>>
      %dma_wait3A_502 = arith.constant 0 : i32
      %dma_wait3A_503 = tpu.memref_slice %arg8[%add3A_87, %dma_wait3A_502] : memref<512x20xi32, #tpu.memory_space<vmem>> -> memref<1x20xi32, #tpu.memory_space<vmem>>
      %dma_wait3A_504 = tpu.memref_squeeze %dma_wait3A_503 : memref<1x20xi32, #tpu.memory_space<vmem>> -> memref<20xi32, #tpu.memory_space<vmem>>
      %dma_wait3A_505 = arith.constant 0 : i32
      %dma_wait3A_506 = arith.constant 0 : i32
      %dma_wait3A_507 = tpu.memref_slice %arg5[%dma_wait3A_505, %dma_wait3A_506] : memref<1000000x64xf32, #tpu.memory_space<hbm>> -> memref<1000000x64xf32, #tpu.memory_space<hbm>>
      tpu.wait_indirect_dma semaphore(%arg15 : memref<!tpu.dma_semaphore, #tpu.memory_space<semaphore_mem>>) src(%dma_wait3A_507 : memref<1000000x64xf32, #tpu.memory_space<hbm>>) dst(%dma_wait3A_501 : memref<20x64xf32, #tpu.memory_space<vmem>>)
      %dma_wait3A_508 = arith.constant 2 : i32
      %dma_wait3A_509 = arith.constant 0 : i32
      %dma_wait3A_510 = arith.constant 0 : i32
      %dma_wait3A_511 = tpu.memref_slice %arg12[%dma_wait3A_508, %dma_wait3A_509, %dma_wait3A_510] : memref<16x20x64xf32, #tpu.memory_space<vmem>> -> memref<1x20x64xf32, #tpu.memory_space<vmem>>
      %dma_wait3A_512 = tpu.memref_squeeze %dma_wait3A_511 : memref<1x20x64xf32, #tpu.memory_space<vmem>> -> memref<20x64xf32, #tpu.memory_space<vmem>>
      %dma_wait3A_513 = arith.constant 0 : i32
      %dma_wait3A_514 = tpu.memref_slice %arg9[%add3A_100, %dma_wait3A_513] : memref<512x20xi32, #tpu.memory_space<vmem>> -> memref<1x20xi32, #tpu.memory_space<vmem>>
      %dma_wait3A_515 = tpu.memref_squeeze %dma_wait3A_514 : memref<1x20xi32, #tpu.memory_space<vmem>> -> memref<20xi32, #tpu.memory_space<vmem>>
      %dma_wait3A_516 = arith.constant 0 : i32
      %dma_wait3A_517 = arith.constant 0 : i32
      %dma_wait3A_518 = tpu.memref_slice %arg6[%dma_wait3A_516, %dma_wait3A_517] : memref<1000000x64xf32, #tpu.memory_space<hbm>> -> memref<1000000x64xf32, #tpu.memory_space<hbm>>
      tpu.wait_indirect_dma semaphore(%arg15 : memref<!tpu.dma_semaphore, #tpu.memory_space<semaphore_mem>>) src(%dma_wait3A_518 : memref<1000000x64xf32, #tpu.memory_space<hbm>>) dst(%dma_wait3A_512 : memref<20x64xf32, #tpu.memory_space<vmem>>)
      %dma_wait3A_519 = arith.constant 3 : i32
      %dma_wait3A_520 = arith.constant 0 : i32
      %dma_wait3A_521 = arith.constant 0 : i32
      %dma_wait3A_522 = tpu.memref_slice %arg11[%dma_wait3A_519, %dma_wait3A_520, %dma_wait3A_521] : memref<16x20x64xf32, #tpu.memory_space<vmem>> -> memref<1x20x64xf32, #tpu.memory_space<vmem>>
      %dma_wait3A_523 = tpu.memref_squeeze %dma_wait3A_522 : memref<1x20x64xf32, #tpu.memory_space<vmem>> -> memref<20x64xf32, #tpu.memory_space<vmem>>
      %dma_wait3A_524 = arith.constant 0 : i32
      %dma_wait3A_525 = tpu.memref_slice %arg8[%add3A_113, %dma_wait3A_524] : memref<512x20xi32, #tpu.memory_space<vmem>> -> memref<1x20xi32, #tpu.memory_space<vmem>>
      %dma_wait3A_526 = tpu.memref_squeeze %dma_wait3A_525 : memref<1x20xi32, #tpu.memory_space<vmem>> -> memref<20xi32, #tpu.memory_space<vmem>>
      %dma_wait3A_527 = arith.constant 0 : i32
      %dma_wait3A_528 = arith.constant 0 : i32
      %dma_wait3A_529 = tpu.memref_slice %arg5[%dma_wait3A_527, %dma_wait3A_528] : memref<1000000x64xf32, #tpu.memory_space<hbm>> -> memref<1000000x64xf32, #tpu.memory_space<hbm>>
      tpu.wait_indirect_dma semaphore(%arg15 : memref<!tpu.dma_semaphore, #tpu.memory_space<semaphore_mem>>) src(%dma_wait3A_529 : memref<1000000x64xf32, #tpu.memory_space<hbm>>) dst(%dma_wait3A_523 : memref<20x64xf32, #tpu.memory_space<vmem>>)
      %dma_wait3A_530 = arith.constant 3 : i32
      %dma_wait3A_531 = arith.constant 0 : i32
      %dma_wait3A_532 = arith.constant 0 : i32
      %dma_wait3A_533 = tpu.memref_slice %arg12[%dma_wait3A_530, %dma_wait3A_531, %dma_wait3A_532] : memref<16x20x64xf32, #tpu.memory_space<vmem>> -> memref<1x20x64xf32, #tpu.memory_space<vmem>>
      %dma_wait3A_534 = tpu.memref_squeeze %dma_wait3A_533 : memref<1x20x64xf32, #tpu.memory_space<vmem>> -> memref<20x64xf32, #tpu.memory_space<vmem>>
      %dma_wait3A_535 = arith.constant 0 : i32
      %dma_wait3A_536 = tpu.memref_slice %arg9[%add3A_126, %dma_wait3A_535] : memref<512x20xi32, #tpu.memory_space<vmem>> -> memref<1x20xi32, #tpu.memory_space<vmem>>
      %dma_wait3A_537 = tpu.memref_squeeze %dma_wait3A_536 : memref<1x20xi32, #tpu.memory_space<vmem>> -> memref<20xi32, #tpu.memory_space<vmem>>
      %dma_wait3A_538 = arith.constant 0 : i32
      %dma_wait3A_539 = arith.constant 0 : i32
      %dma_wait3A_540 = tpu.memref_slice %arg6[%dma_wait3A_538, %dma_wait3A_539] : memref<1000000x64xf32, #tpu.memory_space<hbm>> -> memref<1000000x64xf32, #tpu.memory_space<hbm>>
      tpu.wait_indirect_dma semaphore(%arg15 : memref<!tpu.dma_semaphore, #tpu.memory_space<semaphore_mem>>) src(%dma_wait3A_540 : memref<1000000x64xf32, #tpu.memory_space<hbm>>) dst(%dma_wait3A_534 : memref<20x64xf32, #tpu.memory_space<vmem>>)
      %dma_wait3A_541 = arith.constant 4 : i32
      %dma_wait3A_542 = arith.constant 0 : i32
      %dma_wait3A_543 = arith.constant 0 : i32
      %dma_wait3A_544 = tpu.memref_slice %arg11[%dma_wait3A_541, %dma_wait3A_542, %dma_wait3A_543] : memref<16x20x64xf32, #tpu.memory_space<vmem>> -> memref<1x20x64xf32, #tpu.memory_space<vmem>>
      %dma_wait3A_545 = tpu.memref_squeeze %dma_wait3A_544 : memref<1x20x64xf32, #tpu.memory_space<vmem>> -> memref<20x64xf32, #tpu.memory_space<vmem>>
      %dma_wait3A_546 = arith.constant 0 : i32
      %dma_wait3A_547 = tpu.memref_slice %arg8[%add3A_139, %dma_wait3A_546] : memref<512x20xi32, #tpu.memory_space<vmem>> -> memref<1x20xi32, #tpu.memory_space<vmem>>
      %dma_wait3A_548 = tpu.memref_squeeze %dma_wait3A_547 : memref<1x20xi32, #tpu.memory_space<vmem>> -> memref<20xi32, #tpu.memory_space<vmem>>
      %dma_wait3A_549 = arith.constant 0 : i32
      %dma_wait3A_550 = arith.constant 0 : i32
      %dma_wait3A_551 = tpu.memref_slice %arg5[%dma_wait3A_549, %dma_wait3A_550] : memref<1000000x64xf32, #tpu.memory_space<hbm>> -> memref<1000000x64xf32, #tpu.memory_space<hbm>>
      tpu.wait_indirect_dma semaphore(%arg15 : memref<!tpu.dma_semaphore, #tpu.memory_space<semaphore_mem>>) src(%dma_wait3A_551 : memref<1000000x64xf32, #tpu.memory_space<hbm>>) dst(%dma_wait3A_545 : memref<20x64xf32, #tpu.memory_space<vmem>>)
      %dma_wait3A_552 = arith.constant 4 : i32
      %dma_wait3A_553 = arith.constant 0 : i32
      %dma_wait3A_554 = arith.constant 0 : i32
      %dma_wait3A_555 = tpu.memref_slice %arg12[%dma_wait3A_552, %dma_wait3A_553, %dma_wait3A_554] : memref<16x20x64xf32, #tpu.memory_space<vmem>> -> memref<1x20x64xf32, #tpu.memory_space<vmem>>
      %dma_wait3A_556 = tpu.memref_squeeze %dma_wait3A_555 : memref<1x20x64xf32, #tpu.memory_space<vmem>> -> memref<20x64xf32, #tpu.memory_space<vmem>>
      %dma_wait3A_557 = arith.constant 0 : i32
      %dma_wait3A_558 = tpu.memref_slice %arg9[%add3A_152, %dma_wait3A_557] : memref<512x20xi32, #tpu.memory_space<vmem>> -> memref<1x20xi32, #tpu.memory_space<vmem>>
      %dma_wait3A_559 = tpu.memref_squeeze %dma_wait3A_558 : memref<1x20xi32, #tpu.memory_space<vmem>> -> memref<20xi32, #tpu.memory_space<vmem>>
      %dma_wait3A_560 = arith.constant 0 : i32
      %dma_wait3A_561 = arith.constant 0 : i32
      %dma_wait3A_562 = tpu.memref_slice %arg6[%dma_wait3A_560, %dma_wait3A_561] : memref<1000000x64xf32, #tpu.memory_space<hbm>> -> memref<1000000x64xf32, #tpu.memory_space<hbm>>
      tpu.wait_indirect_dma semaphore(%arg15 : memref<!tpu.dma_semaphore, #tpu.memory_space<semaphore_mem>>) src(%dma_wait3A_562 : memref<1000000x64xf32, #tpu.memory_space<hbm>>) dst(%dma_wait3A_556 : memref<20x64xf32, #tpu.memory_space<vmem>>)
      %dma_wait3A_563 = arith.constant 5 : i32
      %dma_wait3A_564 = arith.constant 0 : i32
      %dma_wait3A_565 = arith.constant 0 : i32
      %dma_wait3A_566 = tpu.memref_slice %arg11[%dma_wait3A_563, %dma_wait3A_564, %dma_wait3A_565] : memref<16x20x64xf32, #tpu.memory_space<vmem>> -> memref<1x20x64xf32, #tpu.memory_space<vmem>>
      %dma_wait3A_567 = tpu.memref_squeeze %dma_wait3A_566 : memref<1x20x64xf32, #tpu.memory_space<vmem>> -> memref<20x64xf32, #tpu.memory_space<vmem>>
      %dma_wait3A_568 = arith.constant 0 : i32
      %dma_wait3A_569 = tpu.memref_slice %arg8[%add3A_165, %dma_wait3A_568] : memref<512x20xi32, #tpu.memory_space<vmem>> -> memref<1x20xi32, #tpu.memory_space<vmem>>
      %dma_wait3A_570 = tpu.memref_squeeze %dma_wait3A_569 : memref<1x20xi32, #tpu.memory_space<vmem>> -> memref<20xi32, #tpu.memory_space<vmem>>
      %dma_wait3A_571 = arith.constant 0 : i32
      %dma_wait3A_572 = arith.constant 0 : i32
      %dma_wait3A_573 = tpu.memref_slice %arg5[%dma_wait3A_571, %dma_wait3A_572] : memref<1000000x64xf32, #tpu.memory_space<hbm>> -> memref<1000000x64xf32, #tpu.memory_space<hbm>>
      tpu.wait_indirect_dma semaphore(%arg15 : memref<!tpu.dma_semaphore, #tpu.memory_space<semaphore_mem>>) src(%dma_wait3A_573 : memref<1000000x64xf32, #tpu.memory_space<hbm>>) dst(%dma_wait3A_567 : memref<20x64xf32, #tpu.memory_space<vmem>>)
      %dma_wait3A_574 = arith.constant 5 : i32
      %dma_wait3A_575 = arith.constant 0 : i32
      %dma_wait3A_576 = arith.constant 0 : i32
      %dma_wait3A_577 = tpu.memref_slice %arg12[%dma_wait3A_574, %dma_wait3A_575, %dma_wait3A_576] : memref<16x20x64xf32, #tpu.memory_space<vmem>> -> memref<1x20x64xf32, #tpu.memory_space<vmem>>
      %dma_wait3A_578 = tpu.memref_squeeze %dma_wait3A_577 : memref<1x20x64xf32, #tpu.memory_space<vmem>> -> memref<20x64xf32, #tpu.memory_space<vmem>>
      %dma_wait3A_579 = arith.constant 0 : i32
      %dma_wait3A_580 = tpu.memref_slice %arg9[%add3A_178, %dma_wait3A_579] : memref<512x20xi32, #tpu.memory_space<vmem>> -> memref<1x20xi32, #tpu.memory_space<vmem>>
      %dma_wait3A_581 = tpu.memref_squeeze %dma_wait3A_580 : memref<1x20xi32, #tpu.memory_space<vmem>> -> memref<20xi32, #tpu.memory_space<vmem>>
      %dma_wait3A_582 = arith.constant 0 : i32
      %dma_wait3A_583 = arith.constant 0 : i32
      %dma_wait3A_584 = tpu.memref_slice %arg6[%dma_wait3A_582, %dma_wait3A_583] : memref<1000000x64xf32, #tpu.memory_space<hbm>> -> memref<1000000x64xf32, #tpu.memory_space<hbm>>
      tpu.wait_indirect_dma semaphore(%arg15 : memref<!tpu.dma_semaphore, #tpu.memory_space<semaphore_mem>>) src(%dma_wait3A_584 : memref<1000000x64xf32, #tpu.memory_space<hbm>>) dst(%dma_wait3A_578 : memref<20x64xf32, #tpu.memory_space<vmem>>)
      %dma_wait3A_585 = arith.constant 6 : i32
      %dma_wait3A_586 = arith.constant 0 : i32
      %dma_wait3A_587 = arith.constant 0 : i32
      %dma_wait3A_588 = tpu.memref_slice %arg11[%dma_wait3A_585, %dma_wait3A_586, %dma_wait3A_587] : memref<16x20x64xf32, #tpu.memory_space<vmem>> -> memref<1x20x64xf32, #tpu.memory_space<vmem>>
      %dma_wait3A_589 = tpu.memref_squeeze %dma_wait3A_588 : memref<1x20x64xf32, #tpu.memory_space<vmem>> -> memref<20x64xf32, #tpu.memory_space<vmem>>
      %dma_wait3A_590 = arith.constant 0 : i32
      %dma_wait3A_591 = tpu.memref_slice %arg8[%add3A_191, %dma_wait3A_590] : memref<512x20xi32, #tpu.memory_space<vmem>> -> memref<1x20xi32, #tpu.memory_space<vmem>>
      %dma_wait3A_592 = tpu.memref_squeeze %dma_wait3A_591 : memref<1x20xi32, #tpu.memory_space<vmem>> -> memref<20xi32, #tpu.memory_space<vmem>>
      %dma_wait3A_593 = arith.constant 0 : i32
      %dma_wait3A_594 = arith.constant 0 : i32
      %dma_wait3A_595 = tpu.memref_slice %arg5[%dma_wait3A_593, %dma_wait3A_594] : memref<1000000x64xf32, #tpu.memory_space<hbm>> -> memref<1000000x64xf32, #tpu.memory_space<hbm>>
      tpu.wait_indirect_dma semaphore(%arg15 : memref<!tpu.dma_semaphore, #tpu.memory_space<semaphore_mem>>) src(%dma_wait3A_595 : memref<1000000x64xf32, #tpu.memory_space<hbm>>) dst(%dma_wait3A_589 : memref<20x64xf32, #tpu.memory_space<vmem>>)
      %dma_wait3A_596 = arith.constant 6 : i32
      %dma_wait3A_597 = arith.constant 0 : i32
      %dma_wait3A_598 = arith.constant 0 : i32
      %dma_wait3A_599 = tpu.memref_slice %arg12[%dma_wait3A_596, %dma_wait3A_597, %dma_wait3A_598] : memref<16x20x64xf32, #tpu.memory_space<vmem>> -> memref<1x20x64xf32, #tpu.memory_space<vmem>>
      %dma_wait3A_600 = tpu.memref_squeeze %dma_wait3A_599 : memref<1x20x64xf32, #tpu.memory_space<vmem>> -> memref<20x64xf32, #tpu.memory_space<vmem>>
      %dma_wait3A_601 = arith.constant 0 : i32
      %dma_wait3A_602 = tpu.memref_slice %arg9[%add3A_204, %dma_wait3A_601] : memref<512x20xi32, #tpu.memory_space<vmem>> -> memref<1x20xi32, #tpu.memory_space<vmem>>
      %dma_wait3A_603 = tpu.memref_squeeze %dma_wait3A_602 : memref<1x20xi32, #tpu.memory_space<vmem>> -> memref<20xi32, #tpu.memory_space<vmem>>
      %dma_wait3A_604 = arith.constant 0 : i32
      %dma_wait3A_605 = arith.constant 0 : i32
      %dma_wait3A_606 = tpu.memref_slice %arg6[%dma_wait3A_604, %dma_wait3A_605] : memref<1000000x64xf32, #tpu.memory_space<hbm>> -> memref<1000000x64xf32, #tpu.memory_space<hbm>>
      tpu.wait_indirect_dma semaphore(%arg15 : memref<!tpu.dma_semaphore, #tpu.memory_space<semaphore_mem>>) src(%dma_wait3A_606 : memref<1000000x64xf32, #tpu.memory_space<hbm>>) dst(%dma_wait3A_600 : memref<20x64xf32, #tpu.memory_space<vmem>>)
      %dma_wait3A_607 = arith.constant 7 : i32
      %dma_wait3A_608 = arith.constant 0 : i32
      %dma_wait3A_609 = arith.constant 0 : i32
      %dma_wait3A_610 = tpu.memref_slice %arg11[%dma_wait3A_607, %dma_wait3A_608, %dma_wait3A_609] : memref<16x20x64xf32, #tpu.memory_space<vmem>> -> memref<1x20x64xf32, #tpu.memory_space<vmem>>
      %dma_wait3A_611 = tpu.memref_squeeze %dma_wait3A_610 : memref<1x20x64xf32, #tpu.memory_space<vmem>> -> memref<20x64xf32, #tpu.memory_space<vmem>>
      %dma_wait3A_612 = arith.constant 0 : i32
      %dma_wait3A_613 = tpu.memref_slice %arg8[%add3A_217, %dma_wait3A_612] : memref<512x20xi32, #tpu.memory_space<vmem>> -> memref<1x20xi32, #tpu.memory_space<vmem>>
      %dma_wait3A_614 = tpu.memref_squeeze %dma_wait3A_613 : memref<1x20xi32, #tpu.memory_space<vmem>> -> memref<20xi32, #tpu.memory_space<vmem>>
      %dma_wait3A_615 = arith.constant 0 : i32
      %dma_wait3A_616 = arith.constant 0 : i32
      %dma_wait3A_617 = tpu.memref_slice %arg5[%dma_wait3A_615, %dma_wait3A_616] : memref<1000000x64xf32, #tpu.memory_space<hbm>> -> memref<1000000x64xf32, #tpu.memory_space<hbm>>
      tpu.wait_indirect_dma semaphore(%arg15 : memref<!tpu.dma_semaphore, #tpu.memory_space<semaphore_mem>>) src(%dma_wait3A_617 : memref<1000000x64xf32, #tpu.memory_space<hbm>>) dst(%dma_wait3A_611 : memref<20x64xf32, #tpu.memory_space<vmem>>)
      %dma_wait3A_618 = arith.constant 7 : i32
      %dma_wait3A_619 = arith.constant 0 : i32
      %dma_wait3A_620 = arith.constant 0 : i32
      %dma_wait3A_621 = tpu.memref_slice %arg12[%dma_wait3A_618, %dma_wait3A_619, %dma_wait3A_620] : memref<16x20x64xf32, #tpu.memory_space<vmem>> -> memref<1x20x64xf32, #tpu.memory_space<vmem>>
      %dma_wait3A_622 = tpu.memref_squeeze %dma_wait3A_621 : memref<1x20x64xf32, #tpu.memory_space<vmem>> -> memref<20x64xf32, #tpu.memory_space<vmem>>
      %dma_wait3A_623 = arith.constant 0 : i32
      %dma_wait3A_624 = tpu.memref_slice %arg9[%add3A_230, %dma_wait3A_623] : memref<512x20xi32, #tpu.memory_space<vmem>> -> memref<1x20xi32, #tpu.memory_space<vmem>>
      %dma_wait3A_625 = tpu.memref_squeeze %dma_wait3A_624 : memref<1x20xi32, #tpu.memory_space<vmem>> -> memref<20xi32, #tpu.memory_space<vmem>>
      %dma_wait3A_626 = arith.constant 0 : i32
      %dma_wait3A_627 = arith.constant 0 : i32
      %dma_wait3A_628 = tpu.memref_slice %arg6[%dma_wait3A_626, %dma_wait3A_627] : memref<1000000x64xf32, #tpu.memory_space<hbm>> -> memref<1000000x64xf32, #tpu.memory_space<hbm>>
      tpu.wait_indirect_dma semaphore(%arg15 : memref<!tpu.dma_semaphore, #tpu.memory_space<semaphore_mem>>) src(%dma_wait3A_628 : memref<1000000x64xf32, #tpu.memory_space<hbm>>) dst(%dma_wait3A_622 : memref<20x64xf32, #tpu.memory_space<vmem>>)
      %dma_wait3A_629 = arith.constant 8 : i32
      %dma_wait3A_630 = arith.constant 0 : i32
      %dma_wait3A_631 = arith.constant 0 : i32
      %dma_wait3A_632 = tpu.memref_slice %arg11[%dma_wait3A_629, %dma_wait3A_630, %dma_wait3A_631] : memref<16x20x64xf32, #tpu.memory_space<vmem>> -> memref<1x20x64xf32, #tpu.memory_space<vmem>>
      %dma_wait3A_633 = tpu.memref_squeeze %dma_wait3A_632 : memref<1x20x64xf32, #tpu.memory_space<vmem>> -> memref<20x64xf32, #tpu.memory_space<vmem>>
      %dma_wait3A_634 = arith.constant 0 : i32
      %dma_wait3A_635 = tpu.memref_slice %arg8[%add3A_243, %dma_wait3A_634] : memref<512x20xi32, #tpu.memory_space<vmem>> -> memref<1x20xi32, #tpu.memory_space<vmem>>
      %dma_wait3A_636 = tpu.memref_squeeze %dma_wait3A_635 : memref<1x20xi32, #tpu.memory_space<vmem>> -> memref<20xi32, #tpu.memory_space<vmem>>
      %dma_wait3A_637 = arith.constant 0 : i32
      %dma_wait3A_638 = arith.constant 0 : i32
      %dma_wait3A_639 = tpu.memref_slice %arg5[%dma_wait3A_637, %dma_wait3A_638] : memref<1000000x64xf32, #tpu.memory_space<hbm>> -> memref<1000000x64xf32, #tpu.memory_space<hbm>>
      tpu.wait_indirect_dma semaphore(%arg15 : memref<!tpu.dma_semaphore, #tpu.memory_space<semaphore_mem>>) src(%dma_wait3A_639 : memref<1000000x64xf32, #tpu.memory_space<hbm>>) dst(%dma_wait3A_633 : memref<20x64xf32, #tpu.memory_space<vmem>>)
      %dma_wait3A_640 = arith.constant 8 : i32
      %dma_wait3A_641 = arith.constant 0 : i32
      %dma_wait3A_642 = arith.constant 0 : i32
      %dma_wait3A_643 = tpu.memref_slice %arg12[%dma_wait3A_640, %dma_wait3A_641, %dma_wait3A_642] : memref<16x20x64xf32, #tpu.memory_space<vmem>> -> memref<1x20x64xf32, #tpu.memory_space<vmem>>
      %dma_wait3A_644 = tpu.memref_squeeze %dma_wait3A_643 : memref<1x20x64xf32, #tpu.memory_space<vmem>> -> memref<20x64xf32, #tpu.memory_space<vmem>>
      %dma_wait3A_645 = arith.constant 0 : i32
      %dma_wait3A_646 = tpu.memref_slice %arg9[%add3A_256, %dma_wait3A_645] : memref<512x20xi32, #tpu.memory_space<vmem>> -> memref<1x20xi32, #tpu.memory_space<vmem>>
      %dma_wait3A_647 = tpu.memref_squeeze %dma_wait3A_646 : memref<1x20xi32, #tpu.memory_space<vmem>> -> memref<20xi32, #tpu.memory_space<vmem>>
      %dma_wait3A_648 = arith.constant 0 : i32
      %dma_wait3A_649 = arith.constant 0 : i32
      %dma_wait3A_650 = tpu.memref_slice %arg6[%dma_wait3A_648, %dma_wait3A_649] : memref<1000000x64xf32, #tpu.memory_space<hbm>> -> memref<1000000x64xf32, #tpu.memory_space<hbm>>
      tpu.wait_indirect_dma semaphore(%arg15 : memref<!tpu.dma_semaphore, #tpu.memory_space<semaphore_mem>>) src(%dma_wait3A_650 : memref<1000000x64xf32, #tpu.memory_space<hbm>>) dst(%dma_wait3A_644 : memref<20x64xf32, #tpu.memory_space<vmem>>)
      %dma_wait3A_651 = arith.constant 9 : i32
      %dma_wait3A_652 = arith.constant 0 : i32
      %dma_wait3A_653 = arith.constant 0 : i32
      %dma_wait3A_654 = tpu.memref_slice %arg11[%dma_wait3A_651, %dma_wait3A_652, %dma_wait3A_653] : memref<16x20x64xf32, #tpu.memory_space<vmem>> -> memref<1x20x64xf32, #tpu.memory_space<vmem>>
      %dma_wait3A_655 = tpu.memref_squeeze %dma_wait3A_654 : memref<1x20x64xf32, #tpu.memory_space<vmem>> -> memref<20x64xf32, #tpu.memory_space<vmem>>
      %dma_wait3A_656 = arith.constant 0 : i32
      %dma_wait3A_657 = tpu.memref_slice %arg8[%add3A_269, %dma_wait3A_656] : memref<512x20xi32, #tpu.memory_space<vmem>> -> memref<1x20xi32, #tpu.memory_space<vmem>>
      %dma_wait3A_658 = tpu.memref_squeeze %dma_wait3A_657 : memref<1x20xi32, #tpu.memory_space<vmem>> -> memref<20xi32, #tpu.memory_space<vmem>>
      %dma_wait3A_659 = arith.constant 0 : i32
      %dma_wait3A_660 = arith.constant 0 : i32
      %dma_wait3A_661 = tpu.memref_slice %arg5[%dma_wait3A_659, %dma_wait3A_660] : memref<1000000x64xf32, #tpu.memory_space<hbm>> -> memref<1000000x64xf32, #tpu.memory_space<hbm>>
      tpu.wait_indirect_dma semaphore(%arg15 : memref<!tpu.dma_semaphore, #tpu.memory_space<semaphore_mem>>) src(%dma_wait3A_661 : memref<1000000x64xf32, #tpu.memory_space<hbm>>) dst(%dma_wait3A_655 : memref<20x64xf32, #tpu.memory_space<vmem>>)
      %dma_wait3A_662 = arith.constant 9 : i32
      %dma_wait3A_663 = arith.constant 0 : i32
      %dma_wait3A_664 = arith.constant 0 : i32
      %dma_wait3A_665 = tpu.memref_slice %arg12[%dma_wait3A_662, %dma_wait3A_663, %dma_wait3A_664] : memref<16x20x64xf32, #tpu.memory_space<vmem>> -> memref<1x20x64xf32, #tpu.memory_space<vmem>>
      %dma_wait3A_666 = tpu.memref_squeeze %dma_wait3A_665 : memref<1x20x64xf32, #tpu.memory_space<vmem>> -> memref<20x64xf32, #tpu.memory_space<vmem>>
      %dma_wait3A_667 = arith.constant 0 : i32
      %dma_wait3A_668 = tpu.memref_slice %arg9[%add3A_282, %dma_wait3A_667] : memref<512x20xi32, #tpu.memory_space<vmem>> -> memref<1x20xi32, #tpu.memory_space<vmem>>
      %dma_wait3A_669 = tpu.memref_squeeze %dma_wait3A_668 : memref<1x20xi32, #tpu.memory_space<vmem>> -> memref<20xi32, #tpu.memory_space<vmem>>
      %dma_wait3A_670 = arith.constant 0 : i32
      %dma_wait3A_671 = arith.constant 0 : i32
      %dma_wait3A_672 = tpu.memref_slice %arg6[%dma_wait3A_670, %dma_wait3A_671] : memref<1000000x64xf32, #tpu.memory_space<hbm>> -> memref<1000000x64xf32, #tpu.memory_space<hbm>>
      tpu.wait_indirect_dma semaphore(%arg15 : memref<!tpu.dma_semaphore, #tpu.memory_space<semaphore_mem>>) src(%dma_wait3A_672 : memref<1000000x64xf32, #tpu.memory_space<hbm>>) dst(%dma_wait3A_666 : memref<20x64xf32, #tpu.memory_space<vmem>>)
      %dma_wait3A_673 = arith.constant 10 : i32
      %dma_wait3A_674 = arith.constant 0 : i32
      %dma_wait3A_675 = arith.constant 0 : i32
      %dma_wait3A_676 = tpu.memref_slice %arg11[%dma_wait3A_673, %dma_wait3A_674, %dma_wait3A_675] : memref<16x20x64xf32, #tpu.memory_space<vmem>> -> memref<1x20x64xf32, #tpu.memory_space<vmem>>
      %dma_wait3A_677 = tpu.memref_squeeze %dma_wait3A_676 : memref<1x20x64xf32, #tpu.memory_space<vmem>> -> memref<20x64xf32, #tpu.memory_space<vmem>>
      %dma_wait3A_678 = arith.constant 0 : i32
      %dma_wait3A_679 = tpu.memref_slice %arg8[%add3A_295, %dma_wait3A_678] : memref<512x20xi32, #tpu.memory_space<vmem>> -> memref<1x20xi32, #tpu.memory_space<vmem>>
      %dma_wait3A_680 = tpu.memref_squeeze %dma_wait3A_679 : memref<1x20xi32, #tpu.memory_space<vmem>> -> memref<20xi32, #tpu.memory_space<vmem>>
      %dma_wait3A_681 = arith.constant 0 : i32
      %dma_wait3A_682 = arith.constant 0 : i32
      %dma_wait3A_683 = tpu.memref_slice %arg5[%dma_wait3A_681, %dma_wait3A_682] : memref<1000000x64xf32, #tpu.memory_space<hbm>> -> memref<1000000x64xf32, #tpu.memory_space<hbm>>
      tpu.wait_indirect_dma semaphore(%arg15 : memref<!tpu.dma_semaphore, #tpu.memory_space<semaphore_mem>>) src(%dma_wait3A_683 : memref<1000000x64xf32, #tpu.memory_space<hbm>>) dst(%dma_wait3A_677 : memref<20x64xf32, #tpu.memory_space<vmem>>)
      %dma_wait3A_684 = arith.constant 10 : i32
      %dma_wait3A_685 = arith.constant 0 : i32
      %dma_wait3A_686 = arith.constant 0 : i32
      %dma_wait3A_687 = tpu.memref_slice %arg12[%dma_wait3A_684, %dma_wait3A_685, %dma_wait3A_686] : memref<16x20x64xf32, #tpu.memory_space<vmem>> -> memref<1x20x64xf32, #tpu.memory_space<vmem>>
      %dma_wait3A_688 = tpu.memref_squeeze %dma_wait3A_687 : memref<1x20x64xf32, #tpu.memory_space<vmem>> -> memref<20x64xf32, #tpu.memory_space<vmem>>
      %dma_wait3A_689 = arith.constant 0 : i32
      %dma_wait3A_690 = tpu.memref_slice %arg9[%add3A_308, %dma_wait3A_689] : memref<512x20xi32, #tpu.memory_space<vmem>> -> memref<1x20xi32, #tpu.memory_space<vmem>>
      %dma_wait3A_691 = tpu.memref_squeeze %dma_wait3A_690 : memref<1x20xi32, #tpu.memory_space<vmem>> -> memref<20xi32, #tpu.memory_space<vmem>>
      %dma_wait3A_692 = arith.constant 0 : i32
      %dma_wait3A_693 = arith.constant 0 : i32
      %dma_wait3A_694 = tpu.memref_slice %arg6[%dma_wait3A_692, %dma_wait3A_693] : memref<1000000x64xf32, #tpu.memory_space<hbm>> -> memref<1000000x64xf32, #tpu.memory_space<hbm>>
      tpu.wait_indirect_dma semaphore(%arg15 : memref<!tpu.dma_semaphore, #tpu.memory_space<semaphore_mem>>) src(%dma_wait3A_694 : memref<1000000x64xf32, #tpu.memory_space<hbm>>) dst(%dma_wait3A_688 : memref<20x64xf32, #tpu.memory_space<vmem>>)
      %dma_wait3A_695 = arith.constant 11 : i32
      %dma_wait3A_696 = arith.constant 0 : i32
      %dma_wait3A_697 = arith.constant 0 : i32
      %dma_wait3A_698 = tpu.memref_slice %arg11[%dma_wait3A_695, %dma_wait3A_696, %dma_wait3A_697] : memref<16x20x64xf32, #tpu.memory_space<vmem>> -> memref<1x20x64xf32, #tpu.memory_space<vmem>>
      %dma_wait3A_699 = tpu.memref_squeeze %dma_wait3A_698 : memref<1x20x64xf32, #tpu.memory_space<vmem>> -> memref<20x64xf32, #tpu.memory_space<vmem>>
      %dma_wait3A_700 = arith.constant 0 : i32
      %dma_wait3A_701 = tpu.memref_slice %arg8[%add3A_321, %dma_wait3A_700] : memref<512x20xi32, #tpu.memory_space<vmem>> -> memref<1x20xi32, #tpu.memory_space<vmem>>
      %dma_wait3A_702 = tpu.memref_squeeze %dma_wait3A_701 : memref<1x20xi32, #tpu.memory_space<vmem>> -> memref<20xi32, #tpu.memory_space<vmem>>
      %dma_wait3A_703 = arith.constant 0 : i32
      %dma_wait3A_704 = arith.constant 0 : i32
      %dma_wait3A_705 = tpu.memref_slice %arg5[%dma_wait3A_703, %dma_wait3A_704] : memref<1000000x64xf32, #tpu.memory_space<hbm>> -> memref<1000000x64xf32, #tpu.memory_space<hbm>>
      tpu.wait_indirect_dma semaphore(%arg15 : memref<!tpu.dma_semaphore, #tpu.memory_space<semaphore_mem>>) src(%dma_wait3A_705 : memref<1000000x64xf32, #tpu.memory_space<hbm>>) dst(%dma_wait3A_699 : memref<20x64xf32, #tpu.memory_space<vmem>>)
      %dma_wait3A_706 = arith.constant 11 : i32
      %dma_wait3A_707 = arith.constant 0 : i32
      %dma_wait3A_708 = arith.constant 0 : i32
      %dma_wait3A_709 = tpu.memref_slice %arg12[%dma_wait3A_706, %dma_wait3A_707, %dma_wait3A_708] : memref<16x20x64xf32, #tpu.memory_space<vmem>> -> memref<1x20x64xf32, #tpu.memory_space<vmem>>
      %dma_wait3A_710 = tpu.memref_squeeze %dma_wait3A_709 : memref<1x20x64xf32, #tpu.memory_space<vmem>> -> memref<20x64xf32, #tpu.memory_space<vmem>>
      %dma_wait3A_711 = arith.constant 0 : i32
      %dma_wait3A_712 = tpu.memref_slice %arg9[%add3A_334, %dma_wait3A_711] : memref<512x20xi32, #tpu.memory_space<vmem>> -> memref<1x20xi32, #tpu.memory_space<vmem>>
      %dma_wait3A_713 = tpu.memref_squeeze %dma_wait3A_712 : memref<1x20xi32, #tpu.memory_space<vmem>> -> memref<20xi32, #tpu.memory_space<vmem>>
      %dma_wait3A_714 = arith.constant 0 : i32
      %dma_wait3A_715 = arith.constant 0 : i32
      %dma_wait3A_716 = tpu.memref_slice %arg6[%dma_wait3A_714, %dma_wait3A_715] : memref<1000000x64xf32, #tpu.memory_space<hbm>> -> memref<1000000x64xf32, #tpu.memory_space<hbm>>
      tpu.wait_indirect_dma semaphore(%arg15 : memref<!tpu.dma_semaphore, #tpu.memory_space<semaphore_mem>>) src(%dma_wait3A_716 : memref<1000000x64xf32, #tpu.memory_space<hbm>>) dst(%dma_wait3A_710 : memref<20x64xf32, #tpu.memory_space<vmem>>)
      %dma_wait3A_717 = arith.constant 12 : i32
      %dma_wait3A_718 = arith.constant 0 : i32
      %dma_wait3A_719 = arith.constant 0 : i32
      %dma_wait3A_720 = tpu.memref_slice %arg11[%dma_wait3A_717, %dma_wait3A_718, %dma_wait3A_719] : memref<16x20x64xf32, #tpu.memory_space<vmem>> -> memref<1x20x64xf32, #tpu.memory_space<vmem>>
      %dma_wait3A_721 = tpu.memref_squeeze %dma_wait3A_720 : memref<1x20x64xf32, #tpu.memory_space<vmem>> -> memref<20x64xf32, #tpu.memory_space<vmem>>
      %dma_wait3A_722 = arith.constant 0 : i32
      %dma_wait3A_723 = tpu.memref_slice %arg8[%add3A_347, %dma_wait3A_722] : memref<512x20xi32, #tpu.memory_space<vmem>> -> memref<1x20xi32, #tpu.memory_space<vmem>>
      %dma_wait3A_724 = tpu.memref_squeeze %dma_wait3A_723 : memref<1x20xi32, #tpu.memory_space<vmem>> -> memref<20xi32, #tpu.memory_space<vmem>>
      %dma_wait3A_725 = arith.constant 0 : i32
      %dma_wait3A_726 = arith.constant 0 : i32
      %dma_wait3A_727 = tpu.memref_slice %arg5[%dma_wait3A_725, %dma_wait3A_726] : memref<1000000x64xf32, #tpu.memory_space<hbm>> -> memref<1000000x64xf32, #tpu.memory_space<hbm>>
      tpu.wait_indirect_dma semaphore(%arg15 : memref<!tpu.dma_semaphore, #tpu.memory_space<semaphore_mem>>) src(%dma_wait3A_727 : memref<1000000x64xf32, #tpu.memory_space<hbm>>) dst(%dma_wait3A_721 : memref<20x64xf32, #tpu.memory_space<vmem>>)
      %dma_wait3A_728 = arith.constant 12 : i32
      %dma_wait3A_729 = arith.constant 0 : i32
      %dma_wait3A_730 = arith.constant 0 : i32
      %dma_wait3A_731 = tpu.memref_slice %arg12[%dma_wait3A_728, %dma_wait3A_729, %dma_wait3A_730] : memref<16x20x64xf32, #tpu.memory_space<vmem>> -> memref<1x20x64xf32, #tpu.memory_space<vmem>>
      %dma_wait3A_732 = tpu.memref_squeeze %dma_wait3A_731 : memref<1x20x64xf32, #tpu.memory_space<vmem>> -> memref<20x64xf32, #tpu.memory_space<vmem>>
      %dma_wait3A_733 = arith.constant 0 : i32
      %dma_wait3A_734 = tpu.memref_slice %arg9[%add3A_360, %dma_wait3A_733] : memref<512x20xi32, #tpu.memory_space<vmem>> -> memref<1x20xi32, #tpu.memory_space<vmem>>
      %dma_wait3A_735 = tpu.memref_squeeze %dma_wait3A_734 : memref<1x20xi32, #tpu.memory_space<vmem>> -> memref<20xi32, #tpu.memory_space<vmem>>
      %dma_wait3A_736 = arith.constant 0 : i32
      %dma_wait3A_737 = arith.constant 0 : i32
      %dma_wait3A_738 = tpu.memref_slice %arg6[%dma_wait3A_736, %dma_wait3A_737] : memref<1000000x64xf32, #tpu.memory_space<hbm>> -> memref<1000000x64xf32, #tpu.memory_space<hbm>>
      tpu.wait_indirect_dma semaphore(%arg15 : memref<!tpu.dma_semaphore, #tpu.memory_space<semaphore_mem>>) src(%dma_wait3A_738 : memref<1000000x64xf32, #tpu.memory_space<hbm>>) dst(%dma_wait3A_732 : memref<20x64xf32, #tpu.memory_space<vmem>>)
      %dma_wait3A_739 = arith.constant 13 : i32
      %dma_wait3A_740 = arith.constant 0 : i32
      %dma_wait3A_741 = arith.constant 0 : i32
      %dma_wait3A_742 = tpu.memref_slice %arg11[%dma_wait3A_739, %dma_wait3A_740, %dma_wait3A_741] : memref<16x20x64xf32, #tpu.memory_space<vmem>> -> memref<1x20x64xf32, #tpu.memory_space<vmem>>
      %dma_wait3A_743 = tpu.memref_squeeze %dma_wait3A_742 : memref<1x20x64xf32, #tpu.memory_space<vmem>> -> memref<20x64xf32, #tpu.memory_space<vmem>>
      %dma_wait3A_744 = arith.constant 0 : i32
      %dma_wait3A_745 = tpu.memref_slice %arg8[%add3A_373, %dma_wait3A_744] : memref<512x20xi32, #tpu.memory_space<vmem>> -> memref<1x20xi32, #tpu.memory_space<vmem>>
      %dma_wait3A_746 = tpu.memref_squeeze %dma_wait3A_745 : memref<1x20xi32, #tpu.memory_space<vmem>> -> memref<20xi32, #tpu.memory_space<vmem>>
      %dma_wait3A_747 = arith.constant 0 : i32
      %dma_wait3A_748 = arith.constant 0 : i32
      %dma_wait3A_749 = tpu.memref_slice %arg5[%dma_wait3A_747, %dma_wait3A_748] : memref<1000000x64xf32, #tpu.memory_space<hbm>> -> memref<1000000x64xf32, #tpu.memory_space<hbm>>
      tpu.wait_indirect_dma semaphore(%arg15 : memref<!tpu.dma_semaphore, #tpu.memory_space<semaphore_mem>>) src(%dma_wait3A_749 : memref<1000000x64xf32, #tpu.memory_space<hbm>>) dst(%dma_wait3A_743 : memref<20x64xf32, #tpu.memory_space<vmem>>)
      %dma_wait3A_750 = arith.constant 13 : i32
      %dma_wait3A_751 = arith.constant 0 : i32
      %dma_wait3A_752 = arith.constant 0 : i32
      %dma_wait3A_753 = tpu.memref_slice %arg12[%dma_wait3A_750, %dma_wait3A_751, %dma_wait3A_752] : memref<16x20x64xf32, #tpu.memory_space<vmem>> -> memref<1x20x64xf32, #tpu.memory_space<vmem>>
      %dma_wait3A_754 = tpu.memref_squeeze %dma_wait3A_753 : memref<1x20x64xf32, #tpu.memory_space<vmem>> -> memref<20x64xf32, #tpu.memory_space<vmem>>
      %dma_wait3A_755 = arith.constant 0 : i32
      %dma_wait3A_756 = tpu.memref_slice %arg9[%add3A_386, %dma_wait3A_755] : memref<512x20xi32, #tpu.memory_space<vmem>> -> memref<1x20xi32, #tpu.memory_space<vmem>>
      %dma_wait3A_757 = tpu.memref_squeeze %dma_wait3A_756 : memref<1x20xi32, #tpu.memory_space<vmem>> -> memref<20xi32, #tpu.memory_space<vmem>>
      %dma_wait3A_758 = arith.constant 0 : i32
      %dma_wait3A_759 = arith.constant 0 : i32
      %dma_wait3A_760 = tpu.memref_slice %arg6[%dma_wait3A_758, %dma_wait3A_759] : memref<1000000x64xf32, #tpu.memory_space<hbm>> -> memref<1000000x64xf32, #tpu.memory_space<hbm>>
      tpu.wait_indirect_dma semaphore(%arg15 : memref<!tpu.dma_semaphore, #tpu.memory_space<semaphore_mem>>) src(%dma_wait3A_760 : memref<1000000x64xf32, #tpu.memory_space<hbm>>) dst(%dma_wait3A_754 : memref<20x64xf32, #tpu.memory_space<vmem>>)
      %dma_wait3A_761 = arith.constant 14 : i32
      %dma_wait3A_762 = arith.constant 0 : i32
      %dma_wait3A_763 = arith.constant 0 : i32
      %dma_wait3A_764 = tpu.memref_slice %arg11[%dma_wait3A_761, %dma_wait3A_762, %dma_wait3A_763] : memref<16x20x64xf32, #tpu.memory_space<vmem>> -> memref<1x20x64xf32, #tpu.memory_space<vmem>>
      %dma_wait3A_765 = tpu.memref_squeeze %dma_wait3A_764 : memref<1x20x64xf32, #tpu.memory_space<vmem>> -> memref<20x64xf32, #tpu.memory_space<vmem>>
      %dma_wait3A_766 = arith.constant 0 : i32
      %dma_wait3A_767 = tpu.memref_slice %arg8[%add3A_399, %dma_wait3A_766] : memref<512x20xi32, #tpu.memory_space<vmem>> -> memref<1x20xi32, #tpu.memory_space<vmem>>
      %dma_wait3A_768 = tpu.memref_squeeze %dma_wait3A_767 : memref<1x20xi32, #tpu.memory_space<vmem>> -> memref<20xi32, #tpu.memory_space<vmem>>
      %dma_wait3A_769 = arith.constant 0 : i32
      %dma_wait3A_770 = arith.constant 0 : i32
      %dma_wait3A_771 = tpu.memref_slice %arg5[%dma_wait3A_769, %dma_wait3A_770] : memref<1000000x64xf32, #tpu.memory_space<hbm>> -> memref<1000000x64xf32, #tpu.memory_space<hbm>>
      tpu.wait_indirect_dma semaphore(%arg15 : memref<!tpu.dma_semaphore, #tpu.memory_space<semaphore_mem>>) src(%dma_wait3A_771 : memref<1000000x64xf32, #tpu.memory_space<hbm>>) dst(%dma_wait3A_765 : memref<20x64xf32, #tpu.memory_space<vmem>>)
      %dma_wait3A_772 = arith.constant 14 : i32
      %dma_wait3A_773 = arith.constant 0 : i32
      %dma_wait3A_774 = arith.constant 0 : i32
      %dma_wait3A_775 = tpu.memref_slice %arg12[%dma_wait3A_772, %dma_wait3A_773, %dma_wait3A_774] : memref<16x20x64xf32, #tpu.memory_space<vmem>> -> memref<1x20x64xf32, #tpu.memory_space<vmem>>
      %dma_wait3A_776 = tpu.memref_squeeze %dma_wait3A_775 : memref<1x20x64xf32, #tpu.memory_space<vmem>> -> memref<20x64xf32, #tpu.memory_space<vmem>>
      %dma_wait3A_777 = arith.constant 0 : i32
      %dma_wait3A_778 = tpu.memref_slice %arg9[%add3A_412, %dma_wait3A_777] : memref<512x20xi32, #tpu.memory_space<vmem>> -> memref<1x20xi32, #tpu.memory_space<vmem>>
      %dma_wait3A_779 = tpu.memref_squeeze %dma_wait3A_778 : memref<1x20xi32, #tpu.memory_space<vmem>> -> memref<20xi32, #tpu.memory_space<vmem>>
      %dma_wait3A_780 = arith.constant 0 : i32
      %dma_wait3A_781 = arith.constant 0 : i32
      %dma_wait3A_782 = tpu.memref_slice %arg6[%dma_wait3A_780, %dma_wait3A_781] : memref<1000000x64xf32, #tpu.memory_space<hbm>> -> memref<1000000x64xf32, #tpu.memory_space<hbm>>
      tpu.wait_indirect_dma semaphore(%arg15 : memref<!tpu.dma_semaphore, #tpu.memory_space<semaphore_mem>>) src(%dma_wait3A_782 : memref<1000000x64xf32, #tpu.memory_space<hbm>>) dst(%dma_wait3A_776 : memref<20x64xf32, #tpu.memory_space<vmem>>)
      %dma_wait3A_783 = arith.constant 15 : i32
      %dma_wait3A_784 = arith.constant 0 : i32
      %dma_wait3A_785 = arith.constant 0 : i32
      %dma_wait3A_786 = tpu.memref_slice %arg11[%dma_wait3A_783, %dma_wait3A_784, %dma_wait3A_785] : memref<16x20x64xf32, #tpu.memory_space<vmem>> -> memref<1x20x64xf32, #tpu.memory_space<vmem>>
      %dma_wait3A_787 = tpu.memref_squeeze %dma_wait3A_786 : memref<1x20x64xf32, #tpu.memory_space<vmem>> -> memref<20x64xf32, #tpu.memory_space<vmem>>
      %dma_wait3A_788 = arith.constant 0 : i32
      %dma_wait3A_789 = tpu.memref_slice %arg8[%add3A_425, %dma_wait3A_788] : memref<512x20xi32, #tpu.memory_space<vmem>> -> memref<1x20xi32, #tpu.memory_space<vmem>>
      %dma_wait3A_790 = tpu.memref_squeeze %dma_wait3A_789 : memref<1x20xi32, #tpu.memory_space<vmem>> -> memref<20xi32, #tpu.memory_space<vmem>>
      %dma_wait3A_791 = arith.constant 0 : i32
      %dma_wait3A_792 = arith.constant 0 : i32
      %dma_wait3A_793 = tpu.memref_slice %arg5[%dma_wait3A_791, %dma_wait3A_792] : memref<1000000x64xf32, #tpu.memory_space<hbm>> -> memref<1000000x64xf32, #tpu.memory_space<hbm>>
      tpu.wait_indirect_dma semaphore(%arg15 : memref<!tpu.dma_semaphore, #tpu.memory_space<semaphore_mem>>) src(%dma_wait3A_793 : memref<1000000x64xf32, #tpu.memory_space<hbm>>) dst(%dma_wait3A_787 : memref<20x64xf32, #tpu.memory_space<vmem>>)
      %dma_wait3A_794 = arith.constant 15 : i32
      %dma_wait3A_795 = arith.constant 0 : i32
      %dma_wait3A_796 = arith.constant 0 : i32
      %dma_wait3A_797 = tpu.memref_slice %arg12[%dma_wait3A_794, %dma_wait3A_795, %dma_wait3A_796] : memref<16x20x64xf32, #tpu.memory_space<vmem>> -> memref<1x20x64xf32, #tpu.memory_space<vmem>>
      %dma_wait3A_798 = tpu.memref_squeeze %dma_wait3A_797 : memref<1x20x64xf32, #tpu.memory_space<vmem>> -> memref<20x64xf32, #tpu.memory_space<vmem>>
      %dma_wait3A_799 = arith.constant 0 : i32
      %dma_wait3A_800 = tpu.memref_slice %arg9[%add3A_438, %dma_wait3A_799] : memref<512x20xi32, #tpu.memory_space<vmem>> -> memref<1x20xi32, #tpu.memory_space<vmem>>
      %dma_wait3A_801 = tpu.memref_squeeze %dma_wait3A_800 : memref<1x20xi32, #tpu.memory_space<vmem>> -> memref<20xi32, #tpu.memory_space<vmem>>
      %dma_wait3A_802 = arith.constant 0 : i32
      %dma_wait3A_803 = arith.constant 0 : i32
      %dma_wait3A_804 = tpu.memref_slice %arg6[%dma_wait3A_802, %dma_wait3A_803] : memref<1000000x64xf32, #tpu.memory_space<hbm>> -> memref<1000000x64xf32, #tpu.memory_space<hbm>>
      tpu.wait_indirect_dma semaphore(%arg15 : memref<!tpu.dma_semaphore, #tpu.memory_space<semaphore_mem>>) src(%dma_wait3A_804 : memref<1000000x64xf32, #tpu.memory_space<hbm>>) dst(%dma_wait3A_798 : memref<20x64xf32, #tpu.memory_space<vmem>>)
      %scan3A_805 = arith.constant 0 : i32
      %scan3A_806 = arith.constant 16 : i32
      %scan3A_807 = arith.addi %scan3A_805, %scan3A_806 : i32
      %scan3A_808 = arith.constant 1 : i32
      %scan3A_809 = scf.for %scan3A_811 = %scan3A_805 to %scan3A_807 step %scan3A_808 iter_args(%scan3A_812 = %scan3A_24) -> (vector<16xf32>)  : i32 {
        %mul3A_813 = arith.constant 1 : i32
        %mul3A_814 = arith.muli %scan3A_811, %mul3A_813 : i32
        %add3A_815 = arith.constant 0 : i32
        %add3A_816 = arith.addi %add3A_815, %mul3A_814 : i32
        %get3A = arith.index_cast %add3A_816 : i32 to index
        %get3A_817 = arith.constant 0 : index
        %get3A_818 = tpu.vector_load %arg13[%get3A, %get3A_817] {strides = array<i32>} : memref<16x64xf32, #tpu.memory_space<vmem>>, vector<1x16xf32>,
        %get3A_819 = vector.shape_cast %get3A_818 : vector<1x16xf32> to vector<16xf32>
        %get3A_820 = arith.index_cast %add3A_816 : i32 to index
        %get3A_821 = arith.constant 16 : index
        %get3A_822 = tpu.vector_load %arg13[%get3A_820, %get3A_821] {strides = array<i32>} : memref<16x64xf32, #tpu.memory_space<vmem>>, vector<1x16xf32>,
        %get3A_823 = vector.shape_cast %get3A_822 : vector<1x16xf32> to vector<16xf32>
        %get3A_824 = arith.index_cast %add3A_816 : i32 to index
        %get3A_825 = arith.constant 32 : index
        %get3A_826 = tpu.vector_load %arg13[%get3A_824, %get3A_825] {strides = array<i32>} : memref<16x64xf32, #tpu.memory_space<vmem>>, vector<1x16xf32>,
        %get3A_827 = vector.shape_cast %get3A_826 : vector<1x16xf32> to vector<16xf32>
        %get3A_828 = arith.index_cast %add3A_816 : i32 to index
        %get3A_829 = arith.constant 48 : index
        %get3A_830 = tpu.vector_load %arg13[%get3A_828, %get3A_829] {strides = array<i32>} : memref<16x64xf32, #tpu.memory_space<vmem>>, vector<1x16xf32>,
        %get3A_831 = vector.shape_cast %get3A_830 : vector<1x16xf32> to vector<16xf32>
        %get3A_832 = arith.constant 0 : i32
        %get3A_833 = arith.index_cast %add3A_816 : i32 to index
        %get3A_834 = arith.index_cast %get3A_832 : i32 to index
        %get3A_835 = arith.constant 0 : index
        %get3A_836 = tpu.vector_load %arg11[%get3A_833, %get3A_834, %get3A_835] {strides = array<i32>} : memref<16x20x64xf32, #tpu.memory_space<vmem>>, vector<1x1x16xf32>,
        %get3A_837 = vector.shape_cast %get3A_836 : vector<1x1x16xf32> to vector<16xf32>
        %get3A_838 = arith.constant 1 : i32
        %get3A_839 = arith.index_cast %add3A_816 : i32 to index
        %get3A_840 = arith.index_cast %get3A_838 : i32 to index
        %get3A_841 = arith.constant 0 : index
        %get3A_842 = tpu.vector_load %arg11[%get3A_839, %get3A_840, %get3A_841] {strides = array<i32>} : memref<16x20x64xf32, #tpu.memory_space<vmem>>, vector<1x1x16xf32>,
        %get3A_843 = vector.shape_cast %get3A_842 : vector<1x1x16xf32> to vector<16xf32>
        %add3A_844 = arith.addf %get3A_837, %get3A_843 : vector<16xf32>
        %get3A_845 = arith.constant 2 : i32
        %get3A_846 = arith.index_cast %add3A_816 : i32 to index
        %get3A_847 = arith.index_cast %get3A_845 : i32 to index
        %get3A_848 = arith.constant 0 : index
        %get3A_849 = tpu.vector_load %arg11[%get3A_846, %get3A_847, %get3A_848] {strides = array<i32>} : memref<16x20x64xf32, #tpu.memory_space<vmem>>, vector<1x1x16xf32>,
        %get3A_850 = vector.shape_cast %get3A_849 : vector<1x1x16xf32> to vector<16xf32>
        %add3A_851 = arith.addf %add3A_844, %get3A_850 : vector<16xf32>
        %get3A_852 = arith.constant 3 : i32
        %get3A_853 = arith.index_cast %add3A_816 : i32 to index
        %get3A_854 = arith.index_cast %get3A_852 : i32 to index
        %get3A_855 = arith.constant 0 : index
        %get3A_856 = tpu.vector_load %arg11[%get3A_853, %get3A_854, %get3A_855] {strides = array<i32>} : memref<16x20x64xf32, #tpu.memory_space<vmem>>, vector<1x1x16xf32>,
        %get3A_857 = vector.shape_cast %get3A_856 : vector<1x1x16xf32> to vector<16xf32>
        %add3A_858 = arith.addf %add3A_851, %get3A_857 : vector<16xf32>
        %get3A_859 = arith.constant 4 : i32
        %get3A_860 = arith.index_cast %add3A_816 : i32 to index
        %get3A_861 = arith.index_cast %get3A_859 : i32 to index
        %get3A_862 = arith.constant 0 : index
        %get3A_863 = tpu.vector_load %arg11[%get3A_860, %get3A_861, %get3A_862] {strides = array<i32>} : memref<16x20x64xf32, #tpu.memory_space<vmem>>, vector<1x1x16xf32>,
        %get3A_864 = vector.shape_cast %get3A_863 : vector<1x1x16xf32> to vector<16xf32>
        %add3A_865 = arith.addf %add3A_858, %get3A_864 : vector<16xf32>
        %get3A_866 = arith.constant 5 : i32
        %get3A_867 = arith.index_cast %add3A_816 : i32 to index
        %get3A_868 = arith.index_cast %get3A_866 : i32 to index
        %get3A_869 = arith.constant 0 : index
        %get3A_870 = tpu.vector_load %arg11[%get3A_867, %get3A_868, %get3A_869] {strides = array<i32>} : memref<16x20x64xf32, #tpu.memory_space<vmem>>, vector<1x1x16xf32>,
        %get3A_871 = vector.shape_cast %get3A_870 : vector<1x1x16xf32> to vector<16xf32>
        %add3A_872 = arith.addf %add3A_865, %get3A_871 : vector<16xf32>
        %get3A_873 = arith.constant 6 : i32
        %get3A_874 = arith.index_cast %add3A_816 : i32 to index
        %get3A_875 = arith.index_cast %get3A_873 : i32 to index
        %get3A_876 = arith.constant 0 : index
        %get3A_877 = tpu.vector_load %arg11[%get3A_874, %get3A_875, %get3A_876] {strides = array<i32>} : memref<16x20x64xf32, #tpu.memory_space<vmem>>, vector<1x1x16xf32>,
        %get3A_878 = vector.shape_cast %get3A_877 : vector<1x1x16xf32> to vector<16xf32>
        %add3A_879 = arith.addf %add3A_872, %get3A_878 : vector<16xf32>
        %get3A_880 = arith.constant 7 : i32
        %get3A_881 = arith.index_cast %add3A_816 : i32 to index
        %get3A_882 = arith.index_cast %get3A_880 : i32 to index
        %get3A_883 = arith.constant 0 : index
        %get3A_884 = tpu.vector_load %arg11[%get3A_881, %get3A_882, %get3A_883] {strides = array<i32>} : memref<16x20x64xf32, #tpu.memory_space<vmem>>, vector<1x1x16xf32>,
        %get3A_885 = vector.shape_cast %get3A_884 : vector<1x1x16xf32> to vector<16xf32>
        %add3A_886 = arith.addf %add3A_879, %get3A_885 : vector<16xf32>
        %get3A_887 = arith.constant 8 : i32
        %get3A_888 = arith.index_cast %add3A_816 : i32 to index
        %get3A_889 = arith.index_cast %get3A_887 : i32 to index
        %get3A_890 = arith.constant 0 : index
        %get3A_891 = tpu.vector_load %arg11[%get3A_888, %get3A_889, %get3A_890] {strides = array<i32>} : memref<16x20x64xf32, #tpu.memory_space<vmem>>, vector<1x1x16xf32>,
        %get3A_892 = vector.shape_cast %get3A_891 : vector<1x1x16xf32> to vector<16xf32>
        %add3A_893 = arith.addf %add3A_886, %get3A_892 : vector<16xf32>
        %get3A_894 = arith.constant 9 : i32
        %get3A_895 = arith.index_cast %add3A_816 : i32 to index
        %get3A_896 = arith.index_cast %get3A_894 : i32 to index
        %get3A_897 = arith.constant 0 : index
        %get3A_898 = tpu.vector_load %arg11[%get3A_895, %get3A_896, %get3A_897] {strides = array<i32>} : memref<16x20x64xf32, #tpu.memory_space<vmem>>, vector<1x1x16xf32>,
        %get3A_899 = vector.shape_cast %get3A_898 : vector<1x1x16xf32> to vector<16xf32>
        %add3A_900 = arith.addf %add3A_893, %get3A_899 : vector<16xf32>
        %get3A_901 = arith.constant 10 : i32
        %get3A_902 = arith.index_cast %add3A_816 : i32 to index
        %get3A_903 = arith.index_cast %get3A_901 : i32 to index
        %get3A_904 = arith.constant 0 : index
        %get3A_905 = tpu.vector_load %arg11[%get3A_902, %get3A_903, %get3A_904] {strides = array<i32>} : memref<16x20x64xf32, #tpu.memory_space<vmem>>, vector<1x1x16xf32>,
        %get3A_906 = vector.shape_cast %get3A_905 : vector<1x1x16xf32> to vector<16xf32>
        %add3A_907 = arith.addf %add3A_900, %get3A_906 : vector<16xf32>
        %get3A_908 = arith.constant 11 : i32
        %get3A_909 = arith.index_cast %add3A_816 : i32 to index
        %get3A_910 = arith.index_cast %get3A_908 : i32 to index
        %get3A_911 = arith.constant 0 : index
        %get3A_912 = tpu.vector_load %arg11[%get3A_909, %get3A_910, %get3A_911] {strides = array<i32>} : memref<16x20x64xf32, #tpu.memory_space<vmem>>, vector<1x1x16xf32>,
        %get3A_913 = vector.shape_cast %get3A_912 : vector<1x1x16xf32> to vector<16xf32>
        %add3A_914 = arith.addf %add3A_907, %get3A_913 : vector<16xf32>
        %get3A_915 = arith.constant 12 : i32
        %get3A_916 = arith.index_cast %add3A_816 : i32 to index
        %get3A_917 = arith.index_cast %get3A_915 : i32 to index
        %get3A_918 = arith.constant 0 : index
        %get3A_919 = tpu.vector_load %arg11[%get3A_916, %get3A_917, %get3A_918] {strides = array<i32>} : memref<16x20x64xf32, #tpu.memory_space<vmem>>, vector<1x1x16xf32>,
        %get3A_920 = vector.shape_cast %get3A_919 : vector<1x1x16xf32> to vector<16xf32>
        %add3A_921 = arith.addf %add3A_914, %get3A_920 : vector<16xf32>
        %get3A_922 = arith.constant 13 : i32
        %get3A_923 = arith.index_cast %add3A_816 : i32 to index
        %get3A_924 = arith.index_cast %get3A_922 : i32 to index
        %get3A_925 = arith.constant 0 : index
        %get3A_926 = tpu.vector_load %arg11[%get3A_923, %get3A_924, %get3A_925] {strides = array<i32>} : memref<16x20x64xf32, #tpu.memory_space<vmem>>, vector<1x1x16xf32>,
        %get3A_927 = vector.shape_cast %get3A_926 : vector<1x1x16xf32> to vector<16xf32>
        %add3A_928 = arith.addf %add3A_921, %get3A_927 : vector<16xf32>
        %get3A_929 = arith.constant 14 : i32
        %get3A_930 = arith.index_cast %add3A_816 : i32 to index
        %get3A_931 = arith.index_cast %get3A_929 : i32 to index
        %get3A_932 = arith.constant 0 : index
        %get3A_933 = tpu.vector_load %arg11[%get3A_930, %get3A_931, %get3A_932] {strides = array<i32>} : memref<16x20x64xf32, #tpu.memory_space<vmem>>, vector<1x1x16xf32>,
        %get3A_934 = vector.shape_cast %get3A_933 : vector<1x1x16xf32> to vector<16xf32>
        %add3A_935 = arith.addf %add3A_928, %get3A_934 : vector<16xf32>
        %get3A_936 = arith.constant 15 : i32
        %get3A_937 = arith.index_cast %add3A_816 : i32 to index
        %get3A_938 = arith.index_cast %get3A_936 : i32 to index
        %get3A_939 = arith.constant 0 : index
        %get3A_940 = tpu.vector_load %arg11[%get3A_937, %get3A_938, %get3A_939] {strides = array<i32>} : memref<16x20x64xf32, #tpu.memory_space<vmem>>, vector<1x1x16xf32>,
        %get3A_941 = vector.shape_cast %get3A_940 : vector<1x1x16xf32> to vector<16xf32>
        %add3A_942 = arith.addf %add3A_935, %get3A_941 : vector<16xf32>
        %get3A_943 = arith.constant 16 : i32
        %get3A_944 = arith.index_cast %add3A_816 : i32 to index
        %get3A_945 = arith.index_cast %get3A_943 : i32 to index
        %get3A_946 = arith.constant 0 : index
        %get3A_947 = tpu.vector_load %arg11[%get3A_944, %get3A_945, %get3A_946] {strides = array<i32>} : memref<16x20x64xf32, #tpu.memory_space<vmem>>, vector<1x1x16xf32>,
        %get3A_948 = vector.shape_cast %get3A_947 : vector<1x1x16xf32> to vector<16xf32>
        %add3A_949 = arith.addf %add3A_942, %get3A_948 : vector<16xf32>
        %get3A_950 = arith.constant 17 : i32
        %get3A_951 = arith.index_cast %add3A_816 : i32 to index
        %get3A_952 = arith.index_cast %get3A_950 : i32 to index
        %get3A_953 = arith.constant 0 : index
        %get3A_954 = tpu.vector_load %arg11[%get3A_951, %get3A_952, %get3A_953] {strides = array<i32>} : memref<16x20x64xf32, #tpu.memory_space<vmem>>, vector<1x1x16xf32>,
        %get3A_955 = vector.shape_cast %get3A_954 : vector<1x1x16xf32> to vector<16xf32>
        %add3A_956 = arith.addf %add3A_949, %get3A_955 : vector<16xf32>
        %get3A_957 = arith.constant 18 : i32
        %get3A_958 = arith.index_cast %add3A_816 : i32 to index
        %get3A_959 = arith.index_cast %get3A_957 : i32 to index
        %get3A_960 = arith.constant 0 : index
        %get3A_961 = tpu.vector_load %arg11[%get3A_958, %get3A_959, %get3A_960] {strides = array<i32>} : memref<16x20x64xf32, #tpu.memory_space<vmem>>, vector<1x1x16xf32>,
        %get3A_962 = vector.shape_cast %get3A_961 : vector<1x1x16xf32> to vector<16xf32>
        %add3A_963 = arith.addf %add3A_956, %get3A_962 : vector<16xf32>
        %get3A_964 = arith.constant 19 : i32
        %get3A_965 = arith.index_cast %add3A_816 : i32 to index
        %get3A_966 = arith.index_cast %get3A_964 : i32 to index
        %get3A_967 = arith.constant 0 : index
        %get3A_968 = tpu.vector_load %arg11[%get3A_965, %get3A_966, %get3A_967] {strides = array<i32>} : memref<16x20x64xf32, #tpu.memory_space<vmem>>, vector<1x1x16xf32>,
        %get3A_969 = vector.shape_cast %get3A_968 : vector<1x1x16xf32> to vector<16xf32>
        %add3A_970 = arith.addf %add3A_963, %get3A_969 : vector<16xf32>
        %mul3A_971 = arith.mulf %add3A_970, %get3A_819 : vector<16xf32>
        %max3A = arith.constant -1.000000e+01 : f32
        %max3A_972 = vector.broadcast %max3A : f32 to vector<16xf32>
        %max3A_973 = arith.maximumf %mul3A_971, %max3A_972 : vector<16xf32>
        %min3A = arith.constant 1.000000e+01 : f32
        %min3A_974 = vector.broadcast %min3A : f32 to vector<16xf32>
        %min3A_975 = arith.minimumf %max3A_973, %min3A_974 : vector<16xf32>
        %abs3A = math.absf %min3A_975 : vector<16xf32>
        %neg3A = arith.constant 0.000000e+00 : f32
        %neg3A_976 = vector.broadcast %neg3A : f32 to vector<16xf32>
        %neg3A_977 = arith.subf %neg3A_976, %abs3A : vector<16xf32>
        %exp3A = math.exp %neg3A_977 : vector<16xf32>
        %add3A_978 = arith.constant 2.000000e+00 : f32
        %add3A_979 = vector.broadcast %add3A_978 : f32 to vector<16xf32>
        %add3A_980 = arith.addf %exp3A, %add3A_979 : vector<16xf32>
        %div3A = arith.divf %exp3A, %add3A_980 : vector<16xf32>
        %mul3A_981 = arith.mulf %div3A, %div3A : vector<16xf32>
        %mul3A_982 = arith.constant 0.111111112 : f32
        %mul3A_983 = vector.broadcast %mul3A_982 : f32 to vector<16xf32>
        %mul3A_984 = arith.mulf %mul3A_981, %mul3A_983 : vector<16xf32>
        %add3A_985 = arith.constant 0.142857149 : f32
        %add3A_986 = vector.broadcast %add3A_985 : f32 to vector<16xf32>
        %add3A_987 = arith.addf %add3A_986, %mul3A_984 : vector<16xf32>
        %mul3A_988 = arith.mulf %mul3A_981, %add3A_987 : vector<16xf32>
        %add3A_989 = arith.constant 2.000000e-01 : f32
        %add3A_990 = vector.broadcast %add3A_989 : f32 to vector<16xf32>
        %add3A_991 = arith.addf %add3A_990, %mul3A_988 : vector<16xf32>
        %mul3A_992 = arith.mulf %mul3A_981, %add3A_991 : vector<16xf32>
        %add3A_993 = arith.constant 0.333333343 : f32
        %add3A_994 = vector.broadcast %add3A_993 : f32 to vector<16xf32>
        %add3A_995 = arith.addf %add3A_994, %mul3A_992 : vector<16xf32>
        %mul3A_996 = arith.mulf %mul3A_981, %add3A_995 : vector<16xf32>
        %add3A_997 = arith.constant 1.000000e+00 : f32
        %add3A_998 = vector.broadcast %add3A_997 : f32 to vector<16xf32>
        %add3A_999 = arith.addf %add3A_998, %mul3A_996 : vector<16xf32>
        %min3A_1000 = arith.constant 0.000000e+00 : f32
        %min3A_1001 = vector.broadcast %min3A_1000 : f32 to vector<16xf32>
        %min3A_1002 = arith.minimumf %min3A_975, %min3A_1001 : vector<16xf32>
        %mul3A_1003 = arith.mulf %div3A, %add3A_999 : vector<16xf32>
        %mul3A_1004 = arith.constant 2.000000e+00 : f32
        %mul3A_1005 = vector.broadcast %mul3A_1004 : f32 to vector<16xf32>
        %mul3A_1006 = arith.mulf %mul3A_1005, %mul3A_1003 : vector<16xf32>
        %sub3A = arith.subf %min3A_1002, %mul3A_1006 : vector<16xf32>
        %add3A_1007 = arith.addf %scan3A_812, %sub3A : vector<16xf32>
        %get3A_1008 = arith.constant 0 : i32
        %get3A_1009 = arith.index_cast %add3A_816 : i32 to index
        %get3A_1010 = arith.index_cast %get3A_1008 : i32 to index
        %get3A_1011 = arith.constant 16 : index
        %get3A_1012 = tpu.vector_load %arg11[%get3A_1009, %get3A_1010, %get3A_1011] {strides = array<i32>} : memref<16x20x64xf32, #tpu.memory_space<vmem>>, vector<1x1x16xf32>,
        %get3A_1013 = vector.shape_cast %get3A_1012 : vector<1x1x16xf32> to vector<16xf32>
        %get3A_1014 = arith.constant 1 : i32
        %get3A_1015 = arith.index_cast %add3A_816 : i32 to index
        %get3A_1016 = arith.index_cast %get3A_1014 : i32 to index
        %get3A_1017 = arith.constant 16 : index
        %get3A_1018 = tpu.vector_load %arg11[%get3A_1015, %get3A_1016, %get3A_1017] {strides = array<i32>} : memref<16x20x64xf32, #tpu.memory_space<vmem>>, vector<1x1x16xf32>,
        %get3A_1019 = vector.shape_cast %get3A_1018 : vector<1x1x16xf32> to vector<16xf32>
        %add3A_1020 = arith.addf %get3A_1013, %get3A_1019 : vector<16xf32>
        %get3A_1021 = arith.constant 2 : i32
        %get3A_1022 = arith.index_cast %add3A_816 : i32 to index
        %get3A_1023 = arith.index_cast %get3A_1021 : i32 to index
        %get3A_1024 = arith.constant 16 : index
        %get3A_1025 = tpu.vector_load %arg11[%get3A_1022, %get3A_1023, %get3A_1024] {strides = array<i32>} : memref<16x20x64xf32, #tpu.memory_space<vmem>>, vector<1x1x16xf32>,
        %get3A_1026 = vector.shape_cast %get3A_1025 : vector<1x1x16xf32> to vector<16xf32>
        %add3A_1027 = arith.addf %add3A_1020, %get3A_1026 : vector<16xf32>
        %get3A_1028 = arith.constant 3 : i32
        %get3A_1029 = arith.index_cast %add3A_816 : i32 to index
        %get3A_1030 = arith.index_cast %get3A_1028 : i32 to index
        %get3A_1031 = arith.constant 16 : index
        %get3A_1032 = tpu.vector_load %arg11[%get3A_1029, %get3A_1030, %get3A_1031] {strides = array<i32>} : memref<16x20x64xf32, #tpu.memory_space<vmem>>, vector<1x1x16xf32>,
        %get3A_1033 = vector.shape_cast %get3A_1032 : vector<1x1x16xf32> to vector<16xf32>
        %add3A_1034 = arith.addf %add3A_1027, %get3A_1033 : vector<16xf32>
        %get3A_1035 = arith.constant 4 : i32
        %get3A_1036 = arith.index_cast %add3A_816 : i32 to index
        %get3A_1037 = arith.index_cast %get3A_1035 : i32 to index
        %get3A_1038 = arith.constant 16 : index
        %get3A_1039 = tpu.vector_load %arg11[%get3A_1036, %get3A_1037, %get3A_1038] {strides = array<i32>} : memref<16x20x64xf32, #tpu.memory_space<vmem>>, vector<1x1x16xf32>,
        %get3A_1040 = vector.shape_cast %get3A_1039 : vector<1x1x16xf32> to vector<16xf32>
        %add3A_1041 = arith.addf %add3A_1034, %get3A_1040 : vector<16xf32>
        %get3A_1042 = arith.constant 5 : i32
        %get3A_1043 = arith.index_cast %add3A_816 : i32 to index
        %get3A_1044 = arith.index_cast %get3A_1042 : i32 to index
        %get3A_1045 = arith.constant 16 : index
        %get3A_1046 = tpu.vector_load %arg11[%get3A_1043, %get3A_1044, %get3A_1045] {strides = array<i32>} : memref<16x20x64xf32, #tpu.memory_space<vmem>>, vector<1x1x16xf32>,
        %get3A_1047 = vector.shape_cast %get3A_1046 : vector<1x1x16xf32> to vector<16xf32>
        %add3A_1048 = arith.addf %add3A_1041, %get3A_1047 : vector<16xf32>
        %get3A_1049 = arith.constant 6 : i32
        %get3A_1050 = arith.index_cast %add3A_816 : i32 to index
        %get3A_1051 = arith.index_cast %get3A_1049 : i32 to index
        %get3A_1052 = arith.constant 16 : index
        %get3A_1053 = tpu.vector_load %arg11[%get3A_1050, %get3A_1051, %get3A_1052] {strides = array<i32>} : memref<16x20x64xf32, #tpu.memory_space<vmem>>, vector<1x1x16xf32>,
        %get3A_1054 = vector.shape_cast %get3A_1053 : vector<1x1x16xf32> to vector<16xf32>
        %add3A_1055 = arith.addf %add3A_1048, %get3A_1054 : vector<16xf32>
        %get3A_1056 = arith.constant 7 : i32
        %get3A_1057 = arith.index_cast %add3A_816 : i32 to index
        %get3A_1058 = arith.index_cast %get3A_1056 : i32 to index
        %get3A_1059 = arith.constant 16 : index
        %get3A_1060 = tpu.vector_load %arg11[%get3A_1057, %get3A_1058, %get3A_1059] {strides = array<i32>} : memref<16x20x64xf32, #tpu.memory_space<vmem>>, vector<1x1x16xf32>,
        %get3A_1061 = vector.shape_cast %get3A_1060 : vector<1x1x16xf32> to vector<16xf32>
        %add3A_1062 = arith.addf %add3A_1055, %get3A_1061 : vector<16xf32>
        %get3A_1063 = arith.constant 8 : i32
        %get3A_1064 = arith.index_cast %add3A_816 : i32 to index
        %get3A_1065 = arith.index_cast %get3A_1063 : i32 to index
        %get3A_1066 = arith.constant 16 : index
        %get3A_1067 = tpu.vector_load %arg11[%get3A_1064, %get3A_1065, %get3A_1066] {strides = array<i32>} : memref<16x20x64xf32, #tpu.memory_space<vmem>>, vector<1x1x16xf32>,
        %get3A_1068 = vector.shape_cast %get3A_1067 : vector<1x1x16xf32> to vector<16xf32>
        %add3A_1069 = arith.addf %add3A_1062, %get3A_1068 : vector<16xf32>
        %get3A_1070 = arith.constant 9 : i32
        %get3A_1071 = arith.index_cast %add3A_816 : i32 to index
        %get3A_1072 = arith.index_cast %get3A_1070 : i32 to index
        %get3A_1073 = arith.constant 16 : index
        %get3A_1074 = tpu.vector_load %arg11[%get3A_1071, %get3A_1072, %get3A_1073] {strides = array<i32>} : memref<16x20x64xf32, #tpu.memory_space<vmem>>, vector<1x1x16xf32>,
        %get3A_1075 = vector.shape_cast %get3A_1074 : vector<1x1x16xf32> to vector<16xf32>
        %add3A_1076 = arith.addf %add3A_1069, %get3A_1075 : vector<16xf32>
        %get3A_1077 = arith.constant 10 : i32
        %get3A_1078 = arith.index_cast %add3A_816 : i32 to index
        %get3A_1079 = arith.index_cast %get3A_1077 : i32 to index
        %get3A_1080 = arith.constant 16 : index
        %get3A_1081 = tpu.vector_load %arg11[%get3A_1078, %get3A_1079, %get3A_1080] {strides = array<i32>} : memref<16x20x64xf32, #tpu.memory_space<vmem>>, vector<1x1x16xf32>,
        %get3A_1082 = vector.shape_cast %get3A_1081 : vector<1x1x16xf32> to vector<16xf32>
        %add3A_1083 = arith.addf %add3A_1076, %get3A_1082 : vector<16xf32>
        %get3A_1084 = arith.constant 11 : i32
        %get3A_1085 = arith.index_cast %add3A_816 : i32 to index
        %get3A_1086 = arith.index_cast %get3A_1084 : i32 to index
        %get3A_1087 = arith.constant 16 : index
        %get3A_1088 = tpu.vector_load %arg11[%get3A_1085, %get3A_1086, %get3A_1087] {strides = array<i32>} : memref<16x20x64xf32, #tpu.memory_space<vmem>>, vector<1x1x16xf32>,
        %get3A_1089 = vector.shape_cast %get3A_1088 : vector<1x1x16xf32> to vector<16xf32>
        %add3A_1090 = arith.addf %add3A_1083, %get3A_1089 : vector<16xf32>
        %get3A_1091 = arith.constant 12 : i32
        %get3A_1092 = arith.index_cast %add3A_816 : i32 to index
        %get3A_1093 = arith.index_cast %get3A_1091 : i32 to index
        %get3A_1094 = arith.constant 16 : index
        %get3A_1095 = tpu.vector_load %arg11[%get3A_1092, %get3A_1093, %get3A_1094] {strides = array<i32>} : memref<16x20x64xf32, #tpu.memory_space<vmem>>, vector<1x1x16xf32>,
        %get3A_1096 = vector.shape_cast %get3A_1095 : vector<1x1x16xf32> to vector<16xf32>
        %add3A_1097 = arith.addf %add3A_1090, %get3A_1096 : vector<16xf32>
        %get3A_1098 = arith.constant 13 : i32
        %get3A_1099 = arith.index_cast %add3A_816 : i32 to index
        %get3A_1100 = arith.index_cast %get3A_1098 : i32 to index
        %get3A_1101 = arith.constant 16 : index
        %get3A_1102 = tpu.vector_load %arg11[%get3A_1099, %get3A_1100, %get3A_1101] {strides = array<i32>} : memref<16x20x64xf32, #tpu.memory_space<vmem>>, vector<1x1x16xf32>,
        %get3A_1103 = vector.shape_cast %get3A_1102 : vector<1x1x16xf32> to vector<16xf32>
        %add3A_1104 = arith.addf %add3A_1097, %get3A_1103 : vector<16xf32>
        %get3A_1105 = arith.constant 14 : i32
        %get3A_1106 = arith.index_cast %add3A_816 : i32 to index
        %get3A_1107 = arith.index_cast %get3A_1105 : i32 to index
        %get3A_1108 = arith.constant 16 : index
        %get3A_1109 = tpu.vector_load %arg11[%get3A_1106, %get3A_1107, %get3A_1108] {strides = array<i32>} : memref<16x20x64xf32, #tpu.memory_space<vmem>>, vector<1x1x16xf32>,
        %get3A_1110 = vector.shape_cast %get3A_1109 : vector<1x1x16xf32> to vector<16xf32>
        %add3A_1111 = arith.addf %add3A_1104, %get3A_1110 : vector<16xf32>
        %get3A_1112 = arith.constant 15 : i32
        %get3A_1113 = arith.index_cast %add3A_816 : i32 to index
        %get3A_1114 = arith.index_cast %get3A_1112 : i32 to index
        %get3A_1115 = arith.constant 16 : index
        %get3A_1116 = tpu.vector_load %arg11[%get3A_1113, %get3A_1114, %get3A_1115] {strides = array<i32>} : memref<16x20x64xf32, #tpu.memory_space<vmem>>, vector<1x1x16xf32>,
        %get3A_1117 = vector.shape_cast %get3A_1116 : vector<1x1x16xf32> to vector<16xf32>
        %add3A_1118 = arith.addf %add3A_1111, %get3A_1117 : vector<16xf32>
        %get3A_1119 = arith.constant 16 : i32
        %get3A_1120 = arith.index_cast %add3A_816 : i32 to index
        %get3A_1121 = arith.index_cast %get3A_1119 : i32 to index
        %get3A_1122 = arith.constant 16 : index
        %get3A_1123 = tpu.vector_load %arg11[%get3A_1120, %get3A_1121, %get3A_1122] {strides = array<i32>} : memref<16x20x64xf32, #tpu.memory_space<vmem>>, vector<1x1x16xf32>,
        %get3A_1124 = vector.shape_cast %get3A_1123 : vector<1x1x16xf32> to vector<16xf32>
        %add3A_1125 = arith.addf %add3A_1118, %get3A_1124 : vector<16xf32>
        %get3A_1126 = arith.constant 17 : i32
        %get3A_1127 = arith.index_cast %add3A_816 : i32 to index
        %get3A_1128 = arith.index_cast %get3A_1126 : i32 to index
        %get3A_1129 = arith.constant 16 : index
        %get3A_1130 = tpu.vector_load %arg11[%get3A_1127, %get3A_1128, %get3A_1129] {strides = array<i32>} : memref<16x20x64xf32, #tpu.memory_space<vmem>>, vector<1x1x16xf32>,
        %get3A_1131 = vector.shape_cast %get3A_1130 : vector<1x1x16xf32> to vector<16xf32>
        %add3A_1132 = arith.addf %add3A_1125, %get3A_1131 : vector<16xf32>
        %get3A_1133 = arith.constant 18 : i32
        %get3A_1134 = arith.index_cast %add3A_816 : i32 to index
        %get3A_1135 = arith.index_cast %get3A_1133 : i32 to index
        %get3A_1136 = arith.constant 16 : index
        %get3A_1137 = tpu.vector_load %arg11[%get3A_1134, %get3A_1135, %get3A_1136] {strides = array<i32>} : memref<16x20x64xf32, #tpu.memory_space<vmem>>, vector<1x1x16xf32>,
        %get3A_1138 = vector.shape_cast %get3A_1137 : vector<1x1x16xf32> to vector<16xf32>
        %add3A_1139 = arith.addf %add3A_1132, %get3A_1138 : vector<16xf32>
        %get3A_1140 = arith.constant 19 : i32
        %get3A_1141 = arith.index_cast %add3A_816 : i32 to index
        %get3A_1142 = arith.index_cast %get3A_1140 : i32 to index
        %get3A_1143 = arith.constant 16 : index
        %get3A_1144 = tpu.vector_load %arg11[%get3A_1141, %get3A_1142, %get3A_1143] {strides = array<i32>} : memref<16x20x64xf32, #tpu.memory_space<vmem>>, vector<1x1x16xf32>,
        %get3A_1145 = vector.shape_cast %get3A_1144 : vector<1x1x16xf32> to vector<16xf32>
        %add3A_1146 = arith.addf %add3A_1139, %get3A_1145 : vector<16xf32>
        %mul3A_1147 = arith.mulf %add3A_1146, %get3A_823 : vector<16xf32>
        %max3A_1148 = arith.constant -1.000000e+01 : f32
        %max3A_1149 = vector.broadcast %max3A_1148 : f32 to vector<16xf32>
        %max3A_1150 = arith.maximumf %mul3A_1147, %max3A_1149 : vector<16xf32>
        %min3A_1151 = arith.constant 1.000000e+01 : f32
        %min3A_1152 = vector.broadcast %min3A_1151 : f32 to vector<16xf32>
        %min3A_1153 = arith.minimumf %max3A_1150, %min3A_1152 : vector<16xf32>
        %abs3A_1154 = math.absf %min3A_1153 : vector<16xf32>
        %neg3A_1155 = arith.constant 0.000000e+00 : f32
        %neg3A_1156 = vector.broadcast %neg3A_1155 : f32 to vector<16xf32>
        %neg3A_1157 = arith.subf %neg3A_1156, %abs3A_1154 : vector<16xf32>
        %exp3A_1158 = math.exp %neg3A_1157 : vector<16xf32>
        %add3A_1159 = arith.constant 2.000000e+00 : f32
        %add3A_1160 = vector.broadcast %add3A_1159 : f32 to vector<16xf32>
        %add3A_1161 = arith.addf %exp3A_1158, %add3A_1160 : vector<16xf32>
        %div3A_1162 = arith.divf %exp3A_1158, %add3A_1161 : vector<16xf32>
        %mul3A_1163 = arith.mulf %div3A_1162, %div3A_1162 : vector<16xf32>
        %mul3A_1164 = arith.constant 0.111111112 : f32
        %mul3A_1165 = vector.broadcast %mul3A_1164 : f32 to vector<16xf32>
        %mul3A_1166 = arith.mulf %mul3A_1163, %mul3A_1165 : vector<16xf32>
        %add3A_1167 = arith.constant 0.142857149 : f32
        %add3A_1168 = vector.broadcast %add3A_1167 : f32 to vector<16xf32>
        %add3A_1169 = arith.addf %add3A_1168, %mul3A_1166 : vector<16xf32>
        %mul3A_1170 = arith.mulf %mul3A_1163, %add3A_1169 : vector<16xf32>
        %add3A_1171 = arith.constant 2.000000e-01 : f32
        %add3A_1172 = vector.broadcast %add3A_1171 : f32 to vector<16xf32>
        %add3A_1173 = arith.addf %add3A_1172, %mul3A_1170 : vector<16xf32>
        %mul3A_1174 = arith.mulf %mul3A_1163, %add3A_1173 : vector<16xf32>
        %add3A_1175 = arith.constant 0.333333343 : f32
        %add3A_1176 = vector.broadcast %add3A_1175 : f32 to vector<16xf32>
        %add3A_1177 = arith.addf %add3A_1176, %mul3A_1174 : vector<16xf32>
        %mul3A_1178 = arith.mulf %mul3A_1163, %add3A_1177 : vector<16xf32>
        %add3A_1179 = arith.constant 1.000000e+00 : f32
        %add3A_1180 = vector.broadcast %add3A_1179 : f32 to vector<16xf32>
        %add3A_1181 = arith.addf %add3A_1180, %mul3A_1178 : vector<16xf32>
        %min3A_1182 = arith.constant 0.000000e+00 : f32
        %min3A_1183 = vector.broadcast %min3A_1182 : f32 to vector<16xf32>
        %min3A_1184 = arith.minimumf %min3A_1153, %min3A_1183 : vector<16xf32>
        %mul3A_1185 = arith.mulf %div3A_1162, %add3A_1181 : vector<16xf32>
        %mul3A_1186 = arith.constant 2.000000e+00 : f32
        %mul3A_1187 = vector.broadcast %mul3A_1186 : f32 to vector<16xf32>
        %mul3A_1188 = arith.mulf %mul3A_1187, %mul3A_1185 : vector<16xf32>
        %sub3A_1189 = arith.subf %min3A_1184, %mul3A_1188 : vector<16xf32>
        %add3A_1190 = arith.addf %add3A_1007, %sub3A_1189 : vector<16xf32>
        %get3A_1191 = arith.constant 0 : i32
        %get3A_1192 = arith.index_cast %add3A_816 : i32 to index
        %get3A_1193 = arith.index_cast %get3A_1191 : i32 to index
        %get3A_1194 = arith.constant 32 : index
        %get3A_1195 = tpu.vector_load %arg11[%get3A_1192, %get3A_1193, %get3A_1194] {strides = array<i32>} : memref<16x20x64xf32, #tpu.memory_space<vmem>>, vector<1x1x16xf32>,
        %get3A_1196 = vector.shape_cast %get3A_1195 : vector<1x1x16xf32> to vector<16xf32>
        %get3A_1197 = arith.constant 1 : i32
        %get3A_1198 = arith.index_cast %add3A_816 : i32 to index
        %get3A_1199 = arith.index_cast %get3A_1197 : i32 to index
        %get3A_1200 = arith.constant 32 : index
        %get3A_1201 = tpu.vector_load %arg11[%get3A_1198, %get3A_1199, %get3A_1200] {strides = array<i32>} : memref<16x20x64xf32, #tpu.memory_space<vmem>>, vector<1x1x16xf32>,
        %get3A_1202 = vector.shape_cast %get3A_1201 : vector<1x1x16xf32> to vector<16xf32>
        %add3A_1203 = arith.addf %get3A_1196, %get3A_1202 : vector<16xf32>
        %get3A_1204 = arith.constant 2 : i32
        %get3A_1205 = arith.index_cast %add3A_816 : i32 to index
        %get3A_1206 = arith.index_cast %get3A_1204 : i32 to index
        %get3A_1207 = arith.constant 32 : index
        %get3A_1208 = tpu.vector_load %arg11[%get3A_1205, %get3A_1206, %get3A_1207] {strides = array<i32>} : memref<16x20x64xf32, #tpu.memory_space<vmem>>, vector<1x1x16xf32>,
        %get3A_1209 = vector.shape_cast %get3A_1208 : vector<1x1x16xf32> to vector<16xf32>
        %add3A_1210 = arith.addf %add3A_1203, %get3A_1209 : vector<16xf32>
        %get3A_1211 = arith.constant 3 : i32
        %get3A_1212 = arith.index_cast %add3A_816 : i32 to index
        %get3A_1213 = arith.index_cast %get3A_1211 : i32 to index
        %get3A_1214 = arith.constant 32 : index
        %get3A_1215 = tpu.vector_load %arg11[%get3A_1212, %get3A_1213, %get3A_1214] {strides = array<i32>} : memref<16x20x64xf32, #tpu.memory_space<vmem>>, vector<1x1x16xf32>,
        %get3A_1216 = vector.shape_cast %get3A_1215 : vector<1x1x16xf32> to vector<16xf32>
        %add3A_1217 = arith.addf %add3A_1210, %get3A_1216 : vector<16xf32>
        %get3A_1218 = arith.constant 4 : i32
        %get3A_1219 = arith.index_cast %add3A_816 : i32 to index
        %get3A_1220 = arith.index_cast %get3A_1218 : i32 to index
        %get3A_1221 = arith.constant 32 : index
        %get3A_1222 = tpu.vector_load %arg11[%get3A_1219, %get3A_1220, %get3A_1221] {strides = array<i32>} : memref<16x20x64xf32, #tpu.memory_space<vmem>>, vector<1x1x16xf32>,
        %get3A_1223 = vector.shape_cast %get3A_1222 : vector<1x1x16xf32> to vector<16xf32>
        %add3A_1224 = arith.addf %add3A_1217, %get3A_1223 : vector<16xf32>
        %get3A_1225 = arith.constant 5 : i32
        %get3A_1226 = arith.index_cast %add3A_816 : i32 to index
        %get3A_1227 = arith.index_cast %get3A_1225 : i32 to index
        %get3A_1228 = arith.constant 32 : index
        %get3A_1229 = tpu.vector_load %arg11[%get3A_1226, %get3A_1227, %get3A_1228] {strides = array<i32>} : memref<16x20x64xf32, #tpu.memory_space<vmem>>, vector<1x1x16xf32>,
        %get3A_1230 = vector.shape_cast %get3A_1229 : vector<1x1x16xf32> to vector<16xf32>
        %add3A_1231 = arith.addf %add3A_1224, %get3A_1230 : vector<16xf32>
        %get3A_1232 = arith.constant 6 : i32
        %get3A_1233 = arith.index_cast %add3A_816 : i32 to index
        %get3A_1234 = arith.index_cast %get3A_1232 : i32 to index
        %get3A_1235 = arith.constant 32 : index
        %get3A_1236 = tpu.vector_load %arg11[%get3A_1233, %get3A_1234, %get3A_1235] {strides = array<i32>} : memref<16x20x64xf32, #tpu.memory_space<vmem>>, vector<1x1x16xf32>,
        %get3A_1237 = vector.shape_cast %get3A_1236 : vector<1x1x16xf32> to vector<16xf32>
        %add3A_1238 = arith.addf %add3A_1231, %get3A_1237 : vector<16xf32>
        %get3A_1239 = arith.constant 7 : i32
        %get3A_1240 = arith.index_cast %add3A_816 : i32 to index
        %get3A_1241 = arith.index_cast %get3A_1239 : i32 to index
        %get3A_1242 = arith.constant 32 : index
        %get3A_1243 = tpu.vector_load %arg11[%get3A_1240, %get3A_1241, %get3A_1242] {strides = array<i32>} : memref<16x20x64xf32, #tpu.memory_space<vmem>>, vector<1x1x16xf32>,
        %get3A_1244 = vector.shape_cast %get3A_1243 : vector<1x1x16xf32> to vector<16xf32>
        %add3A_1245 = arith.addf %add3A_1238, %get3A_1244 : vector<16xf32>
        %get3A_1246 = arith.constant 8 : i32
        %get3A_1247 = arith.index_cast %add3A_816 : i32 to index
        %get3A_1248 = arith.index_cast %get3A_1246 : i32 to index
        %get3A_1249 = arith.constant 32 : index
        %get3A_1250 = tpu.vector_load %arg11[%get3A_1247, %get3A_1248, %get3A_1249] {strides = array<i32>} : memref<16x20x64xf32, #tpu.memory_space<vmem>>, vector<1x1x16xf32>,
        %get3A_1251 = vector.shape_cast %get3A_1250 : vector<1x1x16xf32> to vector<16xf32>
        %add3A_1252 = arith.addf %add3A_1245, %get3A_1251 : vector<16xf32>
        %get3A_1253 = arith.constant 9 : i32
        %get3A_1254 = arith.index_cast %add3A_816 : i32 to index
        %get3A_1255 = arith.index_cast %get3A_1253 : i32 to index
        %get3A_1256 = arith.constant 32 : index
        %get3A_1257 = tpu.vector_load %arg11[%get3A_1254, %get3A_1255, %get3A_1256] {strides = array<i32>} : memref<16x20x64xf32, #tpu.memory_space<vmem>>, vector<1x1x16xf32>,
        %get3A_1258 = vector.shape_cast %get3A_1257 : vector<1x1x16xf32> to vector<16xf32>
        %add3A_1259 = arith.addf %add3A_1252, %get3A_1258 : vector<16xf32>
        %get3A_1260 = arith.constant 10 : i32
        %get3A_1261 = arith.index_cast %add3A_816 : i32 to index
        %get3A_1262 = arith.index_cast %get3A_1260 : i32 to index
        %get3A_1263 = arith.constant 32 : index
        %get3A_1264 = tpu.vector_load %arg11[%get3A_1261, %get3A_1262, %get3A_1263] {strides = array<i32>} : memref<16x20x64xf32, #tpu.memory_space<vmem>>, vector<1x1x16xf32>,
        %get3A_1265 = vector.shape_cast %get3A_1264 : vector<1x1x16xf32> to vector<16xf32>
        %add3A_1266 = arith.addf %add3A_1259, %get3A_1265 : vector<16xf32>
        %get3A_1267 = arith.constant 11 : i32
        %get3A_1268 = arith.index_cast %add3A_816 : i32 to index
        %get3A_1269 = arith.index_cast %get3A_1267 : i32 to index
        %get3A_1270 = arith.constant 32 : index
        %get3A_1271 = tpu.vector_load %arg11[%get3A_1268, %get3A_1269, %get3A_1270] {strides = array<i32>} : memref<16x20x64xf32, #tpu.memory_space<vmem>>, vector<1x1x16xf32>,
        %get3A_1272 = vector.shape_cast %get3A_1271 : vector<1x1x16xf32> to vector<16xf32>
        %add3A_1273 = arith.addf %add3A_1266, %get3A_1272 : vector<16xf32>
        %get3A_1274 = arith.constant 12 : i32
        %get3A_1275 = arith.index_cast %add3A_816 : i32 to index
        %get3A_1276 = arith.index_cast %get3A_1274 : i32 to index
        %get3A_1277 = arith.constant 32 : index
        %get3A_1278 = tpu.vector_load %arg11[%get3A_1275, %get3A_1276, %get3A_1277] {strides = array<i32>} : memref<16x20x64xf32, #tpu.memory_space<vmem>>, vector<1x1x16xf32>,
        %get3A_1279 = vector.shape_cast %get3A_1278 : vector<1x1x16xf32> to vector<16xf32>
        %add3A_1280 = arith.addf %add3A_1273, %get3A_1279 : vector<16xf32>
        %get3A_1281 = arith.constant 13 : i32
        %get3A_1282 = arith.index_cast %add3A_816 : i32 to index
        %get3A_1283 = arith.index_cast %get3A_1281 : i32 to index
        %get3A_1284 = arith.constant 32 : index
        %get3A_1285 = tpu.vector_load %arg11[%get3A_1282, %get3A_1283, %get3A_1284] {strides = array<i32>} : memref<16x20x64xf32, #tpu.memory_space<vmem>>, vector<1x1x16xf32>,
        %get3A_1286 = vector.shape_cast %get3A_1285 : vector<1x1x16xf32> to vector<16xf32>
        %add3A_1287 = arith.addf %add3A_1280, %get3A_1286 : vector<16xf32>
        %get3A_1288 = arith.constant 14 : i32
        %get3A_1289 = arith.index_cast %add3A_816 : i32 to index
        %get3A_1290 = arith.index_cast %get3A_1288 : i32 to index
        %get3A_1291 = arith.constant 32 : index
        %get3A_1292 = tpu.vector_load %arg11[%get3A_1289, %get3A_1290, %get3A_1291] {strides = array<i32>} : memref<16x20x64xf32, #tpu.memory_space<vmem>>, vector<1x1x16xf32>,
        %get3A_1293 = vector.shape_cast %get3A_1292 : vector<1x1x16xf32> to vector<16xf32>
        %add3A_1294 = arith.addf %add3A_1287, %get3A_1293 : vector<16xf32>
        %get3A_1295 = arith.constant 15 : i32
        %get3A_1296 = arith.index_cast %add3A_816 : i32 to index
        %get3A_1297 = arith.index_cast %get3A_1295 : i32 to index
        %get3A_1298 = arith.constant 32 : index
        %get3A_1299 = tpu.vector_load %arg11[%get3A_1296, %get3A_1297, %get3A_1298] {strides = array<i32>} : memref<16x20x64xf32, #tpu.memory_space<vmem>>, vector<1x1x16xf32>,
        %get3A_1300 = vector.shape_cast %get3A_1299 : vector<1x1x16xf32> to vector<16xf32>
        %add3A_1301 = arith.addf %add3A_1294, %get3A_1300 : vector<16xf32>
        %get3A_1302 = arith.constant 16 : i32
        %get3A_1303 = arith.index_cast %add3A_816 : i32 to index
        %get3A_1304 = arith.index_cast %get3A_1302 : i32 to index
        %get3A_1305 = arith.constant 32 : index
        %get3A_1306 = tpu.vector_load %arg11[%get3A_1303, %get3A_1304, %get3A_1305] {strides = array<i32>} : memref<16x20x64xf32, #tpu.memory_space<vmem>>, vector<1x1x16xf32>,
        %get3A_1307 = vector.shape_cast %get3A_1306 : vector<1x1x16xf32> to vector<16xf32>
        %add3A_1308 = arith.addf %add3A_1301, %get3A_1307 : vector<16xf32>
        %get3A_1309 = arith.constant 17 : i32
        %get3A_1310 = arith.index_cast %add3A_816 : i32 to index
        %get3A_1311 = arith.index_cast %get3A_1309 : i32 to index
        %get3A_1312 = arith.constant 32 : index
        %get3A_1313 = tpu.vector_load %arg11[%get3A_1310, %get3A_1311, %get3A_1312] {strides = array<i32>} : memref<16x20x64xf32, #tpu.memory_space<vmem>>, vector<1x1x16xf32>,
        %get3A_1314 = vector.shape_cast %get3A_1313 : vector<1x1x16xf32> to vector<16xf32>
        %add3A_1315 = arith.addf %add3A_1308, %get3A_1314 : vector<16xf32>
        %get3A_1316 = arith.constant 18 : i32
        %get3A_1317 = arith.index_cast %add3A_816 : i32 to index
        %get3A_1318 = arith.index_cast %get3A_1316 : i32 to index
        %get3A_1319 = arith.constant 32 : index
        %get3A_1320 = tpu.vector_load %arg11[%get3A_1317, %get3A_1318, %get3A_1319] {strides = array<i32>} : memref<16x20x64xf32, #tpu.memory_space<vmem>>, vector<1x1x16xf32>,
        %get3A_1321 = vector.shape_cast %get3A_1320 : vector<1x1x16xf32> to vector<16xf32>
        %add3A_1322 = arith.addf %add3A_1315, %get3A_1321 : vector<16xf32>
        %get3A_1323 = arith.constant 19 : i32
        %get3A_1324 = arith.index_cast %add3A_816 : i32 to index
        %get3A_1325 = arith.index_cast %get3A_1323 : i32 to index
        %get3A_1326 = arith.constant 32 : index
        %get3A_1327 = tpu.vector_load %arg11[%get3A_1324, %get3A_1325, %get3A_1326] {strides = array<i32>} : memref<16x20x64xf32, #tpu.memory_space<vmem>>, vector<1x1x16xf32>,
        %get3A_1328 = vector.shape_cast %get3A_1327 : vector<1x1x16xf32> to vector<16xf32>
        %add3A_1329 = arith.addf %add3A_1322, %get3A_1328 : vector<16xf32>
        %mul3A_1330 = arith.mulf %add3A_1329, %get3A_827 : vector<16xf32>
        %max3A_1331 = arith.constant -1.000000e+01 : f32
        %max3A_1332 = vector.broadcast %max3A_1331 : f32 to vector<16xf32>
        %max3A_1333 = arith.maximumf %mul3A_1330, %max3A_1332 : vector<16xf32>
        %min3A_1334 = arith.constant 1.000000e+01 : f32
        %min3A_1335 = vector.broadcast %min3A_1334 : f32 to vector<16xf32>
        %min3A_1336 = arith.minimumf %max3A_1333, %min3A_1335 : vector<16xf32>
        %abs3A_1337 = math.absf %min3A_1336 : vector<16xf32>
        %neg3A_1338 = arith.constant 0.000000e+00 : f32
        %neg3A_1339 = vector.broadcast %neg3A_1338 : f32 to vector<16xf32>
        %neg3A_1340 = arith.subf %neg3A_1339, %abs3A_1337 : vector<16xf32>
        %exp3A_1341 = math.exp %neg3A_1340 : vector<16xf32>
        %add3A_1342 = arith.constant 2.000000e+00 : f32
        %add3A_1343 = vector.broadcast %add3A_1342 : f32 to vector<16xf32>
        %add3A_1344 = arith.addf %exp3A_1341, %add3A_1343 : vector<16xf32>
        %div3A_1345 = arith.divf %exp3A_1341, %add3A_1344 : vector<16xf32>
        %mul3A_1346 = arith.mulf %div3A_1345, %div3A_1345 : vector<16xf32>
        %mul3A_1347 = arith.constant 0.111111112 : f32
        %mul3A_1348 = vector.broadcast %mul3A_1347 : f32 to vector<16xf32>
        %mul3A_1349 = arith.mulf %mul3A_1346, %mul3A_1348 : vector<16xf32>
        %add3A_1350 = arith.constant 0.142857149 : f32
        %add3A_1351 = vector.broadcast %add3A_1350 : f32 to vector<16xf32>
        %add3A_1352 = arith.addf %add3A_1351, %mul3A_1349 : vector<16xf32>
        %mul3A_1353 = arith.mulf %mul3A_1346, %add3A_1352 : vector<16xf32>
        %add3A_1354 = arith.constant 2.000000e-01 : f32
        %add3A_1355 = vector.broadcast %add3A_1354 : f32 to vector<16xf32>
        %add3A_1356 = arith.addf %add3A_1355, %mul3A_1353 : vector<16xf32>
        %mul3A_1357 = arith.mulf %mul3A_1346, %add3A_1356 : vector<16xf32>
        %add3A_1358 = arith.constant 0.333333343 : f32
        %add3A_1359 = vector.broadcast %add3A_1358 : f32 to vector<16xf32>
        %add3A_1360 = arith.addf %add3A_1359, %mul3A_1357 : vector<16xf32>
        %mul3A_1361 = arith.mulf %mul3A_1346, %add3A_1360 : vector<16xf32>
        %add3A_1362 = arith.constant 1.000000e+00 : f32
        %add3A_1363 = vector.broadcast %add3A_1362 : f32 to vector<16xf32>
        %add3A_1364 = arith.addf %add3A_1363, %mul3A_1361 : vector<16xf32>
        %min3A_1365 = arith.constant 0.000000e+00 : f32
        %min3A_1366 = vector.broadcast %min3A_1365 : f32 to vector<16xf32>
        %min3A_1367 = arith.minimumf %min3A_1336, %min3A_1366 : vector<16xf32>
        %mul3A_1368 = arith.mulf %div3A_1345, %add3A_1364 : vector<16xf32>
        %mul3A_1369 = arith.constant 2.000000e+00 : f32
        %mul3A_1370 = vector.broadcast %mul3A_1369 : f32 to vector<16xf32>
        %mul3A_1371 = arith.mulf %mul3A_1370, %mul3A_1368 : vector<16xf32>
        %sub3A_1372 = arith.subf %min3A_1367, %mul3A_1371 : vector<16xf32>
        %add3A_1373 = arith.addf %add3A_1190, %sub3A_1372 : vector<16xf32>
        %get3A_1374 = arith.constant 0 : i32
        %get3A_1375 = arith.index_cast %add3A_816 : i32 to index
        %get3A_1376 = arith.index_cast %get3A_1374 : i32 to index
        %get3A_1377 = arith.constant 48 : index
        %get3A_1378 = tpu.vector_load %arg11[%get3A_1375, %get3A_1376, %get3A_1377] {strides = array<i32>} : memref<16x20x64xf32, #tpu.memory_space<vmem>>, vector<1x1x16xf32>,
        %get3A_1379 = vector.shape_cast %get3A_1378 : vector<1x1x16xf32> to vector<16xf32>
        %get3A_1380 = arith.constant 1 : i32
        %get3A_1381 = arith.index_cast %add3A_816 : i32 to index
        %get3A_1382 = arith.index_cast %get3A_1380 : i32 to index
        %get3A_1383 = arith.constant 48 : index
        %get3A_1384 = tpu.vector_load %arg11[%get3A_1381, %get3A_1382, %get3A_1383] {strides = array<i32>} : memref<16x20x64xf32, #tpu.memory_space<vmem>>, vector<1x1x16xf32>,
        %get3A_1385 = vector.shape_cast %get3A_1384 : vector<1x1x16xf32> to vector<16xf32>
        %add3A_1386 = arith.addf %get3A_1379, %get3A_1385 : vector<16xf32>
        %get3A_1387 = arith.constant 2 : i32
        %get3A_1388 = arith.index_cast %add3A_816 : i32 to index
        %get3A_1389 = arith.index_cast %get3A_1387 : i32 to index
        %get3A_1390 = arith.constant 48 : index
        %get3A_1391 = tpu.vector_load %arg11[%get3A_1388, %get3A_1389, %get3A_1390] {strides = array<i32>} : memref<16x20x64xf32, #tpu.memory_space<vmem>>, vector<1x1x16xf32>,
        %get3A_1392 = vector.shape_cast %get3A_1391 : vector<1x1x16xf32> to vector<16xf32>
        %add3A_1393 = arith.addf %add3A_1386, %get3A_1392 : vector<16xf32>
        %get3A_1394 = arith.constant 3 : i32
        %get3A_1395 = arith.index_cast %add3A_816 : i32 to index
        %get3A_1396 = arith.index_cast %get3A_1394 : i32 to index
        %get3A_1397 = arith.constant 48 : index
        %get3A_1398 = tpu.vector_load %arg11[%get3A_1395, %get3A_1396, %get3A_1397] {strides = array<i32>} : memref<16x20x64xf32, #tpu.memory_space<vmem>>, vector<1x1x16xf32>,
        %get3A_1399 = vector.shape_cast %get3A_1398 : vector<1x1x16xf32> to vector<16xf32>
        %add3A_1400 = arith.addf %add3A_1393, %get3A_1399 : vector<16xf32>
        %get3A_1401 = arith.constant 4 : i32
        %get3A_1402 = arith.index_cast %add3A_816 : i32 to index
        %get3A_1403 = arith.index_cast %get3A_1401 : i32 to index
        %get3A_1404 = arith.constant 48 : index
        %get3A_1405 = tpu.vector_load %arg11[%get3A_1402, %get3A_1403, %get3A_1404] {strides = array<i32>} : memref<16x20x64xf32, #tpu.memory_space<vmem>>, vector<1x1x16xf32>,
        %get3A_1406 = vector.shape_cast %get3A_1405 : vector<1x1x16xf32> to vector<16xf32>
        %add3A_1407 = arith.addf %add3A_1400, %get3A_1406 : vector<16xf32>
        %get3A_1408 = arith.constant 5 : i32
        %get3A_1409 = arith.index_cast %add3A_816 : i32 to index
        %get3A_1410 = arith.index_cast %get3A_1408 : i32 to index
        %get3A_1411 = arith.constant 48 : index
        %get3A_1412 = tpu.vector_load %arg11[%get3A_1409, %get3A_1410, %get3A_1411] {strides = array<i32>} : memref<16x20x64xf32, #tpu.memory_space<vmem>>, vector<1x1x16xf32>,
        %get3A_1413 = vector.shape_cast %get3A_1412 : vector<1x1x16xf32> to vector<16xf32>
        %add3A_1414 = arith.addf %add3A_1407, %get3A_1413 : vector<16xf32>
        %get3A_1415 = arith.constant 6 : i32
        %get3A_1416 = arith.index_cast %add3A_816 : i32 to index
        %get3A_1417 = arith.index_cast %get3A_1415 : i32 to index
        %get3A_1418 = arith.constant 48 : index
        %get3A_1419 = tpu.vector_load %arg11[%get3A_1416, %get3A_1417, %get3A_1418] {strides = array<i32>} : memref<16x20x64xf32, #tpu.memory_space<vmem>>, vector<1x1x16xf32>,
        %get3A_1420 = vector.shape_cast %get3A_1419 : vector<1x1x16xf32> to vector<16xf32>
        %add3A_1421 = arith.addf %add3A_1414, %get3A_1420 : vector<16xf32>
        %get3A_1422 = arith.constant 7 : i32
        %get3A_1423 = arith.index_cast %add3A_816 : i32 to index
        %get3A_1424 = arith.index_cast %get3A_1422 : i32 to index
        %get3A_1425 = arith.constant 48 : index
        %get3A_1426 = tpu.vector_load %arg11[%get3A_1423, %get3A_1424, %get3A_1425] {strides = array<i32>} : memref<16x20x64xf32, #tpu.memory_space<vmem>>, vector<1x1x16xf32>,
        %get3A_1427 = vector.shape_cast %get3A_1426 : vector<1x1x16xf32> to vector<16xf32>
        %add3A_1428 = arith.addf %add3A_1421, %get3A_1427 : vector<16xf32>
        %get3A_1429 = arith.constant 8 : i32
        %get3A_1430 = arith.index_cast %add3A_816 : i32 to index
        %get3A_1431 = arith.index_cast %get3A_1429 : i32 to index
        %get3A_1432 = arith.constant 48 : index
        %get3A_1433 = tpu.vector_load %arg11[%get3A_1430, %get3A_1431, %get3A_1432] {strides = array<i32>} : memref<16x20x64xf32, #tpu.memory_space<vmem>>, vector<1x1x16xf32>,
        %get3A_1434 = vector.shape_cast %get3A_1433 : vector<1x1x16xf32> to vector<16xf32>
        %add3A_1435 = arith.addf %add3A_1428, %get3A_1434 : vector<16xf32>
        %get3A_1436 = arith.constant 9 : i32
        %get3A_1437 = arith.index_cast %add3A_816 : i32 to index
        %get3A_1438 = arith.index_cast %get3A_1436 : i32 to index
        %get3A_1439 = arith.constant 48 : index
        %get3A_1440 = tpu.vector_load %arg11[%get3A_1437, %get3A_1438, %get3A_1439] {strides = array<i32>} : memref<16x20x64xf32, #tpu.memory_space<vmem>>, vector<1x1x16xf32>,
        %get3A_1441 = vector.shape_cast %get3A_1440 : vector<1x1x16xf32> to vector<16xf32>
        %add3A_1442 = arith.addf %add3A_1435, %get3A_1441 : vector<16xf32>
        %get3A_1443 = arith.constant 10 : i32
        %get3A_1444 = arith.index_cast %add3A_816 : i32 to index
        %get3A_1445 = arith.index_cast %get3A_1443 : i32 to index
        %get3A_1446 = arith.constant 48 : index
        %get3A_1447 = tpu.vector_load %arg11[%get3A_1444, %get3A_1445, %get3A_1446] {strides = array<i32>} : memref<16x20x64xf32, #tpu.memory_space<vmem>>, vector<1x1x16xf32>,
        %get3A_1448 = vector.shape_cast %get3A_1447 : vector<1x1x16xf32> to vector<16xf32>
        %add3A_1449 = arith.addf %add3A_1442, %get3A_1448 : vector<16xf32>
        %get3A_1450 = arith.constant 11 : i32
        %get3A_1451 = arith.index_cast %add3A_816 : i32 to index
        %get3A_1452 = arith.index_cast %get3A_1450 : i32 to index
        %get3A_1453 = arith.constant 48 : index
        %get3A_1454 = tpu.vector_load %arg11[%get3A_1451, %get3A_1452, %get3A_1453] {strides = array<i32>} : memref<16x20x64xf32, #tpu.memory_space<vmem>>, vector<1x1x16xf32>,
        %get3A_1455 = vector.shape_cast %get3A_1454 : vector<1x1x16xf32> to vector<16xf32>
        %add3A_1456 = arith.addf %add3A_1449, %get3A_1455 : vector<16xf32>
        %get3A_1457 = arith.constant 12 : i32
        %get3A_1458 = arith.index_cast %add3A_816 : i32 to index
        %get3A_1459 = arith.index_cast %get3A_1457 : i32 to index
        %get3A_1460 = arith.constant 48 : index
        %get3A_1461 = tpu.vector_load %arg11[%get3A_1458, %get3A_1459, %get3A_1460] {strides = array<i32>} : memref<16x20x64xf32, #tpu.memory_space<vmem>>, vector<1x1x16xf32>,
        %get3A_1462 = vector.shape_cast %get3A_1461 : vector<1x1x16xf32> to vector<16xf32>
        %add3A_1463 = arith.addf %add3A_1456, %get3A_1462 : vector<16xf32>
        %get3A_1464 = arith.constant 13 : i32
        %get3A_1465 = arith.index_cast %add3A_816 : i32 to index
        %get3A_1466 = arith.index_cast %get3A_1464 : i32 to index
        %get3A_1467 = arith.constant 48 : index
        %get3A_1468 = tpu.vector_load %arg11[%get3A_1465, %get3A_1466, %get3A_1467] {strides = array<i32>} : memref<16x20x64xf32, #tpu.memory_space<vmem>>, vector<1x1x16xf32>,
        %get3A_1469 = vector.shape_cast %get3A_1468 : vector<1x1x16xf32> to vector<16xf32>
        %add3A_1470 = arith.addf %add3A_1463, %get3A_1469 : vector<16xf32>
        %get3A_1471 = arith.constant 14 : i32
        %get3A_1472 = arith.index_cast %add3A_816 : i32 to index
        %get3A_1473 = arith.index_cast %get3A_1471 : i32 to index
        %get3A_1474 = arith.constant 48 : index
        %get3A_1475 = tpu.vector_load %arg11[%get3A_1472, %get3A_1473, %get3A_1474] {strides = array<i32>} : memref<16x20x64xf32, #tpu.memory_space<vmem>>, vector<1x1x16xf32>,
        %get3A_1476 = vector.shape_cast %get3A_1475 : vector<1x1x16xf32> to vector<16xf32>
        %add3A_1477 = arith.addf %add3A_1470, %get3A_1476 : vector<16xf32>
        %get3A_1478 = arith.constant 15 : i32
        %get3A_1479 = arith.index_cast %add3A_816 : i32 to index
        %get3A_1480 = arith.index_cast %get3A_1478 : i32 to index
        %get3A_1481 = arith.constant 48 : index
        %get3A_1482 = tpu.vector_load %arg11[%get3A_1479, %get3A_1480, %get3A_1481] {strides = array<i32>} : memref<16x20x64xf32, #tpu.memory_space<vmem>>, vector<1x1x16xf32>,
        %get3A_1483 = vector.shape_cast %get3A_1482 : vector<1x1x16xf32> to vector<16xf32>
        %add3A_1484 = arith.addf %add3A_1477, %get3A_1483 : vector<16xf32>
        %get3A_1485 = arith.constant 16 : i32
        %get3A_1486 = arith.index_cast %add3A_816 : i32 to index
        %get3A_1487 = arith.index_cast %get3A_1485 : i32 to index
        %get3A_1488 = arith.constant 48 : index
        %get3A_1489 = tpu.vector_load %arg11[%get3A_1486, %get3A_1487, %get3A_1488] {strides = array<i32>} : memref<16x20x64xf32, #tpu.memory_space<vmem>>, vector<1x1x16xf32>,
        %get3A_1490 = vector.shape_cast %get3A_1489 : vector<1x1x16xf32> to vector<16xf32>
        %add3A_1491 = arith.addf %add3A_1484, %get3A_1490 : vector<16xf32>
        %get3A_1492 = arith.constant 17 : i32
        %get3A_1493 = arith.index_cast %add3A_816 : i32 to index
        %get3A_1494 = arith.index_cast %get3A_1492 : i32 to index
        %get3A_1495 = arith.constant 48 : index
        %get3A_1496 = tpu.vector_load %arg11[%get3A_1493, %get3A_1494, %get3A_1495] {strides = array<i32>} : memref<16x20x64xf32, #tpu.memory_space<vmem>>, vector<1x1x16xf32>,
        %get3A_1497 = vector.shape_cast %get3A_1496 : vector<1x1x16xf32> to vector<16xf32>
        %add3A_1498 = arith.addf %add3A_1491, %get3A_1497 : vector<16xf32>
        %get3A_1499 = arith.constant 18 : i32
        %get3A_1500 = arith.index_cast %add3A_816 : i32 to index
        %get3A_1501 = arith.index_cast %get3A_1499 : i32 to index
        %get3A_1502 = arith.constant 48 : index
        %get3A_1503 = tpu.vector_load %arg11[%get3A_1500, %get3A_1501, %get3A_1502] {strides = array<i32>} : memref<16x20x64xf32, #tpu.memory_space<vmem>>, vector<1x1x16xf32>,
        %get3A_1504 = vector.shape_cast %get3A_1503 : vector<1x1x16xf32> to vector<16xf32>
        %add3A_1505 = arith.addf %add3A_1498, %get3A_1504 : vector<16xf32>
        %get3A_1506 = arith.constant 19 : i32
        %get3A_1507 = arith.index_cast %add3A_816 : i32 to index
        %get3A_1508 = arith.index_cast %get3A_1506 : i32 to index
        %get3A_1509 = arith.constant 48 : index
        %get3A_1510 = tpu.vector_load %arg11[%get3A_1507, %get3A_1508, %get3A_1509] {strides = array<i32>} : memref<16x20x64xf32, #tpu.memory_space<vmem>>, vector<1x1x16xf32>,
        %get3A_1511 = vector.shape_cast %get3A_1510 : vector<1x1x16xf32> to vector<16xf32>
        %add3A_1512 = arith.addf %add3A_1505, %get3A_1511 : vector<16xf32>
        %mul3A_1513 = arith.mulf %add3A_1512, %get3A_831 : vector<16xf32>
        %max3A_1514 = arith.constant -1.000000e+01 : f32
        %max3A_1515 = vector.broadcast %max3A_1514 : f32 to vector<16xf32>
        %max3A_1516 = arith.maximumf %mul3A_1513, %max3A_1515 : vector<16xf32>
        %min3A_1517 = arith.constant 1.000000e+01 : f32
        %min3A_1518 = vector.broadcast %min3A_1517 : f32 to vector<16xf32>
        %min3A_1519 = arith.minimumf %max3A_1516, %min3A_1518 : vector<16xf32>
        %abs3A_1520 = math.absf %min3A_1519 : vector<16xf32>
        %neg3A_1521 = arith.constant 0.000000e+00 : f32
        %neg3A_1522 = vector.broadcast %neg3A_1521 : f32 to vector<16xf32>
        %neg3A_1523 = arith.subf %neg3A_1522, %abs3A_1520 : vector<16xf32>
        %exp3A_1524 = math.exp %neg3A_1523 : vector<16xf32>
        %add3A_1525 = arith.constant 2.000000e+00 : f32
        %add3A_1526 = vector.broadcast %add3A_1525 : f32 to vector<16xf32>
        %add3A_1527 = arith.addf %exp3A_1524, %add3A_1526 : vector<16xf32>
        %div3A_1528 = arith.divf %exp3A_1524, %add3A_1527 : vector<16xf32>
        %mul3A_1529 = arith.mulf %div3A_1528, %div3A_1528 : vector<16xf32>
        %mul3A_1530 = arith.constant 0.111111112 : f32
        %mul3A_1531 = vector.broadcast %mul3A_1530 : f32 to vector<16xf32>
        %mul3A_1532 = arith.mulf %mul3A_1529, %mul3A_1531 : vector<16xf32>
        %add3A_1533 = arith.constant 0.142857149 : f32
        %add3A_1534 = vector.broadcast %add3A_1533 : f32 to vector<16xf32>
        %add3A_1535 = arith.addf %add3A_1534, %mul3A_1532 : vector<16xf32>
        %mul3A_1536 = arith.mulf %mul3A_1529, %add3A_1535 : vector<16xf32>
        %add3A_1537 = arith.constant 2.000000e-01 : f32
        %add3A_1538 = vector.broadcast %add3A_1537 : f32 to vector<16xf32>
        %add3A_1539 = arith.addf %add3A_1538, %mul3A_1536 : vector<16xf32>
        %mul3A_1540 = arith.mulf %mul3A_1529, %add3A_1539 : vector<16xf32>
        %add3A_1541 = arith.constant 0.333333343 : f32
        %add3A_1542 = vector.broadcast %add3A_1541 : f32 to vector<16xf32>
        %add3A_1543 = arith.addf %add3A_1542, %mul3A_1540 : vector<16xf32>
        %mul3A_1544 = arith.mulf %mul3A_1529, %add3A_1543 : vector<16xf32>
        %add3A_1545 = arith.constant 1.000000e+00 : f32
        %add3A_1546 = vector.broadcast %add3A_1545 : f32 to vector<16xf32>
        %add3A_1547 = arith.addf %add3A_1546, %mul3A_1544 : vector<16xf32>
        %min3A_1548 = arith.constant 0.000000e+00 : f32
        %min3A_1549 = vector.broadcast %min3A_1548 : f32 to vector<16xf32>
        %min3A_1550 = arith.minimumf %min3A_1519, %min3A_1549 : vector<16xf32>
        %mul3A_1551 = arith.mulf %div3A_1528, %add3A_1547 : vector<16xf32>
        %mul3A_1552 = arith.constant 2.000000e+00 : f32
        %mul3A_1553 = vector.broadcast %mul3A_1552 : f32 to vector<16xf32>
        %mul3A_1554 = arith.mulf %mul3A_1553, %mul3A_1551 : vector<16xf32>
        %sub3A_1555 = arith.subf %min3A_1550, %mul3A_1554 : vector<16xf32>
        %add3A_1556 = arith.addf %add3A_1373, %sub3A_1555 : vector<16xf32>
        %broadcast_in_dim3A_1557 = arith.constant 0.000000e+00 : f32
        %broadcast_in_dim3A_1558 = vector.broadcast %broadcast_in_dim3A_1557 : f32 to vector<16xf32>
        %broadcast_in_dim3A_1559 = arith.constant 0.000000e+00 : f32
        %broadcast_in_dim3A_1560 = vector.broadcast %broadcast_in_dim3A_1559 : f32 to vector<16xf32>
        %get3A_1561 = arith.constant 0 : i32
        %get3A_1562 = arith.index_cast %add3A_816 : i32 to index
        %get3A_1563 = arith.index_cast %get3A_1561 : i32 to index
        %get3A_1564 = arith.constant 0 : index
        %get3A_1565 = tpu.vector_load %arg12[%get3A_1562, %get3A_1563, %get3A_1564] {strides = array<i32>} : memref<16x20x64xf32, #tpu.memory_space<vmem>>, vector<1x1x16xf32>,
        %get3A_1566 = vector.shape_cast %get3A_1565 : vector<1x1x16xf32> to vector<16xf32>
        %mul3A_1567 = arith.mulf %get3A_1566, %get3A_819 : vector<16xf32>
        %get3A_1568 = arith.constant 0 : i32
        %get3A_1569 = arith.index_cast %add3A_816 : i32 to index
        %get3A_1570 = arith.index_cast %get3A_1568 : i32 to index
        %get3A_1571 = arith.constant 16 : index
        %get3A_1572 = tpu.vector_load %arg12[%get3A_1569, %get3A_1570, %get3A_1571] {strides = array<i32>} : memref<16x20x64xf32, #tpu.memory_space<vmem>>, vector<1x1x16xf32>,
        %get3A_1573 = vector.shape_cast %get3A_1572 : vector<1x1x16xf32> to vector<16xf32>
        %mul3A_1574 = arith.mulf %get3A_1573, %get3A_823 : vector<16xf32>
        %add3A_1575 = arith.addf %mul3A_1567, %mul3A_1574 : vector<16xf32>
        %get3A_1576 = arith.constant 0 : i32
        %get3A_1577 = arith.index_cast %add3A_816 : i32 to index
        %get3A_1578 = arith.index_cast %get3A_1576 : i32 to index
        %get3A_1579 = arith.constant 32 : index
        %get3A_1580 = tpu.vector_load %arg12[%get3A_1577, %get3A_1578, %get3A_1579] {strides = array<i32>} : memref<16x20x64xf32, #tpu.memory_space<vmem>>, vector<1x1x16xf32>,
        %get3A_1581 = vector.shape_cast %get3A_1580 : vector<1x1x16xf32> to vector<16xf32>
        %mul3A_1582 = arith.mulf %get3A_1581, %get3A_827 : vector<16xf32>
        %add3A_1583 = arith.addf %add3A_1575, %mul3A_1582 : vector<16xf32>
        %get3A_1584 = arith.constant 0 : i32
        %get3A_1585 = arith.index_cast %add3A_816 : i32 to index
        %get3A_1586 = arith.index_cast %get3A_1584 : i32 to index
        %get3A_1587 = arith.constant 48 : index
        %get3A_1588 = tpu.vector_load %arg12[%get3A_1585, %get3A_1586, %get3A_1587] {strides = array<i32>} : memref<16x20x64xf32, #tpu.memory_space<vmem>>, vector<1x1x16xf32>,
        %get3A_1589 = vector.shape_cast %get3A_1588 : vector<1x1x16xf32> to vector<16xf32>
        %mul3A_1590 = arith.mulf %get3A_1589, %get3A_831 : vector<16xf32>
        %add3A_1591 = arith.addf %add3A_1583, %mul3A_1590 : vector<16xf32>
        %lt3A = arith.constant 0 : i32
        %lt3A_1592 = vector.broadcast %lt3A : i32 to vector<16xi32>
        %lt3A_1593 = arith.cmpi slt, %xor3A_4, %lt3A_1592 : vector<16xi32>
        %add3A_1594 = arith.constant 16 : i32
        %add3A_1595 = vector.broadcast %add3A_1594 : i32 to vector<16xi32>
        %add3A_1596 = arith.addi %xor3A_4, %add3A_1595 : vector<16xi32>
        %select_n3A = arith.select %lt3A_1593, %add3A_1596, %xor3A_4 : vector<16xi1>, vector<16xi32>
        %broadcast_in_dim3A_1597 = vector.shape_cast %select_n3A : vector<16xi32> to vector<16x1xi32>
        %gather3A = vector.shape_cast %broadcast_in_dim3A_1597 : vector<16x1xi32> to vector<16xi32>
        %gather3A_1598 = tpu.dynamic_gather %add3A_1591[%gather3A] in [0] : vector<16xf32>, vector<16xi32> -> vector<16xf32>
        %add3A_1599 = arith.addf %add3A_1591, %gather3A_1598 : vector<16xf32>
        %lt3A_1600 = arith.constant 0 : i32
        %lt3A_1601 = vector.broadcast %lt3A_1600 : i32 to vector<16xi32>
        %lt3A_1602 = arith.cmpi slt, %xor3A_7, %lt3A_1601 : vector<16xi32>
        %add3A_1603 = arith.constant 16 : i32
        %add3A_1604 = vector.broadcast %add3A_1603 : i32 to vector<16xi32>
        %add3A_1605 = arith.addi %xor3A_7, %add3A_1604 : vector<16xi32>
        %select_n3A_1606 = arith.select %lt3A_1602, %add3A_1605, %xor3A_7 : vector<16xi1>, vector<16xi32>
        %broadcast_in_dim3A_1607 = vector.shape_cast %select_n3A_1606 : vector<16xi32> to vector<16x1xi32>
        %gather3A_1608 = vector.shape_cast %broadcast_in_dim3A_1607 : vector<16x1xi32> to vector<16xi32>
        %gather3A_1609 = tpu.dynamic_gather %add3A_1599[%gather3A_1608] in [0] : vector<16xf32>, vector<16xi32> -> vector<16xf32>
        %add3A_1610 = arith.addf %add3A_1599, %gather3A_1609 : vector<16xf32>
        %lt3A_1611 = arith.constant 0 : i32
        %lt3A_1612 = vector.broadcast %lt3A_1611 : i32 to vector<16xi32>
        %lt3A_1613 = arith.cmpi slt, %xor3A_10, %lt3A_1612 : vector<16xi32>
        %add3A_1614 = arith.constant 16 : i32
        %add3A_1615 = vector.broadcast %add3A_1614 : i32 to vector<16xi32>
        %add3A_1616 = arith.addi %xor3A_10, %add3A_1615 : vector<16xi32>
        %select_n3A_1617 = arith.select %lt3A_1613, %add3A_1616, %xor3A_10 : vector<16xi1>, vector<16xi32>
        %broadcast_in_dim3A_1618 = vector.shape_cast %select_n3A_1617 : vector<16xi32> to vector<16x1xi32>
        %gather3A_1619 = vector.shape_cast %broadcast_in_dim3A_1618 : vector<16x1xi32> to vector<16xi32>
        %gather3A_1620 = tpu.dynamic_gather %add3A_1610[%gather3A_1619] in [0] : vector<16xf32>, vector<16xi32> -> vector<16xf32>
        %add3A_1621 = arith.addf %add3A_1610, %gather3A_1620 : vector<16xf32>
        %lt3A_1622 = arith.constant 0 : i32
        %lt3A_1623 = vector.broadcast %lt3A_1622 : i32 to vector<16xi32>
        %lt3A_1624 = arith.cmpi slt, %xor3A_13, %lt3A_1623 : vector<16xi32>
        %add3A_1625 = arith.constant 16 : i32
        %add3A_1626 = vector.broadcast %add3A_1625 : i32 to vector<16xi32>
        %add3A_1627 = arith.addi %xor3A_13, %add3A_1626 : vector<16xi32>
        %select_n3A_1628 = arith.select %lt3A_1624, %add3A_1627, %xor3A_13 : vector<16xi1>, vector<16xi32>
        %broadcast_in_dim3A_1629 = vector.shape_cast %select_n3A_1628 : vector<16xi32> to vector<16x1xi32>
        %gather3A_1630 = vector.shape_cast %broadcast_in_dim3A_1629 : vector<16x1xi32> to vector<16xi32>
        %gather3A_1631 = tpu.dynamic_gather %add3A_1621[%gather3A_1630] in [0] : vector<16xf32>, vector<16xi32> -> vector<16xf32>
        %add3A_1632 = arith.addf %add3A_1621, %gather3A_1631 : vector<16xf32>
        %eq3A = arith.constant 0 : i32
        %eq3A_1633 = vector.broadcast %eq3A : i32 to vector<16xi32>
        %eq3A_1634 = arith.cmpi eq, %iota3A, %eq3A_1633 : vector<16xi32>
        %select_n3A_1635 = arith.select %eq3A_1634, %add3A_1632, %broadcast_in_dim3A_1558 : vector<16xi1>, vector<16xf32>
        %get3A_1636 = arith.constant 1 : i32
        %get3A_1637 = arith.index_cast %add3A_816 : i32 to index
        %get3A_1638 = arith.index_cast %get3A_1636 : i32 to index
        %get3A_1639 = arith.constant 0 : index
        %get3A_1640 = tpu.vector_load %arg12[%get3A_1637, %get3A_1638, %get3A_1639] {strides = array<i32>} : memref<16x20x64xf32, #tpu.memory_space<vmem>>, vector<1x1x16xf32>,
        %get3A_1641 = vector.shape_cast %get3A_1640 : vector<1x1x16xf32> to vector<16xf32>
        %mul3A_1642 = arith.mulf %get3A_1641, %get3A_819 : vector<16xf32>
        %get3A_1643 = arith.constant 1 : i32
        %get3A_1644 = arith.index_cast %add3A_816 : i32 to index
        %get3A_1645 = arith.index_cast %get3A_1643 : i32 to index
        %get3A_1646 = arith.constant 16 : index
        %get3A_1647 = tpu.vector_load %arg12[%get3A_1644, %get3A_1645, %get3A_1646] {strides = array<i32>} : memref<16x20x64xf32, #tpu.memory_space<vmem>>, vector<1x1x16xf32>,
        %get3A_1648 = vector.shape_cast %get3A_1647 : vector<1x1x16xf32> to vector<16xf32>
        %mul3A_1649 = arith.mulf %get3A_1648, %get3A_823 : vector<16xf32>
        %add3A_1650 = arith.addf %mul3A_1642, %mul3A_1649 : vector<16xf32>
        %get3A_1651 = arith.constant 1 : i32
        %get3A_1652 = arith.index_cast %add3A_816 : i32 to index
        %get3A_1653 = arith.index_cast %get3A_1651 : i32 to index
        %get3A_1654 = arith.constant 32 : index
        %get3A_1655 = tpu.vector_load %arg12[%get3A_1652, %get3A_1653, %get3A_1654] {strides = array<i32>} : memref<16x20x64xf32, #tpu.memory_space<vmem>>, vector<1x1x16xf32>,
        %get3A_1656 = vector.shape_cast %get3A_1655 : vector<1x1x16xf32> to vector<16xf32>
        %mul3A_1657 = arith.mulf %get3A_1656, %get3A_827 : vector<16xf32>
        %add3A_1658 = arith.addf %add3A_1650, %mul3A_1657 : vector<16xf32>
        %get3A_1659 = arith.constant 1 : i32
        %get3A_1660 = arith.index_cast %add3A_816 : i32 to index
        %get3A_1661 = arith.index_cast %get3A_1659 : i32 to index
        %get3A_1662 = arith.constant 48 : index
        %get3A_1663 = tpu.vector_load %arg12[%get3A_1660, %get3A_1661, %get3A_1662] {strides = array<i32>} : memref<16x20x64xf32, #tpu.memory_space<vmem>>, vector<1x1x16xf32>,
        %get3A_1664 = vector.shape_cast %get3A_1663 : vector<1x1x16xf32> to vector<16xf32>
        %mul3A_1665 = arith.mulf %get3A_1664, %get3A_831 : vector<16xf32>
        %add3A_1666 = arith.addf %add3A_1658, %mul3A_1665 : vector<16xf32>
        %lt3A_1667 = arith.constant 0 : i32
        %lt3A_1668 = vector.broadcast %lt3A_1667 : i32 to vector<16xi32>
        %lt3A_1669 = arith.cmpi slt, %xor3A_4, %lt3A_1668 : vector<16xi32>
        %add3A_1670 = arith.constant 16 : i32
        %add3A_1671 = vector.broadcast %add3A_1670 : i32 to vector<16xi32>
        %add3A_1672 = arith.addi %xor3A_4, %add3A_1671 : vector<16xi32>
        %select_n3A_1673 = arith.select %lt3A_1669, %add3A_1672, %xor3A_4 : vector<16xi1>, vector<16xi32>
        %broadcast_in_dim3A_1674 = vector.shape_cast %select_n3A_1673 : vector<16xi32> to vector<16x1xi32>
        %gather3A_1675 = vector.shape_cast %broadcast_in_dim3A_1674 : vector<16x1xi32> to vector<16xi32>
        %gather3A_1676 = tpu.dynamic_gather %add3A_1666[%gather3A_1675] in [0] : vector<16xf32>, vector<16xi32> -> vector<16xf32>
        %add3A_1677 = arith.addf %add3A_1666, %gather3A_1676 : vector<16xf32>
        %lt3A_1678 = arith.constant 0 : i32
        %lt3A_1679 = vector.broadcast %lt3A_1678 : i32 to vector<16xi32>
        %lt3A_1680 = arith.cmpi slt, %xor3A_7, %lt3A_1679 : vector<16xi32>
        %add3A_1681 = arith.constant 16 : i32
        %add3A_1682 = vector.broadcast %add3A_1681 : i32 to vector<16xi32>
        %add3A_1683 = arith.addi %xor3A_7, %add3A_1682 : vector<16xi32>
        %select_n3A_1684 = arith.select %lt3A_1680, %add3A_1683, %xor3A_7 : vector<16xi1>, vector<16xi32>
        %broadcast_in_dim3A_1685 = vector.shape_cast %select_n3A_1684 : vector<16xi32> to vector<16x1xi32>
        %gather3A_1686 = vector.shape_cast %broadcast_in_dim3A_1685 : vector<16x1xi32> to vector<16xi32>
        %gather3A_1687 = tpu.dynamic_gather %add3A_1677[%gather3A_1686] in [0] : vector<16xf32>, vector<16xi32> -> vector<16xf32>
        %add3A_1688 = arith.addf %add3A_1677, %gather3A_1687 : vector<16xf32>
        %lt3A_1689 = arith.constant 0 : i32
        %lt3A_1690 = vector.broadcast %lt3A_1689 : i32 to vector<16xi32>
        %lt3A_1691 = arith.cmpi slt, %xor3A_10, %lt3A_1690 : vector<16xi32>
        %add3A_1692 = arith.constant 16 : i32
        %add3A_1693 = vector.broadcast %add3A_1692 : i32 to vector<16xi32>
        %add3A_1694 = arith.addi %xor3A_10, %add3A_1693 : vector<16xi32>
        %select_n3A_1695 = arith.select %lt3A_1691, %add3A_1694, %xor3A_10 : vector<16xi1>, vector<16xi32>
        %broadcast_in_dim3A_1696 = vector.shape_cast %select_n3A_1695 : vector<16xi32> to vector<16x1xi32>
        %gather3A_1697 = vector.shape_cast %broadcast_in_dim3A_1696 : vector<16x1xi32> to vector<16xi32>
        %gather3A_1698 = tpu.dynamic_gather %add3A_1688[%gather3A_1697] in [0] : vector<16xf32>, vector<16xi32> -> vector<16xf32>
        %add3A_1699 = arith.addf %add3A_1688, %gather3A_1698 : vector<16xf32>
        %lt3A_1700 = arith.constant 0 : i32
        %lt3A_1701 = vector.broadcast %lt3A_1700 : i32 to vector<16xi32>
        %lt3A_1702 = arith.cmpi slt, %xor3A_13, %lt3A_1701 : vector<16xi32>
        %add3A_1703 = arith.constant 16 : i32
        %add3A_1704 = vector.broadcast %add3A_1703 : i32 to vector<16xi32>
        %add3A_1705 = arith.addi %xor3A_13, %add3A_1704 : vector<16xi32>
        %select_n3A_1706 = arith.select %lt3A_1702, %add3A_1705, %xor3A_13 : vector<16xi1>, vector<16xi32>
        %broadcast_in_dim3A_1707 = vector.shape_cast %select_n3A_1706 : vector<16xi32> to vector<16x1xi32>
        %gather3A_1708 = vector.shape_cast %broadcast_in_dim3A_1707 : vector<16x1xi32> to vector<16xi32>
        %gather3A_1709 = tpu.dynamic_gather %add3A_1699[%gather3A_1708] in [0] : vector<16xf32>, vector<16xi32> -> vector<16xf32>
        %add3A_1710 = arith.addf %add3A_1699, %gather3A_1709 : vector<16xf32>
        %eq3A_1711 = arith.constant 1 : i32
        %eq3A_1712 = vector.broadcast %eq3A_1711 : i32 to vector<16xi32>
        %eq3A_1713 = arith.cmpi eq, %iota3A, %eq3A_1712 : vector<16xi32>
        %select_n3A_1714 = arith.select %eq3A_1713, %add3A_1710, %select_n3A_1635 : vector<16xi1>, vector<16xf32>
        %get3A_1715 = arith.constant 2 : i32
        %get3A_1716 = arith.index_cast %add3A_816 : i32 to index
        %get3A_1717 = arith.index_cast %get3A_1715 : i32 to index
        %get3A_1718 = arith.constant 0 : index
        %get3A_1719 = tpu.vector_load %arg12[%get3A_1716, %get3A_1717, %get3A_1718] {strides = array<i32>} : memref<16x20x64xf32, #tpu.memory_space<vmem>>, vector<1x1x16xf32>,
        %get3A_1720 = vector.shape_cast %get3A_1719 : vector<1x1x16xf32> to vector<16xf32>
        %mul3A_1721 = arith.mulf %get3A_1720, %get3A_819 : vector<16xf32>
        %get3A_1722 = arith.constant 2 : i32
        %get3A_1723 = arith.index_cast %add3A_816 : i32 to index
        %get3A_1724 = arith.index_cast %get3A_1722 : i32 to index
        %get3A_1725 = arith.constant 16 : index
        %get3A_1726 = tpu.vector_load %arg12[%get3A_1723, %get3A_1724, %get3A_1725] {strides = array<i32>} : memref<16x20x64xf32, #tpu.memory_space<vmem>>, vector<1x1x16xf32>,
        %get3A_1727 = vector.shape_cast %get3A_1726 : vector<1x1x16xf32> to vector<16xf32>
        %mul3A_1728 = arith.mulf %get3A_1727, %get3A_823 : vector<16xf32>
        %add3A_1729 = arith.addf %mul3A_1721, %mul3A_1728 : vector<16xf32>
        %get3A_1730 = arith.constant 2 : i32
        %get3A_1731 = arith.index_cast %add3A_816 : i32 to index
        %get3A_1732 = arith.index_cast %get3A_1730 : i32 to index
        %get3A_1733 = arith.constant 32 : index
        %get3A_1734 = tpu.vector_load %arg12[%get3A_1731, %get3A_1732, %get3A_1733] {strides = array<i32>} : memref<16x20x64xf32, #tpu.memory_space<vmem>>, vector<1x1x16xf32>,
        %get3A_1735 = vector.shape_cast %get3A_1734 : vector<1x1x16xf32> to vector<16xf32>
        %mul3A_1736 = arith.mulf %get3A_1735, %get3A_827 : vector<16xf32>
        %add3A_1737 = arith.addf %add3A_1729, %mul3A_1736 : vector<16xf32>
        %get3A_1738 = arith.constant 2 : i32
        %get3A_1739 = arith.index_cast %add3A_816 : i32 to index
        %get3A_1740 = arith.index_cast %get3A_1738 : i32 to index
        %get3A_1741 = arith.constant 48 : index
        %get3A_1742 = tpu.vector_load %arg12[%get3A_1739, %get3A_1740, %get3A_1741] {strides = array<i32>} : memref<16x20x64xf32, #tpu.memory_space<vmem>>, vector<1x1x16xf32>,
        %get3A_1743 = vector.shape_cast %get3A_1742 : vector<1x1x16xf32> to vector<16xf32>
        %mul3A_1744 = arith.mulf %get3A_1743, %get3A_831 : vector<16xf32>
        %add3A_1745 = arith.addf %add3A_1737, %mul3A_1744 : vector<16xf32>
        %lt3A_1746 = arith.constant 0 : i32
        %lt3A_1747 = vector.broadcast %lt3A_1746 : i32 to vector<16xi32>
        %lt3A_1748 = arith.cmpi slt, %xor3A_4, %lt3A_1747 : vector<16xi32>
        %add3A_1749 = arith.constant 16 : i32
        %add3A_1750 = vector.broadcast %add3A_1749 : i32 to vector<16xi32>
        %add3A_1751 = arith.addi %xor3A_4, %add3A_1750 : vector<16xi32>
        %select_n3A_1752 = arith.select %lt3A_1748, %add3A_1751, %xor3A_4 : vector<16xi1>, vector<16xi32>
        %broadcast_in_dim3A_1753 = vector.shape_cast %select_n3A_1752 : vector<16xi32> to vector<16x1xi32>
        %gather3A_1754 = vector.shape_cast %broadcast_in_dim3A_1753 : vector<16x1xi32> to vector<16xi32>
        %gather3A_1755 = tpu.dynamic_gather %add3A_1745[%gather3A_1754] in [0] : vector<16xf32>, vector<16xi32> -> vector<16xf32>
        %add3A_1756 = arith.addf %add3A_1745, %gather3A_1755 : vector<16xf32>
        %lt3A_1757 = arith.constant 0 : i32
        %lt3A_1758 = vector.broadcast %lt3A_1757 : i32 to vector<16xi32>
        %lt3A_1759 = arith.cmpi slt, %xor3A_7, %lt3A_1758 : vector<16xi32>
        %add3A_1760 = arith.constant 16 : i32
        %add3A_1761 = vector.broadcast %add3A_1760 : i32 to vector<16xi32>
        %add3A_1762 = arith.addi %xor3A_7, %add3A_1761 : vector<16xi32>
        %select_n3A_1763 = arith.select %lt3A_1759, %add3A_1762, %xor3A_7 : vector<16xi1>, vector<16xi32>
        %broadcast_in_dim3A_1764 = vector.shape_cast %select_n3A_1763 : vector<16xi32> to vector<16x1xi32>
        %gather3A_1765 = vector.shape_cast %broadcast_in_dim3A_1764 : vector<16x1xi32> to vector<16xi32>
        %gather3A_1766 = tpu.dynamic_gather %add3A_1756[%gather3A_1765] in [0] : vector<16xf32>, vector<16xi32> -> vector<16xf32>
        %add3A_1767 = arith.addf %add3A_1756, %gather3A_1766 : vector<16xf32>
        %lt3A_1768 = arith.constant 0 : i32
        %lt3A_1769 = vector.broadcast %lt3A_1768 : i32 to vector<16xi32>
        %lt3A_1770 = arith.cmpi slt, %xor3A_10, %lt3A_1769 : vector<16xi32>
        %add3A_1771 = arith.constant 16 : i32
        %add3A_1772 = vector.broadcast %add3A_1771 : i32 to vector<16xi32>
        %add3A_1773 = arith.addi %xor3A_10, %add3A_1772 : vector<16xi32>
        %select_n3A_1774 = arith.select %lt3A_1770, %add3A_1773, %xor3A_10 : vector<16xi1>, vector<16xi32>
        %broadcast_in_dim3A_1775 = vector.shape_cast %select_n3A_1774 : vector<16xi32> to vector<16x1xi32>
        %gather3A_1776 = vector.shape_cast %broadcast_in_dim3A_1775 : vector<16x1xi32> to vector<16xi32>
        %gather3A_1777 = tpu.dynamic_gather %add3A_1767[%gather3A_1776] in [0] : vector<16xf32>, vector<16xi32> -> vector<16xf32>
        %add3A_1778 = arith.addf %add3A_1767, %gather3A_1777 : vector<16xf32>
        %lt3A_1779 = arith.constant 0 : i32
        %lt3A_1780 = vector.broadcast %lt3A_1779 : i32 to vector<16xi32>
        %lt3A_1781 = arith.cmpi slt, %xor3A_13, %lt3A_1780 : vector<16xi32>
        %add3A_1782 = arith.constant 16 : i32
        %add3A_1783 = vector.broadcast %add3A_1782 : i32 to vector<16xi32>
        %add3A_1784 = arith.addi %xor3A_13, %add3A_1783 : vector<16xi32>
        %select_n3A_1785 = arith.select %lt3A_1781, %add3A_1784, %xor3A_13 : vector<16xi1>, vector<16xi32>
        %broadcast_in_dim3A_1786 = vector.shape_cast %select_n3A_1785 : vector<16xi32> to vector<16x1xi32>
        %gather3A_1787 = vector.shape_cast %broadcast_in_dim3A_1786 : vector<16x1xi32> to vector<16xi32>
        %gather3A_1788 = tpu.dynamic_gather %add3A_1778[%gather3A_1787] in [0] : vector<16xf32>, vector<16xi32> -> vector<16xf32>
        %add3A_1789 = arith.addf %add3A_1778, %gather3A_1788 : vector<16xf32>
        %eq3A_1790 = arith.constant 2 : i32
        %eq3A_1791 = vector.broadcast %eq3A_1790 : i32 to vector<16xi32>
        %eq3A_1792 = arith.cmpi eq, %iota3A, %eq3A_1791 : vector<16xi32>
        %select_n3A_1793 = arith.select %eq3A_1792, %add3A_1789, %select_n3A_1714 : vector<16xi1>, vector<16xf32>
        %get3A_1794 = arith.constant 3 : i32
        %get3A_1795 = arith.index_cast %add3A_816 : i32 to index
        %get3A_1796 = arith.index_cast %get3A_1794 : i32 to index
        %get3A_1797 = arith.constant 0 : index
        %get3A_1798 = tpu.vector_load %arg12[%get3A_1795, %get3A_1796, %get3A_1797] {strides = array<i32>} : memref<16x20x64xf32, #tpu.memory_space<vmem>>, vector<1x1x16xf32>,
        %get3A_1799 = vector.shape_cast %get3A_1798 : vector<1x1x16xf32> to vector<16xf32>
        %mul3A_1800 = arith.mulf %get3A_1799, %get3A_819 : vector<16xf32>
        %get3A_1801 = arith.constant 3 : i32
        %get3A_1802 = arith.index_cast %add3A_816 : i32 to index
        %get3A_1803 = arith.index_cast %get3A_1801 : i32 to index
        %get3A_1804 = arith.constant 16 : index
        %get3A_1805 = tpu.vector_load %arg12[%get3A_1802, %get3A_1803, %get3A_1804] {strides = array<i32>} : memref<16x20x64xf32, #tpu.memory_space<vmem>>, vector<1x1x16xf32>,
        %get3A_1806 = vector.shape_cast %get3A_1805 : vector<1x1x16xf32> to vector<16xf32>
        %mul3A_1807 = arith.mulf %get3A_1806, %get3A_823 : vector<16xf32>
        %add3A_1808 = arith.addf %mul3A_1800, %mul3A_1807 : vector<16xf32>
        %get3A_1809 = arith.constant 3 : i32
        %get3A_1810 = arith.index_cast %add3A_816 : i32 to index
        %get3A_1811 = arith.index_cast %get3A_1809 : i32 to index
        %get3A_1812 = arith.constant 32 : index
        %get3A_1813 = tpu.vector_load %arg12[%get3A_1810, %get3A_1811, %get3A_1812] {strides = array<i32>} : memref<16x20x64xf32, #tpu.memory_space<vmem>>, vector<1x1x16xf32>,
        %get3A_1814 = vector.shape_cast %get3A_1813 : vector<1x1x16xf32> to vector<16xf32>
        %mul3A_1815 = arith.mulf %get3A_1814, %get3A_827 : vector<16xf32>
        %add3A_1816 = arith.addf %add3A_1808, %mul3A_1815 : vector<16xf32>
        %get3A_1817 = arith.constant 3 : i32
        %get3A_1818 = arith.index_cast %add3A_816 : i32 to index
        %get3A_1819 = arith.index_cast %get3A_1817 : i32 to index
        %get3A_1820 = arith.constant 48 : index
        %get3A_1821 = tpu.vector_load %arg12[%get3A_1818, %get3A_1819, %get3A_1820] {strides = array<i32>} : memref<16x20x64xf32, #tpu.memory_space<vmem>>, vector<1x1x16xf32>,
        %get3A_1822 = vector.shape_cast %get3A_1821 : vector<1x1x16xf32> to vector<16xf32>
        %mul3A_1823 = arith.mulf %get3A_1822, %get3A_831 : vector<16xf32>
        %add3A_1824 = arith.addf %add3A_1816, %mul3A_1823 : vector<16xf32>
        %lt3A_1825 = arith.constant 0 : i32
        %lt3A_1826 = vector.broadcast %lt3A_1825 : i32 to vector<16xi32>
        %lt3A_1827 = arith.cmpi slt, %xor3A_4, %lt3A_1826 : vector<16xi32>
        %add3A_1828 = arith.constant 16 : i32
        %add3A_1829 = vector.broadcast %add3A_1828 : i32 to vector<16xi32>
        %add3A_1830 = arith.addi %xor3A_4, %add3A_1829 : vector<16xi32>
        %select_n3A_1831 = arith.select %lt3A_1827, %add3A_1830, %xor3A_4 : vector<16xi1>, vector<16xi32>
        %broadcast_in_dim3A_1832 = vector.shape_cast %select_n3A_1831 : vector<16xi32> to vector<16x1xi32>
        %gather3A_1833 = vector.shape_cast %broadcast_in_dim3A_1832 : vector<16x1xi32> to vector<16xi32>
        %gather3A_1834 = tpu.dynamic_gather %add3A_1824[%gather3A_1833] in [0] : vector<16xf32>, vector<16xi32> -> vector<16xf32>
        %add3A_1835 = arith.addf %add3A_1824, %gather3A_1834 : vector<16xf32>
        %lt3A_1836 = arith.constant 0 : i32
        %lt3A_1837 = vector.broadcast %lt3A_1836 : i32 to vector<16xi32>
        %lt3A_1838 = arith.cmpi slt, %xor3A_7, %lt3A_1837 : vector<16xi32>
        %add3A_1839 = arith.constant 16 : i32
        %add3A_1840 = vector.broadcast %add3A_1839 : i32 to vector<16xi32>
        %add3A_1841 = arith.addi %xor3A_7, %add3A_1840 : vector<16xi32>
        %select_n3A_1842 = arith.select %lt3A_1838, %add3A_1841, %xor3A_7 : vector<16xi1>, vector<16xi32>
        %broadcast_in_dim3A_1843 = vector.shape_cast %select_n3A_1842 : vector<16xi32> to vector<16x1xi32>
        %gather3A_1844 = vector.shape_cast %broadcast_in_dim3A_1843 : vector<16x1xi32> to vector<16xi32>
        %gather3A_1845 = tpu.dynamic_gather %add3A_1835[%gather3A_1844] in [0] : vector<16xf32>, vector<16xi32> -> vector<16xf32>
        %add3A_1846 = arith.addf %add3A_1835, %gather3A_1845 : vector<16xf32>
        %lt3A_1847 = arith.constant 0 : i32
        %lt3A_1848 = vector.broadcast %lt3A_1847 : i32 to vector<16xi32>
        %lt3A_1849 = arith.cmpi slt, %xor3A_10, %lt3A_1848 : vector<16xi32>
        %add3A_1850 = arith.constant 16 : i32
        %add3A_1851 = vector.broadcast %add3A_1850 : i32 to vector<16xi32>
        %add3A_1852 = arith.addi %xor3A_10, %add3A_1851 : vector<16xi32>
        %select_n3A_1853 = arith.select %lt3A_1849, %add3A_1852, %xor3A_10 : vector<16xi1>, vector<16xi32>
        %broadcast_in_dim3A_1854 = vector.shape_cast %select_n3A_1853 : vector<16xi32> to vector<16x1xi32>
        %gather3A_1855 = vector.shape_cast %broadcast_in_dim3A_1854 : vector<16x1xi32> to vector<16xi32>
        %gather3A_1856 = tpu.dynamic_gather %add3A_1846[%gather3A_1855] in [0] : vector<16xf32>, vector<16xi32> -> vector<16xf32>
        %add3A_1857 = arith.addf %add3A_1846, %gather3A_1856 : vector<16xf32>
        %lt3A_1858 = arith.constant 0 : i32
        %lt3A_1859 = vector.broadcast %lt3A_1858 : i32 to vector<16xi32>
        %lt3A_1860 = arith.cmpi slt, %xor3A_13, %lt3A_1859 : vector<16xi32>
        %add3A_1861 = arith.constant 16 : i32
        %add3A_1862 = vector.broadcast %add3A_1861 : i32 to vector<16xi32>
        %add3A_1863 = arith.addi %xor3A_13, %add3A_1862 : vector<16xi32>
        %select_n3A_1864 = arith.select %lt3A_1860, %add3A_1863, %xor3A_13 : vector<16xi1>, vector<16xi32>
        %broadcast_in_dim3A_1865 = vector.shape_cast %select_n3A_1864 : vector<16xi32> to vector<16x1xi32>
        %gather3A_1866 = vector.shape_cast %broadcast_in_dim3A_1865 : vector<16x1xi32> to vector<16xi32>
        %gather3A_1867 = tpu.dynamic_gather %add3A_1857[%gather3A_1866] in [0] : vector<16xf32>, vector<16xi32> -> vector<16xf32>
        %add3A_1868 = arith.addf %add3A_1857, %gather3A_1867 : vector<16xf32>
        %eq3A_1869 = arith.constant 3 : i32
        %eq3A_1870 = vector.broadcast %eq3A_1869 : i32 to vector<16xi32>
        %eq3A_1871 = arith.cmpi eq, %iota3A, %eq3A_1870 : vector<16xi32>
        %select_n3A_1872 = arith.select %eq3A_1871, %add3A_1868, %select_n3A_1793 : vector<16xi1>, vector<16xf32>
        %get3A_1873 = arith.constant 4 : i32
        %get3A_1874 = arith.index_cast %add3A_816 : i32 to index
        %get3A_1875 = arith.index_cast %get3A_1873 : i32 to index
        %get3A_1876 = arith.constant 0 : index
        %get3A_1877 = tpu.vector_load %arg12[%get3A_1874, %get3A_1875, %get3A_1876] {strides = array<i32>} : memref<16x20x64xf32, #tpu.memory_space<vmem>>, vector<1x1x16xf32>,
        %get3A_1878 = vector.shape_cast %get3A_1877 : vector<1x1x16xf32> to vector<16xf32>
        %mul3A_1879 = arith.mulf %get3A_1878, %get3A_819 : vector<16xf32>
        %get3A_1880 = arith.constant 4 : i32
        %get3A_1881 = arith.index_cast %add3A_816 : i32 to index
        %get3A_1882 = arith.index_cast %get3A_1880 : i32 to index
        %get3A_1883 = arith.constant 16 : index
        %get3A_1884 = tpu.vector_load %arg12[%get3A_1881, %get3A_1882, %get3A_1883] {strides = array<i32>} : memref<16x20x64xf32, #tpu.memory_space<vmem>>, vector<1x1x16xf32>,
        %get3A_1885 = vector.shape_cast %get3A_1884 : vector<1x1x16xf32> to vector<16xf32>
        %mul3A_1886 = arith.mulf %get3A_1885, %get3A_823 : vector<16xf32>
        %add3A_1887 = arith.addf %mul3A_1879, %mul3A_1886 : vector<16xf32>
        %get3A_1888 = arith.constant 4 : i32
        %get3A_1889 = arith.index_cast %add3A_816 : i32 to index
        %get3A_1890 = arith.index_cast %get3A_1888 : i32 to index
        %get3A_1891 = arith.constant 32 : index
        %get3A_1892 = tpu.vector_load %arg12[%get3A_1889, %get3A_1890, %get3A_1891] {strides = array<i32>} : memref<16x20x64xf32, #tpu.memory_space<vmem>>, vector<1x1x16xf32>,
        %get3A_1893 = vector.shape_cast %get3A_1892 : vector<1x1x16xf32> to vector<16xf32>
        %mul3A_1894 = arith.mulf %get3A_1893, %get3A_827 : vector<16xf32>
        %add3A_1895 = arith.addf %add3A_1887, %mul3A_1894 : vector<16xf32>
        %get3A_1896 = arith.constant 4 : i32
        %get3A_1897 = arith.index_cast %add3A_816 : i32 to index
        %get3A_1898 = arith.index_cast %get3A_1896 : i32 to index
        %get3A_1899 = arith.constant 48 : index
        %get3A_1900 = tpu.vector_load %arg12[%get3A_1897, %get3A_1898, %get3A_1899] {strides = array<i32>} : memref<16x20x64xf32, #tpu.memory_space<vmem>>, vector<1x1x16xf32>,
        %get3A_1901 = vector.shape_cast %get3A_1900 : vector<1x1x16xf32> to vector<16xf32>
        %mul3A_1902 = arith.mulf %get3A_1901, %get3A_831 : vector<16xf32>
        %add3A_1903 = arith.addf %add3A_1895, %mul3A_1902 : vector<16xf32>
        %lt3A_1904 = arith.constant 0 : i32
        %lt3A_1905 = vector.broadcast %lt3A_1904 : i32 to vector<16xi32>
        %lt3A_1906 = arith.cmpi slt, %xor3A_4, %lt3A_1905 : vector<16xi32>
        %add3A_1907 = arith.constant 16 : i32
        %add3A_1908 = vector.broadcast %add3A_1907 : i32 to vector<16xi32>
        %add3A_1909 = arith.addi %xor3A_4, %add3A_1908 : vector<16xi32>
        %select_n3A_1910 = arith.select %lt3A_1906, %add3A_1909, %xor3A_4 : vector<16xi1>, vector<16xi32>
        %broadcast_in_dim3A_1911 = vector.shape_cast %select_n3A_1910 : vector<16xi32> to vector<16x1xi32>
        %gather3A_1912 = vector.shape_cast %broadcast_in_dim3A_1911 : vector<16x1xi32> to vector<16xi32>
        %gather3A_1913 = tpu.dynamic_gather %add3A_1903[%gather3A_1912] in [0] : vector<16xf32>, vector<16xi32> -> vector<16xf32>
        %add3A_1914 = arith.addf %add3A_1903, %gather3A_1913 : vector<16xf32>
        %lt3A_1915 = arith.constant 0 : i32
        %lt3A_1916 = vector.broadcast %lt3A_1915 : i32 to vector<16xi32>
        %lt3A_1917 = arith.cmpi slt, %xor3A_7, %lt3A_1916 : vector<16xi32>
        %add3A_1918 = arith.constant 16 : i32
        %add3A_1919 = vector.broadcast %add3A_1918 : i32 to vector<16xi32>
        %add3A_1920 = arith.addi %xor3A_7, %add3A_1919 : vector<16xi32>
        %select_n3A_1921 = arith.select %lt3A_1917, %add3A_1920, %xor3A_7 : vector<16xi1>, vector<16xi32>
        %broadcast_in_dim3A_1922 = vector.shape_cast %select_n3A_1921 : vector<16xi32> to vector<16x1xi32>
        %gather3A_1923 = vector.shape_cast %broadcast_in_dim3A_1922 : vector<16x1xi32> to vector<16xi32>
        %gather3A_1924 = tpu.dynamic_gather %add3A_1914[%gather3A_1923] in [0] : vector<16xf32>, vector<16xi32> -> vector<16xf32>
        %add3A_1925 = arith.addf %add3A_1914, %gather3A_1924 : vector<16xf32>
        %lt3A_1926 = arith.constant 0 : i32
        %lt3A_1927 = vector.broadcast %lt3A_1926 : i32 to vector<16xi32>
        %lt3A_1928 = arith.cmpi slt, %xor3A_10, %lt3A_1927 : vector<16xi32>
        %add3A_1929 = arith.constant 16 : i32
        %add3A_1930 = vector.broadcast %add3A_1929 : i32 to vector<16xi32>
        %add3A_1931 = arith.addi %xor3A_10, %add3A_1930 : vector<16xi32>
        %select_n3A_1932 = arith.select %lt3A_1928, %add3A_1931, %xor3A_10 : vector<16xi1>, vector<16xi32>
        %broadcast_in_dim3A_1933 = vector.shape_cast %select_n3A_1932 : vector<16xi32> to vector<16x1xi32>
        %gather3A_1934 = vector.shape_cast %broadcast_in_dim3A_1933 : vector<16x1xi32> to vector<16xi32>
        %gather3A_1935 = tpu.dynamic_gather %add3A_1925[%gather3A_1934] in [0] : vector<16xf32>, vector<16xi32> -> vector<16xf32>
        %add3A_1936 = arith.addf %add3A_1925, %gather3A_1935 : vector<16xf32>
        %lt3A_1937 = arith.constant 0 : i32
        %lt3A_1938 = vector.broadcast %lt3A_1937 : i32 to vector<16xi32>
        %lt3A_1939 = arith.cmpi slt, %xor3A_13, %lt3A_1938 : vector<16xi32>
        %add3A_1940 = arith.constant 16 : i32
        %add3A_1941 = vector.broadcast %add3A_1940 : i32 to vector<16xi32>
        %add3A_1942 = arith.addi %xor3A_13, %add3A_1941 : vector<16xi32>
        %select_n3A_1943 = arith.select %lt3A_1939, %add3A_1942, %xor3A_13 : vector<16xi1>, vector<16xi32>
        %broadcast_in_dim3A_1944 = vector.shape_cast %select_n3A_1943 : vector<16xi32> to vector<16x1xi32>
        %gather3A_1945 = vector.shape_cast %broadcast_in_dim3A_1944 : vector<16x1xi32> to vector<16xi32>
        %gather3A_1946 = tpu.dynamic_gather %add3A_1936[%gather3A_1945] in [0] : vector<16xf32>, vector<16xi32> -> vector<16xf32>
        %add3A_1947 = arith.addf %add3A_1936, %gather3A_1946 : vector<16xf32>
        %eq3A_1948 = arith.constant 4 : i32
        %eq3A_1949 = vector.broadcast %eq3A_1948 : i32 to vector<16xi32>
        %eq3A_1950 = arith.cmpi eq, %iota3A, %eq3A_1949 : vector<16xi32>
        %select_n3A_1951 = arith.select %eq3A_1950, %add3A_1947, %select_n3A_1872 : vector<16xi1>, vector<16xf32>
        %get3A_1952 = arith.constant 5 : i32
        %get3A_1953 = arith.index_cast %add3A_816 : i32 to index
        %get3A_1954 = arith.index_cast %get3A_1952 : i32 to index
        %get3A_1955 = arith.constant 0 : index
        %get3A_1956 = tpu.vector_load %arg12[%get3A_1953, %get3A_1954, %get3A_1955] {strides = array<i32>} : memref<16x20x64xf32, #tpu.memory_space<vmem>>, vector<1x1x16xf32>,
        %get3A_1957 = vector.shape_cast %get3A_1956 : vector<1x1x16xf32> to vector<16xf32>
        %mul3A_1958 = arith.mulf %get3A_1957, %get3A_819 : vector<16xf32>
        %get3A_1959 = arith.constant 5 : i32
        %get3A_1960 = arith.index_cast %add3A_816 : i32 to index
        %get3A_1961 = arith.index_cast %get3A_1959 : i32 to index
        %get3A_1962 = arith.constant 16 : index
        %get3A_1963 = tpu.vector_load %arg12[%get3A_1960, %get3A_1961, %get3A_1962] {strides = array<i32>} : memref<16x20x64xf32, #tpu.memory_space<vmem>>, vector<1x1x16xf32>,
        %get3A_1964 = vector.shape_cast %get3A_1963 : vector<1x1x16xf32> to vector<16xf32>
        %mul3A_1965 = arith.mulf %get3A_1964, %get3A_823 : vector<16xf32>
        %add3A_1966 = arith.addf %mul3A_1958, %mul3A_1965 : vector<16xf32>
        %get3A_1967 = arith.constant 5 : i32
        %get3A_1968 = arith.index_cast %add3A_816 : i32 to index
        %get3A_1969 = arith.index_cast %get3A_1967 : i32 to index
        %get3A_1970 = arith.constant 32 : index
        %get3A_1971 = tpu.vector_load %arg12[%get3A_1968, %get3A_1969, %get3A_1970] {strides = array<i32>} : memref<16x20x64xf32, #tpu.memory_space<vmem>>, vector<1x1x16xf32>,
        %get3A_1972 = vector.shape_cast %get3A_1971 : vector<1x1x16xf32> to vector<16xf32>
        %mul3A_1973 = arith.mulf %get3A_1972, %get3A_827 : vector<16xf32>
        %add3A_1974 = arith.addf %add3A_1966, %mul3A_1973 : vector<16xf32>
        %get3A_1975 = arith.constant 5 : i32
        %get3A_1976 = arith.index_cast %add3A_816 : i32 to index
        %get3A_1977 = arith.index_cast %get3A_1975 : i32 to index
        %get3A_1978 = arith.constant 48 : index
        %get3A_1979 = tpu.vector_load %arg12[%get3A_1976, %get3A_1977, %get3A_1978] {strides = array<i32>} : memref<16x20x64xf32, #tpu.memory_space<vmem>>, vector<1x1x16xf32>,
        %get3A_1980 = vector.shape_cast %get3A_1979 : vector<1x1x16xf32> to vector<16xf32>
        %mul3A_1981 = arith.mulf %get3A_1980, %get3A_831 : vector<16xf32>
        %add3A_1982 = arith.addf %add3A_1974, %mul3A_1981 : vector<16xf32>
        %lt3A_1983 = arith.constant 0 : i32
        %lt3A_1984 = vector.broadcast %lt3A_1983 : i32 to vector<16xi32>
        %lt3A_1985 = arith.cmpi slt, %xor3A_4, %lt3A_1984 : vector<16xi32>
        %add3A_1986 = arith.constant 16 : i32
        %add3A_1987 = vector.broadcast %add3A_1986 : i32 to vector<16xi32>
        %add3A_1988 = arith.addi %xor3A_4, %add3A_1987 : vector<16xi32>
        %select_n3A_1989 = arith.select %lt3A_1985, %add3A_1988, %xor3A_4 : vector<16xi1>, vector<16xi32>
        %broadcast_in_dim3A_1990 = vector.shape_cast %select_n3A_1989 : vector<16xi32> to vector<16x1xi32>
        %gather3A_1991 = vector.shape_cast %broadcast_in_dim3A_1990 : vector<16x1xi32> to vector<16xi32>
        %gather3A_1992 = tpu.dynamic_gather %add3A_1982[%gather3A_1991] in [0] : vector<16xf32>, vector<16xi32> -> vector<16xf32>
        %add3A_1993 = arith.addf %add3A_1982, %gather3A_1992 : vector<16xf32>
        %lt3A_1994 = arith.constant 0 : i32
        %lt3A_1995 = vector.broadcast %lt3A_1994 : i32 to vector<16xi32>
        %lt3A_1996 = arith.cmpi slt, %xor3A_7, %lt3A_1995 : vector<16xi32>
        %add3A_1997 = arith.constant 16 : i32
        %add3A_1998 = vector.broadcast %add3A_1997 : i32 to vector<16xi32>
        %add3A_1999 = arith.addi %xor3A_7, %add3A_1998 : vector<16xi32>
        %select_n3A_2000 = arith.select %lt3A_1996, %add3A_1999, %xor3A_7 : vector<16xi1>, vector<16xi32>
        %broadcast_in_dim3A_2001 = vector.shape_cast %select_n3A_2000 : vector<16xi32> to vector<16x1xi32>
        %gather3A_2002 = vector.shape_cast %broadcast_in_dim3A_2001 : vector<16x1xi32> to vector<16xi32>
        %gather3A_2003 = tpu.dynamic_gather %add3A_1993[%gather3A_2002] in [0] : vector<16xf32>, vector<16xi32> -> vector<16xf32>
        %add3A_2004 = arith.addf %add3A_1993, %gather3A_2003 : vector<16xf32>
        %lt3A_2005 = arith.constant 0 : i32
        %lt3A_2006 = vector.broadcast %lt3A_2005 : i32 to vector<16xi32>
        %lt3A_2007 = arith.cmpi slt, %xor3A_10, %lt3A_2006 : vector<16xi32>
        %add3A_2008 = arith.constant 16 : i32
        %add3A_2009 = vector.broadcast %add3A_2008 : i32 to vector<16xi32>
        %add3A_2010 = arith.addi %xor3A_10, %add3A_2009 : vector<16xi32>
        %select_n3A_2011 = arith.select %lt3A_2007, %add3A_2010, %xor3A_10 : vector<16xi1>, vector<16xi32>
        %broadcast_in_dim3A_2012 = vector.shape_cast %select_n3A_2011 : vector<16xi32> to vector<16x1xi32>
        %gather3A_2013 = vector.shape_cast %broadcast_in_dim3A_2012 : vector<16x1xi32> to vector<16xi32>
        %gather3A_2014 = tpu.dynamic_gather %add3A_2004[%gather3A_2013] in [0] : vector<16xf32>, vector<16xi32> -> vector<16xf32>
        %add3A_2015 = arith.addf %add3A_2004, %gather3A_2014 : vector<16xf32>
        %lt3A_2016 = arith.constant 0 : i32
        %lt3A_2017 = vector.broadcast %lt3A_2016 : i32 to vector<16xi32>
        %lt3A_2018 = arith.cmpi slt, %xor3A_13, %lt3A_2017 : vector<16xi32>
        %add3A_2019 = arith.constant 16 : i32
        %add3A_2020 = vector.broadcast %add3A_2019 : i32 to vector<16xi32>
        %add3A_2021 = arith.addi %xor3A_13, %add3A_2020 : vector<16xi32>
        %select_n3A_2022 = arith.select %lt3A_2018, %add3A_2021, %xor3A_13 : vector<16xi1>, vector<16xi32>
        %broadcast_in_dim3A_2023 = vector.shape_cast %select_n3A_2022 : vector<16xi32> to vector<16x1xi32>
        %gather3A_2024 = vector.shape_cast %broadcast_in_dim3A_2023 : vector<16x1xi32> to vector<16xi32>
        %gather3A_2025 = tpu.dynamic_gather %add3A_2015[%gather3A_2024] in [0] : vector<16xf32>, vector<16xi32> -> vector<16xf32>
        %add3A_2026 = arith.addf %add3A_2015, %gather3A_2025 : vector<16xf32>
        %eq3A_2027 = arith.constant 5 : i32
        %eq3A_2028 = vector.broadcast %eq3A_2027 : i32 to vector<16xi32>
        %eq3A_2029 = arith.cmpi eq, %iota3A, %eq3A_2028 : vector<16xi32>
        %select_n3A_2030 = arith.select %eq3A_2029, %add3A_2026, %select_n3A_1951 : vector<16xi1>, vector<16xf32>
        %get3A_2031 = arith.constant 6 : i32
        %get3A_2032 = arith.index_cast %add3A_816 : i32 to index
        %get3A_2033 = arith.index_cast %get3A_2031 : i32 to index
        %get3A_2034 = arith.constant 0 : index
        %get3A_2035 = tpu.vector_load %arg12[%get3A_2032, %get3A_2033, %get3A_2034] {strides = array<i32>} : memref<16x20x64xf32, #tpu.memory_space<vmem>>, vector<1x1x16xf32>,
        %get3A_2036 = vector.shape_cast %get3A_2035 : vector<1x1x16xf32> to vector<16xf32>
        %mul3A_2037 = arith.mulf %get3A_2036, %get3A_819 : vector<16xf32>
        %get3A_2038 = arith.constant 6 : i32
        %get3A_2039 = arith.index_cast %add3A_816 : i32 to index
        %get3A_2040 = arith.index_cast %get3A_2038 : i32 to index
        %get3A_2041 = arith.constant 16 : index
        %get3A_2042 = tpu.vector_load %arg12[%get3A_2039, %get3A_2040, %get3A_2041] {strides = array<i32>} : memref<16x20x64xf32, #tpu.memory_space<vmem>>, vector<1x1x16xf32>,
        %get3A_2043 = vector.shape_cast %get3A_2042 : vector<1x1x16xf32> to vector<16xf32>
        %mul3A_2044 = arith.mulf %get3A_2043, %get3A_823 : vector<16xf32>
        %add3A_2045 = arith.addf %mul3A_2037, %mul3A_2044 : vector<16xf32>
        %get3A_2046 = arith.constant 6 : i32
        %get3A_2047 = arith.index_cast %add3A_816 : i32 to index
        %get3A_2048 = arith.index_cast %get3A_2046 : i32 to index
        %get3A_2049 = arith.constant 32 : index
        %get3A_2050 = tpu.vector_load %arg12[%get3A_2047, %get3A_2048, %get3A_2049] {strides = array<i32>} : memref<16x20x64xf32, #tpu.memory_space<vmem>>, vector<1x1x16xf32>,
        %get3A_2051 = vector.shape_cast %get3A_2050 : vector<1x1x16xf32> to vector<16xf32>
        %mul3A_2052 = arith.mulf %get3A_2051, %get3A_827 : vector<16xf32>
        %add3A_2053 = arith.addf %add3A_2045, %mul3A_2052 : vector<16xf32>
        %get3A_2054 = arith.constant 6 : i32
        %get3A_2055 = arith.index_cast %add3A_816 : i32 to index
        %get3A_2056 = arith.index_cast %get3A_2054 : i32 to index
        %get3A_2057 = arith.constant 48 : index
        %get3A_2058 = tpu.vector_load %arg12[%get3A_2055, %get3A_2056, %get3A_2057] {strides = array<i32>} : memref<16x20x64xf32, #tpu.memory_space<vmem>>, vector<1x1x16xf32>,
        %get3A_2059 = vector.shape_cast %get3A_2058 : vector<1x1x16xf32> to vector<16xf32>
        %mul3A_2060 = arith.mulf %get3A_2059, %get3A_831 : vector<16xf32>
        %add3A_2061 = arith.addf %add3A_2053, %mul3A_2060 : vector<16xf32>
        %lt3A_2062 = arith.constant 0 : i32
        %lt3A_2063 = vector.broadcast %lt3A_2062 : i32 to vector<16xi32>
        %lt3A_2064 = arith.cmpi slt, %xor3A_4, %lt3A_2063 : vector<16xi32>
        %add3A_2065 = arith.constant 16 : i32
        %add3A_2066 = vector.broadcast %add3A_2065 : i32 to vector<16xi32>
        %add3A_2067 = arith.addi %xor3A_4, %add3A_2066 : vector<16xi32>
        %select_n3A_2068 = arith.select %lt3A_2064, %add3A_2067, %xor3A_4 : vector<16xi1>, vector<16xi32>
        %broadcast_in_dim3A_2069 = vector.shape_cast %select_n3A_2068 : vector<16xi32> to vector<16x1xi32>
        %gather3A_2070 = vector.shape_cast %broadcast_in_dim3A_2069 : vector<16x1xi32> to vector<16xi32>
        %gather3A_2071 = tpu.dynamic_gather %add3A_2061[%gather3A_2070] in [0] : vector<16xf32>, vector<16xi32> -> vector<16xf32>
        %add3A_2072 = arith.addf %add3A_2061, %gather3A_2071 : vector<16xf32>
        %lt3A_2073 = arith.constant 0 : i32
        %lt3A_2074 = vector.broadcast %lt3A_2073 : i32 to vector<16xi32>
        %lt3A_2075 = arith.cmpi slt, %xor3A_7, %lt3A_2074 : vector<16xi32>
        %add3A_2076 = arith.constant 16 : i32
        %add3A_2077 = vector.broadcast %add3A_2076 : i32 to vector<16xi32>
        %add3A_2078 = arith.addi %xor3A_7, %add3A_2077 : vector<16xi32>
        %select_n3A_2079 = arith.select %lt3A_2075, %add3A_2078, %xor3A_7 : vector<16xi1>, vector<16xi32>
        %broadcast_in_dim3A_2080 = vector.shape_cast %select_n3A_2079 : vector<16xi32> to vector<16x1xi32>
        %gather3A_2081 = vector.shape_cast %broadcast_in_dim3A_2080 : vector<16x1xi32> to vector<16xi32>
        %gather3A_2082 = tpu.dynamic_gather %add3A_2072[%gather3A_2081] in [0] : vector<16xf32>, vector<16xi32> -> vector<16xf32>
        %add3A_2083 = arith.addf %add3A_2072, %gather3A_2082 : vector<16xf32>
        %lt3A_2084 = arith.constant 0 : i32
        %lt3A_2085 = vector.broadcast %lt3A_2084 : i32 to vector<16xi32>
        %lt3A_2086 = arith.cmpi slt, %xor3A_10, %lt3A_2085 : vector<16xi32>
        %add3A_2087 = arith.constant 16 : i32
        %add3A_2088 = vector.broadcast %add3A_2087 : i32 to vector<16xi32>
        %add3A_2089 = arith.addi %xor3A_10, %add3A_2088 : vector<16xi32>
        %select_n3A_2090 = arith.select %lt3A_2086, %add3A_2089, %xor3A_10 : vector<16xi1>, vector<16xi32>
        %broadcast_in_dim3A_2091 = vector.shape_cast %select_n3A_2090 : vector<16xi32> to vector<16x1xi32>
        %gather3A_2092 = vector.shape_cast %broadcast_in_dim3A_2091 : vector<16x1xi32> to vector<16xi32>
        %gather3A_2093 = tpu.dynamic_gather %add3A_2083[%gather3A_2092] in [0] : vector<16xf32>, vector<16xi32> -> vector<16xf32>
        %add3A_2094 = arith.addf %add3A_2083, %gather3A_2093 : vector<16xf32>
        %lt3A_2095 = arith.constant 0 : i32
        %lt3A_2096 = vector.broadcast %lt3A_2095 : i32 to vector<16xi32>
        %lt3A_2097 = arith.cmpi slt, %xor3A_13, %lt3A_2096 : vector<16xi32>
        %add3A_2098 = arith.constant 16 : i32
        %add3A_2099 = vector.broadcast %add3A_2098 : i32 to vector<16xi32>
        %add3A_2100 = arith.addi %xor3A_13, %add3A_2099 : vector<16xi32>
        %select_n3A_2101 = arith.select %lt3A_2097, %add3A_2100, %xor3A_13 : vector<16xi1>, vector<16xi32>
        %broadcast_in_dim3A_2102 = vector.shape_cast %select_n3A_2101 : vector<16xi32> to vector<16x1xi32>
        %gather3A_2103 = vector.shape_cast %broadcast_in_dim3A_2102 : vector<16x1xi32> to vector<16xi32>
        %gather3A_2104 = tpu.dynamic_gather %add3A_2094[%gather3A_2103] in [0] : vector<16xf32>, vector<16xi32> -> vector<16xf32>
        %add3A_2105 = arith.addf %add3A_2094, %gather3A_2104 : vector<16xf32>
        %eq3A_2106 = arith.constant 6 : i32
        %eq3A_2107 = vector.broadcast %eq3A_2106 : i32 to vector<16xi32>
        %eq3A_2108 = arith.cmpi eq, %iota3A, %eq3A_2107 : vector<16xi32>
        %select_n3A_2109 = arith.select %eq3A_2108, %add3A_2105, %select_n3A_2030 : vector<16xi1>, vector<16xf32>
        %get3A_2110 = arith.constant 7 : i32
        %get3A_2111 = arith.index_cast %add3A_816 : i32 to index
        %get3A_2112 = arith.index_cast %get3A_2110 : i32 to index
        %get3A_2113 = arith.constant 0 : index
        %get3A_2114 = tpu.vector_load %arg12[%get3A_2111, %get3A_2112, %get3A_2113] {strides = array<i32>} : memref<16x20x64xf32, #tpu.memory_space<vmem>>, vector<1x1x16xf32>,
        %get3A_2115 = vector.shape_cast %get3A_2114 : vector<1x1x16xf32> to vector<16xf32>
        %mul3A_2116 = arith.mulf %get3A_2115, %get3A_819 : vector<16xf32>
        %get3A_2117 = arith.constant 7 : i32
        %get3A_2118 = arith.index_cast %add3A_816 : i32 to index
        %get3A_2119 = arith.index_cast %get3A_2117 : i32 to index
        %get3A_2120 = arith.constant 16 : index
        %get3A_2121 = tpu.vector_load %arg12[%get3A_2118, %get3A_2119, %get3A_2120] {strides = array<i32>} : memref<16x20x64xf32, #tpu.memory_space<vmem>>, vector<1x1x16xf32>,
        %get3A_2122 = vector.shape_cast %get3A_2121 : vector<1x1x16xf32> to vector<16xf32>
        %mul3A_2123 = arith.mulf %get3A_2122, %get3A_823 : vector<16xf32>
        %add3A_2124 = arith.addf %mul3A_2116, %mul3A_2123 : vector<16xf32>
        %get3A_2125 = arith.constant 7 : i32
        %get3A_2126 = arith.index_cast %add3A_816 : i32 to index
        %get3A_2127 = arith.index_cast %get3A_2125 : i32 to index
        %get3A_2128 = arith.constant 32 : index
        %get3A_2129 = tpu.vector_load %arg12[%get3A_2126, %get3A_2127, %get3A_2128] {strides = array<i32>} : memref<16x20x64xf32, #tpu.memory_space<vmem>>, vector<1x1x16xf32>,
        %get3A_2130 = vector.shape_cast %get3A_2129 : vector<1x1x16xf32> to vector<16xf32>
        %mul3A_2131 = arith.mulf %get3A_2130, %get3A_827 : vector<16xf32>
        %add3A_2132 = arith.addf %add3A_2124, %mul3A_2131 : vector<16xf32>
        %get3A_2133 = arith.constant 7 : i32
        %get3A_2134 = arith.index_cast %add3A_816 : i32 to index
        %get3A_2135 = arith.index_cast %get3A_2133 : i32 to index
        %get3A_2136 = arith.constant 48 : index
        %get3A_2137 = tpu.vector_load %arg12[%get3A_2134, %get3A_2135, %get3A_2136] {strides = array<i32>} : memref<16x20x64xf32, #tpu.memory_space<vmem>>, vector<1x1x16xf32>,
        %get3A_2138 = vector.shape_cast %get3A_2137 : vector<1x1x16xf32> to vector<16xf32>
        %mul3A_2139 = arith.mulf %get3A_2138, %get3A_831 : vector<16xf32>
        %add3A_2140 = arith.addf %add3A_2132, %mul3A_2139 : vector<16xf32>
        %lt3A_2141 = arith.constant 0 : i32
        %lt3A_2142 = vector.broadcast %lt3A_2141 : i32 to vector<16xi32>
        %lt3A_2143 = arith.cmpi slt, %xor3A_4, %lt3A_2142 : vector<16xi32>
        %add3A_2144 = arith.constant 16 : i32
        %add3A_2145 = vector.broadcast %add3A_2144 : i32 to vector<16xi32>
        %add3A_2146 = arith.addi %xor3A_4, %add3A_2145 : vector<16xi32>
        %select_n3A_2147 = arith.select %lt3A_2143, %add3A_2146, %xor3A_4 : vector<16xi1>, vector<16xi32>
        %broadcast_in_dim3A_2148 = vector.shape_cast %select_n3A_2147 : vector<16xi32> to vector<16x1xi32>
        %gather3A_2149 = vector.shape_cast %broadcast_in_dim3A_2148 : vector<16x1xi32> to vector<16xi32>
        %gather3A_2150 = tpu.dynamic_gather %add3A_2140[%gather3A_2149] in [0] : vector<16xf32>, vector<16xi32> -> vector<16xf32>
        %add3A_2151 = arith.addf %add3A_2140, %gather3A_2150 : vector<16xf32>
        %lt3A_2152 = arith.constant 0 : i32
        %lt3A_2153 = vector.broadcast %lt3A_2152 : i32 to vector<16xi32>
        %lt3A_2154 = arith.cmpi slt, %xor3A_7, %lt3A_2153 : vector<16xi32>
        %add3A_2155 = arith.constant 16 : i32
        %add3A_2156 = vector.broadcast %add3A_2155 : i32 to vector<16xi32>
        %add3A_2157 = arith.addi %xor3A_7, %add3A_2156 : vector<16xi32>
        %select_n3A_2158 = arith.select %lt3A_2154, %add3A_2157, %xor3A_7 : vector<16xi1>, vector<16xi32>
        %broadcast_in_dim3A_2159 = vector.shape_cast %select_n3A_2158 : vector<16xi32> to vector<16x1xi32>
        %gather3A_2160 = vector.shape_cast %broadcast_in_dim3A_2159 : vector<16x1xi32> to vector<16xi32>
        %gather3A_2161 = tpu.dynamic_gather %add3A_2151[%gather3A_2160] in [0] : vector<16xf32>, vector<16xi32> -> vector<16xf32>
        %add3A_2162 = arith.addf %add3A_2151, %gather3A_2161 : vector<16xf32>
        %lt3A_2163 = arith.constant 0 : i32
        %lt3A_2164 = vector.broadcast %lt3A_2163 : i32 to vector<16xi32>
        %lt3A_2165 = arith.cmpi slt, %xor3A_10, %lt3A_2164 : vector<16xi32>
        %add3A_2166 = arith.constant 16 : i32
        %add3A_2167 = vector.broadcast %add3A_2166 : i32 to vector<16xi32>
        %add3A_2168 = arith.addi %xor3A_10, %add3A_2167 : vector<16xi32>
        %select_n3A_2169 = arith.select %lt3A_2165, %add3A_2168, %xor3A_10 : vector<16xi1>, vector<16xi32>
        %broadcast_in_dim3A_2170 = vector.shape_cast %select_n3A_2169 : vector<16xi32> to vector<16x1xi32>
        %gather3A_2171 = vector.shape_cast %broadcast_in_dim3A_2170 : vector<16x1xi32> to vector<16xi32>
        %gather3A_2172 = tpu.dynamic_gather %add3A_2162[%gather3A_2171] in [0] : vector<16xf32>, vector<16xi32> -> vector<16xf32>
        %add3A_2173 = arith.addf %add3A_2162, %gather3A_2172 : vector<16xf32>
        %lt3A_2174 = arith.constant 0 : i32
        %lt3A_2175 = vector.broadcast %lt3A_2174 : i32 to vector<16xi32>
        %lt3A_2176 = arith.cmpi slt, %xor3A_13, %lt3A_2175 : vector<16xi32>
        %add3A_2177 = arith.constant 16 : i32
        %add3A_2178 = vector.broadcast %add3A_2177 : i32 to vector<16xi32>
        %add3A_2179 = arith.addi %xor3A_13, %add3A_2178 : vector<16xi32>
        %select_n3A_2180 = arith.select %lt3A_2176, %add3A_2179, %xor3A_13 : vector<16xi1>, vector<16xi32>
        %broadcast_in_dim3A_2181 = vector.shape_cast %select_n3A_2180 : vector<16xi32> to vector<16x1xi32>
        %gather3A_2182 = vector.shape_cast %broadcast_in_dim3A_2181 : vector<16x1xi32> to vector<16xi32>
        %gather3A_2183 = tpu.dynamic_gather %add3A_2173[%gather3A_2182] in [0] : vector<16xf32>, vector<16xi32> -> vector<16xf32>
        %add3A_2184 = arith.addf %add3A_2173, %gather3A_2183 : vector<16xf32>
        %eq3A_2185 = arith.constant 7 : i32
        %eq3A_2186 = vector.broadcast %eq3A_2185 : i32 to vector<16xi32>
        %eq3A_2187 = arith.cmpi eq, %iota3A, %eq3A_2186 : vector<16xi32>
        %select_n3A_2188 = arith.select %eq3A_2187, %add3A_2184, %select_n3A_2109 : vector<16xi1>, vector<16xf32>
        %get3A_2189 = arith.constant 8 : i32
        %get3A_2190 = arith.index_cast %add3A_816 : i32 to index
        %get3A_2191 = arith.index_cast %get3A_2189 : i32 to index
        %get3A_2192 = arith.constant 0 : index
        %get3A_2193 = tpu.vector_load %arg12[%get3A_2190, %get3A_2191, %get3A_2192] {strides = array<i32>} : memref<16x20x64xf32, #tpu.memory_space<vmem>>, vector<1x1x16xf32>,
        %get3A_2194 = vector.shape_cast %get3A_2193 : vector<1x1x16xf32> to vector<16xf32>
        %mul3A_2195 = arith.mulf %get3A_2194, %get3A_819 : vector<16xf32>
        %get3A_2196 = arith.constant 8 : i32
        %get3A_2197 = arith.index_cast %add3A_816 : i32 to index
        %get3A_2198 = arith.index_cast %get3A_2196 : i32 to index
        %get3A_2199 = arith.constant 16 : index
        %get3A_2200 = tpu.vector_load %arg12[%get3A_2197, %get3A_2198, %get3A_2199] {strides = array<i32>} : memref<16x20x64xf32, #tpu.memory_space<vmem>>, vector<1x1x16xf32>,
        %get3A_2201 = vector.shape_cast %get3A_2200 : vector<1x1x16xf32> to vector<16xf32>
        %mul3A_2202 = arith.mulf %get3A_2201, %get3A_823 : vector<16xf32>
        %add3A_2203 = arith.addf %mul3A_2195, %mul3A_2202 : vector<16xf32>
        %get3A_2204 = arith.constant 8 : i32
        %get3A_2205 = arith.index_cast %add3A_816 : i32 to index
        %get3A_2206 = arith.index_cast %get3A_2204 : i32 to index
        %get3A_2207 = arith.constant 32 : index
        %get3A_2208 = tpu.vector_load %arg12[%get3A_2205, %get3A_2206, %get3A_2207] {strides = array<i32>} : memref<16x20x64xf32, #tpu.memory_space<vmem>>, vector<1x1x16xf32>,
        %get3A_2209 = vector.shape_cast %get3A_2208 : vector<1x1x16xf32> to vector<16xf32>
        %mul3A_2210 = arith.mulf %get3A_2209, %get3A_827 : vector<16xf32>
        %add3A_2211 = arith.addf %add3A_2203, %mul3A_2210 : vector<16xf32>
        %get3A_2212 = arith.constant 8 : i32
        %get3A_2213 = arith.index_cast %add3A_816 : i32 to index
        %get3A_2214 = arith.index_cast %get3A_2212 : i32 to index
        %get3A_2215 = arith.constant 48 : index
        %get3A_2216 = tpu.vector_load %arg12[%get3A_2213, %get3A_2214, %get3A_2215] {strides = array<i32>} : memref<16x20x64xf32, #tpu.memory_space<vmem>>, vector<1x1x16xf32>,
        %get3A_2217 = vector.shape_cast %get3A_2216 : vector<1x1x16xf32> to vector<16xf32>
        %mul3A_2218 = arith.mulf %get3A_2217, %get3A_831 : vector<16xf32>
        %add3A_2219 = arith.addf %add3A_2211, %mul3A_2218 : vector<16xf32>
        %lt3A_2220 = arith.constant 0 : i32
        %lt3A_2221 = vector.broadcast %lt3A_2220 : i32 to vector<16xi32>
        %lt3A_2222 = arith.cmpi slt, %xor3A_4, %lt3A_2221 : vector<16xi32>
        %add3A_2223 = arith.constant 16 : i32
        %add3A_2224 = vector.broadcast %add3A_2223 : i32 to vector<16xi32>
        %add3A_2225 = arith.addi %xor3A_4, %add3A_2224 : vector<16xi32>
        %select_n3A_2226 = arith.select %lt3A_2222, %add3A_2225, %xor3A_4 : vector<16xi1>, vector<16xi32>
        %broadcast_in_dim3A_2227 = vector.shape_cast %select_n3A_2226 : vector<16xi32> to vector<16x1xi32>
        %gather3A_2228 = vector.shape_cast %broadcast_in_dim3A_2227 : vector<16x1xi32> to vector<16xi32>
        %gather3A_2229 = tpu.dynamic_gather %add3A_2219[%gather3A_2228] in [0] : vector<16xf32>, vector<16xi32> -> vector<16xf32>
        %add3A_2230 = arith.addf %add3A_2219, %gather3A_2229 : vector<16xf32>
        %lt3A_2231 = arith.constant 0 : i32
        %lt3A_2232 = vector.broadcast %lt3A_2231 : i32 to vector<16xi32>
        %lt3A_2233 = arith.cmpi slt, %xor3A_7, %lt3A_2232 : vector<16xi32>
        %add3A_2234 = arith.constant 16 : i32
        %add3A_2235 = vector.broadcast %add3A_2234 : i32 to vector<16xi32>
        %add3A_2236 = arith.addi %xor3A_7, %add3A_2235 : vector<16xi32>
        %select_n3A_2237 = arith.select %lt3A_2233, %add3A_2236, %xor3A_7 : vector<16xi1>, vector<16xi32>
        %broadcast_in_dim3A_2238 = vector.shape_cast %select_n3A_2237 : vector<16xi32> to vector<16x1xi32>
        %gather3A_2239 = vector.shape_cast %broadcast_in_dim3A_2238 : vector<16x1xi32> to vector<16xi32>
        %gather3A_2240 = tpu.dynamic_gather %add3A_2230[%gather3A_2239] in [0] : vector<16xf32>, vector<16xi32> -> vector<16xf32>
        %add3A_2241 = arith.addf %add3A_2230, %gather3A_2240 : vector<16xf32>
        %lt3A_2242 = arith.constant 0 : i32
        %lt3A_2243 = vector.broadcast %lt3A_2242 : i32 to vector<16xi32>
        %lt3A_2244 = arith.cmpi slt, %xor3A_10, %lt3A_2243 : vector<16xi32>
        %add3A_2245 = arith.constant 16 : i32
        %add3A_2246 = vector.broadcast %add3A_2245 : i32 to vector<16xi32>
        %add3A_2247 = arith.addi %xor3A_10, %add3A_2246 : vector<16xi32>
        %select_n3A_2248 = arith.select %lt3A_2244, %add3A_2247, %xor3A_10 : vector<16xi1>, vector<16xi32>
        %broadcast_in_dim3A_2249 = vector.shape_cast %select_n3A_2248 : vector<16xi32> to vector<16x1xi32>
        %gather3A_2250 = vector.shape_cast %broadcast_in_dim3A_2249 : vector<16x1xi32> to vector<16xi32>
        %gather3A_2251 = tpu.dynamic_gather %add3A_2241[%gather3A_2250] in [0] : vector<16xf32>, vector<16xi32> -> vector<16xf32>
        %add3A_2252 = arith.addf %add3A_2241, %gather3A_2251 : vector<16xf32>
        %lt3A_2253 = arith.constant 0 : i32
        %lt3A_2254 = vector.broadcast %lt3A_2253 : i32 to vector<16xi32>
        %lt3A_2255 = arith.cmpi slt, %xor3A_13, %lt3A_2254 : vector<16xi32>
        %add3A_2256 = arith.constant 16 : i32
        %add3A_2257 = vector.broadcast %add3A_2256 : i32 to vector<16xi32>
        %add3A_2258 = arith.addi %xor3A_13, %add3A_2257 : vector<16xi32>
        %select_n3A_2259 = arith.select %lt3A_2255, %add3A_2258, %xor3A_13 : vector<16xi1>, vector<16xi32>
        %broadcast_in_dim3A_2260 = vector.shape_cast %select_n3A_2259 : vector<16xi32> to vector<16x1xi32>
        %gather3A_2261 = vector.shape_cast %broadcast_in_dim3A_2260 : vector<16x1xi32> to vector<16xi32>
        %gather3A_2262 = tpu.dynamic_gather %add3A_2252[%gather3A_2261] in [0] : vector<16xf32>, vector<16xi32> -> vector<16xf32>
        %add3A_2263 = arith.addf %add3A_2252, %gather3A_2262 : vector<16xf32>
        %eq3A_2264 = arith.constant 8 : i32
        %eq3A_2265 = vector.broadcast %eq3A_2264 : i32 to vector<16xi32>
        %eq3A_2266 = arith.cmpi eq, %iota3A, %eq3A_2265 : vector<16xi32>
        %select_n3A_2267 = arith.select %eq3A_2266, %add3A_2263, %select_n3A_2188 : vector<16xi1>, vector<16xf32>
        %get3A_2268 = arith.constant 9 : i32
        %get3A_2269 = arith.index_cast %add3A_816 : i32 to index
        %get3A_2270 = arith.index_cast %get3A_2268 : i32 to index
        %get3A_2271 = arith.constant 0 : index
        %get3A_2272 = tpu.vector_load %arg12[%get3A_2269, %get3A_2270, %get3A_2271] {strides = array<i32>} : memref<16x20x64xf32, #tpu.memory_space<vmem>>, vector<1x1x16xf32>,
        %get3A_2273 = vector.shape_cast %get3A_2272 : vector<1x1x16xf32> to vector<16xf32>
        %mul3A_2274 = arith.mulf %get3A_2273, %get3A_819 : vector<16xf32>
        %get3A_2275 = arith.constant 9 : i32
        %get3A_2276 = arith.index_cast %add3A_816 : i32 to index
        %get3A_2277 = arith.index_cast %get3A_2275 : i32 to index
        %get3A_2278 = arith.constant 16 : index
        %get3A_2279 = tpu.vector_load %arg12[%get3A_2276, %get3A_2277, %get3A_2278] {strides = array<i32>} : memref<16x20x64xf32, #tpu.memory_space<vmem>>, vector<1x1x16xf32>,
        %get3A_2280 = vector.shape_cast %get3A_2279 : vector<1x1x16xf32> to vector<16xf32>
        %mul3A_2281 = arith.mulf %get3A_2280, %get3A_823 : vector<16xf32>
        %add3A_2282 = arith.addf %mul3A_2274, %mul3A_2281 : vector<16xf32>
        %get3A_2283 = arith.constant 9 : i32
        %get3A_2284 = arith.index_cast %add3A_816 : i32 to index
        %get3A_2285 = arith.index_cast %get3A_2283 : i32 to index
        %get3A_2286 = arith.constant 32 : index
        %get3A_2287 = tpu.vector_load %arg12[%get3A_2284, %get3A_2285, %get3A_2286] {strides = array<i32>} : memref<16x20x64xf32, #tpu.memory_space<vmem>>, vector<1x1x16xf32>,
        %get3A_2288 = vector.shape_cast %get3A_2287 : vector<1x1x16xf32> to vector<16xf32>
        %mul3A_2289 = arith.mulf %get3A_2288, %get3A_827 : vector<16xf32>
        %add3A_2290 = arith.addf %add3A_2282, %mul3A_2289 : vector<16xf32>
        %get3A_2291 = arith.constant 9 : i32
        %get3A_2292 = arith.index_cast %add3A_816 : i32 to index
        %get3A_2293 = arith.index_cast %get3A_2291 : i32 to index
        %get3A_2294 = arith.constant 48 : index
        %get3A_2295 = tpu.vector_load %arg12[%get3A_2292, %get3A_2293, %get3A_2294] {strides = array<i32>} : memref<16x20x64xf32, #tpu.memory_space<vmem>>, vector<1x1x16xf32>,
        %get3A_2296 = vector.shape_cast %get3A_2295 : vector<1x1x16xf32> to vector<16xf32>
        %mul3A_2297 = arith.mulf %get3A_2296, %get3A_831 : vector<16xf32>
        %add3A_2298 = arith.addf %add3A_2290, %mul3A_2297 : vector<16xf32>
        %lt3A_2299 = arith.constant 0 : i32
        %lt3A_2300 = vector.broadcast %lt3A_2299 : i32 to vector<16xi32>
        %lt3A_2301 = arith.cmpi slt, %xor3A_4, %lt3A_2300 : vector<16xi32>
        %add3A_2302 = arith.constant 16 : i32
        %add3A_2303 = vector.broadcast %add3A_2302 : i32 to vector<16xi32>
        %add3A_2304 = arith.addi %xor3A_4, %add3A_2303 : vector<16xi32>
        %select_n3A_2305 = arith.select %lt3A_2301, %add3A_2304, %xor3A_4 : vector<16xi1>, vector<16xi32>
        %broadcast_in_dim3A_2306 = vector.shape_cast %select_n3A_2305 : vector<16xi32> to vector<16x1xi32>
        %gather3A_2307 = vector.shape_cast %broadcast_in_dim3A_2306 : vector<16x1xi32> to vector<16xi32>
        %gather3A_2308 = tpu.dynamic_gather %add3A_2298[%gather3A_2307] in [0] : vector<16xf32>, vector<16xi32> -> vector<16xf32>
        %add3A_2309 = arith.addf %add3A_2298, %gather3A_2308 : vector<16xf32>
        %lt3A_2310 = arith.constant 0 : i32
        %lt3A_2311 = vector.broadcast %lt3A_2310 : i32 to vector<16xi32>
        %lt3A_2312 = arith.cmpi slt, %xor3A_7, %lt3A_2311 : vector<16xi32>
        %add3A_2313 = arith.constant 16 : i32
        %add3A_2314 = vector.broadcast %add3A_2313 : i32 to vector<16xi32>
        %add3A_2315 = arith.addi %xor3A_7, %add3A_2314 : vector<16xi32>
        %select_n3A_2316 = arith.select %lt3A_2312, %add3A_2315, %xor3A_7 : vector<16xi1>, vector<16xi32>
        %broadcast_in_dim3A_2317 = vector.shape_cast %select_n3A_2316 : vector<16xi32> to vector<16x1xi32>
        %gather3A_2318 = vector.shape_cast %broadcast_in_dim3A_2317 : vector<16x1xi32> to vector<16xi32>
        %gather3A_2319 = tpu.dynamic_gather %add3A_2309[%gather3A_2318] in [0] : vector<16xf32>, vector<16xi32> -> vector<16xf32>
        %add3A_2320 = arith.addf %add3A_2309, %gather3A_2319 : vector<16xf32>
        %lt3A_2321 = arith.constant 0 : i32
        %lt3A_2322 = vector.broadcast %lt3A_2321 : i32 to vector<16xi32>
        %lt3A_2323 = arith.cmpi slt, %xor3A_10, %lt3A_2322 : vector<16xi32>
        %add3A_2324 = arith.constant 16 : i32
        %add3A_2325 = vector.broadcast %add3A_2324 : i32 to vector<16xi32>
        %add3A_2326 = arith.addi %xor3A_10, %add3A_2325 : vector<16xi32>
        %select_n3A_2327 = arith.select %lt3A_2323, %add3A_2326, %xor3A_10 : vector<16xi1>, vector<16xi32>
        %broadcast_in_dim3A_2328 = vector.shape_cast %select_n3A_2327 : vector<16xi32> to vector<16x1xi32>
        %gather3A_2329 = vector.shape_cast %broadcast_in_dim3A_2328 : vector<16x1xi32> to vector<16xi32>
        %gather3A_2330 = tpu.dynamic_gather %add3A_2320[%gather3A_2329] in [0] : vector<16xf32>, vector<16xi32> -> vector<16xf32>
        %add3A_2331 = arith.addf %add3A_2320, %gather3A_2330 : vector<16xf32>
        %lt3A_2332 = arith.constant 0 : i32
        %lt3A_2333 = vector.broadcast %lt3A_2332 : i32 to vector<16xi32>
        %lt3A_2334 = arith.cmpi slt, %xor3A_13, %lt3A_2333 : vector<16xi32>
        %add3A_2335 = arith.constant 16 : i32
        %add3A_2336 = vector.broadcast %add3A_2335 : i32 to vector<16xi32>
        %add3A_2337 = arith.addi %xor3A_13, %add3A_2336 : vector<16xi32>
        %select_n3A_2338 = arith.select %lt3A_2334, %add3A_2337, %xor3A_13 : vector<16xi1>, vector<16xi32>
        %broadcast_in_dim3A_2339 = vector.shape_cast %select_n3A_2338 : vector<16xi32> to vector<16x1xi32>
        %gather3A_2340 = vector.shape_cast %broadcast_in_dim3A_2339 : vector<16x1xi32> to vector<16xi32>
        %gather3A_2341 = tpu.dynamic_gather %add3A_2331[%gather3A_2340] in [0] : vector<16xf32>, vector<16xi32> -> vector<16xf32>
        %add3A_2342 = arith.addf %add3A_2331, %gather3A_2341 : vector<16xf32>
        %eq3A_2343 = arith.constant 9 : i32
        %eq3A_2344 = vector.broadcast %eq3A_2343 : i32 to vector<16xi32>
        %eq3A_2345 = arith.cmpi eq, %iota3A, %eq3A_2344 : vector<16xi32>
        %select_n3A_2346 = arith.select %eq3A_2345, %add3A_2342, %select_n3A_2267 : vector<16xi1>, vector<16xf32>
        %get3A_2347 = arith.constant 10 : i32
        %get3A_2348 = arith.index_cast %add3A_816 : i32 to index
        %get3A_2349 = arith.index_cast %get3A_2347 : i32 to index
        %get3A_2350 = arith.constant 0 : index
        %get3A_2351 = tpu.vector_load %arg12[%get3A_2348, %get3A_2349, %get3A_2350] {strides = array<i32>} : memref<16x20x64xf32, #tpu.memory_space<vmem>>, vector<1x1x16xf32>,
        %get3A_2352 = vector.shape_cast %get3A_2351 : vector<1x1x16xf32> to vector<16xf32>
        %mul3A_2353 = arith.mulf %get3A_2352, %get3A_819 : vector<16xf32>
        %get3A_2354 = arith.constant 10 : i32
        %get3A_2355 = arith.index_cast %add3A_816 : i32 to index
        %get3A_2356 = arith.index_cast %get3A_2354 : i32 to index
        %get3A_2357 = arith.constant 16 : index
        %get3A_2358 = tpu.vector_load %arg12[%get3A_2355, %get3A_2356, %get3A_2357] {strides = array<i32>} : memref<16x20x64xf32, #tpu.memory_space<vmem>>, vector<1x1x16xf32>,
        %get3A_2359 = vector.shape_cast %get3A_2358 : vector<1x1x16xf32> to vector<16xf32>
        %mul3A_2360 = arith.mulf %get3A_2359, %get3A_823 : vector<16xf32>
        %add3A_2361 = arith.addf %mul3A_2353, %mul3A_2360 : vector<16xf32>
        %get3A_2362 = arith.constant 10 : i32
        %get3A_2363 = arith.index_cast %add3A_816 : i32 to index
        %get3A_2364 = arith.index_cast %get3A_2362 : i32 to index
        %get3A_2365 = arith.constant 32 : index
        %get3A_2366 = tpu.vector_load %arg12[%get3A_2363, %get3A_2364, %get3A_2365] {strides = array<i32>} : memref<16x20x64xf32, #tpu.memory_space<vmem>>, vector<1x1x16xf32>,
        %get3A_2367 = vector.shape_cast %get3A_2366 : vector<1x1x16xf32> to vector<16xf32>
        %mul3A_2368 = arith.mulf %get3A_2367, %get3A_827 : vector<16xf32>
        %add3A_2369 = arith.addf %add3A_2361, %mul3A_2368 : vector<16xf32>
        %get3A_2370 = arith.constant 10 : i32
        %get3A_2371 = arith.index_cast %add3A_816 : i32 to index
        %get3A_2372 = arith.index_cast %get3A_2370 : i32 to index
        %get3A_2373 = arith.constant 48 : index
        %get3A_2374 = tpu.vector_load %arg12[%get3A_2371, %get3A_2372, %get3A_2373] {strides = array<i32>} : memref<16x20x64xf32, #tpu.memory_space<vmem>>, vector<1x1x16xf32>,
        %get3A_2375 = vector.shape_cast %get3A_2374 : vector<1x1x16xf32> to vector<16xf32>
        %mul3A_2376 = arith.mulf %get3A_2375, %get3A_831 : vector<16xf32>
        %add3A_2377 = arith.addf %add3A_2369, %mul3A_2376 : vector<16xf32>
        %lt3A_2378 = arith.constant 0 : i32
        %lt3A_2379 = vector.broadcast %lt3A_2378 : i32 to vector<16xi32>
        %lt3A_2380 = arith.cmpi slt, %xor3A_4, %lt3A_2379 : vector<16xi32>
        %add3A_2381 = arith.constant 16 : i32
        %add3A_2382 = vector.broadcast %add3A_2381 : i32 to vector<16xi32>
        %add3A_2383 = arith.addi %xor3A_4, %add3A_2382 : vector<16xi32>
        %select_n3A_2384 = arith.select %lt3A_2380, %add3A_2383, %xor3A_4 : vector<16xi1>, vector<16xi32>
        %broadcast_in_dim3A_2385 = vector.shape_cast %select_n3A_2384 : vector<16xi32> to vector<16x1xi32>
        %gather3A_2386 = vector.shape_cast %broadcast_in_dim3A_2385 : vector<16x1xi32> to vector<16xi32>
        %gather3A_2387 = tpu.dynamic_gather %add3A_2377[%gather3A_2386] in [0] : vector<16xf32>, vector<16xi32> -> vector<16xf32>
        %add3A_2388 = arith.addf %add3A_2377, %gather3A_2387 : vector<16xf32>
        %lt3A_2389 = arith.constant 0 : i32
        %lt3A_2390 = vector.broadcast %lt3A_2389 : i32 to vector<16xi32>
        %lt3A_2391 = arith.cmpi slt, %xor3A_7, %lt3A_2390 : vector<16xi32>
        %add3A_2392 = arith.constant 16 : i32
        %add3A_2393 = vector.broadcast %add3A_2392 : i32 to vector<16xi32>
        %add3A_2394 = arith.addi %xor3A_7, %add3A_2393 : vector<16xi32>
        %select_n3A_2395 = arith.select %lt3A_2391, %add3A_2394, %xor3A_7 : vector<16xi1>, vector<16xi32>
        %broadcast_in_dim3A_2396 = vector.shape_cast %select_n3A_2395 : vector<16xi32> to vector<16x1xi32>
        %gather3A_2397 = vector.shape_cast %broadcast_in_dim3A_2396 : vector<16x1xi32> to vector<16xi32>
        %gather3A_2398 = tpu.dynamic_gather %add3A_2388[%gather3A_2397] in [0] : vector<16xf32>, vector<16xi32> -> vector<16xf32>
        %add3A_2399 = arith.addf %add3A_2388, %gather3A_2398 : vector<16xf32>
        %lt3A_2400 = arith.constant 0 : i32
        %lt3A_2401 = vector.broadcast %lt3A_2400 : i32 to vector<16xi32>
        %lt3A_2402 = arith.cmpi slt, %xor3A_10, %lt3A_2401 : vector<16xi32>
        %add3A_2403 = arith.constant 16 : i32
        %add3A_2404 = vector.broadcast %add3A_2403 : i32 to vector<16xi32>
        %add3A_2405 = arith.addi %xor3A_10, %add3A_2404 : vector<16xi32>
        %select_n3A_2406 = arith.select %lt3A_2402, %add3A_2405, %xor3A_10 : vector<16xi1>, vector<16xi32>
        %broadcast_in_dim3A_2407 = vector.shape_cast %select_n3A_2406 : vector<16xi32> to vector<16x1xi32>
        %gather3A_2408 = vector.shape_cast %broadcast_in_dim3A_2407 : vector<16x1xi32> to vector<16xi32>
        %gather3A_2409 = tpu.dynamic_gather %add3A_2399[%gather3A_2408] in [0] : vector<16xf32>, vector<16xi32> -> vector<16xf32>
        %add3A_2410 = arith.addf %add3A_2399, %gather3A_2409 : vector<16xf32>
        %lt3A_2411 = arith.constant 0 : i32
        %lt3A_2412 = vector.broadcast %lt3A_2411 : i32 to vector<16xi32>
        %lt3A_2413 = arith.cmpi slt, %xor3A_13, %lt3A_2412 : vector<16xi32>
        %add3A_2414 = arith.constant 16 : i32
        %add3A_2415 = vector.broadcast %add3A_2414 : i32 to vector<16xi32>
        %add3A_2416 = arith.addi %xor3A_13, %add3A_2415 : vector<16xi32>
        %select_n3A_2417 = arith.select %lt3A_2413, %add3A_2416, %xor3A_13 : vector<16xi1>, vector<16xi32>
        %broadcast_in_dim3A_2418 = vector.shape_cast %select_n3A_2417 : vector<16xi32> to vector<16x1xi32>
        %gather3A_2419 = vector.shape_cast %broadcast_in_dim3A_2418 : vector<16x1xi32> to vector<16xi32>
        %gather3A_2420 = tpu.dynamic_gather %add3A_2410[%gather3A_2419] in [0] : vector<16xf32>, vector<16xi32> -> vector<16xf32>
        %add3A_2421 = arith.addf %add3A_2410, %gather3A_2420 : vector<16xf32>
        %eq3A_2422 = arith.constant 10 : i32
        %eq3A_2423 = vector.broadcast %eq3A_2422 : i32 to vector<16xi32>
        %eq3A_2424 = arith.cmpi eq, %iota3A, %eq3A_2423 : vector<16xi32>
        %select_n3A_2425 = arith.select %eq3A_2424, %add3A_2421, %select_n3A_2346 : vector<16xi1>, vector<16xf32>
        %get3A_2426 = arith.constant 11 : i32
        %get3A_2427 = arith.index_cast %add3A_816 : i32 to index
        %get3A_2428 = arith.index_cast %get3A_2426 : i32 to index
        %get3A_2429 = arith.constant 0 : index
        %get3A_2430 = tpu.vector_load %arg12[%get3A_2427, %get3A_2428, %get3A_2429] {strides = array<i32>} : memref<16x20x64xf32, #tpu.memory_space<vmem>>, vector<1x1x16xf32>,
        %get3A_2431 = vector.shape_cast %get3A_2430 : vector<1x1x16xf32> to vector<16xf32>
        %mul3A_2432 = arith.mulf %get3A_2431, %get3A_819 : vector<16xf32>
        %get3A_2433 = arith.constant 11 : i32
        %get3A_2434 = arith.index_cast %add3A_816 : i32 to index
        %get3A_2435 = arith.index_cast %get3A_2433 : i32 to index
        %get3A_2436 = arith.constant 16 : index
        %get3A_2437 = tpu.vector_load %arg12[%get3A_2434, %get3A_2435, %get3A_2436] {strides = array<i32>} : memref<16x20x64xf32, #tpu.memory_space<vmem>>, vector<1x1x16xf32>,
        %get3A_2438 = vector.shape_cast %get3A_2437 : vector<1x1x16xf32> to vector<16xf32>
        %mul3A_2439 = arith.mulf %get3A_2438, %get3A_823 : vector<16xf32>
        %add3A_2440 = arith.addf %mul3A_2432, %mul3A_2439 : vector<16xf32>
        %get3A_2441 = arith.constant 11 : i32
        %get3A_2442 = arith.index_cast %add3A_816 : i32 to index
        %get3A_2443 = arith.index_cast %get3A_2441 : i32 to index
        %get3A_2444 = arith.constant 32 : index
        %get3A_2445 = tpu.vector_load %arg12[%get3A_2442, %get3A_2443, %get3A_2444] {strides = array<i32>} : memref<16x20x64xf32, #tpu.memory_space<vmem>>, vector<1x1x16xf32>,
        %get3A_2446 = vector.shape_cast %get3A_2445 : vector<1x1x16xf32> to vector<16xf32>
        %mul3A_2447 = arith.mulf %get3A_2446, %get3A_827 : vector<16xf32>
        %add3A_2448 = arith.addf %add3A_2440, %mul3A_2447 : vector<16xf32>
        %get3A_2449 = arith.constant 11 : i32
        %get3A_2450 = arith.index_cast %add3A_816 : i32 to index
        %get3A_2451 = arith.index_cast %get3A_2449 : i32 to index
        %get3A_2452 = arith.constant 48 : index
        %get3A_2453 = tpu.vector_load %arg12[%get3A_2450, %get3A_2451, %get3A_2452] {strides = array<i32>} : memref<16x20x64xf32, #tpu.memory_space<vmem>>, vector<1x1x16xf32>,
        %get3A_2454 = vector.shape_cast %get3A_2453 : vector<1x1x16xf32> to vector<16xf32>
        %mul3A_2455 = arith.mulf %get3A_2454, %get3A_831 : vector<16xf32>
        %add3A_2456 = arith.addf %add3A_2448, %mul3A_2455 : vector<16xf32>
        %lt3A_2457 = arith.constant 0 : i32
        %lt3A_2458 = vector.broadcast %lt3A_2457 : i32 to vector<16xi32>
        %lt3A_2459 = arith.cmpi slt, %xor3A_4, %lt3A_2458 : vector<16xi32>
        %add3A_2460 = arith.constant 16 : i32
        %add3A_2461 = vector.broadcast %add3A_2460 : i32 to vector<16xi32>
        %add3A_2462 = arith.addi %xor3A_4, %add3A_2461 : vector<16xi32>
        %select_n3A_2463 = arith.select %lt3A_2459, %add3A_2462, %xor3A_4 : vector<16xi1>, vector<16xi32>
        %broadcast_in_dim3A_2464 = vector.shape_cast %select_n3A_2463 : vector<16xi32> to vector<16x1xi32>
        %gather3A_2465 = vector.shape_cast %broadcast_in_dim3A_2464 : vector<16x1xi32> to vector<16xi32>
        %gather3A_2466 = tpu.dynamic_gather %add3A_2456[%gather3A_2465] in [0] : vector<16xf32>, vector<16xi32> -> vector<16xf32>
        %add3A_2467 = arith.addf %add3A_2456, %gather3A_2466 : vector<16xf32>
        %lt3A_2468 = arith.constant 0 : i32
        %lt3A_2469 = vector.broadcast %lt3A_2468 : i32 to vector<16xi32>
        %lt3A_2470 = arith.cmpi slt, %xor3A_7, %lt3A_2469 : vector<16xi32>
        %add3A_2471 = arith.constant 16 : i32
        %add3A_2472 = vector.broadcast %add3A_2471 : i32 to vector<16xi32>
        %add3A_2473 = arith.addi %xor3A_7, %add3A_2472 : vector<16xi32>
        %select_n3A_2474 = arith.select %lt3A_2470, %add3A_2473, %xor3A_7 : vector<16xi1>, vector<16xi32>
        %broadcast_in_dim3A_2475 = vector.shape_cast %select_n3A_2474 : vector<16xi32> to vector<16x1xi32>
        %gather3A_2476 = vector.shape_cast %broadcast_in_dim3A_2475 : vector<16x1xi32> to vector<16xi32>
        %gather3A_2477 = tpu.dynamic_gather %add3A_2467[%gather3A_2476] in [0] : vector<16xf32>, vector<16xi32> -> vector<16xf32>
        %add3A_2478 = arith.addf %add3A_2467, %gather3A_2477 : vector<16xf32>
        %lt3A_2479 = arith.constant 0 : i32
        %lt3A_2480 = vector.broadcast %lt3A_2479 : i32 to vector<16xi32>
        %lt3A_2481 = arith.cmpi slt, %xor3A_10, %lt3A_2480 : vector<16xi32>
        %add3A_2482 = arith.constant 16 : i32
        %add3A_2483 = vector.broadcast %add3A_2482 : i32 to vector<16xi32>
        %add3A_2484 = arith.addi %xor3A_10, %add3A_2483 : vector<16xi32>
        %select_n3A_2485 = arith.select %lt3A_2481, %add3A_2484, %xor3A_10 : vector<16xi1>, vector<16xi32>
        %broadcast_in_dim3A_2486 = vector.shape_cast %select_n3A_2485 : vector<16xi32> to vector<16x1xi32>
        %gather3A_2487 = vector.shape_cast %broadcast_in_dim3A_2486 : vector<16x1xi32> to vector<16xi32>
        %gather3A_2488 = tpu.dynamic_gather %add3A_2478[%gather3A_2487] in [0] : vector<16xf32>, vector<16xi32> -> vector<16xf32>
        %add3A_2489 = arith.addf %add3A_2478, %gather3A_2488 : vector<16xf32>
        %lt3A_2490 = arith.constant 0 : i32
        %lt3A_2491 = vector.broadcast %lt3A_2490 : i32 to vector<16xi32>
        %lt3A_2492 = arith.cmpi slt, %xor3A_13, %lt3A_2491 : vector<16xi32>
        %add3A_2493 = arith.constant 16 : i32
        %add3A_2494 = vector.broadcast %add3A_2493 : i32 to vector<16xi32>
        %add3A_2495 = arith.addi %xor3A_13, %add3A_2494 : vector<16xi32>
        %select_n3A_2496 = arith.select %lt3A_2492, %add3A_2495, %xor3A_13 : vector<16xi1>, vector<16xi32>
        %broadcast_in_dim3A_2497 = vector.shape_cast %select_n3A_2496 : vector<16xi32> to vector<16x1xi32>
        %gather3A_2498 = vector.shape_cast %broadcast_in_dim3A_2497 : vector<16x1xi32> to vector<16xi32>
        %gather3A_2499 = tpu.dynamic_gather %add3A_2489[%gather3A_2498] in [0] : vector<16xf32>, vector<16xi32> -> vector<16xf32>
        %add3A_2500 = arith.addf %add3A_2489, %gather3A_2499 : vector<16xf32>
        %eq3A_2501 = arith.constant 11 : i32
        %eq3A_2502 = vector.broadcast %eq3A_2501 : i32 to vector<16xi32>
        %eq3A_2503 = arith.cmpi eq, %iota3A, %eq3A_2502 : vector<16xi32>
        %select_n3A_2504 = arith.select %eq3A_2503, %add3A_2500, %select_n3A_2425 : vector<16xi1>, vector<16xf32>
        %get3A_2505 = arith.constant 12 : i32
        %get3A_2506 = arith.index_cast %add3A_816 : i32 to index
        %get3A_2507 = arith.index_cast %get3A_2505 : i32 to index
        %get3A_2508 = arith.constant 0 : index
        %get3A_2509 = tpu.vector_load %arg12[%get3A_2506, %get3A_2507, %get3A_2508] {strides = array<i32>} : memref<16x20x64xf32, #tpu.memory_space<vmem>>, vector<1x1x16xf32>,
        %get3A_2510 = vector.shape_cast %get3A_2509 : vector<1x1x16xf32> to vector<16xf32>
        %mul3A_2511 = arith.mulf %get3A_2510, %get3A_819 : vector<16xf32>
        %get3A_2512 = arith.constant 12 : i32
        %get3A_2513 = arith.index_cast %add3A_816 : i32 to index
        %get3A_2514 = arith.index_cast %get3A_2512 : i32 to index
        %get3A_2515 = arith.constant 16 : index
        %get3A_2516 = tpu.vector_load %arg12[%get3A_2513, %get3A_2514, %get3A_2515] {strides = array<i32>} : memref<16x20x64xf32, #tpu.memory_space<vmem>>, vector<1x1x16xf32>,
        %get3A_2517 = vector.shape_cast %get3A_2516 : vector<1x1x16xf32> to vector<16xf32>
        %mul3A_2518 = arith.mulf %get3A_2517, %get3A_823 : vector<16xf32>
        %add3A_2519 = arith.addf %mul3A_2511, %mul3A_2518 : vector<16xf32>
        %get3A_2520 = arith.constant 12 : i32
        %get3A_2521 = arith.index_cast %add3A_816 : i32 to index
        %get3A_2522 = arith.index_cast %get3A_2520 : i32 to index
        %get3A_2523 = arith.constant 32 : index
        %get3A_2524 = tpu.vector_load %arg12[%get3A_2521, %get3A_2522, %get3A_2523] {strides = array<i32>} : memref<16x20x64xf32, #tpu.memory_space<vmem>>, vector<1x1x16xf32>,
        %get3A_2525 = vector.shape_cast %get3A_2524 : vector<1x1x16xf32> to vector<16xf32>
        %mul3A_2526 = arith.mulf %get3A_2525, %get3A_827 : vector<16xf32>
        %add3A_2527 = arith.addf %add3A_2519, %mul3A_2526 : vector<16xf32>
        %get3A_2528 = arith.constant 12 : i32
        %get3A_2529 = arith.index_cast %add3A_816 : i32 to index
        %get3A_2530 = arith.index_cast %get3A_2528 : i32 to index
        %get3A_2531 = arith.constant 48 : index
        %get3A_2532 = tpu.vector_load %arg12[%get3A_2529, %get3A_2530, %get3A_2531] {strides = array<i32>} : memref<16x20x64xf32, #tpu.memory_space<vmem>>, vector<1x1x16xf32>,
        %get3A_2533 = vector.shape_cast %get3A_2532 : vector<1x1x16xf32> to vector<16xf32>
        %mul3A_2534 = arith.mulf %get3A_2533, %get3A_831 : vector<16xf32>
        %add3A_2535 = arith.addf %add3A_2527, %mul3A_2534 : vector<16xf32>
        %lt3A_2536 = arith.constant 0 : i32
        %lt3A_2537 = vector.broadcast %lt3A_2536 : i32 to vector<16xi32>
        %lt3A_2538 = arith.cmpi slt, %xor3A_4, %lt3A_2537 : vector<16xi32>
        %add3A_2539 = arith.constant 16 : i32
        %add3A_2540 = vector.broadcast %add3A_2539 : i32 to vector<16xi32>
        %add3A_2541 = arith.addi %xor3A_4, %add3A_2540 : vector<16xi32>
        %select_n3A_2542 = arith.select %lt3A_2538, %add3A_2541, %xor3A_4 : vector<16xi1>, vector<16xi32>
        %broadcast_in_dim3A_2543 = vector.shape_cast %select_n3A_2542 : vector<16xi32> to vector<16x1xi32>
        %gather3A_2544 = vector.shape_cast %broadcast_in_dim3A_2543 : vector<16x1xi32> to vector<16xi32>
        %gather3A_2545 = tpu.dynamic_gather %add3A_2535[%gather3A_2544] in [0] : vector<16xf32>, vector<16xi32> -> vector<16xf32>
        %add3A_2546 = arith.addf %add3A_2535, %gather3A_2545 : vector<16xf32>
        %lt3A_2547 = arith.constant 0 : i32
        %lt3A_2548 = vector.broadcast %lt3A_2547 : i32 to vector<16xi32>
        %lt3A_2549 = arith.cmpi slt, %xor3A_7, %lt3A_2548 : vector<16xi32>
        %add3A_2550 = arith.constant 16 : i32
        %add3A_2551 = vector.broadcast %add3A_2550 : i32 to vector<16xi32>
        %add3A_2552 = arith.addi %xor3A_7, %add3A_2551 : vector<16xi32>
        %select_n3A_2553 = arith.select %lt3A_2549, %add3A_2552, %xor3A_7 : vector<16xi1>, vector<16xi32>
        %broadcast_in_dim3A_2554 = vector.shape_cast %select_n3A_2553 : vector<16xi32> to vector<16x1xi32>
        %gather3A_2555 = vector.shape_cast %broadcast_in_dim3A_2554 : vector<16x1xi32> to vector<16xi32>
        %gather3A_2556 = tpu.dynamic_gather %add3A_2546[%gather3A_2555] in [0] : vector<16xf32>, vector<16xi32> -> vector<16xf32>
        %add3A_2557 = arith.addf %add3A_2546, %gather3A_2556 : vector<16xf32>
        %lt3A_2558 = arith.constant 0 : i32
        %lt3A_2559 = vector.broadcast %lt3A_2558 : i32 to vector<16xi32>
        %lt3A_2560 = arith.cmpi slt, %xor3A_10, %lt3A_2559 : vector<16xi32>
        %add3A_2561 = arith.constant 16 : i32
        %add3A_2562 = vector.broadcast %add3A_2561 : i32 to vector<16xi32>
        %add3A_2563 = arith.addi %xor3A_10, %add3A_2562 : vector<16xi32>
        %select_n3A_2564 = arith.select %lt3A_2560, %add3A_2563, %xor3A_10 : vector<16xi1>, vector<16xi32>
        %broadcast_in_dim3A_2565 = vector.shape_cast %select_n3A_2564 : vector<16xi32> to vector<16x1xi32>
        %gather3A_2566 = vector.shape_cast %broadcast_in_dim3A_2565 : vector<16x1xi32> to vector<16xi32>
        %gather3A_2567 = tpu.dynamic_gather %add3A_2557[%gather3A_2566] in [0] : vector<16xf32>, vector<16xi32> -> vector<16xf32>
        %add3A_2568 = arith.addf %add3A_2557, %gather3A_2567 : vector<16xf32>
        %lt3A_2569 = arith.constant 0 : i32
        %lt3A_2570 = vector.broadcast %lt3A_2569 : i32 to vector<16xi32>
        %lt3A_2571 = arith.cmpi slt, %xor3A_13, %lt3A_2570 : vector<16xi32>
        %add3A_2572 = arith.constant 16 : i32
        %add3A_2573 = vector.broadcast %add3A_2572 : i32 to vector<16xi32>
        %add3A_2574 = arith.addi %xor3A_13, %add3A_2573 : vector<16xi32>
        %select_n3A_2575 = arith.select %lt3A_2571, %add3A_2574, %xor3A_13 : vector<16xi1>, vector<16xi32>
        %broadcast_in_dim3A_2576 = vector.shape_cast %select_n3A_2575 : vector<16xi32> to vector<16x1xi32>
        %gather3A_2577 = vector.shape_cast %broadcast_in_dim3A_2576 : vector<16x1xi32> to vector<16xi32>
        %gather3A_2578 = tpu.dynamic_gather %add3A_2568[%gather3A_2577] in [0] : vector<16xf32>, vector<16xi32> -> vector<16xf32>
        %add3A_2579 = arith.addf %add3A_2568, %gather3A_2578 : vector<16xf32>
        %eq3A_2580 = arith.constant 12 : i32
        %eq3A_2581 = vector.broadcast %eq3A_2580 : i32 to vector<16xi32>
        %eq3A_2582 = arith.cmpi eq, %iota3A, %eq3A_2581 : vector<16xi32>
        %select_n3A_2583 = arith.select %eq3A_2582, %add3A_2579, %select_n3A_2504 : vector<16xi1>, vector<16xf32>
        %get3A_2584 = arith.constant 13 : i32
        %get3A_2585 = arith.index_cast %add3A_816 : i32 to index
        %get3A_2586 = arith.index_cast %get3A_2584 : i32 to index
        %get3A_2587 = arith.constant 0 : index
        %get3A_2588 = tpu.vector_load %arg12[%get3A_2585, %get3A_2586, %get3A_2587] {strides = array<i32>} : memref<16x20x64xf32, #tpu.memory_space<vmem>>, vector<1x1x16xf32>,
        %get3A_2589 = vector.shape_cast %get3A_2588 : vector<1x1x16xf32> to vector<16xf32>
        %mul3A_2590 = arith.mulf %get3A_2589, %get3A_819 : vector<16xf32>
        %get3A_2591 = arith.constant 13 : i32
        %get3A_2592 = arith.index_cast %add3A_816 : i32 to index
        %get3A_2593 = arith.index_cast %get3A_2591 : i32 to index
        %get3A_2594 = arith.constant 16 : index
        %get3A_2595 = tpu.vector_load %arg12[%get3A_2592, %get3A_2593, %get3A_2594] {strides = array<i32>} : memref<16x20x64xf32, #tpu.memory_space<vmem>>, vector<1x1x16xf32>,
        %get3A_2596 = vector.shape_cast %get3A_2595 : vector<1x1x16xf32> to vector<16xf32>
        %mul3A_2597 = arith.mulf %get3A_2596, %get3A_823 : vector<16xf32>
        %add3A_2598 = arith.addf %mul3A_2590, %mul3A_2597 : vector<16xf32>
        %get3A_2599 = arith.constant 13 : i32
        %get3A_2600 = arith.index_cast %add3A_816 : i32 to index
        %get3A_2601 = arith.index_cast %get3A_2599 : i32 to index
        %get3A_2602 = arith.constant 32 : index
        %get3A_2603 = tpu.vector_load %arg12[%get3A_2600, %get3A_2601, %get3A_2602] {strides = array<i32>} : memref<16x20x64xf32, #tpu.memory_space<vmem>>, vector<1x1x16xf32>,
        %get3A_2604 = vector.shape_cast %get3A_2603 : vector<1x1x16xf32> to vector<16xf32>
        %mul3A_2605 = arith.mulf %get3A_2604, %get3A_827 : vector<16xf32>
        %add3A_2606 = arith.addf %add3A_2598, %mul3A_2605 : vector<16xf32>
        %get3A_2607 = arith.constant 13 : i32
        %get3A_2608 = arith.index_cast %add3A_816 : i32 to index
        %get3A_2609 = arith.index_cast %get3A_2607 : i32 to index
        %get3A_2610 = arith.constant 48 : index
        %get3A_2611 = tpu.vector_load %arg12[%get3A_2608, %get3A_2609, %get3A_2610] {strides = array<i32>} : memref<16x20x64xf32, #tpu.memory_space<vmem>>, vector<1x1x16xf32>,
        %get3A_2612 = vector.shape_cast %get3A_2611 : vector<1x1x16xf32> to vector<16xf32>
        %mul3A_2613 = arith.mulf %get3A_2612, %get3A_831 : vector<16xf32>
        %add3A_2614 = arith.addf %add3A_2606, %mul3A_2613 : vector<16xf32>
        %lt3A_2615 = arith.constant 0 : i32
        %lt3A_2616 = vector.broadcast %lt3A_2615 : i32 to vector<16xi32>
        %lt3A_2617 = arith.cmpi slt, %xor3A_4, %lt3A_2616 : vector<16xi32>
        %add3A_2618 = arith.constant 16 : i32
        %add3A_2619 = vector.broadcast %add3A_2618 : i32 to vector<16xi32>
        %add3A_2620 = arith.addi %xor3A_4, %add3A_2619 : vector<16xi32>
        %select_n3A_2621 = arith.select %lt3A_2617, %add3A_2620, %xor3A_4 : vector<16xi1>, vector<16xi32>
        %broadcast_in_dim3A_2622 = vector.shape_cast %select_n3A_2621 : vector<16xi32> to vector<16x1xi32>
        %gather3A_2623 = vector.shape_cast %broadcast_in_dim3A_2622 : vector<16x1xi32> to vector<16xi32>
        %gather3A_2624 = tpu.dynamic_gather %add3A_2614[%gather3A_2623] in [0] : vector<16xf32>, vector<16xi32> -> vector<16xf32>
        %add3A_2625 = arith.addf %add3A_2614, %gather3A_2624 : vector<16xf32>
        %lt3A_2626 = arith.constant 0 : i32
        %lt3A_2627 = vector.broadcast %lt3A_2626 : i32 to vector<16xi32>
        %lt3A_2628 = arith.cmpi slt, %xor3A_7, %lt3A_2627 : vector<16xi32>
        %add3A_2629 = arith.constant 16 : i32
        %add3A_2630 = vector.broadcast %add3A_2629 : i32 to vector<16xi32>
        %add3A_2631 = arith.addi %xor3A_7, %add3A_2630 : vector<16xi32>
        %select_n3A_2632 = arith.select %lt3A_2628, %add3A_2631, %xor3A_7 : vector<16xi1>, vector<16xi32>
        %broadcast_in_dim3A_2633 = vector.shape_cast %select_n3A_2632 : vector<16xi32> to vector<16x1xi32>
        %gather3A_2634 = vector.shape_cast %broadcast_in_dim3A_2633 : vector<16x1xi32> to vector<16xi32>
        %gather3A_2635 = tpu.dynamic_gather %add3A_2625[%gather3A_2634] in [0] : vector<16xf32>, vector<16xi32> -> vector<16xf32>
        %add3A_2636 = arith.addf %add3A_2625, %gather3A_2635 : vector<16xf32>
        %lt3A_2637 = arith.constant 0 : i32
        %lt3A_2638 = vector.broadcast %lt3A_2637 : i32 to vector<16xi32>
        %lt3A_2639 = arith.cmpi slt, %xor3A_10, %lt3A_2638 : vector<16xi32>
        %add3A_2640 = arith.constant 16 : i32
        %add3A_2641 = vector.broadcast %add3A_2640 : i32 to vector<16xi32>
        %add3A_2642 = arith.addi %xor3A_10, %add3A_2641 : vector<16xi32>
        %select_n3A_2643 = arith.select %lt3A_2639, %add3A_2642, %xor3A_10 : vector<16xi1>, vector<16xi32>
        %broadcast_in_dim3A_2644 = vector.shape_cast %select_n3A_2643 : vector<16xi32> to vector<16x1xi32>
        %gather3A_2645 = vector.shape_cast %broadcast_in_dim3A_2644 : vector<16x1xi32> to vector<16xi32>
        %gather3A_2646 = tpu.dynamic_gather %add3A_2636[%gather3A_2645] in [0] : vector<16xf32>, vector<16xi32> -> vector<16xf32>
        %add3A_2647 = arith.addf %add3A_2636, %gather3A_2646 : vector<16xf32>
        %lt3A_2648 = arith.constant 0 : i32
        %lt3A_2649 = vector.broadcast %lt3A_2648 : i32 to vector<16xi32>
        %lt3A_2650 = arith.cmpi slt, %xor3A_13, %lt3A_2649 : vector<16xi32>
        %add3A_2651 = arith.constant 16 : i32
        %add3A_2652 = vector.broadcast %add3A_2651 : i32 to vector<16xi32>
        %add3A_2653 = arith.addi %xor3A_13, %add3A_2652 : vector<16xi32>
        %select_n3A_2654 = arith.select %lt3A_2650, %add3A_2653, %xor3A_13 : vector<16xi1>, vector<16xi32>
        %broadcast_in_dim3A_2655 = vector.shape_cast %select_n3A_2654 : vector<16xi32> to vector<16x1xi32>
        %gather3A_2656 = vector.shape_cast %broadcast_in_dim3A_2655 : vector<16x1xi32> to vector<16xi32>
        %gather3A_2657 = tpu.dynamic_gather %add3A_2647[%gather3A_2656] in [0] : vector<16xf32>, vector<16xi32> -> vector<16xf32>
        %add3A_2658 = arith.addf %add3A_2647, %gather3A_2657 : vector<16xf32>
        %eq3A_2659 = arith.constant 13 : i32
        %eq3A_2660 = vector.broadcast %eq3A_2659 : i32 to vector<16xi32>
        %eq3A_2661 = arith.cmpi eq, %iota3A, %eq3A_2660 : vector<16xi32>
        %select_n3A_2662 = arith.select %eq3A_2661, %add3A_2658, %select_n3A_2583 : vector<16xi1>, vector<16xf32>
        %get3A_2663 = arith.constant 14 : i32
        %get3A_2664 = arith.index_cast %add3A_816 : i32 to index
        %get3A_2665 = arith.index_cast %get3A_2663 : i32 to index
        %get3A_2666 = arith.constant 0 : index
        %get3A_2667 = tpu.vector_load %arg12[%get3A_2664, %get3A_2665, %get3A_2666] {strides = array<i32>} : memref<16x20x64xf32, #tpu.memory_space<vmem>>, vector<1x1x16xf32>,
        %get3A_2668 = vector.shape_cast %get3A_2667 : vector<1x1x16xf32> to vector<16xf32>
        %mul3A_2669 = arith.mulf %get3A_2668, %get3A_819 : vector<16xf32>
        %get3A_2670 = arith.constant 14 : i32
        %get3A_2671 = arith.index_cast %add3A_816 : i32 to index
        %get3A_2672 = arith.index_cast %get3A_2670 : i32 to index
        %get3A_2673 = arith.constant 16 : index
        %get3A_2674 = tpu.vector_load %arg12[%get3A_2671, %get3A_2672, %get3A_2673] {strides = array<i32>} : memref<16x20x64xf32, #tpu.memory_space<vmem>>, vector<1x1x16xf32>,
        %get3A_2675 = vector.shape_cast %get3A_2674 : vector<1x1x16xf32> to vector<16xf32>
        %mul3A_2676 = arith.mulf %get3A_2675, %get3A_823 : vector<16xf32>
        %add3A_2677 = arith.addf %mul3A_2669, %mul3A_2676 : vector<16xf32>
        %get3A_2678 = arith.constant 14 : i32
        %get3A_2679 = arith.index_cast %add3A_816 : i32 to index
        %get3A_2680 = arith.index_cast %get3A_2678 : i32 to index
        %get3A_2681 = arith.constant 32 : index
        %get3A_2682 = tpu.vector_load %arg12[%get3A_2679, %get3A_2680, %get3A_2681] {strides = array<i32>} : memref<16x20x64xf32, #tpu.memory_space<vmem>>, vector<1x1x16xf32>,
        %get3A_2683 = vector.shape_cast %get3A_2682 : vector<1x1x16xf32> to vector<16xf32>
        %mul3A_2684 = arith.mulf %get3A_2683, %get3A_827 : vector<16xf32>
        %add3A_2685 = arith.addf %add3A_2677, %mul3A_2684 : vector<16xf32>
        %get3A_2686 = arith.constant 14 : i32
        %get3A_2687 = arith.index_cast %add3A_816 : i32 to index
        %get3A_2688 = arith.index_cast %get3A_2686 : i32 to index
        %get3A_2689 = arith.constant 48 : index
        %get3A_2690 = tpu.vector_load %arg12[%get3A_2687, %get3A_2688, %get3A_2689] {strides = array<i32>} : memref<16x20x64xf32, #tpu.memory_space<vmem>>, vector<1x1x16xf32>,
        %get3A_2691 = vector.shape_cast %get3A_2690 : vector<1x1x16xf32> to vector<16xf32>
        %mul3A_2692 = arith.mulf %get3A_2691, %get3A_831 : vector<16xf32>
        %add3A_2693 = arith.addf %add3A_2685, %mul3A_2692 : vector<16xf32>
        %lt3A_2694 = arith.constant 0 : i32
        %lt3A_2695 = vector.broadcast %lt3A_2694 : i32 to vector<16xi32>
        %lt3A_2696 = arith.cmpi slt, %xor3A_4, %lt3A_2695 : vector<16xi32>
        %add3A_2697 = arith.constant 16 : i32
        %add3A_2698 = vector.broadcast %add3A_2697 : i32 to vector<16xi32>
        %add3A_2699 = arith.addi %xor3A_4, %add3A_2698 : vector<16xi32>
        %select_n3A_2700 = arith.select %lt3A_2696, %add3A_2699, %xor3A_4 : vector<16xi1>, vector<16xi32>
        %broadcast_in_dim3A_2701 = vector.shape_cast %select_n3A_2700 : vector<16xi32> to vector<16x1xi32>
        %gather3A_2702 = vector.shape_cast %broadcast_in_dim3A_2701 : vector<16x1xi32> to vector<16xi32>
        %gather3A_2703 = tpu.dynamic_gather %add3A_2693[%gather3A_2702] in [0] : vector<16xf32>, vector<16xi32> -> vector<16xf32>
        %add3A_2704 = arith.addf %add3A_2693, %gather3A_2703 : vector<16xf32>
        %lt3A_2705 = arith.constant 0 : i32
        %lt3A_2706 = vector.broadcast %lt3A_2705 : i32 to vector<16xi32>
        %lt3A_2707 = arith.cmpi slt, %xor3A_7, %lt3A_2706 : vector<16xi32>
        %add3A_2708 = arith.constant 16 : i32
        %add3A_2709 = vector.broadcast %add3A_2708 : i32 to vector<16xi32>
        %add3A_2710 = arith.addi %xor3A_7, %add3A_2709 : vector<16xi32>
        %select_n3A_2711 = arith.select %lt3A_2707, %add3A_2710, %xor3A_7 : vector<16xi1>, vector<16xi32>
        %broadcast_in_dim3A_2712 = vector.shape_cast %select_n3A_2711 : vector<16xi32> to vector<16x1xi32>
        %gather3A_2713 = vector.shape_cast %broadcast_in_dim3A_2712 : vector<16x1xi32> to vector<16xi32>
        %gather3A_2714 = tpu.dynamic_gather %add3A_2704[%gather3A_2713] in [0] : vector<16xf32>, vector<16xi32> -> vector<16xf32>
        %add3A_2715 = arith.addf %add3A_2704, %gather3A_2714 : vector<16xf32>
        %lt3A_2716 = arith.constant 0 : i32
        %lt3A_2717 = vector.broadcast %lt3A_2716 : i32 to vector<16xi32>
        %lt3A_2718 = arith.cmpi slt, %xor3A_10, %lt3A_2717 : vector<16xi32>
        %add3A_2719 = arith.constant 16 : i32
        %add3A_2720 = vector.broadcast %add3A_2719 : i32 to vector<16xi32>
        %add3A_2721 = arith.addi %xor3A_10, %add3A_2720 : vector<16xi32>
        %select_n3A_2722 = arith.select %lt3A_2718, %add3A_2721, %xor3A_10 : vector<16xi1>, vector<16xi32>
        %broadcast_in_dim3A_2723 = vector.shape_cast %select_n3A_2722 : vector<16xi32> to vector<16x1xi32>
        %gather3A_2724 = vector.shape_cast %broadcast_in_dim3A_2723 : vector<16x1xi32> to vector<16xi32>
        %gather3A_2725 = tpu.dynamic_gather %add3A_2715[%gather3A_2724] in [0] : vector<16xf32>, vector<16xi32> -> vector<16xf32>
        %add3A_2726 = arith.addf %add3A_2715, %gather3A_2725 : vector<16xf32>
        %lt3A_2727 = arith.constant 0 : i32
        %lt3A_2728 = vector.broadcast %lt3A_2727 : i32 to vector<16xi32>
        %lt3A_2729 = arith.cmpi slt, %xor3A_13, %lt3A_2728 : vector<16xi32>
        %add3A_2730 = arith.constant 16 : i32
        %add3A_2731 = vector.broadcast %add3A_2730 : i32 to vector<16xi32>
        %add3A_2732 = arith.addi %xor3A_13, %add3A_2731 : vector<16xi32>
        %select_n3A_2733 = arith.select %lt3A_2729, %add3A_2732, %xor3A_13 : vector<16xi1>, vector<16xi32>
        %broadcast_in_dim3A_2734 = vector.shape_cast %select_n3A_2733 : vector<16xi32> to vector<16x1xi32>
        %gather3A_2735 = vector.shape_cast %broadcast_in_dim3A_2734 : vector<16x1xi32> to vector<16xi32>
        %gather3A_2736 = tpu.dynamic_gather %add3A_2726[%gather3A_2735] in [0] : vector<16xf32>, vector<16xi32> -> vector<16xf32>
        %add3A_2737 = arith.addf %add3A_2726, %gather3A_2736 : vector<16xf32>
        %eq3A_2738 = arith.constant 14 : i32
        %eq3A_2739 = vector.broadcast %eq3A_2738 : i32 to vector<16xi32>
        %eq3A_2740 = arith.cmpi eq, %iota3A, %eq3A_2739 : vector<16xi32>
        %select_n3A_2741 = arith.select %eq3A_2740, %add3A_2737, %select_n3A_2662 : vector<16xi1>, vector<16xf32>
        %get3A_2742 = arith.constant 15 : i32
        %get3A_2743 = arith.index_cast %add3A_816 : i32 to index
        %get3A_2744 = arith.index_cast %get3A_2742 : i32 to index
        %get3A_2745 = arith.constant 0 : index
        %get3A_2746 = tpu.vector_load %arg12[%get3A_2743, %get3A_2744, %get3A_2745] {strides = array<i32>} : memref<16x20x64xf32, #tpu.memory_space<vmem>>, vector<1x1x16xf32>,
        %get3A_2747 = vector.shape_cast %get3A_2746 : vector<1x1x16xf32> to vector<16xf32>
        %mul3A_2748 = arith.mulf %get3A_2747, %get3A_819 : vector<16xf32>
        %get3A_2749 = arith.constant 15 : i32
        %get3A_2750 = arith.index_cast %add3A_816 : i32 to index
        %get3A_2751 = arith.index_cast %get3A_2749 : i32 to index
        %get3A_2752 = arith.constant 16 : index
        %get3A_2753 = tpu.vector_load %arg12[%get3A_2750, %get3A_2751, %get3A_2752] {strides = array<i32>} : memref<16x20x64xf32, #tpu.memory_space<vmem>>, vector<1x1x16xf32>,
        %get3A_2754 = vector.shape_cast %get3A_2753 : vector<1x1x16xf32> to vector<16xf32>
        %mul3A_2755 = arith.mulf %get3A_2754, %get3A_823 : vector<16xf32>
        %add3A_2756 = arith.addf %mul3A_2748, %mul3A_2755 : vector<16xf32>
        %get3A_2757 = arith.constant 15 : i32
        %get3A_2758 = arith.index_cast %add3A_816 : i32 to index
        %get3A_2759 = arith.index_cast %get3A_2757 : i32 to index
        %get3A_2760 = arith.constant 32 : index
        %get3A_2761 = tpu.vector_load %arg12[%get3A_2758, %get3A_2759, %get3A_2760] {strides = array<i32>} : memref<16x20x64xf32, #tpu.memory_space<vmem>>, vector<1x1x16xf32>,
        %get3A_2762 = vector.shape_cast %get3A_2761 : vector<1x1x16xf32> to vector<16xf32>
        %mul3A_2763 = arith.mulf %get3A_2762, %get3A_827 : vector<16xf32>
        %add3A_2764 = arith.addf %add3A_2756, %mul3A_2763 : vector<16xf32>
        %get3A_2765 = arith.constant 15 : i32
        %get3A_2766 = arith.index_cast %add3A_816 : i32 to index
        %get3A_2767 = arith.index_cast %get3A_2765 : i32 to index
        %get3A_2768 = arith.constant 48 : index
        %get3A_2769 = tpu.vector_load %arg12[%get3A_2766, %get3A_2767, %get3A_2768] {strides = array<i32>} : memref<16x20x64xf32, #tpu.memory_space<vmem>>, vector<1x1x16xf32>,
        %get3A_2770 = vector.shape_cast %get3A_2769 : vector<1x1x16xf32> to vector<16xf32>
        %mul3A_2771 = arith.mulf %get3A_2770, %get3A_831 : vector<16xf32>
        %add3A_2772 = arith.addf %add3A_2764, %mul3A_2771 : vector<16xf32>
        %lt3A_2773 = arith.constant 0 : i32
        %lt3A_2774 = vector.broadcast %lt3A_2773 : i32 to vector<16xi32>
        %lt3A_2775 = arith.cmpi slt, %xor3A_4, %lt3A_2774 : vector<16xi32>
        %add3A_2776 = arith.constant 16 : i32
        %add3A_2777 = vector.broadcast %add3A_2776 : i32 to vector<16xi32>
        %add3A_2778 = arith.addi %xor3A_4, %add3A_2777 : vector<16xi32>
        %select_n3A_2779 = arith.select %lt3A_2775, %add3A_2778, %xor3A_4 : vector<16xi1>, vector<16xi32>
        %broadcast_in_dim3A_2780 = vector.shape_cast %select_n3A_2779 : vector<16xi32> to vector<16x1xi32>
        %gather3A_2781 = vector.shape_cast %broadcast_in_dim3A_2780 : vector<16x1xi32> to vector<16xi32>
        %gather3A_2782 = tpu.dynamic_gather %add3A_2772[%gather3A_2781] in [0] : vector<16xf32>, vector<16xi32> -> vector<16xf32>
        %add3A_2783 = arith.addf %add3A_2772, %gather3A_2782 : vector<16xf32>
        %lt3A_2784 = arith.constant 0 : i32
        %lt3A_2785 = vector.broadcast %lt3A_2784 : i32 to vector<16xi32>
        %lt3A_2786 = arith.cmpi slt, %xor3A_7, %lt3A_2785 : vector<16xi32>
        %add3A_2787 = arith.constant 16 : i32
        %add3A_2788 = vector.broadcast %add3A_2787 : i32 to vector<16xi32>
        %add3A_2789 = arith.addi %xor3A_7, %add3A_2788 : vector<16xi32>
        %select_n3A_2790 = arith.select %lt3A_2786, %add3A_2789, %xor3A_7 : vector<16xi1>, vector<16xi32>
        %broadcast_in_dim3A_2791 = vector.shape_cast %select_n3A_2790 : vector<16xi32> to vector<16x1xi32>
        %gather3A_2792 = vector.shape_cast %broadcast_in_dim3A_2791 : vector<16x1xi32> to vector<16xi32>
        %gather3A_2793 = tpu.dynamic_gather %add3A_2783[%gather3A_2792] in [0] : vector<16xf32>, vector<16xi32> -> vector<16xf32>
        %add3A_2794 = arith.addf %add3A_2783, %gather3A_2793 : vector<16xf32>
        %lt3A_2795 = arith.constant 0 : i32
        %lt3A_2796 = vector.broadcast %lt3A_2795 : i32 to vector<16xi32>
        %lt3A_2797 = arith.cmpi slt, %xor3A_10, %lt3A_2796 : vector<16xi32>
        %add3A_2798 = arith.constant 16 : i32
        %add3A_2799 = vector.broadcast %add3A_2798 : i32 to vector<16xi32>
        %add3A_2800 = arith.addi %xor3A_10, %add3A_2799 : vector<16xi32>
        %select_n3A_2801 = arith.select %lt3A_2797, %add3A_2800, %xor3A_10 : vector<16xi1>, vector<16xi32>
        %broadcast_in_dim3A_2802 = vector.shape_cast %select_n3A_2801 : vector<16xi32> to vector<16x1xi32>
        %gather3A_2803 = vector.shape_cast %broadcast_in_dim3A_2802 : vector<16x1xi32> to vector<16xi32>
        %gather3A_2804 = tpu.dynamic_gather %add3A_2794[%gather3A_2803] in [0] : vector<16xf32>, vector<16xi32> -> vector<16xf32>
        %add3A_2805 = arith.addf %add3A_2794, %gather3A_2804 : vector<16xf32>
        %lt3A_2806 = arith.constant 0 : i32
        %lt3A_2807 = vector.broadcast %lt3A_2806 : i32 to vector<16xi32>
        %lt3A_2808 = arith.cmpi slt, %xor3A_13, %lt3A_2807 : vector<16xi32>
        %add3A_2809 = arith.constant 16 : i32
        %add3A_2810 = vector.broadcast %add3A_2809 : i32 to vector<16xi32>
        %add3A_2811 = arith.addi %xor3A_13, %add3A_2810 : vector<16xi32>
        %select_n3A_2812 = arith.select %lt3A_2808, %add3A_2811, %xor3A_13 : vector<16xi1>, vector<16xi32>
        %broadcast_in_dim3A_2813 = vector.shape_cast %select_n3A_2812 : vector<16xi32> to vector<16x1xi32>
        %gather3A_2814 = vector.shape_cast %broadcast_in_dim3A_2813 : vector<16x1xi32> to vector<16xi32>
        %gather3A_2815 = tpu.dynamic_gather %add3A_2805[%gather3A_2814] in [0] : vector<16xf32>, vector<16xi32> -> vector<16xf32>
        %add3A_2816 = arith.addf %add3A_2805, %gather3A_2815 : vector<16xf32>
        %eq3A_2817 = arith.constant 15 : i32
        %eq3A_2818 = vector.broadcast %eq3A_2817 : i32 to vector<16xi32>
        %eq3A_2819 = arith.cmpi eq, %iota3A, %eq3A_2818 : vector<16xi32>
        %select_n3A_2820 = arith.select %eq3A_2819, %add3A_2816, %select_n3A_2741 : vector<16xi1>, vector<16xf32>
        %get3A_2821 = arith.constant 16 : i32
        %get3A_2822 = arith.index_cast %add3A_816 : i32 to index
        %get3A_2823 = arith.index_cast %get3A_2821 : i32 to index
        %get3A_2824 = arith.constant 0 : index
        %get3A_2825 = tpu.vector_load %arg12[%get3A_2822, %get3A_2823, %get3A_2824] {strides = array<i32>} : memref<16x20x64xf32, #tpu.memory_space<vmem>>, vector<1x1x16xf32>,
        %get3A_2826 = vector.shape_cast %get3A_2825 : vector<1x1x16xf32> to vector<16xf32>
        %mul3A_2827 = arith.mulf %get3A_2826, %get3A_819 : vector<16xf32>
        %get3A_2828 = arith.constant 16 : i32
        %get3A_2829 = arith.index_cast %add3A_816 : i32 to index
        %get3A_2830 = arith.index_cast %get3A_2828 : i32 to index
        %get3A_2831 = arith.constant 16 : index
        %get3A_2832 = tpu.vector_load %arg12[%get3A_2829, %get3A_2830, %get3A_2831] {strides = array<i32>} : memref<16x20x64xf32, #tpu.memory_space<vmem>>, vector<1x1x16xf32>,
        %get3A_2833 = vector.shape_cast %get3A_2832 : vector<1x1x16xf32> to vector<16xf32>
        %mul3A_2834 = arith.mulf %get3A_2833, %get3A_823 : vector<16xf32>
        %add3A_2835 = arith.addf %mul3A_2827, %mul3A_2834 : vector<16xf32>
        %get3A_2836 = arith.constant 16 : i32
        %get3A_2837 = arith.index_cast %add3A_816 : i32 to index
        %get3A_2838 = arith.index_cast %get3A_2836 : i32 to index
        %get3A_2839 = arith.constant 32 : index
        %get3A_2840 = tpu.vector_load %arg12[%get3A_2837, %get3A_2838, %get3A_2839] {strides = array<i32>} : memref<16x20x64xf32, #tpu.memory_space<vmem>>, vector<1x1x16xf32>,
        %get3A_2841 = vector.shape_cast %get3A_2840 : vector<1x1x16xf32> to vector<16xf32>
        %mul3A_2842 = arith.mulf %get3A_2841, %get3A_827 : vector<16xf32>
        %add3A_2843 = arith.addf %add3A_2835, %mul3A_2842 : vector<16xf32>
        %get3A_2844 = arith.constant 16 : i32
        %get3A_2845 = arith.index_cast %add3A_816 : i32 to index
        %get3A_2846 = arith.index_cast %get3A_2844 : i32 to index
        %get3A_2847 = arith.constant 48 : index
        %get3A_2848 = tpu.vector_load %arg12[%get3A_2845, %get3A_2846, %get3A_2847] {strides = array<i32>} : memref<16x20x64xf32, #tpu.memory_space<vmem>>, vector<1x1x16xf32>,
        %get3A_2849 = vector.shape_cast %get3A_2848 : vector<1x1x16xf32> to vector<16xf32>
        %mul3A_2850 = arith.mulf %get3A_2849, %get3A_831 : vector<16xf32>
        %add3A_2851 = arith.addf %add3A_2843, %mul3A_2850 : vector<16xf32>
        %lt3A_2852 = arith.constant 0 : i32
        %lt3A_2853 = vector.broadcast %lt3A_2852 : i32 to vector<16xi32>
        %lt3A_2854 = arith.cmpi slt, %xor3A_4, %lt3A_2853 : vector<16xi32>
        %add3A_2855 = arith.constant 16 : i32
        %add3A_2856 = vector.broadcast %add3A_2855 : i32 to vector<16xi32>
        %add3A_2857 = arith.addi %xor3A_4, %add3A_2856 : vector<16xi32>
        %select_n3A_2858 = arith.select %lt3A_2854, %add3A_2857, %xor3A_4 : vector<16xi1>, vector<16xi32>
        %broadcast_in_dim3A_2859 = vector.shape_cast %select_n3A_2858 : vector<16xi32> to vector<16x1xi32>
        %gather3A_2860 = vector.shape_cast %broadcast_in_dim3A_2859 : vector<16x1xi32> to vector<16xi32>
        %gather3A_2861 = tpu.dynamic_gather %add3A_2851[%gather3A_2860] in [0] : vector<16xf32>, vector<16xi32> -> vector<16xf32>
        %add3A_2862 = arith.addf %add3A_2851, %gather3A_2861 : vector<16xf32>
        %lt3A_2863 = arith.constant 0 : i32
        %lt3A_2864 = vector.broadcast %lt3A_2863 : i32 to vector<16xi32>
        %lt3A_2865 = arith.cmpi slt, %xor3A_7, %lt3A_2864 : vector<16xi32>
        %add3A_2866 = arith.constant 16 : i32
        %add3A_2867 = vector.broadcast %add3A_2866 : i32 to vector<16xi32>
        %add3A_2868 = arith.addi %xor3A_7, %add3A_2867 : vector<16xi32>
        %select_n3A_2869 = arith.select %lt3A_2865, %add3A_2868, %xor3A_7 : vector<16xi1>, vector<16xi32>
        %broadcast_in_dim3A_2870 = vector.shape_cast %select_n3A_2869 : vector<16xi32> to vector<16x1xi32>
        %gather3A_2871 = vector.shape_cast %broadcast_in_dim3A_2870 : vector<16x1xi32> to vector<16xi32>
        %gather3A_2872 = tpu.dynamic_gather %add3A_2862[%gather3A_2871] in [0] : vector<16xf32>, vector<16xi32> -> vector<16xf32>
        %add3A_2873 = arith.addf %add3A_2862, %gather3A_2872 : vector<16xf32>
        %lt3A_2874 = arith.constant 0 : i32
        %lt3A_2875 = vector.broadcast %lt3A_2874 : i32 to vector<16xi32>
        %lt3A_2876 = arith.cmpi slt, %xor3A_10, %lt3A_2875 : vector<16xi32>
        %add3A_2877 = arith.constant 16 : i32
        %add3A_2878 = vector.broadcast %add3A_2877 : i32 to vector<16xi32>
        %add3A_2879 = arith.addi %xor3A_10, %add3A_2878 : vector<16xi32>
        %select_n3A_2880 = arith.select %lt3A_2876, %add3A_2879, %xor3A_10 : vector<16xi1>, vector<16xi32>
        %broadcast_in_dim3A_2881 = vector.shape_cast %select_n3A_2880 : vector<16xi32> to vector<16x1xi32>
        %gather3A_2882 = vector.shape_cast %broadcast_in_dim3A_2881 : vector<16x1xi32> to vector<16xi32>
        %gather3A_2883 = tpu.dynamic_gather %add3A_2873[%gather3A_2882] in [0] : vector<16xf32>, vector<16xi32> -> vector<16xf32>
        %add3A_2884 = arith.addf %add3A_2873, %gather3A_2883 : vector<16xf32>
        %lt3A_2885 = arith.constant 0 : i32
        %lt3A_2886 = vector.broadcast %lt3A_2885 : i32 to vector<16xi32>
        %lt3A_2887 = arith.cmpi slt, %xor3A_13, %lt3A_2886 : vector<16xi32>
        %add3A_2888 = arith.constant 16 : i32
        %add3A_2889 = vector.broadcast %add3A_2888 : i32 to vector<16xi32>
        %add3A_2890 = arith.addi %xor3A_13, %add3A_2889 : vector<16xi32>
        %select_n3A_2891 = arith.select %lt3A_2887, %add3A_2890, %xor3A_13 : vector<16xi1>, vector<16xi32>
        %broadcast_in_dim3A_2892 = vector.shape_cast %select_n3A_2891 : vector<16xi32> to vector<16x1xi32>
        %gather3A_2893 = vector.shape_cast %broadcast_in_dim3A_2892 : vector<16x1xi32> to vector<16xi32>
        %gather3A_2894 = tpu.dynamic_gather %add3A_2884[%gather3A_2893] in [0] : vector<16xf32>, vector<16xi32> -> vector<16xf32>
        %add3A_2895 = arith.addf %add3A_2884, %gather3A_2894 : vector<16xf32>
        %eq3A_2896 = arith.constant 0 : i32
        %eq3A_2897 = vector.broadcast %eq3A_2896 : i32 to vector<16xi32>
        %eq3A_2898 = arith.cmpi eq, %iota3A, %eq3A_2897 : vector<16xi32>
        %select_n3A_2899 = arith.select %eq3A_2898, %add3A_2895, %broadcast_in_dim3A_1560 : vector<16xi1>, vector<16xf32>
        %get3A_2900 = arith.constant 17 : i32
        %get3A_2901 = arith.index_cast %add3A_816 : i32 to index
        %get3A_2902 = arith.index_cast %get3A_2900 : i32 to index
        %get3A_2903 = arith.constant 0 : index
        %get3A_2904 = tpu.vector_load %arg12[%get3A_2901, %get3A_2902, %get3A_2903] {strides = array<i32>} : memref<16x20x64xf32, #tpu.memory_space<vmem>>, vector<1x1x16xf32>,
        %get3A_2905 = vector.shape_cast %get3A_2904 : vector<1x1x16xf32> to vector<16xf32>
        %mul3A_2906 = arith.mulf %get3A_2905, %get3A_819 : vector<16xf32>
        %get3A_2907 = arith.constant 17 : i32
        %get3A_2908 = arith.index_cast %add3A_816 : i32 to index
        %get3A_2909 = arith.index_cast %get3A_2907 : i32 to index
        %get3A_2910 = arith.constant 16 : index
        %get3A_2911 = tpu.vector_load %arg12[%get3A_2908, %get3A_2909, %get3A_2910] {strides = array<i32>} : memref<16x20x64xf32, #tpu.memory_space<vmem>>, vector<1x1x16xf32>,
        %get3A_2912 = vector.shape_cast %get3A_2911 : vector<1x1x16xf32> to vector<16xf32>
        %mul3A_2913 = arith.mulf %get3A_2912, %get3A_823 : vector<16xf32>
        %add3A_2914 = arith.addf %mul3A_2906, %mul3A_2913 : vector<16xf32>
        %get3A_2915 = arith.constant 17 : i32
        %get3A_2916 = arith.index_cast %add3A_816 : i32 to index
        %get3A_2917 = arith.index_cast %get3A_2915 : i32 to index
        %get3A_2918 = arith.constant 32 : index
        %get3A_2919 = tpu.vector_load %arg12[%get3A_2916, %get3A_2917, %get3A_2918] {strides = array<i32>} : memref<16x20x64xf32, #tpu.memory_space<vmem>>, vector<1x1x16xf32>,
        %get3A_2920 = vector.shape_cast %get3A_2919 : vector<1x1x16xf32> to vector<16xf32>
        %mul3A_2921 = arith.mulf %get3A_2920, %get3A_827 : vector<16xf32>
        %add3A_2922 = arith.addf %add3A_2914, %mul3A_2921 : vector<16xf32>
        %get3A_2923 = arith.constant 17 : i32
        %get3A_2924 = arith.index_cast %add3A_816 : i32 to index
        %get3A_2925 = arith.index_cast %get3A_2923 : i32 to index
        %get3A_2926 = arith.constant 48 : index
        %get3A_2927 = tpu.vector_load %arg12[%get3A_2924, %get3A_2925, %get3A_2926] {strides = array<i32>} : memref<16x20x64xf32, #tpu.memory_space<vmem>>, vector<1x1x16xf32>,
        %get3A_2928 = vector.shape_cast %get3A_2927 : vector<1x1x16xf32> to vector<16xf32>
        %mul3A_2929 = arith.mulf %get3A_2928, %get3A_831 : vector<16xf32>
        %add3A_2930 = arith.addf %add3A_2922, %mul3A_2929 : vector<16xf32>
        %lt3A_2931 = arith.constant 0 : i32
        %lt3A_2932 = vector.broadcast %lt3A_2931 : i32 to vector<16xi32>
        %lt3A_2933 = arith.cmpi slt, %xor3A_4, %lt3A_2932 : vector<16xi32>
        %add3A_2934 = arith.constant 16 : i32
        %add3A_2935 = vector.broadcast %add3A_2934 : i32 to vector<16xi32>
        %add3A_2936 = arith.addi %xor3A_4, %add3A_2935 : vector<16xi32>
        %select_n3A_2937 = arith.select %lt3A_2933, %add3A_2936, %xor3A_4 : vector<16xi1>, vector<16xi32>
        %broadcast_in_dim3A_2938 = vector.shape_cast %select_n3A_2937 : vector<16xi32> to vector<16x1xi32>
        %gather3A_2939 = vector.shape_cast %broadcast_in_dim3A_2938 : vector<16x1xi32> to vector<16xi32>
        %gather3A_2940 = tpu.dynamic_gather %add3A_2930[%gather3A_2939] in [0] : vector<16xf32>, vector<16xi32> -> vector<16xf32>
        %add3A_2941 = arith.addf %add3A_2930, %gather3A_2940 : vector<16xf32>
        %lt3A_2942 = arith.constant 0 : i32
        %lt3A_2943 = vector.broadcast %lt3A_2942 : i32 to vector<16xi32>
        %lt3A_2944 = arith.cmpi slt, %xor3A_7, %lt3A_2943 : vector<16xi32>
        %add3A_2945 = arith.constant 16 : i32
        %add3A_2946 = vector.broadcast %add3A_2945 : i32 to vector<16xi32>
        %add3A_2947 = arith.addi %xor3A_7, %add3A_2946 : vector<16xi32>
        %select_n3A_2948 = arith.select %lt3A_2944, %add3A_2947, %xor3A_7 : vector<16xi1>, vector<16xi32>
        %broadcast_in_dim3A_2949 = vector.shape_cast %select_n3A_2948 : vector<16xi32> to vector<16x1xi32>
        %gather3A_2950 = vector.shape_cast %broadcast_in_dim3A_2949 : vector<16x1xi32> to vector<16xi32>
        %gather3A_2951 = tpu.dynamic_gather %add3A_2941[%gather3A_2950] in [0] : vector<16xf32>, vector<16xi32> -> vector<16xf32>
        %add3A_2952 = arith.addf %add3A_2941, %gather3A_2951 : vector<16xf32>
        %lt3A_2953 = arith.constant 0 : i32
        %lt3A_2954 = vector.broadcast %lt3A_2953 : i32 to vector<16xi32>
        %lt3A_2955 = arith.cmpi slt, %xor3A_10, %lt3A_2954 : vector<16xi32>
        %add3A_2956 = arith.constant 16 : i32
        %add3A_2957 = vector.broadcast %add3A_2956 : i32 to vector<16xi32>
        %add3A_2958 = arith.addi %xor3A_10, %add3A_2957 : vector<16xi32>
        %select_n3A_2959 = arith.select %lt3A_2955, %add3A_2958, %xor3A_10 : vector<16xi1>, vector<16xi32>
        %broadcast_in_dim3A_2960 = vector.shape_cast %select_n3A_2959 : vector<16xi32> to vector<16x1xi32>
        %gather3A_2961 = vector.shape_cast %broadcast_in_dim3A_2960 : vector<16x1xi32> to vector<16xi32>
        %gather3A_2962 = tpu.dynamic_gather %add3A_2952[%gather3A_2961] in [0] : vector<16xf32>, vector<16xi32> -> vector<16xf32>
        %add3A_2963 = arith.addf %add3A_2952, %gather3A_2962 : vector<16xf32>
        %lt3A_2964 = arith.constant 0 : i32
        %lt3A_2965 = vector.broadcast %lt3A_2964 : i32 to vector<16xi32>
        %lt3A_2966 = arith.cmpi slt, %xor3A_13, %lt3A_2965 : vector<16xi32>
        %add3A_2967 = arith.constant 16 : i32
        %add3A_2968 = vector.broadcast %add3A_2967 : i32 to vector<16xi32>
        %add3A_2969 = arith.addi %xor3A_13, %add3A_2968 : vector<16xi32>
        %select_n3A_2970 = arith.select %lt3A_2966, %add3A_2969, %xor3A_13 : vector<16xi1>, vector<16xi32>
        %broadcast_in_dim3A_2971 = vector.shape_cast %select_n3A_2970 : vector<16xi32> to vector<16x1xi32>
        %gather3A_2972 = vector.shape_cast %broadcast_in_dim3A_2971 : vector<16x1xi32> to vector<16xi32>
        %gather3A_2973 = tpu.dynamic_gather %add3A_2963[%gather3A_2972] in [0] : vector<16xf32>, vector<16xi32> -> vector<16xf32>
        %add3A_2974 = arith.addf %add3A_2963, %gather3A_2973 : vector<16xf32>
        %eq3A_2975 = arith.constant 1 : i32
        %eq3A_2976 = vector.broadcast %eq3A_2975 : i32 to vector<16xi32>
        %eq3A_2977 = arith.cmpi eq, %iota3A, %eq3A_2976 : vector<16xi32>
        %select_n3A_2978 = arith.select %eq3A_2977, %add3A_2974, %select_n3A_2899 : vector<16xi1>, vector<16xf32>
        %get3A_2979 = arith.constant 18 : i32
        %get3A_2980 = arith.index_cast %add3A_816 : i32 to index
        %get3A_2981 = arith.index_cast %get3A_2979 : i32 to index
        %get3A_2982 = arith.constant 0 : index
        %get3A_2983 = tpu.vector_load %arg12[%get3A_2980, %get3A_2981, %get3A_2982] {strides = array<i32>} : memref<16x20x64xf32, #tpu.memory_space<vmem>>, vector<1x1x16xf32>,
        %get3A_2984 = vector.shape_cast %get3A_2983 : vector<1x1x16xf32> to vector<16xf32>
        %mul3A_2985 = arith.mulf %get3A_2984, %get3A_819 : vector<16xf32>
        %get3A_2986 = arith.constant 18 : i32
        %get3A_2987 = arith.index_cast %add3A_816 : i32 to index
        %get3A_2988 = arith.index_cast %get3A_2986 : i32 to index
        %get3A_2989 = arith.constant 16 : index
        %get3A_2990 = tpu.vector_load %arg12[%get3A_2987, %get3A_2988, %get3A_2989] {strides = array<i32>} : memref<16x20x64xf32, #tpu.memory_space<vmem>>, vector<1x1x16xf32>,
        %get3A_2991 = vector.shape_cast %get3A_2990 : vector<1x1x16xf32> to vector<16xf32>
        %mul3A_2992 = arith.mulf %get3A_2991, %get3A_823 : vector<16xf32>
        %add3A_2993 = arith.addf %mul3A_2985, %mul3A_2992 : vector<16xf32>
        %get3A_2994 = arith.constant 18 : i32
        %get3A_2995 = arith.index_cast %add3A_816 : i32 to index
        %get3A_2996 = arith.index_cast %get3A_2994 : i32 to index
        %get3A_2997 = arith.constant 32 : index
        %get3A_2998 = tpu.vector_load %arg12[%get3A_2995, %get3A_2996, %get3A_2997] {strides = array<i32>} : memref<16x20x64xf32, #tpu.memory_space<vmem>>, vector<1x1x16xf32>,
        %get3A_2999 = vector.shape_cast %get3A_2998 : vector<1x1x16xf32> to vector<16xf32>
        %mul3A_3000 = arith.mulf %get3A_2999, %get3A_827 : vector<16xf32>
        %add3A_3001 = arith.addf %add3A_2993, %mul3A_3000 : vector<16xf32>
        %get3A_3002 = arith.constant 18 : i32
        %get3A_3003 = arith.index_cast %add3A_816 : i32 to index
        %get3A_3004 = arith.index_cast %get3A_3002 : i32 to index
        %get3A_3005 = arith.constant 48 : index
        %get3A_3006 = tpu.vector_load %arg12[%get3A_3003, %get3A_3004, %get3A_3005] {strides = array<i32>} : memref<16x20x64xf32, #tpu.memory_space<vmem>>, vector<1x1x16xf32>,
        %get3A_3007 = vector.shape_cast %get3A_3006 : vector<1x1x16xf32> to vector<16xf32>
        %mul3A_3008 = arith.mulf %get3A_3007, %get3A_831 : vector<16xf32>
        %add3A_3009 = arith.addf %add3A_3001, %mul3A_3008 : vector<16xf32>
        %lt3A_3010 = arith.constant 0 : i32
        %lt3A_3011 = vector.broadcast %lt3A_3010 : i32 to vector<16xi32>
        %lt3A_3012 = arith.cmpi slt, %xor3A_4, %lt3A_3011 : vector<16xi32>
        %add3A_3013 = arith.constant 16 : i32
        %add3A_3014 = vector.broadcast %add3A_3013 : i32 to vector<16xi32>
        %add3A_3015 = arith.addi %xor3A_4, %add3A_3014 : vector<16xi32>
        %select_n3A_3016 = arith.select %lt3A_3012, %add3A_3015, %xor3A_4 : vector<16xi1>, vector<16xi32>
        %broadcast_in_dim3A_3017 = vector.shape_cast %select_n3A_3016 : vector<16xi32> to vector<16x1xi32>
        %gather3A_3018 = vector.shape_cast %broadcast_in_dim3A_3017 : vector<16x1xi32> to vector<16xi32>
        %gather3A_3019 = tpu.dynamic_gather %add3A_3009[%gather3A_3018] in [0] : vector<16xf32>, vector<16xi32> -> vector<16xf32>
        %add3A_3020 = arith.addf %add3A_3009, %gather3A_3019 : vector<16xf32>
        %lt3A_3021 = arith.constant 0 : i32
        %lt3A_3022 = vector.broadcast %lt3A_3021 : i32 to vector<16xi32>
        %lt3A_3023 = arith.cmpi slt, %xor3A_7, %lt3A_3022 : vector<16xi32>
        %add3A_3024 = arith.constant 16 : i32
        %add3A_3025 = vector.broadcast %add3A_3024 : i32 to vector<16xi32>
        %add3A_3026 = arith.addi %xor3A_7, %add3A_3025 : vector<16xi32>
        %select_n3A_3027 = arith.select %lt3A_3023, %add3A_3026, %xor3A_7 : vector<16xi1>, vector<16xi32>
        %broadcast_in_dim3A_3028 = vector.shape_cast %select_n3A_3027 : vector<16xi32> to vector<16x1xi32>
        %gather3A_3029 = vector.shape_cast %broadcast_in_dim3A_3028 : vector<16x1xi32> to vector<16xi32>
        %gather3A_3030 = tpu.dynamic_gather %add3A_3020[%gather3A_3029] in [0] : vector<16xf32>, vector<16xi32> -> vector<16xf32>
        %add3A_3031 = arith.addf %add3A_3020, %gather3A_3030 : vector<16xf32>
        %lt3A_3032 = arith.constant 0 : i32
        %lt3A_3033 = vector.broadcast %lt3A_3032 : i32 to vector<16xi32>
        %lt3A_3034 = arith.cmpi slt, %xor3A_10, %lt3A_3033 : vector<16xi32>
        %add3A_3035 = arith.constant 16 : i32
        %add3A_3036 = vector.broadcast %add3A_3035 : i32 to vector<16xi32>
        %add3A_3037 = arith.addi %xor3A_10, %add3A_3036 : vector<16xi32>
        %select_n3A_3038 = arith.select %lt3A_3034, %add3A_3037, %xor3A_10 : vector<16xi1>, vector<16xi32>
        %broadcast_in_dim3A_3039 = vector.shape_cast %select_n3A_3038 : vector<16xi32> to vector<16x1xi32>
        %gather3A_3040 = vector.shape_cast %broadcast_in_dim3A_3039 : vector<16x1xi32> to vector<16xi32>
        %gather3A_3041 = tpu.dynamic_gather %add3A_3031[%gather3A_3040] in [0] : vector<16xf32>, vector<16xi32> -> vector<16xf32>
        %add3A_3042 = arith.addf %add3A_3031, %gather3A_3041 : vector<16xf32>
        %lt3A_3043 = arith.constant 0 : i32
        %lt3A_3044 = vector.broadcast %lt3A_3043 : i32 to vector<16xi32>
        %lt3A_3045 = arith.cmpi slt, %xor3A_13, %lt3A_3044 : vector<16xi32>
        %add3A_3046 = arith.constant 16 : i32
        %add3A_3047 = vector.broadcast %add3A_3046 : i32 to vector<16xi32>
        %add3A_3048 = arith.addi %xor3A_13, %add3A_3047 : vector<16xi32>
        %select_n3A_3049 = arith.select %lt3A_3045, %add3A_3048, %xor3A_13 : vector<16xi1>, vector<16xi32>
        %broadcast_in_dim3A_3050 = vector.shape_cast %select_n3A_3049 : vector<16xi32> to vector<16x1xi32>
        %gather3A_3051 = vector.shape_cast %broadcast_in_dim3A_3050 : vector<16x1xi32> to vector<16xi32>
        %gather3A_3052 = tpu.dynamic_gather %add3A_3042[%gather3A_3051] in [0] : vector<16xf32>, vector<16xi32> -> vector<16xf32>
        %add3A_3053 = arith.addf %add3A_3042, %gather3A_3052 : vector<16xf32>
        %eq3A_3054 = arith.constant 2 : i32
        %eq3A_3055 = vector.broadcast %eq3A_3054 : i32 to vector<16xi32>
        %eq3A_3056 = arith.cmpi eq, %iota3A, %eq3A_3055 : vector<16xi32>
        %select_n3A_3057 = arith.select %eq3A_3056, %add3A_3053, %select_n3A_2978 : vector<16xi1>, vector<16xf32>
        %get3A_3058 = arith.constant 19 : i32
        %get3A_3059 = arith.index_cast %add3A_816 : i32 to index
        %get3A_3060 = arith.index_cast %get3A_3058 : i32 to index
        %get3A_3061 = arith.constant 0 : index
        %get3A_3062 = tpu.vector_load %arg12[%get3A_3059, %get3A_3060, %get3A_3061] {strides = array<i32>} : memref<16x20x64xf32, #tpu.memory_space<vmem>>, vector<1x1x16xf32>,
        %get3A_3063 = vector.shape_cast %get3A_3062 : vector<1x1x16xf32> to vector<16xf32>
        %mul3A_3064 = arith.mulf %get3A_3063, %get3A_819 : vector<16xf32>
        %get3A_3065 = arith.constant 19 : i32
        %get3A_3066 = arith.index_cast %add3A_816 : i32 to index
        %get3A_3067 = arith.index_cast %get3A_3065 : i32 to index
        %get3A_3068 = arith.constant 16 : index
        %get3A_3069 = tpu.vector_load %arg12[%get3A_3066, %get3A_3067, %get3A_3068] {strides = array<i32>} : memref<16x20x64xf32, #tpu.memory_space<vmem>>, vector<1x1x16xf32>,
        %get3A_3070 = vector.shape_cast %get3A_3069 : vector<1x1x16xf32> to vector<16xf32>
        %mul3A_3071 = arith.mulf %get3A_3070, %get3A_823 : vector<16xf32>
        %add3A_3072 = arith.addf %mul3A_3064, %mul3A_3071 : vector<16xf32>
        %get3A_3073 = arith.constant 19 : i32
        %get3A_3074 = arith.index_cast %add3A_816 : i32 to index
        %get3A_3075 = arith.index_cast %get3A_3073 : i32 to index
        %get3A_3076 = arith.constant 32 : index
        %get3A_3077 = tpu.vector_load %arg12[%get3A_3074, %get3A_3075, %get3A_3076] {strides = array<i32>} : memref<16x20x64xf32, #tpu.memory_space<vmem>>, vector<1x1x16xf32>,
        %get3A_3078 = vector.shape_cast %get3A_3077 : vector<1x1x16xf32> to vector<16xf32>
        %mul3A_3079 = arith.mulf %get3A_3078, %get3A_827 : vector<16xf32>
        %add3A_3080 = arith.addf %add3A_3072, %mul3A_3079 : vector<16xf32>
        %get3A_3081 = arith.constant 19 : i32
        %get3A_3082 = arith.index_cast %add3A_816 : i32 to index
        %get3A_3083 = arith.index_cast %get3A_3081 : i32 to index
        %get3A_3084 = arith.constant 48 : index
        %get3A_3085 = tpu.vector_load %arg12[%get3A_3082, %get3A_3083, %get3A_3084] {strides = array<i32>} : memref<16x20x64xf32, #tpu.memory_space<vmem>>, vector<1x1x16xf32>,
        %get3A_3086 = vector.shape_cast %get3A_3085 : vector<1x1x16xf32> to vector<16xf32>
        %mul3A_3087 = arith.mulf %get3A_3086, %get3A_831 : vector<16xf32>
        %add3A_3088 = arith.addf %add3A_3080, %mul3A_3087 : vector<16xf32>
        %lt3A_3089 = arith.constant 0 : i32
        %lt3A_3090 = vector.broadcast %lt3A_3089 : i32 to vector<16xi32>
        %lt3A_3091 = arith.cmpi slt, %xor3A_4, %lt3A_3090 : vector<16xi32>
        %add3A_3092 = arith.constant 16 : i32
        %add3A_3093 = vector.broadcast %add3A_3092 : i32 to vector<16xi32>
        %add3A_3094 = arith.addi %xor3A_4, %add3A_3093 : vector<16xi32>
        %select_n3A_3095 = arith.select %lt3A_3091, %add3A_3094, %xor3A_4 : vector<16xi1>, vector<16xi32>
        %broadcast_in_dim3A_3096 = vector.shape_cast %select_n3A_3095 : vector<16xi32> to vector<16x1xi32>
        %gather3A_3097 = vector.shape_cast %broadcast_in_dim3A_3096 : vector<16x1xi32> to vector<16xi32>
        %gather3A_3098 = tpu.dynamic_gather %add3A_3088[%gather3A_3097] in [0] : vector<16xf32>, vector<16xi32> -> vector<16xf32>
        %add3A_3099 = arith.addf %add3A_3088, %gather3A_3098 : vector<16xf32>
        %lt3A_3100 = arith.constant 0 : i32
        %lt3A_3101 = vector.broadcast %lt3A_3100 : i32 to vector<16xi32>
        %lt3A_3102 = arith.cmpi slt, %xor3A_7, %lt3A_3101 : vector<16xi32>
        %add3A_3103 = arith.constant 16 : i32
        %add3A_3104 = vector.broadcast %add3A_3103 : i32 to vector<16xi32>
        %add3A_3105 = arith.addi %xor3A_7, %add3A_3104 : vector<16xi32>
        %select_n3A_3106 = arith.select %lt3A_3102, %add3A_3105, %xor3A_7 : vector<16xi1>, vector<16xi32>
        %broadcast_in_dim3A_3107 = vector.shape_cast %select_n3A_3106 : vector<16xi32> to vector<16x1xi32>
        %gather3A_3108 = vector.shape_cast %broadcast_in_dim3A_3107 : vector<16x1xi32> to vector<16xi32>
        %gather3A_3109 = tpu.dynamic_gather %add3A_3099[%gather3A_3108] in [0] : vector<16xf32>, vector<16xi32> -> vector<16xf32>
        %add3A_3110 = arith.addf %add3A_3099, %gather3A_3109 : vector<16xf32>
        %lt3A_3111 = arith.constant 0 : i32
        %lt3A_3112 = vector.broadcast %lt3A_3111 : i32 to vector<16xi32>
        %lt3A_3113 = arith.cmpi slt, %xor3A_10, %lt3A_3112 : vector<16xi32>
        %add3A_3114 = arith.constant 16 : i32
        %add3A_3115 = vector.broadcast %add3A_3114 : i32 to vector<16xi32>
        %add3A_3116 = arith.addi %xor3A_10, %add3A_3115 : vector<16xi32>
        %select_n3A_3117 = arith.select %lt3A_3113, %add3A_3116, %xor3A_10 : vector<16xi1>, vector<16xi32>
        %broadcast_in_dim3A_3118 = vector.shape_cast %select_n3A_3117 : vector<16xi32> to vector<16x1xi32>
        %gather3A_3119 = vector.shape_cast %broadcast_in_dim3A_3118 : vector<16x1xi32> to vector<16xi32>
        %gather3A_3120 = tpu.dynamic_gather %add3A_3110[%gather3A_3119] in [0] : vector<16xf32>, vector<16xi32> -> vector<16xf32>
        %add3A_3121 = arith.addf %add3A_3110, %gather3A_3120 : vector<16xf32>
        %lt3A_3122 = arith.constant 0 : i32
        %lt3A_3123 = vector.broadcast %lt3A_3122 : i32 to vector<16xi32>
        %lt3A_3124 = arith.cmpi slt, %xor3A_13, %lt3A_3123 : vector<16xi32>
        %add3A_3125 = arith.constant 16 : i32
        %add3A_3126 = vector.broadcast %add3A_3125 : i32 to vector<16xi32>
        %add3A_3127 = arith.addi %xor3A_13, %add3A_3126 : vector<16xi32>
        %select_n3A_3128 = arith.select %lt3A_3124, %add3A_3127, %xor3A_13 : vector<16xi1>, vector<16xi32>
        %broadcast_in_dim3A_3129 = vector.shape_cast %select_n3A_3128 : vector<16xi32> to vector<16x1xi32>
        %gather3A_3130 = vector.shape_cast %broadcast_in_dim3A_3129 : vector<16x1xi32> to vector<16xi32>
        %gather3A_3131 = tpu.dynamic_gather %add3A_3121[%gather3A_3130] in [0] : vector<16xf32>, vector<16xi32> -> vector<16xf32>
        %add3A_3132 = arith.addf %add3A_3121, %gather3A_3131 : vector<16xf32>
        %eq3A_3133 = arith.constant 3 : i32
        %eq3A_3134 = vector.broadcast %eq3A_3133 : i32 to vector<16xi32>
        %eq3A_3135 = arith.cmpi eq, %iota3A, %eq3A_3134 : vector<16xi32>
        %select_n3A_3136 = arith.select %eq3A_3135, %add3A_3132, %select_n3A_3057 : vector<16xi1>, vector<16xf32>
        %max3A_3137 = arith.constant -1.000000e+01 : f32
        %max3A_3138 = vector.broadcast %max3A_3137 : f32 to vector<16xf32>
        %max3A_3139 = arith.maximumf %select_n3A_2820, %max3A_3138 : vector<16xf32>
        %min3A_3140 = arith.constant 1.000000e+01 : f32
        %min3A_3141 = vector.broadcast %min3A_3140 : f32 to vector<16xf32>
        %min3A_3142 = arith.minimumf %max3A_3139, %min3A_3141 : vector<16xf32>
        %neg3A_3143 = arith.constant 0.000000e+00 : f32
        %neg3A_3144 = vector.broadcast %neg3A_3143 : f32 to vector<16xf32>
        %neg3A_3145 = arith.subf %neg3A_3144, %min3A_3142 : vector<16xf32>
        %abs3A_3146 = math.absf %neg3A_3145 : vector<16xf32>
        %neg3A_3147 = arith.constant 0.000000e+00 : f32
        %neg3A_3148 = vector.broadcast %neg3A_3147 : f32 to vector<16xf32>
        %neg3A_3149 = arith.subf %neg3A_3148, %abs3A_3146 : vector<16xf32>
        %exp3A_3150 = math.exp %neg3A_3149 : vector<16xf32>
        %add3A_3151 = arith.constant 2.000000e+00 : f32
        %add3A_3152 = vector.broadcast %add3A_3151 : f32 to vector<16xf32>
        %add3A_3153 = arith.addf %exp3A_3150, %add3A_3152 : vector<16xf32>
        %div3A_3154 = arith.divf %exp3A_3150, %add3A_3153 : vector<16xf32>
        %mul3A_3155 = arith.mulf %div3A_3154, %div3A_3154 : vector<16xf32>
        %mul3A_3156 = arith.constant 0.111111112 : f32
        %mul3A_3157 = vector.broadcast %mul3A_3156 : f32 to vector<16xf32>
        %mul3A_3158 = arith.mulf %mul3A_3155, %mul3A_3157 : vector<16xf32>
        %add3A_3159 = arith.constant 0.142857149 : f32
        %add3A_3160 = vector.broadcast %add3A_3159 : f32 to vector<16xf32>
        %add3A_3161 = arith.addf %add3A_3160, %mul3A_3158 : vector<16xf32>
        %mul3A_3162 = arith.mulf %mul3A_3155, %add3A_3161 : vector<16xf32>
        %add3A_3163 = arith.constant 2.000000e-01 : f32
        %add3A_3164 = vector.broadcast %add3A_3163 : f32 to vector<16xf32>
        %add3A_3165 = arith.addf %add3A_3164, %mul3A_3162 : vector<16xf32>
        %mul3A_3166 = arith.mulf %mul3A_3155, %add3A_3165 : vector<16xf32>
        %add3A_3167 = arith.constant 0.333333343 : f32
        %add3A_3168 = vector.broadcast %add3A_3167 : f32 to vector<16xf32>
        %add3A_3169 = arith.addf %add3A_3168, %mul3A_3166 : vector<16xf32>
        %mul3A_3170 = arith.mulf %mul3A_3155, %add3A_3169 : vector<16xf32>
        %add3A_3171 = arith.constant 1.000000e+00 : f32
        %add3A_3172 = vector.broadcast %add3A_3171 : f32 to vector<16xf32>
        %add3A_3173 = arith.addf %add3A_3172, %mul3A_3170 : vector<16xf32>
        %min3A_3174 = arith.constant 0.000000e+00 : f32
        %min3A_3175 = vector.broadcast %min3A_3174 : f32 to vector<16xf32>
        %min3A_3176 = arith.minimumf %neg3A_3145, %min3A_3175 : vector<16xf32>
        %mul3A_3177 = arith.mulf %div3A_3154, %add3A_3173 : vector<16xf32>
        %mul3A_3178 = arith.constant 2.000000e+00 : f32
        %mul3A_3179 = vector.broadcast %mul3A_3178 : f32 to vector<16xf32>
        %mul3A_3180 = arith.mulf %mul3A_3179, %mul3A_3177 : vector<16xf32>
        %sub3A_3181 = arith.subf %min3A_3176, %mul3A_3180 : vector<16xf32>
        %add3A_3182 = arith.addf %add3A_1556, %sub3A_3181 : vector<16xf32>
        %max3A_3183 = arith.constant -1.000000e+01 : f32
        %max3A_3184 = vector.broadcast %max3A_3183 : f32 to vector<16xf32>
        %max3A_3185 = arith.maximumf %select_n3A_3136, %max3A_3184 : vector<16xf32>
        %min3A_3186 = arith.constant 1.000000e+01 : f32
        %min3A_3187 = vector.broadcast %min3A_3186 : f32 to vector<16xf32>
        %min3A_3188 = arith.minimumf %max3A_3185, %min3A_3187 : vector<16xf32>
        %neg3A_3189 = arith.constant 0.000000e+00 : f32
        %neg3A_3190 = vector.broadcast %neg3A_3189 : f32 to vector<16xf32>
        %neg3A_3191 = arith.subf %neg3A_3190, %min3A_3188 : vector<16xf32>
        %abs3A_3192 = math.absf %neg3A_3191 : vector<16xf32>
        %neg3A_3193 = arith.constant 0.000000e+00 : f32
        %neg3A_3194 = vector.broadcast %neg3A_3193 : f32 to vector<16xf32>
        %neg3A_3195 = arith.subf %neg3A_3194, %abs3A_3192 : vector<16xf32>
        %exp3A_3196 = math.exp %neg3A_3195 : vector<16xf32>
        %add3A_3197 = arith.constant 2.000000e+00 : f32
        %add3A_3198 = vector.broadcast %add3A_3197 : f32 to vector<16xf32>
        %add3A_3199 = arith.addf %exp3A_3196, %add3A_3198 : vector<16xf32>
        %div3A_3200 = arith.divf %exp3A_3196, %add3A_3199 : vector<16xf32>
        %mul3A_3201 = arith.mulf %div3A_3200, %div3A_3200 : vector<16xf32>
        %mul3A_3202 = arith.constant 0.111111112 : f32
        %mul3A_3203 = vector.broadcast %mul3A_3202 : f32 to vector<16xf32>
        %mul3A_3204 = arith.mulf %mul3A_3201, %mul3A_3203 : vector<16xf32>
        %add3A_3205 = arith.constant 0.142857149 : f32
        %add3A_3206 = vector.broadcast %add3A_3205 : f32 to vector<16xf32>
        %add3A_3207 = arith.addf %add3A_3206, %mul3A_3204 : vector<16xf32>
        %mul3A_3208 = arith.mulf %mul3A_3201, %add3A_3207 : vector<16xf32>
        %add3A_3209 = arith.constant 2.000000e-01 : f32
        %add3A_3210 = vector.broadcast %add3A_3209 : f32 to vector<16xf32>
        %add3A_3211 = arith.addf %add3A_3210, %mul3A_3208 : vector<16xf32>
        %mul3A_3212 = arith.mulf %mul3A_3201, %add3A_3211 : vector<16xf32>
        %add3A_3213 = arith.constant 0.333333343 : f32
        %add3A_3214 = vector.broadcast %add3A_3213 : f32 to vector<16xf32>
        %add3A_3215 = arith.addf %add3A_3214, %mul3A_3212 : vector<16xf32>
        %mul3A_3216 = arith.mulf %mul3A_3201, %add3A_3215 : vector<16xf32>
        %add3A_3217 = arith.constant 1.000000e+00 : f32
        %add3A_3218 = vector.broadcast %add3A_3217 : f32 to vector<16xf32>
        %add3A_3219 = arith.addf %add3A_3218, %mul3A_3216 : vector<16xf32>
        %min3A_3220 = arith.constant 0.000000e+00 : f32
        %min3A_3221 = vector.broadcast %min3A_3220 : f32 to vector<16xf32>
        %min3A_3222 = arith.minimumf %neg3A_3191, %min3A_3221 : vector<16xf32>
        %mul3A_3223 = arith.mulf %div3A_3200, %add3A_3219 : vector<16xf32>
        %mul3A_3224 = arith.constant 2.000000e+00 : f32
        %mul3A_3225 = vector.broadcast %mul3A_3224 : f32 to vector<16xf32>
        %mul3A_3226 = arith.mulf %mul3A_3225, %mul3A_3223 : vector<16xf32>
        %sub3A_3227 = arith.subf %min3A_3222, %mul3A_3226 : vector<16xf32>
        %lt3A_3228 = arith.constant 4 : i32
        %lt3A_3229 = vector.broadcast %lt3A_3228 : i32 to vector<16xi32>
        %lt3A_3230 = arith.cmpi slt, %iota3A, %lt3A_3229 : vector<16xi32>
        %jit3A = arith.constant 0.000000e+00 : f32
        %broadcast_in_dim3A_3231 = vector.broadcast %jit3A : f32 to vector<16xf32>
        %select_n3A_3232 = arith.select %lt3A_3230, %sub3A_3227, %broadcast_in_dim3A_3231 : vector<16xi1>, vector<16xf32>
        %add3A_3233 = arith.addf %add3A_3182, %select_n3A_3232 : vector<16xf32>
        scf.yield %add3A_3233 : vector<16xf32>
      }
      %scan3A_810 = arith.constant 16 : i32
      scf.yield %scan3A_809 : vector<16xf32>
    }
    %scan3A_19 = arith.constant 32 : i32
    %swap3A = arith.constant 0 : index
    %swap3A_20 = tpu.vector_load %arg14[%swap3A] {strides = array<i32>} : memref<16xf32, #tpu.memory_space<vmem>>, vector<16xf32>,
    %swap3A_21 = vector.shape_cast %swap3A_20 : vector<16xf32> to vector<16xf32>
    %swap3A_22 = vector.shape_cast %scan3A_18 : vector<16xf32> to vector<16xf32>
    tpu.vector_store %arg14[%swap3A], %swap3A_22 {strides = array<i32>} : memref<16xf32, #tpu.memory_space<vmem>>, vector<16xf32>,
    "tpu.region"() ({
      %run_scoped3A = tpu.sem_alloc : memref<!tpu.dma_semaphore, #tpu.memory_space<semaphore_mem>>
      %dma_start3A = arith.constant 0 : i32
      %dma_start3A_23 = tpu.memref_slice %arg7[%add3A, %dma_start3A] : memref<32x16xf32, #tpu.memory_space<hbm>> -> memref<1x16xf32, #tpu.memory_space<hbm>>
      %dma_start3A_24 = tpu.memref_squeeze %dma_start3A_23 : memref<1x16xf32, #tpu.memory_space<hbm>> -> memref<16xf32, #tpu.memory_space<hbm>>
      %dma_start3A_25 = arith.constant 0 : i32
      %dma_start3A_26 = tpu.memref_slice %arg7[%add3A, %dma_start3A_25] : memref<32x16xf32, #tpu.memory_space<hbm>> -> memref<1x16xf32, #tpu.memory_space<hbm>>
      %dma_start3A_27 = tpu.memref_squeeze %dma_start3A_26 : memref<1x16xf32, #tpu.memory_space<hbm>> -> memref<16xf32, #tpu.memory_space<hbm>>
      tpu.enqueue_dma source(%arg14 : memref<16xf32, #tpu.memory_space<vmem>>) target(%dma_start3A_27 : memref<16xf32, #tpu.memory_space<hbm>>) target_semaphore(%run_scoped3A : memref<!tpu.dma_semaphore, #tpu.memory_space<semaphore_mem>>)
      %dma_wait3A = arith.constant 0 : i32
      %dma_wait3A_28 = tpu.memref_slice %arg7[%add3A, %dma_wait3A] : memref<32x16xf32, #tpu.memory_space<hbm>> -> memref<1x16xf32, #tpu.memory_space<hbm>>
      %dma_wait3A_29 = tpu.memref_squeeze %dma_wait3A_28 : memref<1x16xf32, #tpu.memory_space<hbm>> -> memref<16xf32, #tpu.memory_space<hbm>>
      %dma_wait3A_30 = arith.constant 0 : i32
      %dma_wait3A_31 = tpu.memref_slice %arg7[%add3A, %dma_wait3A_30] : memref<32x16xf32, #tpu.memory_space<hbm>> -> memref<1x16xf32, #tpu.memory_space<hbm>>
      %dma_wait3A_32 = tpu.memref_squeeze %dma_wait3A_31 : memref<1x16xf32, #tpu.memory_space<hbm>> -> memref<16xf32, #tpu.memory_space<hbm>>
      tpu.wait_dma2 semaphore(%run_scoped3A : memref<!tpu.dma_semaphore, #tpu.memory_space<semaphore_mem>>) src(%arg14 : memref<16xf32, #tpu.memory_space<vmem>>) dst(%dma_wait3A_32 : memref<16xf32, #tpu.memory_space<hbm>>)
      tpu.yield
    }) : () -> ()
    return
  }
}

</mosaic_0001>

<sc_bundles>
// kernel: kernel.3.cloned.1.call-start
scs
__scs_entry_jumppad:
0x0: {  	(pc) =	sbr.rel $0x88, $3  }
0x1: {  	(tag) =	ssettag $0x0;
	lr =	simm.s32 $0x1  }
0x2: {  	[smem:$0x3F9C] =	sst lr;
	_ =	strace $0xD0000000  }
0x3: {  	_ = 	snop  }
0x4: {  	_ = 	snop  }
0x5: {  	_ = 	snop  }
0x6: {  	_ = 	snop  }
0x7: {  	_ = 	snop  }
__scs_overlays_trampoline_lowered:
0x8: {  	[smem:$0x3FAB] =	sst s0  }
0x9: {  	[smem:$0x3FAC] =	sst s1  }
0xa: {  	[smem:$0x3FAD] =	sst s2  }
0xb: {  	[smem:$0x3FAE] =	sst s3  }
0xc: {  	[smem:$0x3FAF] =	sst s4  }
0xd: {  	[smem:$0x3FB0] =	sst s5  }
0xe: {  	[smem:$0x3FB1] =	sst s6  }
0xf: {  	[smem:$0x3FB2] =	sst s7  }
0x10: {  	[smem:$0x3FB3] =	sst s8  }
0x11: {  	[smem:$0x3FB4] =	sst s9;
	s0 =	simm.s32 @!p0 $0x0  }
0x12: {  	s1 =	sld [smem:$0x3F9A];
	s0 =	simm.s32 @p0 $0x1  }
0x13: {  	[smem:$0x3FB5] =	sst s0;
	s0 =	simm.s32 @!p1 $0x0  }
0x14: {  	s2 =	sld [smem:$0x3F99];
	s0 =	simm.s32 @p1 $0x1  }
0x15: {  	[smem:$0x3FB6] =	sst s0;
	s0 =	simm.s32 @!p2 $0x0  }
0x16: {  	s3 =	sld [smem:$0x3FDB];
	s0 =	simm.s32 @p2 $0x1  }
0x17: {  	s4 =	simm.s32 $0x1BF5;
	[smem:$0x3FB8] =	sst s0  }
0x18: {  	s0 =	sld [smem:$0x3F9B];
	_ =	swait.ge [sflag:s4], $0x0  }
0x19: {  	s7 =	sld [smem:$0x3F9C]  }
0x1a: {  	s8 =	sadd.s32 $0xFFFFE003, lr  }
0x1b: {  	s9 =	sadd.s32 $0xFFFFFEF7, lr;
	s5 =	simm.s32 $0xFFFFFFFF;
	p2 =	slt.u32 s8, $0xFFFFF086  }
0x1c: {  	p1 =	slt.u32 s9, $0xF7A;
	s5 =	simm.s32 @!p2 $0x0  }
0x1d: {  	s5 =	simm.s32 @p1 $0x1;
	p0 =	seq.s32 s7, s2  }
0x1e: {  	s7 =	smul.u32 @!p0 $0xF7A, s2;
	p2 =	seq.s32 @!p0 s5, $0x0  }
0x1f: {  	s9 =	smul.u32 $0xF7A, s1;
	s8 =	simm.s32 @!p0 $0x1BF5;
	p2 =	por !p2, p0  }
0x20: {  	[sflag:s8] =	ssyncset.s32 @!p0 $0xFFFFF086;
	s6 =	sadd.s32 @!p0 s3, s7;
	s7 =	simm.s32 @!p0 $0x108  }
0x21: {  	s3 =	sadd.s32 s3, s9;
	s6 =	sadd.s32 @!p0 $0x88, s6;
	s7 =	simm.s32 @p2 $0x1082  }
0x22: {  	[simem:s7], [sflag:s8] =	dma.local @!p0 [hbm:s6], $0xF7A  }
0x23: {  	s9 =	sor.u32 $0xD0000000, s2;
	s6 =	simm.s32 $0x108;
	_ =	swait.ge @!p0 [sflag:s8], $0x0  }
0x24: {  	s3 =	sadd.s32 $0x88, s3;
	s6 =	simm.s32 @!p1 $0x1082;
	[sflag:s4] =	ssyncset.s32 $0xFFFFF086  }
0x25: {  	[simem:s6], [sflag:s4] =	dma.local [hbm:s3], $0xF7A  }
0x26: {  	[smem:$0x3F9C] =	sst s1;
	(tag) =	ssettag s2;
	_ =	strace s9  }
0x27: {  	s1 =	sld [smem:$0x3FAC]  }
0x28: {  	s2 =	sld [smem:$0x3FAD]  }
0x29: {  	s4 =	sld [smem:$0x3FAF]  }
0x2a: {  	p0 =	seq.s32 s5, $0x0;
	s5 =	sld [smem:$0x3FB0]  }
0x2b: {  	s6 =	sld [smem:$0x3FB1]  }
0x2c: {  	s7 =	sld [smem:$0x3FB2]  }
0x2d: {  	s3 =	simm.s32 $0x108;
	s8 =	sld [smem:$0x3FB3]  }
0x2e: {  	s3 =	simm.s32 @!p0 $0x1082;
	s9 =	sld [smem:$0x3FB4]  }
0x2f: {  	lr =	sadd.s32 s0, s3;
	s0 =	sld [smem:$0x3FAB]  }
0x30: {  	s3 =	sld [smem:$0x3FAE]  }
0x31: {  	[smem:$0x3FB7] =	sst s10  }
0x32: {  	s10 =	sld [smem:$0x3FB5];
	_ =	sdelay $0x3  }
0x33: {  	p0 =	seq.s32 s10, $0x1;
	s10 =	sld [smem:$0x3FB7];
	_ =	sdelay $0x3  }
0x34: {  	[smem:$0x3FB7] =	sst s10  }
0x35: {  	s10 =	sld [smem:$0x3FB6];
	_ =	sdelay $0x3  }
0x36: {  	p1 =	seq.s32 s10, $0x1;
	s10 =	sld [smem:$0x3FB7];
	_ =	sdelay $0x3  }
0x37: {  	[smem:$0x3FB7] =	sst s10  }
0x38: {  	s10 =	sld [smem:$0x3FB8]  }
0x39: {  	_ = 	snop;
	(pc) =	sbr.ind lr, $3  }
0x3a: {  	_ = 	snop  }
0x3b: {  	_ = 	snop  }
0x3c: {  	p2 =	seq.s32 s10, $0x1;
	s10 =	sld [smem:$0x3FB7]  }
0x3d: {  	_ =	shalt  }
0x3e: {  	_ =	shalt  }
0x3f: {  	_ =	shalt  }
0x40: {  	_ =	shalt  }
0x41: {  	_ =	shalt  }
0x42: {  	_ =	shalt  }
0x43: {  	_ =	shalt  }
0x44: {  	_ =	shalt  }
0x45: {  	_ =	shalt  }
0x46: {  	_ =	shalt  }
0x47: {  	_ =	shalt  }
0x48: {  	_ =	shalt  }
0x49: {  	_ =	shalt  }
0x4a: {  	_ =	shalt  }
0x4b: {  	_ =	shalt  }
0x4c: {  	_ =	shalt  }
0x4d: {  	_ =	shalt  }
0x4e: {  	_ =	shalt  }
0x4f: {  	_ =	shalt  }
0x50: {  	_ =	shalt  }
0x51: {  	_ =	shalt  }
0x52: {  	_ =	shalt  }
0x53: {  	_ =	shalt  }
0x54: {  	_ =	shalt  }
0x55: {  	_ =	shalt  }
0x56: {  	_ =	shalt  }
0x57: {  	_ =	shalt  }
0x58: {  	_ =	shalt  }
0x59: {  	_ =	shalt  }
0x5a: {  	_ =	shalt  }
0x5b: {  	_ =	shalt  }
0x5c: {  	_ =	shalt  }
0x5d: {  	_ =	shalt  }
0x5e: {  	_ =	shalt  }
0x5f: {  	_ =	shalt  }
0x60: {  	_ =	shalt  }
0x61: {  	_ =	shalt  }
0x62: {  	_ =	shalt  }
0x63: {  	_ =	shalt  }
0x64: {  	_ =	shalt  }
0x65: {  	_ =	shalt  }
0x66: {  	_ =	shalt  }
0x67: {  	_ =	shalt  }
0x68: {  	_ =	shalt  }
0x69: {  	_ =	shalt  }
0x6a: {  	_ =	shalt  }
0x6b: {  	_ =	shalt  }
0x6c: {  	_ =	shalt  }
0x6d: {  	_ =	shalt  }
0x6e: {  	_ =	shalt  }
0x6f: {  	_ =	shalt  }
0x70: {  	_ =	shalt  }
0x71: {  	_ =	shalt  }
0x72: {  	_ =	shalt  }
0x73: {  	_ =	shalt  }
0x74: {  	_ =	shalt  }
0x75: {  	_ =	shalt  }
0x76: {  	_ =	shalt  }
0x77: {  	_ =	shalt  }
0x78: {  	_ =	shalt  }
0x79: {  	_ =	shalt  }
0x7a: {  	_ =	shalt  }
0x7b: {  	_ =	shalt  }
0x7c: {  	_ =	shalt  }
0x7d: {  	_ =	shalt  }
0x7e: {  	_ =	shalt  }
0x7f: {  	_ =	shalt  }
0x80: {  	_ =	shalt  }
0x81: {  	_ =	shalt  }
0x82: {  	_ =	shalt  }
0x83: {  	_ =	shalt  }
0x84: {  	_ =	shalt  }
0x85: {  	_ =	shalt  }
0x86: {  	_ =	shalt  }
0x87: {  	_ =	shalt  }
.Lfunc_end0:
.L_simem_size_0:
called_computation_lowered:
.L_overlay_start_0:
0x88: {  	s2 =	sld [smem:$0x3FD9]  }
0x89: {  	s3 =	sld [smem:$0x3FFE];
	_ =	sdelay $0x1  }
0x8a: {  	s1 =	srdreg.scid  }
0x8b: {  	s0 =	sand.u32 $0x1, s1  }
0x8c: {  	s17 =	sshll.u32 s0, $0xA;
	s2 =	sadd.s32 s3, s2  }
0x8d: {  	s2 =	sadd.s32 s2, s17  }
0x8e: {  	[smem:$0x3FC3] =	sst s2  }
0x8f: {  	_ = 	snop  }
0x90: {  	s2 =	sld [smem:$0x3FC8];
	(tm) =	ssettm $0x1  }
0x91: {  	s18 =	sld [smem:$0x3FFB];
	_ =	sdelay $0x3  }
0x92: {  	_ =	strace s18  }
0x93: {  	s3 =	sld [smem:$0x3FFC];
	_ =	sdelay $0x3  }
0x94: {  	_ =	strace s3  }
0x95: {  	s3 =	sld [smem:$0x3FFD];
	_ =	sdelay $0x3  }
0x96: {  	_ =	strace s3  }
0x97: {  	_ =	strace $0x8FFFFFFF  }
0x98: {  	s19 =	sld [smem:$0x3FDB];
	_ =	sdelay $0x1  }
0x99: {  	s4 =	simm.s32 $_scs_section_size  }
0x9a: {  	s5 =	simm.s32 $_size__tile_overlayer_lowered;
	s6 =	simm.s32 $_tile_overlayer_lowered  }
0x9b: {  	s22 =	simm.s32 $0x1BFF;
	s21 =	sshll.u32 s6, $0x1;
	s3 =	sadd.s32 s4, s19  }
0x9c: {  	s7 =	simm.s32 $0x0;
	s20 =	sshll.u32 s5, $0x1;
	s5 =	sadd.s32 s21, s3  }
0x9d: {  	[timem:s7], [sflag:s22] =	dma.local [hbm:s5], s20  }
0x9e: {  	_ =	swait.ge [sflag:s22], s20  }
0x9f: {  	s4 =	ssub.s32 $0x0, s20;
	[sflag:s22] =	ssyncset.done $0x0  }
0xa0: {  	[sflag:s22] =	ssyncadd.s32 s4;
	_ =	sdelay $0x1  }
0xa1: {  	s23 =	simm.s32 $0x1B8B  }
0xa2: {  	_ =	swait.ge [sflag:s23], $0x1  }
0xa3: {  	[sflag:s23] =	ssyncset.done $0x0  }
0xa4: {  	s25 =	simm.s32 $0x1B8E;
	s24 =	sld [smem:$0x3FFE];
	[sflag:s23] =	ssyncadd.s32 $0xFFFFFFFF  }
0xa5: {  	s26 =	simm.s32 $execute0_lowered;
	[smem:$0x3FD2] =	sst s25  }
0xa6: {  	s5 =	sshll.u32 s26, $0x1;
	_ =	strace $0x80000046;
	[dreg:$0x1] =	wrdreg $0xFFFFFFFF  }
0xa7: {  	s28 =	simm.s32 $_size_execute0_lowered;
	s3 =	sadd.s32 s3, s5;
	[dreg:$0x0] =	wrdreg $0x0  }
0xa8: {  	s5 =	sshll.u32 s28, $0x1;
	[dreg:$0x2] =	wrdreg s3  }
0xa9: {  	[dreg:$0x3] =	wrdreg s5  }
0xaa: {  	[dreg:$0x4] =	wrdreg $0xC0  }
0xab: {  	_ =	task [dreg:s7], $0x5FFFF  }
0xac: {  	[dreg:$0x1] =	wrdreg $0xFFFFFFFF  }
0xad: {  	[dreg:$0x0] =	wrdreg $0x60  }
0xae: {  	[dreg:$0x2] =	wrdreg s24  }
0xaf: {  	[dreg:$0x3] =	wrdreg s2  }
0xb0: {  	[dreg:$0x4] =	wrdreg $0x9  }
0xb1: {  	_ =	task.clear_ibuf [dreg:s7], $0x5FFFF;
	_ =	strace $0x90000046  }
0xb2: {  	s29 =	simm.s32 $0x9;
	_ =	strace $0x80000048  }
0xb3: {  	_ =	swait.ge [sflag:s29], $0x1  }
0xb4: {  	[sflag:s29] =	ssyncadd.s32 $0xFFFFFFFF  }
0xb5: {  	_ =	strace $0x90000048  }
0xb6: {  	_ =	sfence  }
0xb7: {  	s30 =	sld [smem:$0x0];
	_ =	sdelay $0x2  }
0xb8: {  	s31 =	sshll.u32 s1, $0xD;
	s1 =	sshrl.u32 s1, $0x2  }
0xb9: {  	s3 =	sand.u32 $0x4000, s31;
	s1 =	sadd.s32 s1, s30  }
0xba: {  	s0 =	sor.u32 s3, s0;
	s1 =	sshll.u32 s1, $0x11  }
0xbb: {  	s0 =	sor.u32 s1, s0  }
0xbc: {  	s0 =	sadd.s32 $0x8F2B, s0  }
0xbd: {  	[sflag:s0] =	ssyncadd.remote.s32 $0x1  }
0xbe: {  	_ =	sfence.sel $0xFFFF  }
0xbf: {  	[dreg:$0x0] =	wrdreg $0xFFFFFFFF;
	(pc) =	sbr.abs _section_cstart, $3  }
0xc0: {  	[dreg:$0x1] =	wrdreg $0xFFFFFFFF  }
0xc1: {  	_ =	task.clear_ibuf [dreg:s7], $0x2FFFF;
	_ =	strace $0x9FFFFFFF  }
0xc2: {  	(tm) =	ssettm $0x7FFFFFFF  }
0xc3: {  	_ =	shalt  }
tec
execute0_lowered:
.L_overlay_start_1:
0x0: {  	(tag) =	ssettag $0x1  }
0x1: {  	s0 =	srdreg.scid;
	s1 =	rddreg [dreg:$0x0];
	v0 =	vimm.s32 $0xEFCDAB89  }
0x2: {  	s2 =	stileid.u32;
	s5 =	rddreg [dreg:$0x1];
	s21 =	simm.s32 $0x0;
	v1 =	vimm.s32 $0x67452301;
	v2 =	vimm.s32 $0xDCFE98BA;
	v3 =	vimm.s32 $0x54761032  }
0x3: {  	s23 =	simm.s32 $0x2;
	v4 =	vimm.s32 $0xBA98FEDC;
	v5 =	vimm.s32 $0x32107654;
	s15 =	simm.s32 $0x14;
	s28 =	simm.s32 $0xCB00  }
0x4: {  	v6 =	vimm.s32 $0xFEDCBA98;
	s29 =	simm.s32 $0x8000;
	s30 =	simm.s32 $0xD000;
	s31 =	simm.s32 $0x8500  }
0x5: {  	v7 =	vimm.s32 $0x76543210;
	vm1 =	vmmov $0x1;
	vm2 =	vmmov $0x3;
	s11 =	simm.s32 $0xDA00;
	s12 =	simm.s32 $0x8F00;
	s8 =	simm.s32 $0x9900  }
0x6: {  	vm5 =	vmmov $0x7;
	vm3 =	vmmov $0xf;
	vm6 =	vmmov $0x1f;
	s9 =	simm.s32 $0xE900;
	s10 =	simm.s32 $0xEE00;
	s13 =	simm.s32 $0xA300  }
0x7: {  	vm7 =	vmmov $0x3f;
	vm8 =	vmmov $0x7f;
	vm9 =	vmmov $0xff;
	s14 =	simm.s32 $0xF300;
	s16 =	simm.s32 $0xA800;
	s17 =	simm.s32 $0xF800  }
0x8: {  	vm10 =	vmmov $0x1ff;
	s18 =	simm.s32 $0xAD00;
	s19 =	simm.s32 $0xFD00;
	s20 =	simm.s32 $0x1;
	v0 =	vunpack.c.l.s4.s8 v0;
	v1 =	vunpack.c.l.s4.s8 v1  }
0x9: {  	s24 =	simm.s32 $0x0;
	s0 =	sand.u32 $0x1, s0;
	s2 =	sshll.u32 s2, $0x1;
	v2 =	vunpack.c.l.s4.s8 v2;
	v3 =	vunpack.c.l.s4.s8 v3;
	v4 =	vunpack.c.l.s4.s8 v4  }
0xa: {  	[smem:$0x7FF] =	sst s21;
	s4 =	sadd.s32 $0xF42800, s1;
	v5 =	vunpack.c.l.s4.s8 v5;
	s2 =	sor.u32 s0, s2;
	v0 =	vunpack.c.0.s8.s32 v0;
	v1 =	vunpack.c.0.s8.s32 v1  }
0xb: {  	vm11 =	vmmov $0x3ff;
	_ =	strace $0x80000047;
	s0 =	ssub.s32 $0x2, s0;
	s3 =	smul.u32 $0x600, s2;
	v2 =	vunpack.c.0.s8.s32 v2;
	v3 =	vunpack.c.0.s8.s32 v3  }
0xc: {  	s7 =	sshll.u32 s2, $0x1;
	s25 =	sshrl.u32 s0, $0x1;
	s2 =	sshll.u32 s2, $0x6;
	v4 =	vunpack.c.0.s8.s32 v4;
	v5 =	vunpack.c.0.s8.s32 v5;
	v0 =	vcombine.low v1, v0  }
0xd: {  	vm12 =	vmmov $0x7ff;
	vm13 =	vmmov $0xfff;
	s0 =	ssub.s32 s0, s25;
	s2 =	sadd.s32 s5, s2;
	s5 =	simm.s32 $0xDF00;
	v2 =	vcombine.low v3, v2  }
0xe: {  	v6 =	vunpack.c.l.s4.s8 v6;
	s6 =	sadd.s32 s3, s1;
	[dreg:$0x5] =	wrdreg s2;
	s0 =	smax.u32 s0, $0x1;
	v56 =	vcombine.low v5, v4;
	v60 =	vand.u32 $0xF, v0  }
0xf: {  	vm4 =	vmmov $0x3fff;
	v7 =	vunpack.c.l.s4.s8 v7;
	s3 =	sadd.s32 $0x16E3A00, s1;
	s26 =	sadd.s32 $0xC400, s6;
	[dreg:$0x7] =	wrdreg s0;
	v61 =	vand.u32 $0xF, v2;
	[tilespmem:$0x1FFB0] =	vst v60  }
0x10: {  	v59 =	vimm.s32 $0x0;
	v55 =	vunpack.c.0.s8.s32 v6;
	s1 =	sadd.s32 s7, s1;
	s6 =	sadd.s32 $0x400, s6;
	[dreg:$0x3] =	wrdreg s26;
	v54 =	vand.u32 $0xF, v56;
	[tilespmem:$0x1FFC0] =	vst v61  }
0x11: {  	v62 =	vimm.s32 $0x0;
	v57 =	vunpack.c.0.s8.s32 v7;
	s7 =	simm.s32 $0xE400;
	s1 =	sadd.s32 $0x18400, s1;
	[dreg:$0x4] =	wrdreg s6;
	v0 =	vsel vm4, $0xFFFFFFFF, v59;
	[tilespmem:$0x1FFD0] =	vst v54  }
0x12: {  	vm14 =	vmmov $0x1fff;
	v58 =	vand.u32 $0xF, v55;
	s2 =	simm.s32 $0x9E00;
	s0 =	simm.s32 $0x8A00;
	[dreg:$0x6] =	wrdreg s1;
	[tilespmem:$0x1FFE0] =	vst v0;
	v0 =	vsel vm2, $0xFFFFFFFF, v62  }
0x13: {  	vm15 =	vmmov $0x7fff;
	vm0 =	vcmask $0x710;
	v63 =	vcombine.low v58, v57;
	s26 =	simm.s32 $0x7B00;
	s1 =	simm.s32 $0xD500;
	s6 =	simm.s32 $0x9400;
	[tilespmem:$0x1FFF0] =	vst v0  }
.LBB2_1:
0x14: {  	[dreg:$0x8] =	wrdreg s24  }
0x15: {  	s22 =	rddreg [dreg:$0x3]  }
0x16: {  	[tilespmem:s21], [sflag:$0x2] =	stream.linear.gather [hbm4b:s22+s21], $0x3000, $0x38;
	[tilespmem:$0x10610] =	vst v63  }
0x17: {  	_ =	swait.ge [sflag:s23], $0x3000  }
0x18: {  	[sflag:s23] =	ssyncset.done $0x0  }
0x19: {  	s25 =	simm.s32 $0x3000;
	s24 =	rddreg [dreg:$0x4];
	[sflag:s23] =	ssyncadd.s32 $0xFFFFD000  }
0x1a: {  	[tilespmem:s25], [sflag:$0x2] =	stream.linear.gather [hbm4b:s24+s21], $0x3000, $0x38;
	[tilespmem:$0x10610] =	vst v63  }
0x1b: {  	_ =	swait.ge [sflag:s23], $0x3000  }
0x1c: {  	[sflag:s23] =	ssyncset.done $0x0  }
0x1d: {  	s25 =	simm.s32 $0x6000;
	s24 =	rddreg [dreg:$0x5];
	[sflag:s23] =	ssyncadd.s32 $0xFFFFD000  }
0x1e: {  	[tilespmem:s25], [sflag:$0x2] =	stream.linear.gather [hbm4b:s24+s21], $0x200, $0x38;
	[tilespmem:$0x10610] =	vst v63  }
0x1f: {  	_ =	swait.ge [sflag:s23], $0x200  }
0x20: {  	[sflag:s23] =	ssyncset.done $0x0  }
0x21: {  	v0 =	vimm.f32 $0.0e+00;
	s21 =	simm.s32 $0x0;
	[sflag:s23] =	ssyncadd.s32 $0xFFFFFE00  }
.LBB2_2:
0x22: {  	s22 =	sshll.u32 s21, $0x4  }
0x23: {  	s22 =	sand.u32 $0x3FFFFFF0, s22  }
0x24: {  	s23 =	simm.s32 $0x10;
	s24 =	simm.s32 $0x10200;
	s22 =	sadd.s32 $0x6000, s22  }
0x25: {  	[tilespmem:s24], [sflag:$0x1] =	stream.indirect.gather [hbm4b:s4+s23], $0x40, s22, s23, $0xb8;
	[tilespmem:$0x10610] =	vst v63  }
0x26: {  	s22 =	smul.u32 $0x180, s21  }
0x27: {  	s25 =	simm.s32 $0x6200  }
0x28: {  	[tilespmem:s25], [sflag:$0x1] =	stream.indirect.gather [hbm4b:s3+s15], $0x40, s22, s15, $0xb8;
	[tilespmem:$0x10610] =	vst v63  }
0x29: {  	s24 =	sadd.s32 $0x3000, s22;
	s25 =	simm.s32 $0xB200  }
0x2a: {  	[tilespmem:s25], [sflag:$0x1] =	stream.indirect.gather [hbm4b:s4+s15], $0x40, s24, s15, $0xb8;
	[tilespmem:$0x10610] =	vst v63  }
0x2b: {  	s24 =	sor.u32 $0x18, s22;
	s25 =	simm.s32 $0x6700  }
0x2c: {  	[tilespmem:s25], [sflag:$0x1] =	stream.indirect.gather [hbm4b:s3+s15], $0x40, s24, s15, $0xb8;
	[tilespmem:$0x10610] =	vst v63  }
0x2d: {  	s24 =	sadd.s32 $0x3018, s22;
	s25 =	simm.s32 $0xB700  }
0x2e: {  	[tilespmem:s25], [sflag:$0x1] =	stream.indirect.gather [hbm4b:s4+s15], $0x40, s24, s15, $0xb8;
	[tilespmem:$0x10610] =	vst v63  }
0x2f: {  	s24 =	sor.u32 $0x30, s22;
	s25 =	simm.s32 $0x6C00  }
0x30: {  	[tilespmem:s25], [sflag:$0x1] =	stream.indirect.gather [hbm4b:s3+s15], $0x40, s24, s15, $0xb8;
	[tilespmem:$0x10610] =	vst v63  }
0x31: {  	s24 =	sadd.s32 $0x3030, s22;
	s25 =	simm.s32 $0xBC00  }
0x32: {  	[tilespmem:s25], [sflag:$0x1] =	stream.indirect.gather [hbm4b:s4+s15], $0x40, s24, s15, $0xb8;
	[tilespmem:$0x10610] =	vst v63  }
0x33: {  	s24 =	sor.u32 $0x48, s22;
	s25 =	simm.s32 $0x7100  }
0x34: {  	[tilespmem:s25], [sflag:$0x1] =	stream.indirect.gather [hbm4b:s3+s15], $0x40, s24, s15, $0xb8;
	[tilespmem:$0x10610] =	vst v63  }
0x35: {  	s24 =	sadd.s32 $0x3048, s22;
	s25 =	simm.s32 $0xC100  }
0x36: {  	[tilespmem:s25], [sflag:$0x1] =	stream.indirect.gather [hbm4b:s4+s15], $0x40, s24, s15, $0xb8;
	[tilespmem:$0x10610] =	vst v63  }
0x37: {  	s24 =	sor.u32 $0x60, s22;
	s25 =	simm.s32 $0x7600  }
0x38: {  	[tilespmem:s25], [sflag:$0x1] =	stream.indirect.gather [hbm4b:s3+s15], $0x40, s24, s15, $0xb8;
	[tilespmem:$0x10610] =	vst v63  }
0x39: {  	s24 =	sadd.s32 $0x3060, s22;
	s25 =	simm.s32 $0xC600  }
0x3a: {  	[tilespmem:s25], [sflag:$0x1] =	stream.indirect.gather [hbm4b:s4+s15], $0x40, s24, s15, $0xb8;
	[tilespmem:$0x10610] =	vst v63  }
0x3b: {  	s25 =	sor.u32 $0x78, s22  }
0x3c: {  	[tilespmem:s26], [sflag:$0x1] =	stream.indirect.gather [hbm4b:s3+s15], $0x40, s25, s15, $0xb8;
	[tilespmem:$0x10610] =	vst v63  }
0x3d: {  	s24 =	sadd.s32 $0x3078, s22  }
0x3e: {  	[tilespmem:s28], [sflag:$0x1] =	stream.indirect.gather [hbm4b:s4+s15], $0x40, s24, s15, $0xb8;
	[tilespmem:$0x10610] =	vst v63  }
0x3f: {  	s25 =	sadd.s32 $0x90, s22  }
0x40: {  	[tilespmem:s29], [sflag:$0x1] =	stream.indirect.gather [hbm4b:s3+s15], $0x40, s25, s15, $0xb8;
	[tilespmem:$0x10610] =	vst v63  }
0x41: {  	s24 =	sadd.s32 $0x3090, s22  }
0x42: {  	[tilespmem:s30], [sflag:$0x1] =	stream.indirect.gather [hbm4b:s4+s15], $0x40, s24, s15, $0xb8;
	[tilespmem:$0x10610] =	vst v63  }
0x43: {  	s25 =	sadd.s32 $0xA8, s22  }
0x44: {  	[tilespmem:s31], [sflag:$0x1] =	stream.indirect.gather [hbm4b:s3+s15], $0x40, s25, s15, $0xb8;
	[tilespmem:$0x10610] =	vst v63  }
0x45: {  	s24 =	sadd.s32 $0x30A8, s22  }
0x46: {  	[tilespmem:s1], [sflag:$0x1] =	stream.indirect.gather [hbm4b:s4+s15], $0x40, s24, s15, $0xb8;
	[tilespmem:$0x10610] =	vst v63  }
0x47: {  	s25 =	sadd.s32 $0xC0, s22  }
0x48: {  	[tilespmem:s0], [sflag:$0x1] =	stream.indirect.gather [hbm4b:s3+s15], $0x40, s25, s15, $0xb8;
	[tilespmem:$0x10610] =	vst v63  }
0x49: {  	s24 =	sadd.s32 $0x30C0, s22  }
0x4a: {  	[tilespmem:s11], [sflag:$0x1] =	stream.indirect.gather [hbm4b:s4+s15], $0x40, s24, s15, $0xb8;
	[tilespmem:$0x10610] =	vst v63  }
0x4b: {  	s25 =	sadd.s32 $0xD8, s22  }
0x4c: {  	[tilespmem:s12], [sflag:$0x1] =	stream.indirect.gather [hbm4b:s3+s15], $0x40, s25, s15, $0xb8;
	[tilespmem:$0x10610] =	vst v63  }
0x4d: {  	s24 =	sadd.s32 $0x30D8, s22  }
0x4e: {  	[tilespmem:s5], [sflag:$0x1] =	stream.indirect.gather [hbm4b:s4+s15], $0x40, s24, s15, $0xb8;
	[tilespmem:$0x10610] =	vst v63  }
0x4f: {  	s25 =	sadd.s32 $0xF0, s22  }
0x50: {  	[tilespmem:s6], [sflag:$0x1] =	stream.indirect.gather [hbm4b:s3+s15], $0x40, s25, s15, $0xb8;
	[tilespmem:$0x10610] =	vst v63  }
0x51: {  	s24 =	sadd.s32 $0x30F0, s22  }
0x52: {  	[tilespmem:s7], [sflag:$0x1] =	stream.indirect.gather [hbm4b:s4+s15], $0x40, s24, s15, $0xb8;
	[tilespmem:$0x10610] =	vst v63  }
0x53: {  	s25 =	sadd.s32 $0x108, s22  }
0x54: {  	[tilespmem:s8], [sflag:$0x1] =	stream.indirect.gather [hbm4b:s3+s15], $0x40, s25, s15, $0xb8;
	[tilespmem:$0x10610] =	vst v63  }
0x55: {  	s24 =	sadd.s32 $0x3108, s22  }
0x56: {  	[tilespmem:s9], [sflag:$0x1] =	stream.indirect.gather [hbm4b:s4+s15], $0x40, s24, s15, $0xb8;
	[tilespmem:$0x10610] =	vst v63  }
0x57: {  	s25 =	sadd.s32 $0x120, s22  }
0x58: {  	[tilespmem:s2], [sflag:$0x1] =	stream.indirect.gather [hbm4b:s3+s15], $0x40, s25, s15, $0xb8;
	[tilespmem:$0x10610] =	vst v63  }
0x59: {  	s24 =	sadd.s32 $0x3120, s22  }
0x5a: {  	[tilespmem:s10], [sflag:$0x1] =	stream.indirect.gather [hbm4b:s4+s15], $0x40, s24, s15, $0xb8;
	[tilespmem:$0x10610] =	vst v63  }
0x5b: {  	s25 =	sadd.s32 $0x138, s22  }
0x5c: {  	[tilespmem:s13], [sflag:$0x1] =	stream.indirect.gather [hbm4b:s3+s15], $0x40, s25, s15, $0xb8;
	[tilespmem:$0x10610] =	vst v63  }
0x5d: {  	s24 =	sadd.s32 $0x3138, s22  }
0x5e: {  	[tilespmem:s14], [sflag:$0x1] =	stream.indirect.gather [hbm4b:s4+s15], $0x40, s24, s15, $0xb8;
	[tilespmem:$0x10610] =	vst v63  }
0x5f: {  	s25 =	sadd.s32 $0x150, s22  }
0x60: {  	[tilespmem:s16], [sflag:$0x1] =	stream.indirect.gather [hbm4b:s3+s15], $0x40, s25, s15, $0xb8;
	[tilespmem:$0x10610] =	vst v63  }
0x61: {  	s24 =	sadd.s32 $0x3150, s22  }
0x62: {  	[tilespmem:s17], [sflag:$0x1] =	stream.indirect.gather [hbm4b:s4+s15], $0x40, s24, s15, $0xb8;
	[tilespmem:$0x10610] =	vst v63  }
0x63: {  	s25 =	sadd.s32 $0x168, s22  }
0x64: {  	[tilespmem:s18], [sflag:$0x1] =	stream.indirect.gather [hbm4b:s3+s15], $0x40, s25, s15, $0xb8;
	[tilespmem:$0x10610] =	vst v63  }
0x65: {  	[tilespmem:$0x1FF60] =	vst v0;
	s22 =	sadd.s32 $0x3168, s22  }
0x66: {  	[tilespmem:s19], [sflag:$0x1] =	stream.indirect.gather [hbm4b:s4+s15], $0x40, s22, s15, $0xb8;
	[tilespmem:$0x10610] =	vst v63  }
0x67: {  	_ =	swait.ge [sflag:s20], $0x400  }
0x68: {  	[sflag:s20] =	ssyncset.done $0x0  }
0x69: {  	[sflag:s20] =	ssyncadd.s32 $0xFFFFFC00  }
0x6a: {  	_ =	swait.ge [sflag:s20], $0x500  }
0x6b: {  	[sflag:s20] =	ssyncset.done $0x0  }
0x6c: {  	[sflag:s20] =	ssyncadd.s32 $0xFFFFFB00  }
0x6d: {  	_ =	swait.ge [sflag:s20], $0x500  }
0x6e: {  	[sflag:s20] =	ssyncset.done $0x0  }
0x6f: {  	[sflag:s20] =	ssyncadd.s32 $0xFFFFFB00  }
0x70: {  	_ =	swait.ge [sflag:s20], $0x500  }
0x71: {  	[sflag:s20] =	ssyncset.done $0x0  }
0x72: {  	[sflag:s20] =	ssyncadd.s32 $0xFFFFFB00  }
0x73: {  	_ =	swait.ge [sflag:s20], $0x500  }
0x74: {  	[sflag:s20] =	ssyncset.done $0x0  }
0x75: {  	[sflag:s20] =	ssyncadd.s32 $0xFFFFFB00  }
0x76: {  	_ =	swait.ge [sflag:s20], $0x500  }
0x77: {  	[sflag:s20] =	ssyncset.done $0x0  }
0x78: {  	[sflag:s20] =	ssyncadd.s32 $0xFFFFFB00  }
0x79: {  	_ =	swait.ge [sflag:s20], $0x500  }
0x7a: {  	[sflag:s20] =	ssyncset.done $0x0  }
0x7b: {  	[sflag:s20] =	ssyncadd.s32 $0xFFFFFB00  }
0x7c: {  	_ =	swait.ge [sflag:s20], $0x500  }
0x7d: {  	[sflag:s20] =	ssyncset.done $0x0  }
0x7e: {  	[sflag:s20] =	ssyncadd.s32 $0xFFFFFB00  }
0x7f: {  	_ =	swait.ge [sflag:s20], $0x500  }
0x80: {  	[sflag:s20] =	ssyncset.done $0x0  }
0x81: {  	[sflag:s20] =	ssyncadd.s32 $0xFFFFFB00  }
0x82: {  	_ =	swait.ge [sflag:s20], $0x500  }
0x83: {  	[sflag:s20] =	ssyncset.done $0x0  }
0x84: {  	[sflag:s20] =	ssyncadd.s32 $0xFFFFFB00  }
0x85: {  	_ =	swait.ge [sflag:s20], $0x500  }
0x86: {  	[sflag:s20] =	ssyncset.done $0x0  }
0x87: {  	[sflag:s20] =	ssyncadd.s32 $0xFFFFFB00  }
0x88: {  	_ =	swait.ge [sflag:s20], $0x500  }
0x89: {  	[sflag:s20] =	ssyncset.done $0x0  }
0x8a: {  	[sflag:s20] =	ssyncadd.s32 $0xFFFFFB00  }
0x8b: {  	_ =	swait.ge [sflag:s20], $0x500  }
0x8c: {  	[sflag:s20] =	ssyncset.done $0x0  }
0x8d: {  	[sflag:s20] =	ssyncadd.s32 $0xFFFFFB00  }
0x8e: {  	_ =	swait.ge [sflag:s20], $0x500  }
0x8f: {  	[sflag:s20] =	ssyncset.done $0x0  }
0x90: {  	[sflag:s20] =	ssyncadd.s32 $0xFFFFFB00  }
0x91: {  	_ =	swait.ge [sflag:s20], $0x500  }
0x92: {  	[sflag:s20] =	ssyncset.done $0x0  }
0x93: {  	[sflag:s20] =	ssyncadd.s32 $0xFFFFFB00  }
0x94: {  	_ =	swait.ge [sflag:s20], $0x500  }
0x95: {  	[sflag:s20] =	ssyncset.done $0x0  }
0x96: {  	[sflag:s20] =	ssyncadd.s32 $0xFFFFFB00  }
0x97: {  	_ =	swait.ge [sflag:s20], $0x500  }
0x98: {  	[sflag:s20] =	ssyncset.done $0x0  }
0x99: {  	[sflag:s20] =	ssyncadd.s32 $0xFFFFFB00  }
0x9a: {  	_ =	swait.ge [sflag:s20], $0x500  }
0x9b: {  	[sflag:s20] =	ssyncset.done $0x0  }
0x9c: {  	[sflag:s20] =	ssyncadd.s32 $0xFFFFFB00  }
0x9d: {  	_ =	swait.ge [sflag:s20], $0x500  }
0x9e: {  	[sflag:s20] =	ssyncset.done $0x0  }
0x9f: {  	[sflag:s20] =	ssyncadd.s32 $0xFFFFFB00  }
0xa0: {  	_ =	swait.ge [sflag:s20], $0x500  }
0xa1: {  	[sflag:s20] =	ssyncset.done $0x0  }
0xa2: {  	[sflag:s20] =	ssyncadd.s32 $0xFFFFFB00  }
0xa3: {  	_ =	swait.ge [sflag:s20], $0x500  }
0xa4: {  	[sflag:s20] =	ssyncset.done $0x0  }
0xa5: {  	[sflag:s20] =	ssyncadd.s32 $0xFFFFFB00  }
0xa6: {  	_ =	swait.ge [sflag:s20], $0x500  }
0xa7: {  	[sflag:s20] =	ssyncset.done $0x0  }
0xa8: {  	[sflag:s20] =	ssyncadd.s32 $0xFFFFFB00  }
0xa9: {  	_ =	swait.ge [sflag:s20], $0x500  }
0xaa: {  	[sflag:s20] =	ssyncset.done $0x0  }
0xab: {  	[sflag:s20] =	ssyncadd.s32 $0xFFFFFB00  }
0xac: {  	_ =	swait.ge [sflag:s20], $0x500  }
0xad: {  	[sflag:s20] =	ssyncset.done $0x0  }
0xae: {  	[sflag:s20] =	ssyncadd.s32 $0xFFFFFB00  }
0xaf: {  	_ =	swait.ge [sflag:s20], $0x500  }
0xb0: {  	[sflag:s20] =	ssyncset.done $0x0  }
0xb1: {  	[sflag:s20] =	ssyncadd.s32 $0xFFFFFB00  }
0xb2: {  	_ =	swait.ge [sflag:s20], $0x500  }
0xb3: {  	[sflag:s20] =	ssyncset.done $0x0  }
0xb4: {  	[sflag:s20] =	ssyncadd.s32 $0xFFFFFB00  }
0xb5: {  	_ =	swait.ge [sflag:s20], $0x500  }
0xb6: {  	[sflag:s20] =	ssyncset.done $0x0  }
0xb7: {  	[sflag:s20] =	ssyncadd.s32 $0xFFFFFB00  }
0xb8: {  	_ =	swait.ge [sflag:s20], $0x500  }
0xb9: {  	[sflag:s20] =	ssyncset.done $0x0  }
0xba: {  	[sflag:s20] =	ssyncadd.s32 $0xFFFFFB00  }
0xbb: {  	_ =	swait.ge [sflag:s20], $0x500  }
0xbc: {  	[sflag:s20] =	ssyncset.done $0x0  }
0xbd: {  	[sflag:s20] =	ssyncadd.s32 $0xFFFFFB00  }
0xbe: {  	_ =	swait.ge [sflag:s20], $0x500  }
0xbf: {  	[sflag:s20] =	ssyncset.done $0x0  }
0xc0: {  	[sflag:s20] =	ssyncadd.s32 $0xFFFFFB00  }
0xc1: {  	_ =	swait.ge [sflag:s20], $0x500  }
0xc2: {  	[sflag:s20] =	ssyncset.done $0x0  }
0xc3: {  	[sflag:s20] =	ssyncadd.s32 $0xFFFFFB00  }
0xc4: {  	_ =	swait.ge [sflag:s20], $0x500  }
0xc5: {  	[sflag:s20] =	ssyncset.done $0x0  }
0xc6: {  	[sflag:s20] =	ssyncadd.s32 $0xFFFFFB00  }
0xc7: {  	_ =	swait.ge [sflag:s20], $0x500  }
0xc8: {  	[sflag:s20] =	ssyncset.done $0x0  }
0xc9: {  	s22 =	simm.s32 $0x0;
	[sflag:s20] =	ssyncadd.s32 $0xFFFFFB00  }
0xca: {  	s23 =	simm.s32 $0x10220;
	v16 =	vld [tilespmem:s22+$0xB6F0]  }
0xcb: {  	v1 =	vld [tilespmem:s23+$0x10]  }
0xcc: {  	v15 =	vld [tilespmem:s22+$0xB5F0]  }
0xcd: {  	v0 =	vld [tilespmem:s22+$0xB6B0]  }
0xce: {  	v11 =	vld [tilespmem:s22+$0xB5B0]  }
0xcf: {  	v12 =	vld [tilespmem:s22+$0xB670]  }
0xd0: {  	v22 =	vld [tilespmem:s22+$0xB6E0]  }
0xd1: {  	v9 =	vld [tilespmem:s22+$0xB570]  }
0xd2: {  	v24 =	vld [tilespmem:s22+$0xB5E0]  }
0xd3: {  	v13 =	vld [tilespmem:s22+$0xB630]  }
0xd4: {  	v21 =	vld [tilespmem:s22+$0xB6A0]  }
0xd5: {  	v10 =	vld [tilespmem:s22+$0xB530]  }
0xd6: {  	v25 =	vld [tilespmem:s22+$0xB5A0]  }
0xd7: {  	v19 =	vld [tilespmem:s22+$0xB660]  }
0xd8: {  	v27 =	vld [tilespmem:s22+$0xB6C0]  }
0xd9: {  	v28 =	vld [tilespmem:s22+$0xB6D0]  }
0xda: {  	v2 =	vld [tilespmem:s23+$0x0]  }
0xdb: {  	v23 =	vld [tilespmem:s22+$0xB560]  }
0xdc: {  	v29 =	vld [tilespmem:s22+$0xB5C0]  }
0xdd: {  	v30 =	vld [tilespmem:s22+$0xB5D0]  }
0xde: {  	v20 =	vld [tilespmem:s22+$0xB620]  }
0xdf: {  	v31 =	vld [tilespmem:s22+$0xB680]  }
0xe0: {  	v32 =	vld [tilespmem:s22+$0xB690]  }
0xe1: {  	v5 =	vld [tilespmem:s23+$0xFFFFFFE0]  }
0xe2: {  	v4 =	vld [tilespmem:s23+$0xFFFFFFF0]  }
0xe3: {  	v26 =	vld [tilespmem:s22+$0xB520]  }
0xe4: {  	v33 =	vld [tilespmem:s22+$0xB580]  }
0xe5: {  	v34 =	vld [tilespmem:s22+$0xB590]  }
0xe6: {  	v35 =	vld [tilespmem:s22+$0xB640]  }
0xe7: {  	v36 =	vld [tilespmem:s22+$0xB650]  }
0xe8: {  	v37 =	vld [tilespmem:s22+$0xB540]  }
0xe9: {  	v38 =	vld [tilespmem:s22+$0xB550]  }
0xea: {  	v39 =	vld [tilespmem:s22+$0xB600]  }
0xeb: {  	v40 =	vld [tilespmem:s22+$0xB610]  }
0xec: {  	v41 =	vld [tilespmem:s22+$0xB500]  }
0xed: {  	v42 =	vld [tilespmem:s22+$0xB510]  }
0xee: {  	v43 =	vld [tilespmem:s22+$0xB4C0]  }
0xef: {  	v44 =	vld [tilespmem:s22+$0xB4D0]  }
0xf0: {  	v45 =	vld [tilespmem:s22+$0xB480]  }
0xf1: {  	v18 =	vld [tilespmem:s22+$0xB4F0]  }
0xf2: {  	v17 =	vld [tilespmem:s22+$0xB4B0]  }
0xf3: {  	v46 =	vld [tilespmem:s22+$0xB490]  }
0xf4: {  	v47 =	vld [tilespmem:s22+$0xB440]  }
0xf5: {  	v48 =	vld [tilespmem:s22+$0xB450]  }
0xf6: {  	v49 =	vld [tilespmem:s22+$0xB400]  }
0xf7: {  	v50 =	vld [tilespmem:s22+$0xB410]  }
0xf8: {  	v51 =	vld [tilespmem:s22+$0x6230]  }
0xf9: {  	v52 =	vld [tilespmem:s22+$0x6270]  }
0xfa: {  	v53 =	vld [tilespmem:s22+$0x6220]  }
0xfb: {  	v3 =	vld [tilespmem:s22+$0x6260];
	v27 =	vmul.f32 v27, v5  }
0xfc: {  	v55 =	vld [tilespmem:s22+$0x6210];
	v28 =	vmul.f32 v28, v4;
	v29 =	vmul.f32 v29, v5  }
0xfd: {  	v56 =	vld [tilespmem:s22+$0x6200];
	v30 =	vmul.f32 v30, v4;
	v31 =	vmul.f32 v31, v5  }
0xfe: {  	v57 =	vld [tilespmem:s22+$0x6240];
	v32 =	vmul.f32 v32, v4;
	v33 =	vmul.f32 v33, v5  }
0xff: {  	v58 =	vld [tilespmem:s22+$0x6250];
	v34 =	vmul.f32 v34, v4;
	v35 =	vmul.f32 v35, v5  }
0x100: {  	v59 =	vld [tilespmem:s22+$0xB3C0];
	v36 =	vmul.f32 v36, v4;
	v37 =	vmul.f32 v37, v5  }
0x101: {  	v6 =	vld [tilespmem:s22+$0xB290];
	v38 =	vmul.f32 v38, v4;
	v39 =	vmul.f32 v39, v5  }
0x102: {  	v7 =	vld [tilespmem:s22+$0xB200];
	v41 =	vmul.f32 v41, v5;
	v40 =	vmul.f32 v40, v4  }
0x103: {  	vm4 =	vmmov vm0;
	v62 =	vld [tilespmem:s22+$0xB210];
	v42 =	vmul.f32 v42, v4;
	v43 =	vmul.f32 v43, v5  }
0x104: {  	v53 =	vadd.f32 v3, v53;
	v3 =	vld [tilespmem:s22+$0xB3D0];
	v44 =	vmul.f32 v44, v4;
	v45 =	vmul.f32 v45, v5  }
0x105: {  	v51 =	vadd.f32 v52, v51;
	v52 =	vld [tilespmem:s22+$0xB380];
	v46 =	vmul.f32 v46, v4;
	v47 =	vmul.f32 v47, v5  }
0x106: {  	v56 =	vadd.f32 v57, v56;
	v57 =	vld [tilespmem:s22+$0xB390];
	v48 =	vmul.f32 v48, v4;
	v49 =	vmul.f32 v49, v5  }
0x107: {  	v55 =	vadd.f32 v58, v55;
	v58 =	vld [tilespmem:s22+$0xB340];
	v50 =	vmul.f32 v50, v4;
	v59 =	vmul.f32 v59, v5  }
0x108: {  	v24 =	vmul.f32 v24, v2;
	v22 =	vmul.f32 v22, v2;
	v29 =	vadd.f32 v30, v29;
	v30 =	vld [tilespmem:s22+$0xB350]  }
0x109: {  	v25 =	vmul.f32 v25, v2;
	v21 =	vmul.f32 v21, v2;
	v27 =	vadd.f32 v28, v27;
	v28 =	vld [tilespmem:s22+$0xB300]  }
0x10a: {  	v23 =	vmul.f32 v23, v2;
	v19 =	vmul.f32 v19, v2;
	v33 =	vadd.f32 v34, v33;
	v34 =	vld [tilespmem:s22+$0xB310]  }
0x10b: {  	v26 =	vmul.f32 v26, v2;
	v20 =	vmul.f32 v20, v2;
	v31 =	vadd.f32 v32, v31;
	v32 =	vld [tilespmem:s22+$0xB2C0]  }
0x10c: {  	v16 =	vmul.f32 v16, v1;
	v15 =	vmul.f32 v15, v1;
	v37 =	vadd.f32 v38, v37;
	v38 =	vld [tilespmem:s22+$0xB2D0]  }
0x10d: {  	v0 =	vmul.f32 v0, v1;
	v35 =	vadd.f32 v36, v35;
	v36 =	vld [tilespmem:s22+$0xB280];
	v39 =	vadd.f32 v40, v39  }
0x10e: {  	v11 =	vmul.f32 v11, v1;
	v45 =	vadd.f32 v46, v45;
	v43 =	vadd.f32 v44, v43;
	v44 =	vld [tilespmem:s22+$0xB240]  }
0x10f: {  	v49 =	vadd.f32 v50, v49;
	v50 =	vld [tilespmem:s22+$0xB250];
	v40 =	vmul.f32 v7, v5;
	v46 =	vmul.f32 v62, v4  }
0x110: {  	v12 =	vmul.f32 v12, v1;
	v41 =	vadd.f32 v42, v41;
	v47 =	vadd.f32 v48, v47;
	v48 =	vld [tilespmem:s22+$0xB470]  }
0x111: {  	v42 =	vmul.f32 v6, v4;
	v6 =	vld [tilespmem:s22+$0x62A0];
	v40 =	vadd.f32 v46, v40;
	v24 =	vadd.f32 v24, v29  }
0x112: {  	v9 =	vmul.f32 v9, v1;
	v7 =	vld [tilespmem:s22+$0x6280];
	v22 =	vadd.f32 v22, v27;
	v25 =	vadd.f32 v25, v33  }
0x113: {  	v13 =	vmul.f32 v13, v1;
	v62 =	vld [tilespmem:s22+$0x6290];
	v21 =	vadd.f32 v21, v31;
	v23 =	vadd.f32 v23, v37  }
0x114: {  	v10 =	vmul.f32 v10, v1;
	v29 =	vld [tilespmem:s22+$0xB3E0];
	v19 =	vadd.f32 v19, v35;
	v26 =	vadd.f32 v26, v41  }
0x115: {  	v27 =	vld [tilespmem:s22+$0xB3A0];
	v20 =	vadd.f32 v20, v39;
	v3 =	vmul.f32 v3, v4;
	v52 =	vmul.f32 v52, v5  }
0x116: {  	v31 =	vld [tilespmem:s22+$0xB320];
	v57 =	vmul.f32 v57, v4;
	v15 =	vadd.f32 v15, v24;
	v16 =	vadd.f32 v16, v22  }
0x117: {  	v58 =	vmul.f32 v58, v5;
	v22 =	vld [tilespmem:s22+$0xB230];
	v11 =	vadd.f32 v11, v25;
	v0 =	vadd.f32 v0, v21  }
0x118: {  	v21 =	vld [tilespmem:s22+$0xB270];
	v9 =	vadd.f32 v9, v23;
	v12 =	vadd.f32 v12, v19;
	v30 =	vmul.f32 v30, v4  }
0x119: {  	v10 =	vadd.f32 v10, v26;
	v26 =	vld [tilespmem:s22+$0x6330];
	v28 =	vmul.f32 v28, v5;
	v34 =	vmul.f32 v34, v4  }
0x11a: {  	v32 =	vmul.f32 v32, v5;
	v38 =	vmul.f32 v38, v4;
	v52 =	vadd.f32 v57, v52;
	v57 =	vld [tilespmem:s22+$0x62B0]  }
0x11b: {  	[tilespmem:$0x1FF80] =	vst v4;
	v13 =	vadd.f32 v13, v20;
	v36 =	vmul.f32 v36, v5;
	v50 =	vmul.f32 v50, v4;
	v4 =	vld [tilespmem:s22+$0xB4E0]  }
0x11c: {  	[tilespmem:$0x1FF70] =	vst v5;
	v3 =	vadd.f32 v3, v59;
	v44 =	vmul.f32 v44, v5;
	v5 =	vld [tilespmem:s22+$0xB4A0];
	v46 =	vadd.f32 v6, v53  }
0x11d: {  	v18 =	vmul.f32 v18, v1;
	v6 =	vld [tilespmem:s22+$0xB460];
	v55 =	vadd.f32 v62, v55;
	v28 =	vadd.f32 v34, v28  }
0x11e: {  	v17 =	vmul.f32 v17, v1;
	v62 =	vld [tilespmem:s22+$0xB2A0];
	v30 =	vadd.f32 v30, v58;
	v36 =	vadd.f32 v42, v36  }
0x11f: {  	v53 =	vld [tilespmem:s22+$0xB430];
	v32 =	vadd.f32 v38, v32;
	v27 =	vmul.f32 v27, v2;
	v29 =	vmul.f32 v29, v2  }
0x120: {  	v42 =	vadd.f32 v50, v44;
	v34 =	vadd.f32 v7, v56;
	v7 =	vld [tilespmem:s22+$0xB420];
	v31 =	vmul.f32 v31, v2  }
0x121: {  	v48 =	vmul.f32 v48, v1;
	v56 =	vld [tilespmem:s22+$0x62E0];
	v27 =	vadd.f32 v27, v52;
	v29 =	vadd.f32 v29, v3  }
0x122: {  	v28 =	vadd.f32 v31, v28;
	v31 =	vld [tilespmem:s22+$0x62F0];
	v22 =	vmul.f32 v22, v1;
	v52 =	vperm.xlane v11, v60  }
0x123: {  	v50 =	vadd.f32 v57, v51;
	v57 =	vld [tilespmem:s22+$0xB360];
	v58 =	vmul.f32 v5, v2;
	v59 =	vmul.f32 v4, v2  }
0x124: {  	v4 =	vld [tilespmem:s22+$0xB2E0];
	v6 =	vmul.f32 v6, v2;
	v38 =	vmul.f32 v62, v2;
	v11 =	vadd.f32 v11, v52  }
0x125: {  	v51 =	vld [tilespmem:s22+$0xB260];
	v37 =	vadd.f32 v58, v45;
	v5 =	vmul.f32 v7, v2;
	v35 =	vadd.f32 v59, v43  }
0x126: {  	v62 =	vld [tilespmem:s22+$0xB3B0];
	v44 =	vadd.f32 v6, v47;
	v36 =	vadd.f32 v38, v36;
	v47 =	vmul.f32 v53, v1  }
0x127: {  	v7 =	vld [tilespmem:s22+$0xB220];
	v53 =	vperm.xlane v0, v60;
	v41 =	vadd.f32 v5, v49;
	v31 =	vadd.f32 v31, v50  }
0x128: {  	v21 =	vmul.f32 v21, v1;
	v58 =	vld [tilespmem:s22+$0x62C0];
	v17 =	vadd.f32 v17, v37;
	v18 =	vadd.f32 v18, v35  }
0x129: {  	v6 =	vld [tilespmem:s22+$0xB2F0];
	v50 =	vperm.xlane v16, v60;
	v0 =	vadd.f32 v0, v53;
	v33 =	vmul.f32 v57, v2  }
0x12a: {  	v20 =	vld [tilespmem:s22+$0x6370];
	v39 =	vmul.f32 v4, v2;
	v45 =	vmul.f32 v51, v2;
	v37 =	vadd.f32 v47, v41  }
0x12b: {  	v59 =	vld [tilespmem:s22+$0xB3F0];
	v24 =	vmul.f32 v62, v1;
	v26 =	vadd.f32 v26, v31;
	v16 =	vadd.f32 v16, v50  }
0x12c: {  	v5 =	vld [tilespmem:s22+$0xB330];
	v31 =	vperm.xlane v15, v60;
	v30 =	vadd.f32 v33, v30;
	v32 =	vadd.f32 v39, v32  }
0x12d: {  	v43 =	vmul.f32 v7, v2;
	v42 =	vadd.f32 v45, v42;
	v33 =	vadd.f32 v56, v46  }
0x12e: {  	v34 =	vadd.f32 v58, v34;
	v23 =	vmul.f32 v6, v1;
	v39 =	vadd.f32 v48, v44  }
0x12f: {  	v57 =	vld [tilespmem:s22+$0x62D0];
	v24 =	vadd.f32 v24, v27;
	v56 =	vperm.xlane v12, v60;
	v58 =	vperm.xlane v13, v60  }
0x130: {  	v4 =	vld [tilespmem:s22+$0xB370];
	v20 =	vadd.f32 v20, v26;
	v26 =	vperm.xlane v17, v60;
	v15 =	vadd.f32 v15, v31  }
0x131: {  	v40 =	vadd.f32 v43, v40;
	v43 =	vmul.f32 v59, v1;
	v19 =	vmul.f32 v5, v1  }
0x132: {  	v47 =	vld [tilespmem:s22+$0x6320];
	v23 =	vadd.f32 v23, v32;
	v21 =	vadd.f32 v21, v42;
	v59 =	vperm.xlane v18, v60  }
0x133: {  	v62 =	vperm.xlane v39, v60;
	v31 =	vperm.xlane v24, v60;
	v12 =	vadd.f32 v12, v56  }
0x134: {  	v13 =	vadd.f32 v13, v58;
	v42 =	vperm.xlane v0, v61;
	v38 =	vadd.f32 v57, v55  }
0x135: {  	v7 =	vld [tilespmem:s22+$0xB2B0];
	v25 =	vmul.f32 v4, v1;
	v55 =	vperm.xlane v9, v60;
	v17 =	vadd.f32 v17, v26  }
0x136: {  	v48 =	vld [tilespmem:s22+$0x6360];
	v57 =	vperm.xlane v10, v60;
	v27 =	vadd.f32 v43, v29;
	v19 =	vadd.f32 v19, v28  }
0x137: {  	v4 =	vperm.xlane v37, v60;
	v22 =	vadd.f32 v22, v40;
	v33 =	vadd.f32 v47, v33  }
0x138: {  	v18 =	vadd.f32 v18, v59;
	v53 =	vperm.xlane v23, v60;
	v24 =	vadd.f32 v24, v31  }
0x139: {  	v49 =	vld [tilespmem:s22+$0x6350];
	v31 =	vperm.xlane v21, v60;
	v58 =	vperm.xlane v12, v61;
	v25 =	vadd.f32 v25, v30  }
0x13a: {  	v26 =	vld [tilespmem:s22+$0x63B0];
	v46 =	vmul.f32 v7, v1;
	v9 =	vadd.f32 v9, v55;
	v10 =	vadd.f32 v10, v57  }
0x13b: {  	v29 =	vld [tilespmem:s22+$0x6310];
	v32 =	vadd.f32 v48, v33;
	v5 =	vperm.xlane v27, v60;
	v33 =	vadd.f32 v39, v62  }
0x13c: {  	v28 =	vld [tilespmem:s22+$0x6300];
	v56 =	vperm.xlane v22, v60;
	v41 =	vadd.f32 v21, v31;
	v21 =	vperm.xlane v15, v61  }
0x13d: {  	v7 =	vld [tilespmem:s22+$0x63F0];
	v40 =	vadd.f32 v23, v53;
	v31 =	vperm.xlane v16, v61;
	v62 =	vperm.xlane v18, v61  }
0x13e: {  	v51 =	vld [tilespmem:s22+$0x6340];
	v30 =	vadd.f32 v46, v36;
	v6 =	vperm.xlane v25, v60;
	v36 =	vadd.f32 v37, v4  }
0x13f: {  	v23 =	vld [tilespmem:s22+$0x6380];
	v59 =	vperm.xlane v10, v61;
	v43 =	vadd.f32 v27, v5;
	v22 =	vadd.f32 v22, v56  }
0x140: {  	v27 =	vld [tilespmem:s22+$0x63A0];
	v20 =	vadd.f32 v26, v20;
	v26 =	vperm.xlane v11, v61;
	v35 =	vadd.f32 v18, v62  }
0x141: {  	v5 =	vperm.xlane v33, v61;
	v28 =	vadd.f32 v28, v34;
	v37 =	vadd.f32 v25, v6;
	v25 =	vld [tilespmem:s22+$0x6390]  }
0x142: {  	v52 =	vld [tilespmem:s22+$0x63E0];
	v29 =	vadd.f32 v29, v38;
	v55 =	vperm.xlane v30, v60;
	v20 =	vadd.f32 v7, v20  }
0x143: {  	v57 =	vld [tilespmem:s22+$0x63C0];
	v56 =	vperm.xlane v43, v61;
	v28 =	vadd.f32 v51, v28;
	v51 =	vperm.xlane v19, v60  }
0x144: {  	v50 =	vperm.xlane v35, v54;
	v29 =	vadd.f32 v49, v29;
	v39 =	vadd.f32 v30, v55  }
0x145: {  	v30 =	vld [tilespmem:s22+$0x63D0];
	v60 =	vperm.xlane v13, v61;
	v19 =	vadd.f32 v19, v51;
	v27 =	vadd.f32 v27, v32  }
0x146: {  	v32 =	vperm.xlane v9, v61;
	v23 =	vadd.f32 v23, v28;
	v25 =	vadd.f32 v25, v29  }
0x147: {  	v28 =	vperm.xlane v17, v61;
	v29 =	vadd.f32 v0, v42;
	v4 =	vadd.f32 v52, v27  }
0x148: {  	v6 =	vadd.f32 v57, v23;
	v23 =	vperm.xlane v36, v61;
	v27 =	vadd.f32 v15, v21  }
0x149: {  	v18 =	vld [tilespmem:s22+$0x6420];
	v57 =	vadd.f32 v16, v31;
	v16 =	vperm.xlane v24, v61;
	v21 =	vadd.f32 v11, v26  }
0x14a: {  	v0 =	vld [tilespmem:s22+$0x66E0];
	v26 =	vperm.xlane v37, v61;
	v7 =	vadd.f32 v30, v25;
	v25 =	vadd.f32 v9, v32  }
0x14b: {  	v15 =	vld [tilespmem:s22+$0x66F0];
	v11 =	vperm.xlane v19, v61;
	v30 =	vadd.f32 v12, v58;
	v12 =	vadd.f32 v10, v59  }
0x14c: {  	v31 =	vperm.xlane v40, v61;
	v32 =	vadd.f32 v13, v60;
	v58 =	vld [tilespmem:s22+$0x6470];
	v13 =	vadd.f32 v17, v28  }
0x14d: {  	v17 =	vld [tilespmem:s22+$0x6430];
	v10 =	vperm.xlane v39, v61;
	v28 =	vperm.xlane v22, v61;
	v23 =	vadd.f32 v36, v23  }
0x14e: {  	v59 =	vld [tilespmem:s22+$0x6460];
	v47 =	vperm.xlane v29, v54;
	v36 =	vadd.f32 v33, v5;
	v9 =	vadd.f32 v24, v16  }
0x14f: {  	v33 =	vadd.f32 v43, v56;
	v16 =	vld [tilespmem:s22+$0x6410];
	v24 =	vperm.xlane v41, v61;
	v55 =	vadd.f32 v19, v11  }
0x150: {  	v34 =	vadd.f32 v37, v26;
	v19 =	vld [tilespmem:s22+$0x6400];
	v31 =	vadd.f32 v40, v31;
	v43 =	vperm.xlane v27, v54  }
0x151: {  	v60 =	vld [tilespmem:s22+$0x6440];
	v61 =	vadd.f32 v18, v4;
	v44 =	vperm.xlane v21, v54;
	v10 =	vadd.f32 v39, v10  }
0x152: {  	v28 =	vadd.f32 v22, v28;
	v22 =	vld [tilespmem:s22+$0x6450];
	v45 =	vperm.xlane v25, v54;
	v48 =	vperm.xlane v30, v54  }
0x153: {  	v18 =	vld [tilespmem:s22+$0x6670];
	v49 =	vperm.xlane v32, v54;
	v42 =	vperm.xlane v13, v54;
	v26 =	vadd.f32 v41, v24  }
0x154: {  	v24 =	vperm.xlane v57, v54;
	v20 =	vadd.f32 v17, v20;
	v17 =	vld [tilespmem:s22+$0x66C0];
	v40 =	vadd.f32 v59, v61  }
0x155: {  	v41 =	vperm.xlane v12, v54;
	v62 =	vadd.f32 v16, v7;
	v16 =	vld [tilespmem:s22+$0x66B0];
	v19 =	vadd.f32 v19, v6  }
0x156: {  	[tilespmem:$0x1FF90] =	vst v2;
	v51 =	vperm.xlane v36, v54;
	v24 =	vadd.f32 v57, v24;
	v39 =	vadd.f32 v58, v20;
	v20 =	vld [tilespmem:s22+$0x6630]  }
0x157: {  	s24 =	simm.s32 $0x1400;
	[tilespmem:$0x1FFA0] =	vst v1;
	v46 =	vperm.xlane v23, v54;
	v37 =	vadd.f32 v22, v62;
	v38 =	vadd.f32 v60, v19;
	v19 =	vld [tilespmem:s22+$0x6680]  }
.LBB2_3:
0x158: {  	v22 =	vld [tilespmem:s22+$0x65F0];
	v52 =	vperm.xlane v33, v54  }
0x159: {  	v5 =	vperm.xlane v9, v54;
	v57 =	vld [tilespmem:s22+$0x64B0];
	v27 =	vadd.f32 v27, v43;
	v29 =	vadd.f32 v29, v47  }
0x15a: {  	v53 =	vperm.xlane v34, v54;
	v60 =	vld [tilespmem:s22+$0x6490];
	v44 =	vadd.f32 v21, v44;
	v30 =	vadd.f32 v30, v48  }
0x15b: {  	v7 =	vperm.xlane v55, v54;
	v62 =	vld [tilespmem:s22+$0x6480];
	v25 =	vadd.f32 v25, v45;
	v32 =	vadd.f32 v32, v49  }
0x15c: {  	v56 =	vperm.xlane v31, v54;
	v4 =	vld [tilespmem:s22+$0x64C0];
	v35 =	vadd.f32 v35, v50;
	v12 =	vadd.f32 v12, v41  }
0x15d: {  	s25 =	sshra.s32 s24, $0x2;
	v59 =	vperm.xlane v28, v54;
	v43 =	vld [tilespmem:s22+$0x64F0];
	v36 =	vadd.f32 v36, v51;
	v13 =	vadd.f32 v13, v42  }
0x15e: {  	s23 =	sadd.s32 $0x40, s23;
	v61 =	vperm.xlane v26, v54;
	v6 =	vld [tilespmem:s25+$0xB6F0];
	v46 =	vadd.f32 v23, v46;
	v33 =	vadd.f32 v33, v52  }
0x15f: {  	v21 =	vld [tilespmem:s23+$0x10];
	v58 =	vperm.xlane v10, v54;
	v34 =	vadd.f32 v34, v53;
	v47 =	vadd.f32 v9, v5  }
0x160: {  	v41 =	vld [tilespmem:s22+$0x64E0];
	v50 =	vperm.xlane v24, v63;
	v31 =	vadd.f32 v31, v56;
	v11 =	vadd.f32 v55, v7  }
0x161: {  	v23 =	vld [tilespmem:s22+$0x64A0];
	v28 =	vadd.f32 v28, v59;
	v26 =	vadd.f32 v26, v61;
	v49 =	vperm.xlane v27, v63  }
0x162: {  	v45 =	vld [tilespmem:s22+$0x65A0];
	v10 =	vadd.f32 v10, v58;
	v42 =	vperm.xlane v44, v63;
	v53 =	vperm.xlane v29, v63  }
0x163: {  	v7 =	vld [tilespmem:s22+$0x64D0];
	v5 =	vperm.xlane v25, v63;
	v56 =	vperm.xlane v12, v63;
	v39 =	vadd.f32 v57, v39  }
0x164: {  	v48 =	vld [tilespmem:s22+$0x6530];
	v58 =	vperm.xlane v13, v63;
	v37 =	vadd.f32 v60, v37;
	v38 =	vadd.f32 v62, v38  }
0x165: {  	v51 =	vld [tilespmem:s22+$0x6500];
	v57 =	vperm.xlane v32, v63;
	v29 =	vadd.f32 v29, v53;
	v25 =	vadd.f32 v25, v5  }
0x166: {  	v52 =	vld [tilespmem:s22+$0x65B0];
	v60 =	vperm.xlane v36, v63;
	v55 =	vadd.f32 v12, v56;
	v23 =	vadd.f32 v23, v40  }
0x167: {  	v61 =	vld [tilespmem:s22+$0x6520];
	v62 =	vperm.xlane v33, v63;
	v39 =	vadd.f32 v43, v39;
	v38 =	vadd.f32 v4, v38  }
0x168: {  	v53 =	vld [tilespmem:s22+$0x6510];
	v5 =	vperm.xlane v11, v63;
	v37 =	vadd.f32 v7, v37;
	v32 =	vadd.f32 v32, v57  }
0x169: {  	v12 =	vld [tilespmem:s25+$0xB5B0];
	v1 =	vmul.f32 v6, v21;
	v57 =	vadd.f32 v13, v58;
	v36 =	vadd.f32 v36, v60  }
0x16a: {  	v40 =	vld [tilespmem:s22+$0x65E0];
	v6 =	vperm.xlane v30, v63;
	v33 =	vadd.f32 v33, v62;
	v54 =	vadd.f32 v11, v5  }
0x16b: {  	v43 =	vld [tilespmem:s22+$0x6570];
	v7 =	vperm.xlane v46, v63;
	v41 =	vadd.f32 v41, v23;
	v23 =	vadd.f32 v27, v49  }
0x16c: {  	v4 =	vperm.xlane v47, v63;
	v58 =	vld [tilespmem:s25+$0xB670];
	v27 =	vadd.f32 v24, v50;
	v24 =	vadd.f32 v44, v42  }
0x16d: {  	v5 =	vld [tilespmem:s22+$0x6540];
	v44 =	vperm.xlane v34, v63;
	v30 =	vadd.f32 v30, v6;
	v46 =	vadd.f32 v46, v7  }
0x16e: {  	v49 =	vld [tilespmem:s25+$0xB5F0];
	v6 =	vperm.xlane v31, v63;
	v47 =	vadd.f32 v47, v4;
	v39 =	vadd.f32 v48, v39  }
0x16f: {  	v50 =	vld [tilespmem:s22+$0x6560];
	v7 =	vperm.xlane v28, v63;
	v38 =	vadd.f32 v51, v38;
	v34 =	vadd.f32 v34, v44  }
0x170: {  	v42 =	vld [tilespmem:s25+$0xB6B0];
	v4 =	vperm.xlane v26, v63;
	v31 =	vadd.f32 v31, v6;
	v41 =	vadd.f32 v61, v41  }
0x171: {  	v13 =	vperm.xlane v10, v63;
	v6 =	vld [tilespmem:s22+$0x6550];
	v37 =	vadd.f32 v53, v37;
	v28 =	vadd.f32 v28, v7  }
0x172: {  	vm0 =	vcmask $0x310;
	v26 =	vadd.f32 v26, v4;
	v7 =	vld [tilespmem:s22+$0x6580];
	v39 =	vadd.f32 v43, v39  }
0x173: {  	v60 =	vld [tilespmem:s22+$0x6590];
	[tilespmem:$0x1FEF0] =	vst v1;
	v62 =	vadd.f32 v5, v38;
	v1 =	vmul.f32 v49, v21;
	v49 =	vadd.f32 v10, v13  }
0x174: {  	v61 =	vld [tilespmem:s22+$0x65C0];
	v26 =	vsel vm1, v28, v26;
	v28 =	vnsel vm1, $0x0, v32;
	v41 =	vadd.f32 v50, v41  }
0x175: {  	v4 =	vld [tilespmem:s22+$0x6600];
	v28 =	vsel vm0, v28, v30;
	v39 =	vadd.f32 v52, v39;
	vm0 =	vcmask $0xB10  }
0x176: {  	v5 =	vld [tilespmem:s22+$0x65D0];
	[tilespmem:$0x1FEE0] =	vst v1;
	v1 =	vmul.f32 v42, v21;
	v30 =	vadd.f32 v6, v37;
	v26 =	vsel vm2, v26, v49  }
0x177: {  	v28 =	vsel vm4, v28, v29;
	v6 =	vld [tilespmem:s22+$0x6640];
	v41 =	vadd.f32 v45, v41;
	v29 =	vadd.f32 v7, v62  }
0x178: {  	v26 =	vsel vm5, v26, v31;
	v31 =	vld [tilespmem:s22+$0x6610];
	v27 =	vsel vm0, v28, v27;
	v22 =	vadd.f32 v22, v39  }
0x179: {  	v30 =	vadd.f32 v60, v30;
	v26 =	vsel vm3, v26, v54;
	v28 =	vadd.f32 v61, v29;
	v29 =	vld [tilespmem:s22+$0x6620]  }
0x17a: {  	v44 =	vld [tilespmem:s22+$0x6660];
	[tilespmem:$0x1FF10] =	vst v1;
	v1 =	vmul.f32 v12, v21;
	v27 =	vmax.f32 v27, $-1.000000000e+01;
	v26 =	vsel vm6, v26, v34  }
0x17b: {  	v7 =	vld [tilespmem:s22+$0x6650];
	v30 =	vadd.f32 v5, v30;
	v26 =	vsel vm7, v26, v47;
	v28 =	vadd.f32 v4, v28  }
0x17c: {  	v45 =	vld [tilespmem:s22+$0x6690];
	v40 =	vadd.f32 v40, v41;
	v20 =	vadd.f32 v20, v22;
	v22 =	vsel vm8, v26, v33  }
0x17d: {  	v26 =	vmin.f32 v27, $1.000000000e+01;
	v27 =	vadd.f32 v6, v28;
	v28 =	vadd.f32 v31, v30;
	v30 =	vld [tilespmem:s22+$0x66A0]  }
0x17e: {  	v29 =	vadd.f32 v29, v40  }
0x17f: {  	[tilespmem:$0x1FF00] =	vst v1;
	v1 =	vmul.f32 v58, v21;
	v19 =	vadd.f32 v19, v27  }
0x180: {  	v27 =	vadd.f32 v7, v28;
	v29 =	vadd.f32 v44, v29  }
0x181: {  	[tilespmem:$0x1FF30] =	vst v1;
	v1 =	vld [tilespmem:$0x1FF70];
	v17 =	vadd.f32 v17, v19  }
0x182: {  	v31 =	vld [tilespmem:s22+$0x66D0];
	v19 =	vadd.f32 v45, v27;
	v27 =	vadd.f32 v30, v29;
	_ =	sdelay $0x1  }
0x183: {  	v14 =	vadd.f32 v0, v27;
	v0 =	vld [tilespmem:$0x1FF80];
	_ =	sdelay $0x2  }
0x184: {  	v8 =	vmul.f32 v17, v1;
	v17 =	vadd.f32 v31, v19  }
0x185: {  	v18 =	vadd.f32 v18, v20  }
0x186: {  	v7 =	vmul.f32 v17, v0;
	v0 =	vld [tilespmem:$0x1FFA0]  }
0x187: {  	v59 =	vperm.xlane v35, v63;
	v16 =	vadd.f32 v16, v18  }
0x188: {  	v22 =	vsel vm9, v22, v46;
	v1 =	vld [tilespmem:$0x1FFE0]  }
0x189: {  	v35 =	vadd.f32 v35, v59;
	v62 =	vld [tilespmem:s23+$0x0];
	v20 =	vsel vm10, v22, v36;
	v15 =	vadd.f32 v15, v16  }
0x18a: {  	v54 =	vld [tilespmem:s23+$0xFFFFFFF0];
	v20 =	vsel vm11, v20, v57  }
0x18b: {  	s22 =	smov.u32 s25;
	v18 =	vsel vm12, v20, v35;
	v29 =	vmax.f32 v8, $-1.000000000e+01;
	v8 =	vmul.f32 v15, v0;
	v0 =	vld [tilespmem:$0x1FF90]  }
0x18c: {  	v22 =	vld [tilespmem:s22+$0xB6E0];
	v18 =	vsel vm13, v18, v55  }
0x18d: {  	v46 =	vld [tilespmem:s22+$0xB630];
	v16 =	vsel vm14, v18, v25;
	vm0 =	vnez.u8 v1  }
0x18e: {  	v28 =	vld [tilespmem:s22+$0xB570];
	v16 =	vsel vm0, v16, v24  }
0x18f: {  	v47 =	vld [tilespmem:s22+$0xB530];
	v16 =	vsel vm15, v16, v23;
	v27 =	vmax.f32 v7, $-1.000000000e+01;
	v15 =	vmin.f32 v29, $1.000000000e+01  }
0x190: {  	v20 =	vld [tilespmem:s22+$0xB5E0];
	v15 =	vand.u32 $0x7FFFFFFF, v15;
	v6 =	vmul.f32 v14, v0;
	v14 =	vmax.f32 v16, $-1.000000000e+01  }
0x191: {  	v49 =	vld [tilespmem:s22+$0xB6D0];
	v31 =	vmax.f32 v8, $-1.000000000e+01;
	v0 =	vmul.f32 v22, v62;
	v48 =	vmin.f32 v14, $1.000000000e+01  }
0x192: {  	v9 =	vmovc v21;
	v50 =	vld [tilespmem:s22+$0xB560];
	v14 =	vsub.f32 $0.0e+00, v15;
	v15 =	vmin.f32 v27, $1.000000000e+01;
	v33 =	vmax.f32 v6, $-1.000000000e+01  }
0x193: {  	v51 =	vld [tilespmem:s22+$0xB5C0];
	v15 =	vand.u32 $0x7FFFFFFF, v15;
	v30 =	vsub.f32 $0.0e+00, v48;
	[tilespmem:$0x1FEA0] =	vst v0;
	v0 =	vmul.f32 v28, v9  }
0x194: {  	v39 =	vld [tilespmem:s22+$0xB5D0];
	v16 =	vmin.f32 v33, $1.000000000e+01;
	v8 =	vmul.f32 $1.442695020e+00, v14;
	v14 =	vsub.f32 $0.0e+00, v15  }
0x195: {  	v25 =	vld [tilespmem:s22+$0xB6A0];
	v15 =	vand.u32 $0x7FFFFFFF, v16;
	v16 =	vmin.f32 v31, $1.000000000e+01;
	[tilespmem:$0x1FF20] =	vst v0;
	v0 =	vmul.f32 v20, v62  }
0x196: {  	v40 =	vld [tilespmem:s22+$0xB620];
	v15 =	vsub.f32 $0.0e+00, v15;
	v59 =	vmul.f32 $1.442695020e+00, v14;
	v14 =	vand.u32 $0x7FFFFFFF, v16  }
0x197: {  	v41 =	vld [tilespmem:s22+$0xB680];
	v24 =	vsub.f32 $0.0e+00, v26;
	(erf) = vpow2.f32 v8;
	v14 =	vsub.f32 $0.0e+00, v14  }
0x198: {  	v42 =	vld [tilespmem:s22+$0xB690];
	[tilespmem:$0x1FE90] =	vst v0;
	v0 =	vmul.f32 v46, v9;
	v8 =	vmul.f32 $1.442695020e+00, v15;
	v15 =	vand.u32 $0x7FFFFFFF, v30  }
0x199: {  	v23 =	vld [tilespmem:s22+$0xB5A0];
	(erf) = vpow2.f32 v59;
	v15 =	vsub.f32 $0.0e+00, v15;
	v16 =	vmul.f32 $1.442695020e+00, v14  }
0x19a: {  	v61 =	vld [tilespmem:s22+$0xB580];
	v60 =	vand.u32 $0x7FFFFFFF, v24;
	[tilespmem:$0x1FF50] =	vst v0;
	v0 =	vmul.f32 v25, v62;
	(erf) = vpow2.f32 v8  }
0x19b: {  	v26 =	vld [tilespmem:s22+$0xB660];
	v19 =	vsub.f32 $0.0e+00, v60;
	v15 =	vmul.f32 $1.442695020e+00, v15  }
0x19c: {  	v35 =	vld [tilespmem:s22+$0xB6C0];
	(erf) = vpow2.f32 v16;
	[tilespmem:$0x1FEC0] =	vst v0;
	v0 =	vmul.f32 v47, v9  }
0x19d: {  	v20 =	vmul.f32 $1.442695020e+00, v19;
	v59 =	vld [tilespmem:s23+$0xFFFFFFE0];
	(erf) = vpow2.f32 v15  }
0x19e: {  	v4 =	vld [tilespmem:s22+$0xB590];
	[tilespmem:$0x1FF40] =	vst v0;
	v0 =	vmul.f32 v23, v62  }
0x19f: {  	v45 =	vld [tilespmem:s22+$0xB640];
	(erf) = vpow2.f32 v20  }
0x1a0: {  	v34 =	vmul.f32 v49, v54;
	v49 =	vld [tilespmem:s22+$0xB600];
	[tilespmem:$0x1FEB0] =	vst v0;
	v0 =	vmul.f32 v26, v62;
	v26 =	vpop (erf)  }
0x1a1: {  	v36 =	vmul.f32 v39, v54;
	v28 =	vld [tilespmem:s22+$0xB520];
	v23 =	vadd.f32 $2.000000000e+00, v26  }
0x1a2: {  	v60 =	vld [tilespmem:s22+$0xB510];
	v32 =	vmul.f32 v35, v59;
	v35 =	vmul.f32 v51, v59;
	v51 =	vpop (erf)  }
0x1a3: {  	v38 =	vmul.f32 v42, v54;
	v48 =	vld [tilespmem:s22+$0xB550];
	v25 =	vadd.f32 $2.000000000e+00, v51;
	(erf) = vrcp.f32 v23;
	v52 =	vpop (erf)  }
0x1a4: {  	v22 =	vmul.f32 v50, v62;
	v46 =	vld [tilespmem:s22+$0xB650];
	v37 =	vmul.f32 v41, v59;
	v5 =	vadd.f32 $2.000000000e+00, v52  }
0x1a5: {  	v6 =	vld [tilespmem:s22+$0xB610];
	v41 =	vmul.f32 v4, v54;
	(erf) = vrcp.f32 v25;
	v7 =	vpop (erf)  }
0x1a6: {  	v47 =	vld [tilespmem:s22+$0xB540];
	v25 =	vmul.f32 v28, v62;
	v28 =	vadd.f32 $2.000000000e+00, v7;
	(erf) = vrcp.f32 v5;
	v55 =	vpop (erf)  }
0x1a7: {  	v4 =	vld [tilespmem:s22+$0xB4C0];
	v23 =	vmul.f32 v40, v62;
	v40 =	vmul.f32 v61, v59;
	v61 =	vadd.f32 $2.000000000e+00, v55  }
0x1a8: {  	v50 =	vmul.f32 v60, v54;
	[tilespmem:$0x1FED0] =	vst v0;
	v0 =	vld [tilespmem:s22+$0xB500];
	(erf) = vrcp.f32 v28;
	v58 =	vpop (erf)  }
0x1a9: {  	v42 =	vmul.f32 v46, v54;
	v28 =	vld [tilespmem:s22+$0xB4D0];
	v5 =	vadd.f32 $2.000000000e+00, v58;
	(erf) = vrcp.f32 v61  }
0x1aa: {  	v39 =	vmul.f32 v45, v59;
	v45 =	vmul.f32 v48, v54  }
0x1ab: {  	v1 =	vld [tilespmem:s22+$0xB480];
	v43 =	vmul.f32 v49, v59;
	(erf) = vrcp.f32 v5  }
0x1ac: {  	v21 =	vld [tilespmem:s22+$0xB420];
	v13 =	vmin.f32 v29, $0.0e+00;
	v44 =	vmul.f32 v47, v59;
	v47 =	vmul.f32 v6, v54;
	v6 =	vpop (erf)  }
0x1ad: {  	v12 =	vld [tilespmem:s22+$0xB440];
	v17 =	vmin.f32 v27, $0.0e+00;
	v48 =	vmul.f32 v4, v59;
	v56 =	vmul.f32 v6, v26  }
0x1ae: {  	v10 =	vld [tilespmem:s22+$0xB450];
	v32 =	vadd.f32 v34, v32;
	v46 =	vmul.f32 v0, v59;
	v49 =	vmul.f32 v28, v54;
	v26 =	vpop (erf)  }
0x1af: {  	v19 =	vld [tilespmem:s22+$0xB4A0];
	v43 =	vadd.f32 v47, v43;
	v57 =	vmul.f32 v56, v56;
	v60 =	vmul.f32 v26, v51;
	v26 =	vpop (erf)  }
0x1b0: {  	v18 =	vmovc v63;
	v16 =	vld [tilespmem:s22+$0xB400];
	v39 =	vadd.f32 v42, v39;
	v51 =	vmul.f32 v1, v59;
	v11 =	vmul.f32 v26, v52  }
0x1b1: {  	v15 =	vld [tilespmem:s22+$0xB3C0];
	v23 =	vadd.f32 v23, v43;
	v52 =	vmul.f32 $1.111111120e-01, v57;
	v61 =	vmul.f32 v60, v60;
	v28 =	vpop (erf)  }
0x1b2: {  	v20 =	vld [tilespmem:s22+$0xB460];
	v42 =	vadd.f32 v50, v46;
	v4 =	vmul.f32 v28, v7;
	v63 =	vmul.f32 v11, v11;
	v27 =	vpop (erf)  }
0x1b3: {  	v34 =	vld [tilespmem:s22+$0xB240];
	v7 =	vadd.f32 $1.428571490e-01, v52;
	v0 =	vmul.f32 $1.111111120e-01, v61;
	v55 =	vmul.f32 v27, v55  }
0x1b4: {  	v43 =	vld [tilespmem:$0x1FF00];
	v25 =	vadd.f32 v25, v42;
	v2 =	vmul.f32 v4, v4;
	v29 =	vpop (erf);
	v1 =	vmul.f32 $1.111111120e-01, v63  }
0x1b5: {  	v50 =	vld [tilespmem:s22+$0xB220];
	v53 =	vmul.f32 v7, v57;
	v0 =	vadd.f32 $1.428571490e-01, v0;
	v58 =	vmul.f32 v29, v58  }
0x1b6: {  	v46 =	vld [tilespmem:$0x1FF20];
	v5 =	vmul.f32 $1.111111120e-01, v2;
	v6 =	vmul.f32 v55, v55;
	v3 =	vadd.f32 $1.428571490e-01, v1  }
0x1b7: {  	v42 =	vld [tilespmem:s22+$0xB230];
	v53 =	vadd.f32 $2.000000030e-01, v53;
	v7 =	vmul.f32 v0, v61;
	v8 =	vmul.f32 v58, v58  }
0x1b8: {  	v26 =	vld [tilespmem:s22+$0xB4F0];
	v14 =	vadd.f32 $1.428571490e-01, v5;
	v0 =	vmul.f32 $1.111111120e-01, v6;
	v3 =	vmul.f32 v3, v63  }
0x1b9: {  	v5 =	vld [tilespmem:s22+$0xB490];
	v53 =	vmul.f32 v53, v57;
	v7 =	vadd.f32 $2.000000030e-01, v7;
	v1 =	vmul.f32 $1.111111120e-01, v8  }
0x1ba: {  	v28 =	vld [tilespmem:s22+$0xB4B0];
	v14 =	vmul.f32 v14, v2;
	v0 =	vadd.f32 $1.428571490e-01, v0;
	v3 =	vadd.f32 $2.000000030e-01, v3  }
0x1bb: {  	v52 =	vld [tilespmem:s22+$0xB4E0];
	v53 =	vadd.f32 $3.333333430e-01, v53;
	v7 =	vmul.f32 v7, v61;
	v1 =	vadd.f32 $1.428571490e-01, v1  }
0x1bc: {  	v27 =	vld [tilespmem:s22+$0xB470];
	v14 =	vadd.f32 $2.000000030e-01, v14;
	v0 =	vmul.f32 v0, v6;
	v3 =	vmul.f32 v3, v63  }
0x1bd: {  	v29 =	vld [tilespmem:s22+$0xB430];
	v53 =	vmul.f32 v53, v57;
	v7 =	vadd.f32 $3.333333430e-01, v7;
	v1 =	vmul.f32 v1, v8  }
0x1be: {  	v57 =	vld [tilespmem:s22+$0xB410];
	v5 =	vmul.f32 v5, v54;
	v14 =	vmul.f32 v14, v2;
	v0 =	vadd.f32 $2.000000030e-01, v0  }
0x1bf: {  	v3 =	vadd.f32 $3.333333430e-01, v3;
	v53 =	vadd.f32 $1.000000000e+00, v53;
	v7 =	vmul.f32 v7, v61;
	v61 =	vld [tilespmem:s22+$0xB3D0]  }
0x1c0: {  	v1 =	vadd.f32 $2.000000030e-01, v1;
	v5 =	vadd.f32 v5, v51;
	v51 =	vld [tilespmem:s22+$0xB260]  }
0x1c1: {  	v14 =	vadd.f32 $3.333333430e-01, v14;
	v0 =	vmul.f32 v0, v6;
	v3 =	vmul.f32 v3, v63;
	v63 =	vld [tilespmem:s22+$0xB380]  }
0x1c2: {  	v53 =	vmul.f32 v53, v56;
	v7 =	vadd.f32 $1.000000000e+00, v7;
	v1 =	vmul.f32 v1, v8;
	v56 =	vld [tilespmem:s22+$0xB390]  }
0x1c3: {  	v2 =	vmul.f32 v14, v2;
	v0 =	vadd.f32 $3.333333430e-01, v0;
	v14 =	vld [tilespmem:s22+$0xB340]  }
0x1c4: {  	v3 =	vadd.f32 $1.000000000e+00, v3;
	v7 =	vmul.f32 v7, v60;
	v1 =	vadd.f32 $3.333333430e-01, v1;
	v60 =	vld [tilespmem:s22+$0xB350]  }
0x1c5: {  	v53 =	vadd.f32 v53, v53;
	v0 =	vmul.f32 v0, v6;
	v6 =	vld [tilespmem:s22+$0xB300]  }
0x1c6: {  	v2 =	vadd.f32 $1.000000000e+00, v2;
	v3 =	vmul.f32 v3, v11;
	v1 =	vmul.f32 v1, v8;
	v8 =	vld [tilespmem:s22+$0xB310]  }
0x1c7: {  	v13 =	vsub.f32 v13, v53;
	v7 =	vadd.f32 v7, v7;
	v53 =	vld [tilespmem:$0x1FF60]  }
0x1c8: {  	v2 =	vmul.f32 v2, v4;
	v0 =	vadd.f32 $1.000000000e+00, v0;
	v4 =	vld [tilespmem:s22+$0x6230];
	v3 =	vadd.f32 v3, v3  }
0x1c9: {  	v7 =	vsub.f32 v17, v7;
	v17 =	vmul.f32 v12, v59;
	v12 =	vmul.f32 v16, v59;
	v16 =	vld [tilespmem:s22+$0xB280]  }
0x1ca: {  	v10 =	vmul.f32 v10, v54;
	v33 =	vmin.f32 v33, $0.0e+00;
	v0 =	vmul.f32 v0, v55;
	v55 =	vld [tilespmem:s22+$0x6220]  }
0x1cb: {  	v3 =	vsub.f32 v33, v3;
	v33 =	vld [tilespmem:s22+$0x6210]  }
0x1cc: {  	v47 =	vadd.f32 v10, v17;
	v10 =	vld [tilespmem:s22+$0x6280]  }
0x1cd: {  	v31 =	vmin.f32 v31, $0.0e+00;
	v30 =	vmin.f32 v30, $0.0e+00;
	v2 =	vadd.f32 v2, v2;
	v17 =	vld [tilespmem:$0x1FE90]  }
0x1ce: {  	v1 =	vadd.f32 $1.000000000e+00, v1;
	v14 =	vmul.f32 v14, v59;
	v13 =	vadd.f32 v13, v53;
	v53 =	vld [tilespmem:s22+$0x6270]  }
0x1cf: {  	v60 =	vmul.f32 v60, v54;
	v0 =	vadd.f32 v0, v0;
	v2 =	vsub.f32 v31, v2;
	v31 =	vld [tilespmem:s22+$0x6200]  }
0x1d0: {  	v6 =	vmul.f32 v6, v59;
	v8 =	vmul.f32 v8, v54;
	v7 =	vadd.f32 v7, v13;
	v13 =	vld [tilespmem:s22+$0x6260]  }
0x1d1: {  	v0 =	vsub.f32 v30, v0;
	v30 =	vmul.f32 v57, v54;
	v57 =	vmul.f32 v61, v54;
	v61 =	vld [tilespmem:$0x1FFC0]  }
0x1d2: {  	v1 =	vmul.f32 v1, v58;
	v6 =	vadd.f32 v8, v6;
	v8 =	vadd.f32 v60, v14;
	v60 =	vld [tilespmem:$0x1FFB0]  }
0x1d3: {  	v56 =	vmul.f32 v56, v54;
	v58 =	vmul.f32 v63, v59;
	v3 =	vadd.f32 v3, v7;
	v7 =	vld [tilespmem:s22+$0x6250]  }
0x1d4: {  	v1 =	vadd.f32 v1, v1;
	v14 =	vld [tilespmem:s22+$0xB3E0]  }
0x1d5: {  	v12 =	vadd.f32 v30, v12;
	v30 =	vmul.f32 v34, v59;
	v34 =	vadd.f32 v56, v58;
	v58 =	vld [tilespmem:s22+$0xB320]  }
0x1d6: {  	v2 =	vadd.f32 v2, v3;
	v3 =	vmin.f32 v24, $0.0e+00;
	v24 =	vld [tilespmem:s22+$0x6240]  }
0x1d7: {  	v1 =	vsub.f32 v3, v1;
	v3 =	vld [tilespmem:s22+$0xB2C0]  }
0x1d8: {  	v0 =	vadd.f32 v0, v2;
	v2 =	vld [tilespmem:s22+$0xB2D0];
	v7 =	vadd.f32 v7, v33  }
0x1d9: {  	v33 =	vadd.f32 v36, v35;
	v36 =	vadd.f32 v38, v37;
	v37 =	vld [tilespmem:s22+$0xB250]  }
0x1da: {  	v15 =	vmul.f32 v15, v59;
	v35 =	vadd.f32 v41, v40;
	v41 =	vld [tilespmem:s22+$0x62B0]  }
0x1db: {  	v40 =	vadd.f32 v45, v44;
	v45 =	vadd.f32 v49, v48;
	v49 =	vld [tilespmem:s22+$0xB2A0]  }
0x1dc: {  	v48 =	vadd.f32 v57, v15;
	v15 =	vmul.f32 v19, v62;
	v19 =	vld [tilespmem:$0x1FEB0]  }
0x1dd: {  	v57 =	vmul.f32 v52, v62;
	v52 =	vld [tilespmem:s22+$0x62F0]  }
0x1de: {  	v1 =	vnsel vm3, $0x0, v1;
	v38 =	vmul.f32 v16, v59;
	v44 =	vld [tilespmem:$0x1FF10]  }
0x1df: {  	v16 =	vmul.f32 v21, v62;
	v0 =	vadd.f32 v1, v0;
	v1 =	vadd.f32 v53, v4;
	v53 =	vld [tilespmem:s22+$0x62A0]  }
0x1e0: {  	v63 =	vmov v18;
	v18 =	vadd.f32 v17, v33;
	v17 =	vld [tilespmem:$0x1FEA0]  }
0x1e1: {  	v22 =	vadd.f32 v22, v40;
	v12 =	vadd.f32 v16, v12;
	v16 =	vld [tilespmem:s22+$0x62C0]  }
0x1e2: {  	v5 =	vadd.f32 v15, v5;
	[tilespmem:$0x1FF60] =	vst v0;
	v0 =	vadd.f32 v13, v55;
	v55 =	vld [tilespmem:s22+$0xB290]  }
0x1e3: {  	v26 =	vmul.f32 v26, v9;
	v15 =	vadd.f32 v57, v45;
	v13 =	vadd.f32 v24, v31;
	v24 =	vld [tilespmem:s22+$0xB200]  }
0x1e4: {  	v28 =	vmul.f32 v28, v9;
	v29 =	vmul.f32 v29, v9;
	v31 =	vld [tilespmem:s22+$0xB210]  }
0x1e5: {  	v14 =	vmul.f32 v14, v62;
	v22 =	vadd.f32 v46, v22;
	v15 =	vadd.f32 v26, v15;
	v26 =	vld [tilespmem:s22+$0x6330]  }
0x1e6: {  	v3 =	vmul.f32 v3, v59;
	v5 =	vadd.f32 v28, v5;
	v10 =	vadd.f32 v10, v13;
	v13 =	vld [tilespmem:s22+$0xB2E0]  }
0x1e7: {  	v2 =	vmul.f32 v2, v54;
	v12 =	vadd.f32 v29, v12;
	v21 =	vadd.f32 v19, v35;
	v19 =	vld [tilespmem:$0x1FEC0]  }
0x1e8: {  	v37 =	vmul.f32 v37, v54;
	v1 =	vadd.f32 v41, v1;
	v56 =	vmul.f32 v49, v62;
	v49 =	vld [tilespmem:$0x1FF50]  }
0x1e9: {  	v2 =	vadd.f32 v2, v3;
	v3 =	vld [tilespmem:s22+$0xB3A0];
	v0 =	vadd.f32 v53, v0;
	v53 =	vmul.f32 v58, v62  }
0x1ea: {  	v58 =	vadd.f32 v14, v48;
	v14 =	vmul.f32 v51, v62;
	v48 =	vld [tilespmem:$0x1FF40];
	v30 =	vadd.f32 v37, v30  }
0x1eb: {  	v17 =	vadd.f32 v17, v32;
	v32 =	vmul.f32 v50, v62;
	v10 =	vadd.f32 v16, v10;
	v16 =	vld [tilespmem:s22+$0xB2F0]  }
0x1ec: {  	v1 =	vadd.f32 v52, v1;
	v21 =	vadd.f32 v43, v21;
	v50 =	vld [tilespmem:s22+$0x6370];
	v4 =	vmul.f32 v55, v54  }
0x1ed: {  	v24 =	vmul.f32 v24, v59;
	v55 =	vld [tilespmem:s22+$0x6290];
	v31 =	vmul.f32 v31, v54;
	v6 =	vadd.f32 v53, v6  }
0x1ee: {  	[tilespmem:$0x1FF70] =	vst v59;
	v59 =	vmul.f32 v20, v62;
	v20 =	vld [tilespmem:$0x1FED0];
	v14 =	vadd.f32 v14, v30;
	v1 =	vadd.f32 v26, v1  }
0x1ef: {  	[tilespmem:$0x1FF80] =	vst v54;
	v27 =	vmul.f32 v27, v9;
	v54 =	vld [tilespmem:s22+$0x62E0];
	v4 =	vadd.f32 v4, v38;
	v24 =	vadd.f32 v31, v24  }
0x1f0: {  	v30 =	vld [tilespmem:s22+$0xB370];
	v19 =	vadd.f32 v19, v36;
	v13 =	vmul.f32 v13, v62;
	v57 =	vadd.f32 v59, v47  }
0x1f1: {  	v29 =	vmul.f32 v42, v9;
	v31 =	vld [tilespmem:s22+$0xB360];
	v23 =	vadd.f32 v49, v23;
	v25 =	vadd.f32 v48, v25  }
0x1f2: {  	v59 =	vld [tilespmem:s22+$0xB330];
	v3 =	vmul.f32 v3, v62;
	v4 =	vadd.f32 v56, v4;
	v2 =	vadd.f32 v13, v2  }
0x1f3: {  	v38 =	vld [tilespmem:$0x1FEE0];
	v24 =	vadd.f32 v32, v24;
	v19 =	vadd.f32 v44, v19;
	v16 =	vmul.f32 v16, v9  }
0x1f4: {  	v47 =	vld [tilespmem:$0x1FF30];
	v51 =	vadd.f32 v27, v57;
	v1 =	vadd.f32 v50, v1;
	v56 =	vperm.xlane v5, v60  }
0x1f5: {  	v13 =	vld [tilespmem:s22+$0xB3B0];
	v57 =	vperm.xlane v15, v60;
	v7 =	vadd.f32 v55, v7;
	v20 =	vadd.f32 v20, v39  }
0x1f6: {  	v27 =	vld [tilespmem:s22+$0x6320];
	v3 =	vadd.f32 v3, v34;
	v0 =	vadd.f32 v54, v0;
	v30 =	vmul.f32 v30, v9  }
0x1f7: {  	v55 =	vld [tilespmem:s22+$0x62D0];
	v2 =	vadd.f32 v16, v2;
	v24 =	vadd.f32 v29, v24;
	v53 =	vperm.xlane v19, v60  }
0x1f8: {  	v39 =	vld [tilespmem:$0x1FEF0];
	v5 =	vadd.f32 v5, v56;
	v31 =	vmul.f32 v31, v62;
	v18 =	vadd.f32 v38, v18  }
0x1f9: {  	v16 =	vld [tilespmem:s22+$0x6360];
	v20 =	vadd.f32 v47, v20;
	v32 =	vmul.f32 v59, v9;
	v19 =	vadd.f32 v19, v53  }
0x1fa: {  	[tilespmem:$0x1FF90] =	vst v62;
	v62 =	vld [tilespmem:s22+$0xB2B0];
	v47 =	vperm.xlane v5, v61;
	v8 =	vadd.f32 v31, v8;
	v13 =	vmul.f32 v13, v9  }
0x1fb: {  	v6 =	vadd.f32 v32, v6;
	v26 =	vperm.xlane v18, v60;
	v0 =	vadd.f32 v27, v0  }
0x1fc: {  	v31 =	vld [tilespmem:s22+$0xB3F0];
	v27 =	vperm.xlane v21, v60;
	v54 =	vperm.xlane v20, v60;
	v7 =	vadd.f32 v55, v7  }
0x1fd: {  	v45 =	vld [tilespmem:s22+$0xB270];
	v17 =	vadd.f32 v39, v17;
	v55 =	vperm.xlane v23, v60;
	v3 =	vadd.f32 v13, v3  }
0x1fe: {  	v44 =	vperm.xlane v19, v61;
	v13 =	vld [tilespmem:s22+$0x6310];
	v8 =	vadd.f32 v30, v8;
	v0 =	vadd.f32 v16, v0  }
0x1ff: {  	v30 =	vld [tilespmem:s22+$0x6300];
	v18 =	vadd.f32 v18, v26;
	v21 =	vadd.f32 v21, v27;
	v28 =	vmul.f32 v62, v9  }
0x200: {  	v20 =	vadd.f32 v20, v54;
	v29 =	vperm.xlane v17, v60;
	v27 =	vperm.xlane v8, v60  }
0x201: {  	v26 =	vperm.xlane v3, v60;
	v31 =	vmul.f32 v31, v9;
	v4 =	vadd.f32 v28, v4  }
0x202: {  	v16 =	vperm.xlane v51, v60;
	v17 =	vadd.f32 v17, v29;
	v8 =	vadd.f32 v8, v27  }
0x203: {  	v3 =	vadd.f32 v3, v26;
	v52 =	vadd.f32 v31, v58;
	v31 =	vmul.f32 v45, v9  }
0x204: {  	v28 =	vld [tilespmem:s22+$0x6350];
	v7 =	vadd.f32 v13, v7;
	v13 =	vperm.xlane v22, v60;
	v10 =	vadd.f32 v30, v10  }
0x205: {  	[tilespmem:$0x1FFA0] =	vst v9;
	v30 =	vperm.xlane v25, v60;
	v58 =	vadd.f32 v15, v57;
	v9 =	vadd.f32 v51, v16  }
0x206: {  	v45 =	vperm.xlane v20, v61;
	v14 =	vadd.f32 v31, v14;
	v29 =	vperm.xlane v52, v60  }
0x207: {  	v13 =	vadd.f32 v22, v13;
	v59 =	vadd.f32 v25, v30;
	v25 =	vperm.xlane v2, v60  }
0x208: {  	v16 =	vld [tilespmem:s22+$0x63B0];
	v22 =	vadd.f32 v23, v55;
	v30 =	vperm.xlane v4, v60;
	v48 =	vperm.xlane v58, v61  }
0x209: {  	v26 =	vld [tilespmem:s22+$0x6390];
	v50 =	vperm.xlane v9, v61;
	v7 =	vadd.f32 v28, v7;
	v28 =	vperm.xlane v12, v60  }
0x20a: {  	v62 =	vadd.f32 v52, v29;
	v29 =	vperm.xlane v24, v60;
	v27 =	vperm.xlane v14, v60  }
0x20b: {  	v11 =	vld [tilespmem:$0x1FFD0];
	v2 =	vadd.f32 v2, v25;
	v4 =	vadd.f32 v4, v30;
	v30 =	vperm.xlane v17, v61  }
0x20c: {  	v31 =	vld [tilespmem:s22+$0x6340];
	v46 =	vperm.xlane v22, v61;
	v35 =	vadd.f32 v58, v48;
	v36 =	vadd.f32 v9, v50  }
0x20d: {  	v23 =	vld [tilespmem:s22+$0x63F0];
	v28 =	vadd.f32 v12, v28;
	v1 =	vadd.f32 v16, v1;
	v16 =	vperm.xlane v21, v61  }
0x20e: {  	v7 =	vadd.f32 v26, v7;
	v26 =	vperm.xlane v59, v61;
	v24 =	vadd.f32 v24, v29  }
0x20f: {  	v51 =	vld [tilespmem:s22+$0x6430];
	v14 =	vadd.f32 v14, v27;
	v27 =	vperm.xlane v18, v61;
	v52 =	vadd.f32 v17, v30  }
0x210: {  	v25 =	vld [tilespmem:s22+$0x6380];
	v17 =	vperm.xlane v3, v61;
	v30 =	vadd.f32 v20, v45;
	v20 =	vperm.xlane v2, v61  }
0x211: {  	v12 =	vld [tilespmem:s22+$0x63A0];
	v32 =	vadd.f32 v22, v46;
	v22 =	vperm.xlane v4, v61;
	v50 =	vperm.xlane v35, v11  }
0x212: {  	v29 =	vld [tilespmem:s22+$0x63D0];
	v10 =	vadd.f32 v31, v10;
	v31 =	vperm.xlane v6, v60;
	v1 =	vadd.f32 v23, v1  }
0x213: {  	v15 =	vld [tilespmem:s22+$0x63E0];
	v21 =	vadd.f32 v21, v16;
	v16 =	vperm.xlane v8, v61;
	v27 =	vadd.f32 v18, v27  }
0x214: {  	v57 =	vld [tilespmem:s22+$0x6420];
	v9 =	vadd.f32 v3, v17;
	v17 =	vperm.xlane v14, v61;
	v6 =	vadd.f32 v6, v31  }
0x215: {  	v48 =	vperm.xlane v30, v11;
	v31 =	vld [tilespmem:s22+$0x63C0];
	v10 =	vadd.f32 v25, v10;
	v34 =	vadd.f32 v8, v16  }
0x216: {  	v58 =	vld [tilespmem:s22+$0x6400];
	v1 =	vadd.f32 v51, v1;
	v51 =	vperm.xlane v36, v11;
	v0 =	vadd.f32 v12, v0  }
0x217: {  	v3 =	vld [tilespmem:s22+$0x6410];
	v12 =	vperm.xlane v13, v61;
	v43 =	vperm.xlane v27, v11;
	v7 =	vadd.f32 v29, v7  }
0x218: {  	v8 =	vld [tilespmem:s22+$0x6440];
	v29 =	vadd.f32 v19, v44;
	v18 =	vperm.xlane v6, v61;
	v49 =	vadd.f32 v15, v0  }
0x219: {  	v16 =	vld [tilespmem:s22+$0x66B0];
	v44 =	vperm.xlane v21, v11;
	v25 =	vadd.f32 v13, v12;
	v12 =	vadd.f32 v59, v26  }
0x21a: {  	v19 =	vld [tilespmem:s22+$0x6470];
	v13 =	vadd.f32 v5, v47;
	v41 =	vadd.f32 v31, v10;
	v10 =	vperm.xlane v28, v61  }
0x21b: {  	v15 =	vld [tilespmem:s22+$0x66F0];
	v26 =	vperm.xlane v24, v61;
	v55 =	vadd.f32 v6, v18;
	v31 =	vperm.xlane v62, v61  }
0x21c: {  	v59 =	vld [tilespmem:s22+$0x6450];
	v47 =	vperm.xlane v29, v11;
	v3 =	vadd.f32 v3, v7;
	v23 =	vadd.f32 v28, v10  }
0x21d: {  	p0 =	sne.s32 s24, $0x12C00;
	v45 =	vperm.xlane v25, v11;
	v33 =	vadd.f32 v62, v31;
	v31 =	vadd.f32 v2, v20;
	v2 =	vld [tilespmem:s22+$0x6460]  }
.Ltmp0:
0x21e: {  	v0 =	vld [tilespmem:s22+$0x66E0];
	v42 =	vperm.xlane v13, v11;
	v10 =	vadd.f32 v4, v22;
	v28 =	vadd.f32 v24, v26;
	(pc) =	sbr.rel @p0 .LBB2_3-.Ltmp0, $4  }
0x21f: {  	v18 =	vld [tilespmem:s22+$0x6670];
	v26 =	vadd.f32 v14, v17;
	v62 =	vperm.xlane v52, v11;
	v6 =	vadd.f32 v58, v41  }
0x220: {  	v14 =	vadd.f32 v57, v49;
	v41 =	vperm.xlane v12, v11;
	v17 =	vld [tilespmem:s22+$0x66C0];
	v39 =	vadd.f32 v19, v1  }
0x221: {  	v49 =	vperm.xlane v32, v11;
	v20 =	vld [tilespmem:s22+$0x6630];
	v37 =	vadd.f32 v59, v3;
	v38 =	vadd.f32 v8, v6  }
0x222: {  	s24 =	sadd.s32 $0x1400, s24;
	v54 =	vmovc v11;
	v19 =	vld [tilespmem:s22+$0x6680];
	v46 =	vperm.xlane v23, v11;
	v24 =	vadd.f32 v52, v62;
	v40 =	vadd.f32 v2, v14  }
0x223: {  	v1 =	vperm.xlane v33, v54;
	v2 =	vadd.f32 v27, v43  }
0x224: {  	v3 =	vadd.f32 v29, v47;
	v4 =	vperm.xlane v9, v54;
	v5 =	vadd.f32 v21, v44  }
0x225: {  	v6 =	vadd.f32 v30, v48;
	v7 =	vperm.xlane v34, v54;
	v8 =	vadd.f32 v25, v45  }
0x226: {  	v14 =	vadd.f32 v32, v49;
	v22 =	vperm.xlane v55, v54;
	v25 =	vadd.f32 v35, v50  }
0x227: {  	v21 =	vld [tilespmem:s22+$0x64F0];
	v12 =	vadd.f32 v12, v41;
	v48 =	vperm.xlane v31, v54;
	v30 =	vadd.f32 v36, v51  }
0x228: {  	v27 =	vld [tilespmem:s22+$0x64E0];
	v13 =	vadd.f32 v13, v42;
	v50 =	vperm.xlane v10, v54;
	v52 =	vperm.xlane v28, v54  }
0x229: {  	v49 =	vld [tilespmem:s22+$0x64B0];
	v56 =	vperm.xlane v26, v54;
	v23 =	vadd.f32 v23, v46;
	v1 =	vadd.f32 v33, v1  }
0x22a: {  	v51 =	vld [tilespmem:s22+$0x64A0];
	vm0 =	vcmask $0x310;
	v7 =	vadd.f32 v34, v7;
	v4 =	vadd.f32 v9, v4  }
0x22b: {  	v53 =	vld [tilespmem:s22+$0x6490];
	v35 =	vperm.xlane v24, v63;
	v29 =	vadd.f32 v31, v48;
	v11 =	vadd.f32 v55, v22  }
0x22c: {  	v57 =	vld [tilespmem:s22+$0x6480];
	v28 =	vadd.f32 v28, v52;
	v34 =	vperm.xlane v2, v63;
	v62 =	vperm.xlane v5, v63  }
0x22d: {  	v58 =	vld [tilespmem:s22+$0x64D0];
	v10 =	vadd.f32 v10, v50;
	v48 =	vperm.xlane v3, v63;
	v50 =	vperm.xlane v6, v63  }
0x22e: {  	v59 =	vld [tilespmem:s22+$0x64C0];
	v26 =	vadd.f32 v26, v56;
	v52 =	vperm.xlane v14, v63;
	v55 =	vperm.xlane v25, v63  }
0x22f: {  	v45 =	vld [tilespmem:s22+$0x65F0];
	v56 =	vperm.xlane v30, v63;
	v24 =	vadd.f32 v24, v35;
	v2 =	vadd.f32 v2, v34  }
0x230: {  	v36 =	vld [tilespmem:s22+$0x65B0];
	v5 =	vadd.f32 v5, v62;
	v3 =	vadd.f32 v3, v48;
	v62 =	vperm.xlane v7, v63  }
0x231: {  	v43 =	vld [tilespmem:s22+$0x6590];
	v6 =	vadd.f32 v6, v50;
	v48 =	vperm.xlane v11, v63;
	v14 =	vadd.f32 v14, v52  }
0x232: {  	v44 =	vld [tilespmem:s22+$0x65C0];
	v50 =	vperm.xlane v29, v63;
	v25 =	vadd.f32 v25, v55;
	v52 =	vperm.xlane v10, v63  }
0x233: {  	v47 =	vld [tilespmem:s22+$0x65D0];
	v30 =	vadd.f32 v30, v56;
	v55 =	vperm.xlane v28, v63;
	v32 =	vadd.f32 v49, v39  }
0x234: {  	v46 =	vld [tilespmem:s22+$0x6600];
	v33 =	vadd.f32 v51, v40;
	v49 =	vperm.xlane v8, v63;
	v9 =	vadd.f32 v53, v37  }
0x235: {  	v31 =	vld [tilespmem:$0x1FFE0];
	v51 =	vperm.xlane v12, v63;
	v22 =	vadd.f32 v57, v38;
	v11 =	vadd.f32 v11, v48  }
0x236: {  	v53 =	vperm.xlane v13, v63;
	v39 =	vld [tilespmem:s22+$0x6570];
	v7 =	vadd.f32 v7, v62;
	v10 =	vadd.f32 v10, v52  }
0x237: {  	v57 =	vperm.xlane v23, v63;
	v40 =	vld [tilespmem:s22+$0x6530];
	v29 =	vadd.f32 v29, v50;
	v28 =	vadd.f32 v28, v55  }
0x238: {  	v62 =	vld [tilespmem:s22+$0x6580];
	v14 =	vnsel vm1, $0x0, v14;
	v21 =	vadd.f32 v21, v32;
	v22 =	vadd.f32 v59, v22  }
0x239: {  	v9 =	vadd.f32 v58, v9;
	v58 =	vperm.xlane v1, v63;
	v13 =	vadd.f32 v13, v53;
	v53 =	vld [tilespmem:s22+$0x6500]  }
0x23a: {  	v59 =	vperm.xlane v4, v63;
	v12 =	vadd.f32 v12, v51;
	v51 =	vld [tilespmem:s22+$0x6510];
	v23 =	vadd.f32 v23, v57  }
0x23b: {  	v57 =	vperm.xlane v26, v63;
	v6 =	vsel vm0, v14, v6;
	v1 =	vadd.f32 v1, v58;
	v58 =	vld [tilespmem:s22+$0x6540]  }
0x23c: {  	v8 =	vadd.f32 v8, v49;
	v49 =	vld [tilespmem:s22+$0x6520];
	vm0 =	vcmask $0xB10;
	v3 =	vsel vm4, v6, v3  }
0x23d: {  	v4 =	vadd.f32 v4, v59;
	v59 =	vld [tilespmem:s22+$0x6550];
	v26 =	vadd.f32 v26, v57;
	v3 =	vsel vm0, v3, v24  }
0x23e: {  	v56 =	vld [tilespmem:s22+$0x6560];
	v27 =	vadd.f32 v27, v33;
	v3 =	vmax.f32 v3, $-1.000000000e+01;
	v22 =	vadd.f32 v53, v22  }
0x23f: {  	v34 =	vld [tilespmem:s22+$0x65A0];
	v21 =	vadd.f32 v40, v21;
	v26 =	vsel vm1, v28, v26;
	v3 =	vmin.f32 v3, $1.000000000e+01  }
0x240: {  	v50 =	vld [tilespmem:s22+$0x6610];
	v9 =	vadd.f32 v51, v9;
	v10 =	vsel vm2, v26, v10;
	v22 =	vadd.f32 v58, v22  }
0x241: {  	v52 =	vld [tilespmem:s22+$0x6650];
	v27 =	vadd.f32 v49, v27;
	v21 =	vadd.f32 v39, v21;
	v10 =	vsel vm5, v10, v29  }
0x242: {  	v33 =	vld [tilespmem:s22+$0x65E0];
	v9 =	vadd.f32 v59, v9;
	v10 =	vsel vm3, v10, v11;
	v48 =	vadd.f32 v62, v22  }
0x243: {  	v49 =	vld [tilespmem:s22+$0x6640];
	v27 =	vadd.f32 v56, v27;
	v21 =	vadd.f32 v36, v21;
	v7 =	vsel vm6, v10, v7  }
0x244: {  	v51 =	vld [tilespmem:s22+$0x6620];
	v9 =	vadd.f32 v43, v9;
	v4 =	vsel vm7, v7, v4;
	v6 =	vadd.f32 v44, v48  }
0x245: {  	v55 =	vld [tilespmem:s22+$0x6690];
	v27 =	vadd.f32 v34, v27;
	v21 =	vadd.f32 v45, v21;
	v1 =	vsel vm8, v4, v1  }
0x246: {  	v53 =	vld [tilespmem:s22+$0x6660];
	v9 =	vadd.f32 v47, v9;
	v1 =	vsel vm9, v1, v23;
	v6 =	vadd.f32 v46, v6  }
0x247: {  	v59 =	vld [tilespmem:s22+$0x66A0];
	v27 =	vadd.f32 v33, v27;
	v56 =	vadd.f32 v20, v21;
	v1 =	vsel vm10, v1, v30  }
0x248: {  	v62 =	vld [tilespmem:s22+$0x66D0];
	v58 =	vadd.f32 v50, v9;
	v1 =	vsel vm11, v1, v13;
	v57 =	vadd.f32 v49, v6  }
0x249: {  	v30 =	vld [tilespmem:$0x1FF70];
	v26 =	vadd.f32 v51, v27;
	v14 =	vadd.f32 v18, v56;
	v1 =	vsel vm12, v1, v25  }
0x24a: {  	v6 =	vadd.f32 v52, v58;
	v1 =	vsel vm13, v1, v12;
	v4 =	vadd.f32 v19, v57  }
0x24b: {  	v10 =	vadd.f32 v53, v26;
	v1 =	vsel vm14, v1, v8;
	v8 =	vsub.f32 $0.0e+00, v3;
	v3 =	vld [tilespmem:$0x1FF80]  }
0x24c: {  	vm2 =	vmmov vm4;
	v34 =	vld [tilespmem:$0x1FF90];
	v6 =	vadd.f32 v55, v6;
	v4 =	vadd.f32 v17, v4  }
0x24d: {  	v32 =	vld [tilespmem:$0x1FFA0];
	vm4 =	vnez.u8 v31;
	v27 =	vadd.f32 v16, v14;
	v28 =	vadd.f32 v59, v10  }
0x24e: {  	v1 =	vsel vm4, v1, v5;
	v6 =	vadd.f32 v62, v6;
	v4 =	vmul.f32 v4, v30  }
0x24f: {  	v29 =	vadd.f32 v15, v27;
	v1 =	vsel vm15, v1, v2;
	v0 =	vadd.f32 v0, v28  }
0x250: {  	v1 =	vmax.f32 v1, $-1.000000000e+01;
	v3 =	vmul.f32 v6, v3;
	v2 =	vmax.f32 v4, $-1.000000000e+01  }
0x251: {  	v1 =	vmin.f32 v1, $1.000000000e+01;
	v0 =	vmul.f32 v0, v34;
	v33 =	vmin.f32 v2, $1.000000000e+01  }
0x252: {  	v4 =	vmul.f32 v29, v32;
	v3 =	vmax.f32 v3, $-1.000000000e+01;
	v5 =	vand.u32 $0x7FFFFFFF, v33  }
0x253: {  	v0 =	vmax.f32 v0, $-1.000000000e+01;
	v35 =	vmin.f32 v3, $1.000000000e+01;
	v5 =	vsub.f32 $0.0e+00, v5  }
0x254: {  	v36 =	vmin.f32 v0, $1.000000000e+01;
	v6 =	vand.u32 $0x7FFFFFFF, v35;
	v4 =	vmax.f32 v4, $-1.000000000e+01  }
0x255: {  	v7 =	vand.u32 $0x7FFFFFFF, v36;
	v6 =	vsub.f32 $0.0e+00, v6;
	v5 =	vmul.f32 $1.442695020e+00, v5  }
0x256: {  	v1 =	vsub.f32 $0.0e+00, v1;
	v7 =	vsub.f32 $0.0e+00, v7;
	v37 =	vmin.f32 v4, $1.000000000e+01  }
0x257: {  	v9 =	vand.u32 $0x7FFFFFFF, v37;
	v6 =	vmul.f32 $1.442695020e+00, v6;
	(erf) = vpow2.f32 v5  }
0x258: {  	v40 =	vand.u32 $0x7FFFFFFF, v1;
	v38 =	vmul.f32 $1.442695020e+00, v7;
	v39 =	vsub.f32 $0.0e+00, v9  }
0x259: {  	v9 =	vsub.f32 $0.0e+00, v40;
	(erf) = vpow2.f32 v6  }
0x25a: {  	v42 =	vand.u32 $0x7FFFFFFF, v8;
	v41 =	vmul.f32 $1.442695020e+00, v39;
	(erf) = vpow2.f32 v38  }
0x25b: {  	v7 =	vsub.f32 $0.0e+00, v42;
	v43 =	vmul.f32 $1.442695020e+00, v9  }
0x25c: {  	(erf) = vpow2.f32 v41  }
0x25d: {  	v44 =	vmul.f32 $1.442695020e+00, v7;
	(erf) = vpow2.f32 v43;
	_ =	sdelay $0x1  }
0x25e: {  	(erf) = vpow2.f32 v44  }
0x25f: {  	v45 =	vpop (erf)  }
0x260: {  	v46 =	vadd.f32 $2.000000000e+00, v45  }
0x261: {  	v47 =	vpop (erf)  }
0x262: {  	v48 =	vadd.f32 $2.000000000e+00, v47;
	v49 =	vpop (erf);
	(erf) = vrcp.f32 v46  }
0x263: {  	v50 =	vadd.f32 $2.000000000e+00, v49  }
0x264: {  	v51 =	vpop (erf);
	(erf) = vrcp.f32 v48  }
0x265: {  	v52 =	vadd.f32 $2.000000000e+00, v51;
	v53 =	vpop (erf);
	(erf) = vrcp.f32 v50  }
0x266: {  	v55 =	vadd.f32 $2.000000000e+00, v53  }
0x267: {  	v56 =	vpop (erf);
	(erf) = vrcp.f32 v52  }
0x268: {  	v57 =	vadd.f32 $2.000000000e+00, v56;
	(erf) = vrcp.f32 v55;
	_ =	sdelay $0x1  }
0x269: {  	(erf) = vrcp.f32 v57  }
0x26a: {  	v58 =	vpop (erf)  }
0x26b: {  	v5 =	vmul.f32 v58, v45  }
0x26c: {  	v59 =	vpop (erf)  }
0x26d: {  	v7 =	vmul.f32 v59, v47;
	v24 =	vpop (erf);
	v62 =	vmul.f32 v5, v5  }
0x26e: {  	v6 =	vmul.f32 v24, v49  }
0x26f: {  	v27 =	vpop (erf);
	v26 =	vmul.f32 v7, v7;
	v25 =	vmul.f32 $1.111111120e-01, v62  }
0x270: {  	v3 =	vmin.f32 v3, $0.0e+00;
	v9 =	vmul.f32 v27, v51;
	v29 =	vpop (erf);
	v28 =	vmul.f32 v6, v6  }
0x271: {  	v10 =	vmul.f32 v29, v53;
	v30 =	vmul.f32 $1.111111120e-01, v26;
	v12 =	vadd.f32 $1.428571490e-01, v25  }
0x272: {  	v2 =	vmin.f32 v2, $0.0e+00;
	v33 =	vpop (erf);
	v32 =	vmul.f32 v9, v9;
	v31 =	vmul.f32 $1.111111120e-01, v28  }
0x273: {  	v11 =	vmul.f32 v33, v56;
	v17 =	vadd.f32 $1.428571490e-01, v30;
	v12 =	vmul.f32 v12, v62  }
0x274: {  	v35 =	vmul.f32 v10, v10;
	v34 =	vmul.f32 $1.111111120e-01, v32;
	v15 =	vadd.f32 $1.428571490e-01, v31  }
0x275: {  	v36 =	vmul.f32 v11, v11;
	v17 =	vmul.f32 v17, v26;
	v12 =	vadd.f32 $2.000000030e-01, v12  }
0x276: {  	v37 =	vmul.f32 $1.111111120e-01, v35;
	v19 =	vadd.f32 $1.428571490e-01, v34;
	v15 =	vmul.f32 v15, v28  }
0x277: {  	v38 =	vmul.f32 $1.111111120e-01, v36;
	v17 =	vadd.f32 $2.000000030e-01, v17;
	v12 =	vmul.f32 v12, v62  }
0x278: {  	v22 =	vadd.f32 $1.428571490e-01, v37;
	v19 =	vmul.f32 v19, v32;
	v15 =	vadd.f32 $2.000000030e-01, v15  }
0x279: {  	v23 =	vadd.f32 $1.428571490e-01, v38;
	v17 =	vmul.f32 v17, v26;
	v12 =	vadd.f32 $3.333333430e-01, v12  }
0x27a: {  	v22 =	vmul.f32 v22, v35;
	v19 =	vadd.f32 $2.000000030e-01, v19;
	v15 =	vmul.f32 v15, v28  }
0x27b: {  	v40 =	vmul.f32 v23, v36;
	v39 =	vadd.f32 $3.333333430e-01, v17;
	v12 =	vmul.f32 v12, v62  }
0x27c: {  	v22 =	vadd.f32 $2.000000030e-01, v22;
	v19 =	vmul.f32 v19, v32;
	v15 =	vadd.f32 $3.333333430e-01, v15  }
0x27d: {  	v41 =	vadd.f32 $2.000000030e-01, v40;
	v13 =	vmul.f32 v39, v26;
	v12 =	vadd.f32 $1.000000000e+00, v12  }
0x27e: {  	v43 =	vmul.f32 v22, v35;
	v42 =	vadd.f32 $3.333333430e-01, v19;
	v15 =	vmul.f32 v15, v28  }
0x27f: {  	v45 =	vmul.f32 v41, v36;
	v44 =	vadd.f32 $1.000000000e+00, v13;
	v5 =	vmul.f32 v12, v5  }
0x280: {  	v56 =	vld [tilespmem:$0x1FF60];
	v48 =	vadd.f32 $3.333333430e-01, v43;
	v47 =	vmul.f32 v42, v32;
	v46 =	vadd.f32 $1.000000000e+00, v15  }
0x281: {  	v49 =	vadd.f32 $3.333333430e-01, v45;
	v7 =	vmul.f32 v44, v7;
	v5 =	vadd.f32 v5, v5  }
0x282: {  	v51 =	vmul.f32 v48, v35;
	v50 =	vadd.f32 $1.000000000e+00, v47;
	v6 =	vmul.f32 v46, v6  }
0x283: {  	v53 =	vmul.f32 v49, v36;
	v52 =	vadd.f32 v7, v7;
	v2 =	vsub.f32 v2, v5  }
0x284: {  	v55 =	vadd.f32 $1.000000000e+00, v51;
	v9 =	vmul.f32 v50, v9;
	v6 =	vadd.f32 v6, v6  }
0x285: {  	v0 =	vmin.f32 v0, $0.0e+00;
	v3 =	vsub.f32 v3, v52;
	v2 =	vadd.f32 v2, v56  }
0x286: {  	v7 =	vadd.f32 $1.000000000e+00, v53;
	v58 =	vmul.f32 v55, v10;
	v57 =	vadd.f32 v9, v9  }
0x287: {  	v0 =	vsub.f32 v0, v6;
	v2 =	vadd.f32 v3, v2  }
0x288: {  	v62 =	vmul.f32 v7, v11;
	v59 =	vadd.f32 v58, v58;
	v3 =	vmin.f32 v4, $0.0e+00  }
0x289: {  	v0 =	vadd.f32 v0, v2;
	v2 =	vsub.f32 v3, v57  }
0x28a: {  	v1 =	vmin.f32 v1, $0.0e+00;
	v3 =	vadd.f32 v62, v62  }
0x28b: {  	v1 =	vsub.f32 v1, v59;
	v0 =	vadd.f32 v2, v0;
	v2 =	vmin.f32 v8, $0.0e+00  }
0x28c: {  	v2 =	vsub.f32 v2, v3  }
0x28d: {  	v0 =	vadd.f32 v1, v0  }
0x28e: {  	s21 =	sadd.s32 $0x1, s21;
	v1 =	vnsel vm3, $0x0, v2  }
0x28f: {  	p0 =	sne.s32 s21, $0x20;
	v0 =	vadd.f32 v1, v0;
	v1 =	vld [tilespmem:$0x1FFF0]  }
.Ltmp1:
0x290: {  	_ = 	snop;
	(pc) =	sbr.rel @p0 .LBB2_2-.Ltmp1, $2  }
0x291: {  	_ =	sdelay $0x2  }
0x292: {  	vm0 =	vmmov vm2;
	vm2 =	vnez.u8 v1  }
0x293: {  	[tilespmem:$0x10600] =	vst v0;
	s21 =	simm.s32 $0x0;
	s22 =	rddreg [dreg:$0x6];
	s23 =	simm.s32 $0x10600  }
0x294: {  	[hbm4b:s22+s21] =	stream.linear.scatter [tilespmem:s23], [sflag:$0x2], $0x10, $0x38;
	[tilespmem:$0x10610] =	vst v63  }
0x295: {  	s23 =	simm.s32 $0x2  }
0x296: {  	_ =	swait.ge [sflag:s23], $0x10  }
0x297: {  	s24 =	rddreg [dreg:$0x8]  }
0x298: {  	s25 =	rddreg [dreg:$0x7];
	s24 =	sadd.s32 $0x1, s24  }
0x299: {  	p0 =	sne.s32 s24, s25  }
.Ltmp2:
0x29a: {  	_ = 	snop;
	(pc) =	sbr.rel @p0 .LBB2_1-.Ltmp2, $3  }
0x29b: {  	_ =	sdelay $0x1  }
0x29c: {  	[sflag:s23] =	ssyncset.done $0x0  }
0x29d: {  	[sflag:s23] =	ssyncadd.s32 $0xFFFFFFF0  }
0x29e: {  	_ =	sfence.sel $0x180000  }
0x29f: {  	[bflag:$0x0] =	sbarrier.arrive $0xFFFF  }
0x2a0: {  	_ =	strace $0x90000047  }
0x2a1: {  	s0 =	stileid.u32;
	[bflag:$0x2] =	sbarrier.arrive $0xFFFF  }
0x2a2: {  	p0 =	sne.s32 s0, $0x0;
	s0 =	rddreg [dreg:$0x2]  }
0x2a3: {  	s0 =	sadd.s32 @!p0 $0x100000, s0  }
0x2a4: {  	[sflag:s0] =	ssyncadd.tile.s32 @!p0 $0x1;
	_ =	shalt  }
.Lfunc_end2:
_tile_overlayer_lowered:
.L_overlay_start_2:
0x2a5: {  	(tag) =	ssettag $0x2  }
0x2a6: {  	s0 =	rddreg [dreg:$0x0];
	s2 =	stileid.u32  }
0x2a7: {  	s1 =	rddreg [dreg:$0x1];
	p0 =	sne.s32 s2, $0x0  }
0x2a8: {  	s3 =	rddreg [dreg:$0x2];
	[bflag:$0x3] =	sbarrier.arrive $0xFFFF;
	s2 =	simm.s32 @!p0 $0x1C02  }
0x2a9: {  	[timem:s3], [sflag:s2] =	dma.local @!p0 [hbm:s0], s1  }
0x2aa: {  	s0 =	simm.s32 @!p0 $0x2  }
0x2ab: {  	_ =	swait.ge @!p0 [sflag:s0], s1  }
0x2ac: {  	s1 =	ssub.s32 @!p0 $0x0, s1;
	[sflag:s0] =	ssyncset.done @!p0 $0x0  }
0x2ad: {  	[sflag:s0] =	ssyncadd.s32 @!p0 s1  }
0x2ae: {  	[bflag:$0x3] =	sbarrier.arrive $0xFFFF  }
0x2af: {  	_ =	shalt  }

</sc_bundles>
